<compile_context>
chip_gen: v7x
topology: tpu7x:2x2x1
jax: 0.10.2.dev20260603
libtpu: 0.0.44.dev20260713+nightly
codegen_flags: <defaults>
</compile_context>

<pallas_src>
import functools

import jax
import jax.numpy as jnp
from jax import lax
from jax.experimental import pallas as pl
from jax.experimental.pallas import tpu as pltpu
from jax.experimental.pallas import tpu_sc as plsc

N = 10000
NP = 10240
E = 320000
NT = 16
RPT = NP // NT
DB = 400
MB = 200
F32 = jnp.float32
I32 = jnp.int32


def _mesh():
    return plsc.VectorSubcoreMesh(core_axis_name="c", subcore_axis_name="s",
                                  num_cores=2, num_subcores=NT)



def _running_cmax(i, a_s, a_d, m_ref, c_ref):
    ms = jnp.max(a_s)
    md = jnp.max(a_d)
    ms = jnp.maximum(jnp.where(i == 0, -jnp.inf, m_ref[0]), ms)
    md = jnp.maximum(jnp.where(i == 0, -jnp.inf, m_ref[1]), md)
    m_ref[0] = ms
    m_ref[1] = md
    tot = ms + md
    c = jnp.where(tot >= 0.0, tot, 0.2 * tot)
    c_ref[...] = jnp.full((1, 128), c, F32)


def _tc_head(x, wcm, ascm, adcm):
    n, din = x.shape
    nch, _, cw = wcm.shape
    br = 1024
    grid = (n // br,)

    def kern(x_ref, w_ref, as_ref, ad_ref, y_ref, ao_ref, bo_ref, c_ref, m_ref):
        i = pl.program_id(0)
        xb = x_ref[...]
        a_s = jnp.zeros((br, 16), F32)
        a_d = jnp.zeros((br, 16), F32)
        for c in range(nch):
            yc = jnp.dot(xb, w_ref[c], preferred_element_type=F32)
            y_ref[c] = yc
            a_s = a_s + jnp.dot(yc, as_ref[c], preferred_element_type=F32)
            a_d = a_d + jnp.dot(yc, ad_ref[c], preferred_element_type=F32)
        ao_ref[...] = a_s
        bo_ref[...] = a_d
        _running_cmax(i, a_s, a_d, m_ref, c_ref)

    return pl.pallas_call(
        kern,
        grid=grid,
        in_specs=[
            pl.BlockSpec((br, din), lambda i: (i, 0)),
            pl.BlockSpec((nch, din, cw), lambda i: (0, 0, 0)),
            pl.BlockSpec((nch, cw, 16), lambda i: (0, 0, 0)),
            pl.BlockSpec((nch, cw, 16), lambda i: (0, 0, 0)),
        ],
        out_specs=[
            pl.BlockSpec((nch, br, cw), lambda i: (0, i, 0)),
            pl.BlockSpec((br, 16), lambda i: (i, 0)),
            pl.BlockSpec((br, 16), lambda i: (i, 0)),
            pl.BlockSpec((1, 128), lambda i: (0, 0)),
        ],
        out_shape=[
            jax.ShapeDtypeStruct((nch, n, cw), F32),
            jax.ShapeDtypeStruct((n, 16), F32),
            jax.ShapeDtypeStruct((n, 16), F32),
            jax.ShapeDtypeStruct((1, 128), F32),
        ],
        scratch_shapes=[pltpu.SMEM((2,), F32)],
    )(x, wcm, ascm, adcm)


def _tc_mid(acc_cm, den, bias_cm, wcm, ascm, adcm):
    ncin, n, cwin = acc_cm.shape
    ncout, din, cwout = wcm.shape
    br = 1024
    grid = (n // br,)

    def kern(acc_ref, den_ref, b_ref, w_ref, as_ref, ad_ref,
             y_ref, ao_ref, bo_ref, c_ref, m_ref):
        i = pl.program_id(0)
        dsum = den_ref[0] + den_ref[1]
        dinv = 1.0 / (dsum + 1e-16)
        dc = jnp.tile(dinv[:, :8], (1, cwin // 8))
        hs = []
        for c in range(ncin):
            hc = acc_ref[c] * dc + b_ref[c]
            hs.append(jnp.where(hc > 0.0, hc, jnp.exp(hc) - 1.0))
        h = jnp.concatenate(hs, axis=1)
        a_s = jnp.zeros((br, 16), F32)
        a_d = jnp.zeros((br, 16), F32)
        for c in range(ncout):
            yc = jnp.dot(h, w_ref[c], preferred_element_type=F32)
            y_ref[c] = yc
            a_s = a_s + jnp.dot(yc, as_ref[c], preferred_element_type=F32)
            a_d = a_d + jnp.dot(yc, ad_ref[c], preferred_element_type=F32)
        ao_ref[...] = a_s
        bo_ref[...] = a_d
        _running_cmax(i, a_s, a_d, m_ref, c_ref)

    return pl.pallas_call(
        kern,
        grid=grid,
        in_specs=[
            pl.BlockSpec((ncin, br, cwin), lambda i: (0, i, 0)),
            pl.BlockSpec((2, br, 16), lambda i: (0, i, 0)),
            pl.BlockSpec((ncin, 1, cwin), lambda i: (0, 0, 0)),
            pl.BlockSpec((ncout, din, cwout), lambda i: (0, 0, 0)),
            pl.BlockSpec((ncout, cwout, 16), lambda i: (0, 0, 0)),
            pl.BlockSpec((ncout, cwout, 16), lambda i: (0, 0, 0)),
        ],
        out_specs=[
            pl.BlockSpec((ncout, br, cwout), lambda i: (0, i, 0)),
            pl.BlockSpec((br, 16), lambda i: (i, 0)),
            pl.BlockSpec((br, 16), lambda i: (i, 0)),
            pl.BlockSpec((1, 128), lambda i: (0, 0)),
        ],
        out_shape=[
            jax.ShapeDtypeStruct((ncout, n, cwout), F32),
            jax.ShapeDtypeStruct((n, 16), F32),
            jax.ShapeDtypeStruct((n, 16), F32),
            jax.ShapeDtypeStruct((1, 128), F32),
        ],
        scratch_shapes=[pltpu.SMEM((2,), F32)],
    )(acc_cm, den, bias_cm, wcm, ascm, adcm)


def _tc_final(acc_cm, den, bias_row):
    _, n, _ = acc_cm.shape
    br = 1024
    grid = (n // br,)

    def kern(acc_ref, den_ref, b_ref, o_ref):
        dsum = den_ref[0] + den_ref[1]
        dinv = 1.0 / (dsum + 1e-16)
        d0 = jnp.broadcast_to(dinv[:, 0:1], (br, 16))
        z = acc_ref[0] * d0 + b_ref[...]
        m = jnp.max(z, axis=1, keepdims=True)
        zs = z - m
        lse = jnp.log(jnp.sum(jnp.exp(zs), axis=1, keepdims=True))
        o_ref[...] = zs - lse

    return pl.pallas_call(
        kern,
        grid=grid,
        in_specs=[
            pl.BlockSpec((1, br, 16), lambda i: (0, i, 0)),
            pl.BlockSpec((2, br, 16), lambda i: (0, i, 0)),
            pl.BlockSpec((1, 16), lambda i: (0, 0)),
        ],
        out_specs=pl.BlockSpec((br, 16), lambda i: (i, 0)),
        out_shape=jax.ShapeDtypeStruct((n, 16), F32),
    )(acc_cm, den, bias_row)



def _sc_denom(a_s, a_d, cmax, src, dst, zeros):
    out_type = (
        jax.ShapeDtypeStruct((2, NP, 16), F32),
        jax.ShapeDtypeStruct((E, 16), F32),
    )
    scratch = [
        pltpu.VMEM((DB,), I32),
        pltpu.VMEM((DB,), I32),
        pltpu.VMEM((DB, 16), F32),
        pltpu.VMEM((DB, 16), F32),
        pltpu.VMEM((DB, 16), F32),
        pltpu.VMEM((16,), F32),
        pltpu.VMEM_SHARED((NP, 16), F32),
        pltpu.SemaphoreType.DMA,
    ]

    @functools.partial(pl.kernel, out_type=out_type, mesh=_mesh(),
                       scratch_types=scratch,
                       compiler_params=pltpu.CompilerParams(
                           use_tc_tiling_on_sc=False))
    def body(as_h, ad_h, c_h, src_h, dst_h, z_h, den_o, w_o,
             sidx, didx, sbuf, dbuf, ebuf, cvv, dens, sem):
        cid = lax.axis_index("c")
        sid = lax.axis_index("s")
        wid = cid * NT + sid
        r0 = sid * RPT

        pltpu.sync_copy(c_h.at[0, pl.ds(0, 16)], cvv)
        cv = cvv[...]
        pltpu.sync_copy(z_h.at[pl.ds(r0, RPT)],
                        dens.at[pl.ds(r0, RPT)])
        plsc.subcore_barrier()

        def batch(b, _):
            base = wid * (E // 32) + b * DB
            pltpu.sync_copy(src_h.at[pl.ds(base, DB)], sidx)
            pltpu.sync_copy(dst_h.at[pl.ds(base, DB)], didx)
            pltpu.async_copy(as_h.at[sidx], sbuf, sem).wait()
            pltpu.async_copy(ad_h.at[didx], dbuf, sem).wait()

            def edge(e, _):
                l16 = sbuf[e] + dbuf[e]
                l16 = jnp.where(l16 >= 0.0, l16, l16 * 0.2)
                ebuf[e] = jnp.exp(l16 - cv)
                return 0
            lax.fori_loop(0, DB, edge, 0)
            pltpu.sync_copy(ebuf, dens.at[didx], add=True)
            pltpu.sync_copy(ebuf, w_o.at[pl.ds(base, DB)])
            return 0
        lax.fori_loop(0, (E // 32) // DB, batch, 0)
        plsc.subcore_barrier()
        pltpu.sync_copy(dens.at[pl.ds(r0, RPT)],
                        den_o.at[cid, pl.ds(r0, RPT)])

    return body(a_s, a_d, cmax, src, dst, zeros)


def _sc_msg(y_cm, w, src, dst, zeros, chunk, nchunks):
    half = (nchunks + 1) // 2
    nbat = (E // NT) // MB
    npair = nbat // 2

    scratch = [
        pltpu.VMEM((MB,), I32), pltpu.VMEM((MB,), I32),
        pltpu.VMEM((MB,), I32), pltpu.VMEM((MB,), I32),
        pltpu.VMEM((MB, 16), F32), pltpu.VMEM((MB, 16), F32),
        pltpu.VMEM((MB, chunk), F32), pltpu.VMEM((MB, chunk), F32),
        pltpu.VMEM_SHARED((NP, chunk), F32),
        pltpu.VMEM_SHARED((NP, chunk), F32),
        pltpu.SemaphoreType.DMA, pltpu.SemaphoreType.DMA,
        pltpu.SemaphoreType.DMA, pltpu.SemaphoreType.DMA,
    ]
    nv = chunk // 16

    @functools.partial(pl.kernel,
                       out_type=jax.ShapeDtypeStruct((nchunks, NP, chunk), F32),
                       mesh=_mesh(), scratch_types=scratch,
                       compiler_params=pltpu.CompilerParams(
                           use_tc_tiling_on_sc=False))
    def body(y_h, w_h, src_h, dst_h, z_h, acc_o,
             sidx0, sidx1, didx0, didx1, wr0, wr1, rows0, rows1,
             tables, accs, gsem0, gsem1, ssem0, ssem1):
        cid = lax.axis_index("c")
        sid = lax.axis_index("s")
        r0 = sid * RPT
        ebase = sid * (E // NT)
        bufs = ((sidx0, didx0, wr0, rows0, gsem0, ssem0),
                (sidx1, didx1, wr1, rows1, gsem1, ssem1))

        def fetch(b, buf):
            si, di, wr, rw, gs, _ = buf
            base = ebase + b * MB
            pltpu.sync_copy(src_h.at[pl.ds(base, MB)], si)
            pltpu.sync_copy(dst_h.at[pl.ds(base, MB)], di)
            pltpu.sync_copy(w_h.at[pl.ds(base, MB)], wr)
            pltpu.async_copy(tables.at[si], rw, gs)

        def compute(buf):
            si, di, wr, rw, gs, ss = buf
            pltpu.make_async_copy(tables.at[si], rw, gs).wait()

            def edge(e4, _):
                for u in range(4):
                    e = e4 * 4 + u
                    wv = wr[e]
                    for k in range(nv):
                        rw[e, pl.ds(k * 16, 16)] = (
                            rw[e, pl.ds(k * 16, 16)] * wv)
                return 0
            lax.fori_loop(0, MB // 4, edge, 0)
            pltpu.async_copy(rw, accs.at[di], ss, add=True)

        def swait(buf):
            _, di, _, rw, _, ss = buf
            pltpu.make_async_copy(rw, accs.at[di], ss).wait()

        def do_chunk(j, _):
            gc = cid * half + j

            @pl.when(gc < nchunks)
            def _():
                pltpu.sync_copy(y_h.at[gc, pl.ds(r0, RPT)],
                                tables.at[pl.ds(r0, RPT)])
                pltpu.sync_copy(z_h.at[pl.ds(r0, RPT)],
                                accs.at[pl.ds(r0, RPT)])
                plsc.subcore_barrier()
                fetch(0, bufs[0])

                def pair(p, _):
                    @pl.when(p > 0)
                    def _():
                        swait(bufs[1])
                    fetch(2 * p + 1, bufs[1])
                    compute(bufs[0])

                    @pl.when(p < npair - 1)
                    def _():
                        swait(bufs[0])
                        fetch(2 * p + 2, bufs[0])
                    compute(bufs[1])
                    return 0
                lax.fori_loop(0, npair, pair, 0)
                swait(bufs[0])
                swait(bufs[1])
                plsc.subcore_barrier()
                pltpu.sync_copy(accs.at[pl.ds(r0, RPT)],
                                acc_o.at[gc, pl.ds(r0, RPT)])
                plsc.subcore_barrier()
            return 0
        lax.fori_loop(0, half, do_chunk, 0)

    return body(y_cm, w, src, dst, zeros)



def _il_w(wmat, nch, nf):
    din = wmat.shape[0]
    return wmat.reshape(din, 8, nch, nf).transpose(2, 0, 3, 1).reshape(
        nch, din, nf * 8)


def _il_rows(wmat, nch, nf):
    return wmat.reshape(8, nch, nf, -1).transpose(1, 2, 0, 3).reshape(
        wmat.shape[0], -1)


def _il_att(a, nch, nf):
    heads, f = a.shape
    eye = jnp.eye(heads, dtype=F32)
    m = (eye[:, None, :] * a[:, :, None]).reshape(heads * f, heads)
    m = m.reshape(8, nch, nf, 8).transpose(1, 2, 0, 3).reshape(nch, nf * 8, 8)
    return jnp.concatenate([m, m], axis=2)


def _il_bias(b, nch, nf):
    return b.reshape(8, nch, nf).transpose(1, 2, 0).reshape(nch, 1, nf * 8)


def kernel(x, edge_index, W1, a_src1, a_dst1, b1, W2, a_src2, a_dst2, b2,
           W3, a_src3, a_dst3, b3):
    src = edge_index[0]
    dst = edge_index[1]

    w1cm = _il_w(W1, 16, 8)
    as1 = _il_att(a_src1, 16, 8)
    ad1 = _il_att(a_dst1, 16, 8)
    w2cm = _il_w(_il_rows(W2, 16, 8), 8, 8)
    as2 = _il_att(a_src2, 8, 8)
    ad2 = _il_att(a_dst2, 8, 8)
    w3p = jnp.pad(W3, ((0, 0), (0, 13)))
    w3cm = _il_rows(w3p, 8, 8)[None]
    as3 = jnp.broadcast_to(
        jnp.pad(a_src3[0], (0, 13)).reshape(1, 16, 1), (1, 16, 16))
    ad3 = jnp.broadcast_to(
        jnp.pad(a_dst3[0], (0, 13)).reshape(1, 16, 1), (1, 16, 16))
    b1cm = _il_bias(b1, 16, 8)
    b2cm = _il_bias(b2, 8, 8)
    b3r = jnp.concatenate([b3, jnp.full((13,), -1e30, F32)]).reshape(1, 16)
    zeros16 = jnp.zeros((NP, 16), F32)
    zeros64 = jnp.zeros((NP, 64), F32)
    xp = jnp.pad(x, ((0, NP - N), (0, 0)))

    y1, s1, d1, c1 = _tc_head(xp, w1cm, as1, ad1)
    den1, w1e = _sc_denom(s1, d1, c1, src, dst, zeros16)
    acc1 = _sc_msg(y1, w1e, src, dst, zeros64, 64, 16)

    y2, s2, d2, c2 = _tc_mid(acc1, den1, b1cm, w2cm, as2, ad2)
    den2, w2e = _sc_denom(s2, d2, c2, src, dst, zeros16)
    acc2 = _sc_msg(y2, w2e, src, dst, zeros64, 64, 8)

    y3, s3, d3, c3 = _tc_mid(acc2, den2, b2cm, w3cm, as3, ad3)
    den3, w3e = _sc_denom(s3, d3, c3, src, dst, zeros16)
    acc3 = _sc_msg(y3, w3e, src, dst, zeros16, 16, 1)

    out16 = _tc_final(acc3, den3, b3r)
    return out16[:N, :3]

# --- scband reference (transcript-rebuilt; emitter-appended) ---
"""Pipeline reference for scband-protein-gat-28355374088745 (READ-ONLY COPY).

The authoritative reference and input builder live on the scoring server;
editing this copy changes nothing except your own understanding.
"""

import jax, jax.numpy as jnp
import numpy as np

N = 10000
E = 320000
F_IN = 128
HID = 128
HEADS = 8
NC = 3


def gat_conv(x, edge_index, W, a_src, a_dst, bias, heads, out_ch, concat):
    # PyG-style GATConv (eval mode, no dropout)
    n = x.shape[0]
    src = edge_index[0]
    dst = edge_index[1]
    xW = (x @ W).reshape(n, heads, out_ch)
    alpha_s = (xW * a_src[None, :, :]).sum(-1)  # [N, heads]
    alpha_d = (xW * a_dst[None, :, :]).sum(-1)  # [N, heads]
    alpha = alpha_s[src] + alpha_d[dst]  # [E, heads]
    alpha = jax.nn.leaky_relu(alpha, negative_slope=0.2)
    amax = jax.ops.segment_max(alpha, dst, num_segments=n)
    amax = jax.lax.stop_gradient(amax)
    alpha = jnp.exp(alpha - amax[dst])
    denom = jax.ops.segment_sum(alpha, dst, num_segments=n)
    alpha = alpha / (denom[dst] + 1e-16)
    msg = xW[src] * alpha[:, :, None]  # [E, heads, out_ch]
    out = jax.ops.segment_sum(msg, dst, num_segments=n)  # [N, heads, out_ch]
    if concat:
        out = out.reshape(n, heads * out_ch)
    else:
        out = out.mean(axis=1)
    return out + bias


def setup_inputs(seed: int = 0):
    key = jax.random.key(seed)
    ks = jax.random.split(key, 16)
    x = jax.random.normal(ks[0], (N, F_IN), dtype=jnp.float32)
    edge_index = jax.random.randint(ks[1], (2, E), 0, N, dtype=jnp.int32)

    def glorot(k, shape):
        fan = shape[0] + shape[-1]
        return jax.random.normal(k, shape, dtype=jnp.float32) * jnp.sqrt(2.0 / fan)

    # conv1: in=128 -> heads=8, out=128 (concat -> 1024)
    W1 = glorot(ks[2], (F_IN, HEADS * HID))
    a_src1 = glorot(ks[3], (HEADS, HID))
    a_dst1 = glorot(ks[4], (HEADS, HID))
    b1 = jnp.zeros((HEADS * HID,), dtype=jnp.float32)
    # conv2: in=1024 -> heads=8, out=64 (concat -> 512)
    W2 = glorot(ks[5], (HEADS * HID, HEADS * (HID // 2)))
    a_src2 = glorot(ks[6], (HEADS, HID // 2))
    a_dst2 = glorot(ks[7], (HEADS, HID // 2))
    b2 = jnp.zeros((HEADS * (HID // 2),), dtype=jnp.float32)
    # conv3: in=512 -> heads=1, out=3 (no concat)
    W3 = glorot(ks[8], (HEADS * (HID // 2), 1 * NC))
    a_src3 = glorot(ks[9], (1, NC))
    a_dst3 = glorot(ks[10], (1, NC))
    b3 = jnp.zeros((NC,), dtype=jnp.float32)
    return {"x": x, "edge_index": edge_index, "W1": W1, "a_src1": a_src1, "a_dst1": a_dst1, "b1": b1,
            "W2": W2, "a_src2": a_src2, "a_dst2": a_dst2, "b2": b2,
            "W3": W3, "a_src3": a_src3, "a_dst3": a_dst3, "b3": b3}


def reference(x, edge_index, W1, a_src1, a_dst1, b1, W2, a_src2, a_dst2, b2, W3, a_src3, a_dst3, b3):
    h = gat_conv(x, edge_index, W1, a_src1, a_dst1, b1, HEADS, HID, True)
    h = jax.nn.elu(h)
    h = gat_conv(h, edge_index, W2, a_src2, a_dst2, b2, HEADS, HID // 2, True)
    h = jax.nn.elu(h)
    h = gat_conv(h, edge_index, W3, a_src3, a_dst3, b3, 1, NC, False)
    return jax.nn.log_softmax(h, axis=1)

if __name__ == "__main__":
    import jax
    _d = setup_inputs()
    print(jax.jit(kernel)(*tuple(_d.values())))

</pallas_src>

<mosaic_0001>
#map = affine_map<(d0, d1) -> (0, 0)>
#map1 = affine_map<(d0, d1) -> (0)>
#map2 = affine_map<(d0, d1) -> (0, 0, 0)>
module attributes {stable_mosaic.version = 14 : i64} {
  func.func @body(%arg0: i32, %arg1: i32, %arg2: memref<10240x16xf32, #tpu.memory_space<hbm>>, %arg3: memref<10240x16xf32, #tpu.memory_space<hbm>>, %arg4: memref<1x128xf32, #tpu.memory_space<hbm>>, %arg5: memref<320000xi32, #tpu.memory_space<hbm>>, %arg6: memref<320000xi32, #tpu.memory_space<hbm>>, %arg7: memref<10240x16xf32, #tpu.memory_space<hbm>>, %arg8: memref<2x10240x16xf32, #tpu.memory_space<hbm>>, %arg9: memref<320000x16xf32, #tpu.memory_space<hbm>>, %arg10: memref<400xi32, #tpu.memory_space<vmem>>, %arg11: memref<400xi32, #tpu.memory_space<vmem>>, %arg12: memref<400x16xf32, #tpu.memory_space<vmem>>, %arg13: memref<400x16xf32, #tpu.memory_space<vmem>>, %arg14: memref<400x16xf32, #tpu.memory_space<vmem>>, %arg15: memref<16xf32, #tpu.memory_space<vmem>>, %arg16: memref<10240x16xf32, #tpu.memory_space<vmem_shared>>, %arg17: memref<!tpu.dma_semaphore, #tpu.memory_space<semaphore_mem>>) attributes {dimension_semantics = [#tpu.dimension_semantics<core_parallel>, #tpu.dimension_semantics<subcore_parallel>], iteration_bounds = array<i64: 2, 16>, scalar_prefetch = 0 : i64, scratch_operands = 8 : i64, tpu.core_type = #tpu.core_type<sc_vector_subcore>, window_params = [{transform_indices = #map}, {transform_indices = #map}, {transform_indices = #map}, {transform_indices = #map1}, {transform_indices = #map1}, {transform_indices = #map}, {transform_indices = #map2}, {transform_indices = #map}]} {
    %mul3A = arith.constant 16 : i32
    %mul3A_0 = arith.muli %arg0, %mul3A : i32
    %add3A = arith.addi %mul3A_0, %arg1 : i32
    %mul3A_1 = arith.constant 640 : i32
    %mul3A_2 = arith.muli %arg1, %mul3A_1 : i32
    %run_scoped3A = arith.constant 0 : i32
    "tpu.region"() ({
      %run_scoped3A_12 = tpu.sem_alloc : memref<!tpu.dma_semaphore, #tpu.memory_space<semaphore_mem>>
      %dma_start3A = arith.constant 0 : i32
      %dma_start3A_13 = tpu.memref_slice %arg4[%run_scoped3A, %dma_start3A] : memref<1x128xf32, #tpu.memory_space<hbm>> -> memref<1x16xf32, #tpu.memory_space<hbm>>
      %dma_start3A_14 = tpu.memref_squeeze %dma_start3A_13 : memref<1x16xf32, #tpu.memory_space<hbm>> -> memref<16xf32, #tpu.memory_space<hbm>>
      %dma_start3A_15 = arith.constant 0 : i32
      %dma_start3A_16 = tpu.memref_slice %arg4[%run_scoped3A, %dma_start3A_15] : memref<1x128xf32, #tpu.memory_space<hbm>> -> memref<1x16xf32, #tpu.memory_space<hbm>>
      %dma_start3A_17 = tpu.memref_squeeze %dma_start3A_16 : memref<1x16xf32, #tpu.memory_space<hbm>> -> memref<16xf32, #tpu.memory_space<hbm>>
      tpu.enqueue_dma source(%dma_start3A_17 : memref<16xf32, #tpu.memory_space<hbm>>) target(%arg15 : memref<16xf32, #tpu.memory_space<vmem>>) target_semaphore(%run_scoped3A_12 : memref<!tpu.dma_semaphore, #tpu.memory_space<semaphore_mem>>)
      %dma_wait3A = arith.constant 0 : i32
      %dma_wait3A_18 = tpu.memref_slice %arg4[%run_scoped3A, %dma_wait3A] : memref<1x128xf32, #tpu.memory_space<hbm>> -> memref<1x16xf32, #tpu.memory_space<hbm>>
      %dma_wait3A_19 = tpu.memref_squeeze %dma_wait3A_18 : memref<1x16xf32, #tpu.memory_space<hbm>> -> memref<16xf32, #tpu.memory_space<hbm>>
      %dma_wait3A_20 = arith.constant 0 : i32
      %dma_wait3A_21 = tpu.memref_slice %arg4[%run_scoped3A, %dma_wait3A_20] : memref<1x128xf32, #tpu.memory_space<hbm>> -> memref<1x16xf32, #tpu.memory_space<hbm>>
      %dma_wait3A_22 = tpu.memref_squeeze %dma_wait3A_21 : memref<1x16xf32, #tpu.memory_space<hbm>> -> memref<16xf32, #tpu.memory_space<hbm>>
      tpu.wait_dma2 semaphore(%run_scoped3A_12 : memref<!tpu.dma_semaphore, #tpu.memory_space<semaphore_mem>>) src(%dma_wait3A_22 : memref<16xf32, #tpu.memory_space<hbm>>) dst(%arg15 : memref<16xf32, #tpu.memory_space<vmem>>)
      tpu.yield
    }) : () -> ()
    %get3A = arith.constant 0 : index
    %get3A_3 = tpu.vector_load %arg15[%get3A] {strides = array<i32>} : memref<16xf32, #tpu.memory_space<vmem>>, vector<16xf32>,
    %get3A_4 = vector.shape_cast %get3A_3 : vector<16xf32> to vector<16xf32>
    "tpu.region"() ({
      %run_scoped3A_12 = tpu.sem_alloc : memref<!tpu.dma_semaphore, #tpu.memory_space<semaphore_mem>>
      %dma_start3A = arith.constant 0 : i32
      %dma_start3A_13 = tpu.memref_slice %arg16[%mul3A_2, %dma_start3A] : memref<10240x16xf32, #tpu.memory_space<vmem_shared>> -> memref<640x16xf32, #tpu.memory_space<vmem_shared>>
      %dma_start3A_14 = arith.constant 0 : i32
      %dma_start3A_15 = tpu.memref_slice %arg7[%mul3A_2, %dma_start3A_14] : memref<10240x16xf32, #tpu.memory_space<hbm>> -> memref<640x16xf32, #tpu.memory_space<hbm>>
      tpu.enqueue_dma source(%dma_start3A_15 : memref<640x16xf32, #tpu.memory_space<hbm>>) target(%dma_start3A_13 : memref<640x16xf32, #tpu.memory_space<vmem_shared>>) target_semaphore(%run_scoped3A_12 : memref<!tpu.dma_semaphore, #tpu.memory_space<semaphore_mem>>)
      %dma_wait3A = arith.constant 0 : i32
      %dma_wait3A_16 = tpu.memref_slice %arg16[%mul3A_2, %dma_wait3A] : memref<10240x16xf32, #tpu.memory_space<vmem_shared>> -> memref<640x16xf32, #tpu.memory_space<vmem_shared>>
      %dma_wait3A_17 = arith.constant 0 : i32
      %dma_wait3A_18 = tpu.memref_slice %arg7[%mul3A_2, %dma_wait3A_17] : memref<10240x16xf32, #tpu.memory_space<hbm>> -> memref<640x16xf32, #tpu.memory_space<hbm>>
      tpu.wait_dma2 semaphore(%run_scoped3A_12 : memref<!tpu.dma_semaphore, #tpu.memory_space<semaphore_mem>>) src(%dma_wait3A_18 : memref<640x16xf32, #tpu.memory_space<hbm>>) dst(%dma_wait3A_16 : memref<640x16xf32, #tpu.memory_space<vmem_shared>>)
      tpu.yield
    }) : () -> ()
    %barrier3A = arith.constant 0 : index
    tpu.barrier barrier_id(%barrier3A)
    %scan3A = arith.constant 0 : i32
    %scan3A_5 = arith.constant 0 : i32
    %scan3A_6 = arith.constant 25 : i32
    %scan3A_7 = arith.addi %scan3A_5, %scan3A_6 : i32
    %scan3A_8 = arith.constant 1 : i32
    %scan3A_9 = scf.for %scan3A_12 = %scan3A_5 to %scan3A_7 step %scan3A_8 iter_args(%scan3A_13 = %scan3A) -> (i32)  : i32 {
      %mul3A_14 = arith.constant 10000 : i32
      %mul3A_15 = arith.muli %add3A, %mul3A_14 : i32
      %mul3A_16 = arith.constant 400 : i32
      %mul3A_17 = arith.muli %scan3A_12, %mul3A_16 : i32
      %add3A_18 = arith.addi %mul3A_15, %mul3A_17 : i32
      "tpu.region"() ({
        %run_scoped3A_37 = tpu.sem_alloc : memref<!tpu.dma_semaphore, #tpu.memory_space<semaphore_mem>>
        %dma_start3A_38 = tpu.memref_slice %arg5[%add3A_18] : memref<320000xi32, #tpu.memory_space<hbm>> -> memref<400xi32, #tpu.memory_space<hbm>>
        %dma_start3A_39 = tpu.memref_slice %arg5[%add3A_18] : memref<320000xi32, #tpu.memory_space<hbm>> -> memref<400xi32, #tpu.memory_space<hbm>>
        tpu.enqueue_dma source(%dma_start3A_39 : memref<400xi32, #tpu.memory_space<hbm>>) target(%arg10 : memref<400xi32, #tpu.memory_space<vmem>>) target_semaphore(%run_scoped3A_37 : memref<!tpu.dma_semaphore, #tpu.memory_space<semaphore_mem>>)
        %dma_wait3A_40 = tpu.memref_slice %arg5[%add3A_18] : memref<320000xi32, #tpu.memory_space<hbm>> -> memref<400xi32, #tpu.memory_space<hbm>>
        %dma_wait3A_41 = tpu.memref_slice %arg5[%add3A_18] : memref<320000xi32, #tpu.memory_space<hbm>> -> memref<400xi32, #tpu.memory_space<hbm>>
        tpu.wait_dma2 semaphore(%run_scoped3A_37 : memref<!tpu.dma_semaphore, #tpu.memory_space<semaphore_mem>>) src(%dma_wait3A_41 : memref<400xi32, #tpu.memory_space<hbm>>) dst(%arg10 : memref<400xi32, #tpu.memory_space<vmem>>)
        tpu.yield
      }) : () -> ()
      "tpu.region"() ({
        %run_scoped3A_37 = tpu.sem_alloc : memref<!tpu.dma_semaphore, #tpu.memory_space<semaphore_mem>>
        %dma_start3A_38 = tpu.memref_slice %arg6[%add3A_18] : memref<320000xi32, #tpu.memory_space<hbm>> -> memref<400xi32, #tpu.memory_space<hbm>>
        %dma_start3A_39 = tpu.memref_slice %arg6[%add3A_18] : memref<320000xi32, #tpu.memory_space<hbm>> -> memref<400xi32, #tpu.memory_space<hbm>>
        tpu.enqueue_dma source(%dma_start3A_39 : memref<400xi32, #tpu.memory_space<hbm>>) target(%arg11 : memref<400xi32, #tpu.memory_space<vmem>>) target_semaphore(%run_scoped3A_37 : memref<!tpu.dma_semaphore, #tpu.memory_space<semaphore_mem>>)
        %dma_wait3A_40 = tpu.memref_slice %arg6[%add3A_18] : memref<320000xi32, #tpu.memory_space<hbm>> -> memref<400xi32, #tpu.memory_space<hbm>>
        %dma_wait3A_41 = tpu.memref_slice %arg6[%add3A_18] : memref<320000xi32, #tpu.memory_space<hbm>> -> memref<400xi32, #tpu.memory_space<hbm>>
        tpu.wait_dma2 semaphore(%run_scoped3A_37 : memref<!tpu.dma_semaphore, #tpu.memory_space<semaphore_mem>>) src(%dma_wait3A_41 : memref<400xi32, #tpu.memory_space<hbm>>) dst(%arg11 : memref<400xi32, #tpu.memory_space<vmem>>)
        tpu.yield
      }) : () -> ()
      %dma_start3A = arith.constant 0 : i32
      %dma_start3A_19 = arith.constant 0 : i32
      %dma_start3A_20 = tpu.memref_slice %arg2[%dma_start3A, %dma_start3A_19] : memref<10240x16xf32, #tpu.memory_space<hbm>> -> memref<10240x16xf32, #tpu.memory_space<hbm>>
      tpu.enqueue_indirect_dma source(%dma_start3A_20 : memref<10240x16xf32, #tpu.memory_space<hbm>>) target(%arg12 : memref<400x16xf32, #tpu.memory_space<vmem>>) offsets(%arg10 : memref<400xi32, #tpu.memory_space<vmem>>) semaphore(%arg17 : memref<!tpu.dma_semaphore, #tpu.memory_space<semaphore_mem>>)
      %dma_wait3A = arith.constant 0 : i32
      %dma_wait3A_21 = arith.constant 0 : i32
      %dma_wait3A_22 = tpu.memref_slice %arg2[%dma_wait3A, %dma_wait3A_21] : memref<10240x16xf32, #tpu.memory_space<hbm>> -> memref<10240x16xf32, #tpu.memory_space<hbm>>
      tpu.wait_indirect_dma semaphore(%arg17 : memref<!tpu.dma_semaphore, #tpu.memory_space<semaphore_mem>>) src(%dma_wait3A_22 : memref<10240x16xf32, #tpu.memory_space<hbm>>) dst(%arg12 : memref<400x16xf32, #tpu.memory_space<vmem>>)
      %dma_start3A_23 = arith.constant 0 : i32
      %dma_start3A_24 = arith.constant 0 : i32
      %dma_start3A_25 = tpu.memref_slice %arg3[%dma_start3A_23, %dma_start3A_24] : memref<10240x16xf32, #tpu.memory_space<hbm>> -> memref<10240x16xf32, #tpu.memory_space<hbm>>
      tpu.enqueue_indirect_dma source(%dma_start3A_25 : memref<10240x16xf32, #tpu.memory_space<hbm>>) target(%arg13 : memref<400x16xf32, #tpu.memory_space<vmem>>) offsets(%arg11 : memref<400xi32, #tpu.memory_space<vmem>>) semaphore(%arg17 : memref<!tpu.dma_semaphore, #tpu.memory_space<semaphore_mem>>)
      %dma_wait3A_26 = arith.constant 0 : i32
      %dma_wait3A_27 = arith.constant 0 : i32
      %dma_wait3A_28 = tpu.memref_slice %arg3[%dma_wait3A_26, %dma_wait3A_27] : memref<10240x16xf32, #tpu.memory_space<hbm>> -> memref<10240x16xf32, #tpu.memory_space<hbm>>
      tpu.wait_indirect_dma semaphore(%arg17 : memref<!tpu.dma_semaphore, #tpu.memory_space<semaphore_mem>>) src(%dma_wait3A_28 : memref<10240x16xf32, #tpu.memory_space<hbm>>) dst(%arg13 : memref<400x16xf32, #tpu.memory_space<vmem>>)
      %scan3A_29 = arith.constant 0 : i32
      %scan3A_30 = arith.constant 0 : i32
      %scan3A_31 = arith.constant 400 : i32
      %scan3A_32 = arith.addi %scan3A_30, %scan3A_31 : i32
      %scan3A_33 = arith.constant 1 : i32
      %scan3A_34 = scf.for %scan3A_37 = %scan3A_30 to %scan3A_32 step %scan3A_33 iter_args(%scan3A_38 = %scan3A_29) -> (i32)  : i32 {
        %get3A_39 = arith.index_cast %scan3A_37 : i32 to index
        %get3A_40 = arith.constant 0 : index
        %get3A_41 = tpu.vector_load %arg12[%get3A_39, %get3A_40] {strides = array<i32>} : memref<400x16xf32, #tpu.memory_space<vmem>>, vector<1x16xf32>,
        %get3A_42 = vector.shape_cast %get3A_41 : vector<1x16xf32> to vector<16xf32>
        %get3A_43 = arith.index_cast %scan3A_37 : i32 to index
        %get3A_44 = arith.constant 0 : index
        %get3A_45 = tpu.vector_load %arg13[%get3A_43, %get3A_44] {strides = array<i32>} : memref<400x16xf32, #tpu.memory_space<vmem>>, vector<1x16xf32>,
        %get3A_46 = vector.shape_cast %get3A_45 : vector<1x16xf32> to vector<16xf32>
        %add3A_47 = arith.addf %get3A_42, %get3A_46 : vector<16xf32>
        %ge3A = arith.constant 0.000000e+00 : f32
        %ge3A_48 = vector.broadcast %ge3A : f32 to vector<16xf32>
        %ge3A_49 = arith.cmpf oge, %add3A_47, %ge3A_48 : vector<16xf32>
        %mul3A_50 = arith.constant 2.000000e-01 : f32
        %mul3A_51 = vector.broadcast %mul3A_50 : f32 to vector<16xf32>
        %mul3A_52 = arith.mulf %add3A_47, %mul3A_51 : vector<16xf32>
        %select_n3A = arith.select %ge3A_49, %add3A_47, %mul3A_52 : vector<16xi1>, vector<16xf32>
        %sub3A = arith.subf %select_n3A, %get3A_4 : vector<16xf32>
        %exp3A = math.exp %sub3A : vector<16xf32>
        %swap3A = arith.index_cast %scan3A_37 : i32 to index
        %swap3A_53 = arith.constant 0 : index
        %swap3A_54 = tpu.vector_load %arg14[%swap3A, %swap3A_53] {strides = array<i32>} : memref<400x16xf32, #tpu.memory_space<vmem>>, vector<1x16xf32>,
        %swap3A_55 = vector.shape_cast %swap3A_54 : vector<1x16xf32> to vector<16xf32>
        %swap3A_56 = vector.shape_cast %exp3A : vector<16xf32> to vector<1x16xf32>
        tpu.vector_store %arg14[%swap3A, %swap3A_53], %swap3A_56 {strides = array<i32>} : memref<400x16xf32, #tpu.memory_space<vmem>>, vector<1x16xf32>,
        %scan3A_57 = arith.constant 0 : i32
        scf.yield %scan3A_57 : i32
      }
      %scan3A_35 = arith.constant 400 : i32
      "tpu.region"() ({
        %run_scoped3A_37 = tpu.sem_alloc : memref<!tpu.dma_semaphore, #tpu.memory_space<semaphore_mem>>
        %dma_start3A_38 = arith.constant 0 : i32
        %dma_start3A_39 = arith.constant 0 : i32
        %dma_start3A_40 = tpu.memref_slice %arg16[%dma_start3A_38, %dma_start3A_39] : memref<10240x16xf32, #tpu.memory_space<vmem_shared>> -> memref<10240x16xf32, #tpu.memory_space<vmem_shared>>
        tpu.enqueue_indirect_dma source(%arg14 : memref<400x16xf32, #tpu.memory_space<vmem>>) target(%dma_start3A_40 : memref<10240x16xf32, #tpu.memory_space<vmem_shared>>) offsets(%arg11 : memref<400xi32, #tpu.memory_space<vmem>>) semaphore(%run_scoped3A_37 : memref<!tpu.dma_semaphore, #tpu.memory_space<semaphore_mem>>) {add = true}
        %dma_wait3A_41 = arith.constant 0 : i32
        %dma_wait3A_42 = arith.constant 0 : i32
        %dma_wait3A_43 = tpu.memref_slice %arg16[%dma_wait3A_41, %dma_wait3A_42] : memref<10240x16xf32, #tpu.memory_space<vmem_shared>> -> memref<10240x16xf32, #tpu.memory_space<vmem_shared>>
        tpu.wait_indirect_dma semaphore(%run_scoped3A_37 : memref<!tpu.dma_semaphore, #tpu.memory_space<semaphore_mem>>) src(%arg14 : memref<400x16xf32, #tpu.memory_space<vmem>>) dst(%dma_wait3A_43 : memref<10240x16xf32, #tpu.memory_space<vmem_shared>>)
        tpu.yield
      }) : () -> ()
      "tpu.region"() ({
        %run_scoped3A_37 = tpu.sem_alloc : memref<!tpu.dma_semaphore, #tpu.memory_space<semaphore_mem>>
        %dma_start3A_38 = arith.constant 0 : i32
        %dma_start3A_39 = tpu.memref_slice %arg9[%add3A_18, %dma_start3A_38] : memref<320000x16xf32, #tpu.memory_space<hbm>> -> memref<400x16xf32, #tpu.memory_space<hbm>>
        %dma_start3A_40 = arith.constant 0 : i32
        %dma_start3A_41 = tpu.memref_slice %arg9[%add3A_18, %dma_start3A_40] : memref<320000x16xf32, #tpu.memory_space<hbm>> -> memref<400x16xf32, #tpu.memory_space<hbm>>
        tpu.enqueue_dma source(%arg14 : memref<400x16xf32, #tpu.memory_space<vmem>>) target(%dma_start3A_41 : memref<400x16xf32, #tpu.memory_space<hbm>>) target_semaphore(%run_scoped3A_37 : memref<!tpu.dma_semaphore, #tpu.memory_space<semaphore_mem>>)
        %dma_wait3A_42 = arith.constant 0 : i32
        %dma_wait3A_43 = tpu.memref_slice %arg9[%add3A_18, %dma_wait3A_42] : memref<320000x16xf32, #tpu.memory_space<hbm>> -> memref<400x16xf32, #tpu.memory_space<hbm>>
        %dma_wait3A_44 = arith.constant 0 : i32
        %dma_wait3A_45 = tpu.memref_slice %arg9[%add3A_18, %dma_wait3A_44] : memref<320000x16xf32, #tpu.memory_space<hbm>> -> memref<400x16xf32, #tpu.memory_space<hbm>>
        tpu.wait_dma2 semaphore(%run_scoped3A_37 : memref<!tpu.dma_semaphore, #tpu.memory_space<semaphore_mem>>) src(%arg14 : memref<400x16xf32, #tpu.memory_space<vmem>>) dst(%dma_wait3A_45 : memref<400x16xf32, #tpu.memory_space<hbm>>)
        tpu.yield
      }) : () -> ()
      %scan3A_36 = arith.constant 0 : i32
      scf.yield %scan3A_36 : i32
    }
    %scan3A_10 = arith.constant 25 : i32
    %barrier3A_11 = arith.constant 0 : index
    tpu.barrier barrier_id(%barrier3A_11)
    "tpu.region"() ({
      %run_scoped3A_12 = tpu.sem_alloc : memref<!tpu.dma_semaphore, #tpu.memory_space<semaphore_mem>>
      %dma_start3A = arith.constant 0 : i32
      %dma_start3A_13 = tpu.memref_slice %arg8[%arg0, %mul3A_2, %dma_start3A] : memref<2x10240x16xf32, #tpu.memory_space<hbm>> -> memref<1x640x16xf32, #tpu.memory_space<hbm>>
      %dma_start3A_14 = tpu.memref_squeeze %dma_start3A_13 : memref<1x640x16xf32, #tpu.memory_space<hbm>> -> memref<640x16xf32, #tpu.memory_space<hbm>>
      %dma_start3A_15 = arith.constant 0 : i32
      %dma_start3A_16 = tpu.memref_slice %arg16[%mul3A_2, %dma_start3A_15] : memref<10240x16xf32, #tpu.memory_space<vmem_shared>> -> memref<640x16xf32, #tpu.memory_space<vmem_shared>>
      tpu.enqueue_dma source(%dma_start3A_16 : memref<640x16xf32, #tpu.memory_space<vmem_shared>>) target(%dma_start3A_14 : memref<640x16xf32, #tpu.memory_space<hbm>>) target_semaphore(%run_scoped3A_12 : memref<!tpu.dma_semaphore, #tpu.memory_space<semaphore_mem>>)
      %dma_wait3A = arith.constant 0 : i32
      %dma_wait3A_17 = tpu.memref_slice %arg8[%arg0, %mul3A_2, %dma_wait3A] : memref<2x10240x16xf32, #tpu.memory_space<hbm>> -> memref<1x640x16xf32, #tpu.memory_space<hbm>>
      %dma_wait3A_18 = tpu.memref_squeeze %dma_wait3A_17 : memref<1x640x16xf32, #tpu.memory_space<hbm>> -> memref<640x16xf32, #tpu.memory_space<hbm>>
      %dma_wait3A_19 = arith.constant 0 : i32
      %dma_wait3A_20 = tpu.memref_slice %arg16[%mul3A_2, %dma_wait3A_19] : memref<10240x16xf32, #tpu.memory_space<vmem_shared>> -> memref<640x16xf32, #tpu.memory_space<vmem_shared>>
      tpu.wait_dma2 semaphore(%run_scoped3A_12 : memref<!tpu.dma_semaphore, #tpu.memory_space<semaphore_mem>>) src(%dma_wait3A_20 : memref<640x16xf32, #tpu.memory_space<vmem_shared>>) dst(%dma_wait3A_18 : memref<640x16xf32, #tpu.memory_space<hbm>>)
      tpu.yield
    }) : () -> ()
    return
  }
}

#map = affine_map<(d0, d1) -> (0, 0, 0)>
#map1 = affine_map<(d0, d1) -> (0, 0)>
#map2 = affine_map<(d0, d1) -> (0)>
module attributes {stable_mosaic.version = 14 : i64} {
  func.func @body(%arg0: i32, %arg1: i32, %arg2: memref<16x10240x64xf32, #tpu.memory_space<hbm>>, %arg3: memref<320000x16xf32, #tpu.memory_space<hbm>>, %arg4: memref<320000xi32, #tpu.memory_space<hbm>>, %arg5: memref<320000xi32, #tpu.memory_space<hbm>>, %arg6: memref<10240x64xf32, #tpu.memory_space<hbm>>, %arg7: memref<16x10240x64xf32, #tpu.memory_space<hbm>>, %arg8: memref<200xi32, #tpu.memory_space<vmem>>, %arg9: memref<200xi32, #tpu.memory_space<vmem>>, %arg10: memref<200xi32, #tpu.memory_space<vmem>>, %arg11: memref<200xi32, #tpu.memory_space<vmem>>, %arg12: memref<200x16xf32, #tpu.memory_space<vmem>>, %arg13: memref<200x16xf32, #tpu.memory_space<vmem>>, %arg14: memref<200x64xf32, #tpu.memory_space<vmem>>, %arg15: memref<200x64xf32, #tpu.memory_space<vmem>>, %arg16: memref<10240x64xf32, #tpu.memory_space<vmem_shared>>, %arg17: memref<10240x64xf32, #tpu.memory_space<vmem_shared>>, %arg18: memref<!tpu.dma_semaphore, #tpu.memory_space<semaphore_mem>>, %arg19: memref<!tpu.dma_semaphore, #tpu.memory_space<semaphore_mem>>, %arg20: memref<!tpu.dma_semaphore, #tpu.memory_space<semaphore_mem>>, %arg21: memref<!tpu.dma_semaphore, #tpu.memory_space<semaphore_mem>>) attributes {dimension_semantics = [#tpu.dimension_semantics<core_parallel>, #tpu.dimension_semantics<subcore_parallel>], iteration_bounds = array<i64: 2, 16>, scalar_prefetch = 0 : i64, scratch_operands = 14 : i64, tpu.core_type = #tpu.core_type<sc_vector_subcore>, window_params = [{transform_indices = #map}, {transform_indices = #map1}, {transform_indices = #map2}, {transform_indices = #map2}, {transform_indices = #map1}, {transform_indices = #map}]} {
    %mul3A = arith.constant 640 : i32
    %mul3A_0 = arith.muli %arg1, %mul3A : i32
    %mul3A_1 = arith.constant 20000 : i32
    %mul3A_2 = arith.muli %arg1, %mul3A_1 : i32
    %scan3A = arith.constant 0 : i32
    %scan3A_3 = arith.constant 0 : i32
    %scan3A_4 = arith.constant 8 : i32
    %scan3A_5 = arith.addi %scan3A_3, %scan3A_4 : i32
    %scan3A_6 = arith.constant 1 : i32
    %scan3A_7 = scf.for %scan3A_9 = %scan3A_3 to %scan3A_5 step %scan3A_6 iter_args(%scan3A_10 = %scan3A) -> (i32)  : i32 {
      %mul3A_11 = arith.constant 8 : i32
      %mul3A_12 = arith.muli %arg0, %mul3A_11 : i32
      %add3A = arith.addi %mul3A_12, %scan3A_9 : i32
      %lt3A = arith.constant 16 : i32
      %lt3A_13 = arith.cmpi slt, %add3A, %lt3A : i32
      %convert_element_type3A = arith.extui %lt3A_13 : i1 to i32
      %cond3A = arith.constant 0 : i32
      %cond3A_14 = arith.cmpi ne, %convert_element_type3A, %cond3A : i32
      scf.if %cond3A_14 {
        "tpu.region"() ({
          %run_scoped3A = tpu.sem_alloc : memref<!tpu.dma_semaphore, #tpu.memory_space<semaphore_mem>>
          %dma_start3A_34 = arith.constant 0 : i32
          %dma_start3A_35 = tpu.memref_slice %arg16[%mul3A_0, %dma_start3A_34] : memref<10240x64xf32, #tpu.memory_space<vmem_shared>> -> memref<640x64xf32, #tpu.memory_space<vmem_shared>>
          %dma_start3A_36 = arith.constant 0 : i32
          %dma_start3A_37 = tpu.memref_slice %arg2[%add3A, %mul3A_0, %dma_start3A_36] : memref<16x10240x64xf32, #tpu.memory_space<hbm>> -> memref<1x640x64xf32, #tpu.memory_space<hbm>>
          %dma_start3A_38 = tpu.memref_squeeze %dma_start3A_37 : memref<1x640x64xf32, #tpu.memory_space<hbm>> -> memref<640x64xf32, #tpu.memory_space<hbm>>
          tpu.enqueue_dma source(%dma_start3A_38 : memref<640x64xf32, #tpu.memory_space<hbm>>) target(%dma_start3A_35 : memref<640x64xf32, #tpu.memory_space<vmem_shared>>) target_semaphore(%run_scoped3A : memref<!tpu.dma_semaphore, #tpu.memory_space<semaphore_mem>>)
          %dma_wait3A_39 = arith.constant 0 : i32
          %dma_wait3A_40 = tpu.memref_slice %arg16[%mul3A_0, %dma_wait3A_39] : memref<10240x64xf32, #tpu.memory_space<vmem_shared>> -> memref<640x64xf32, #tpu.memory_space<vmem_shared>>
          %dma_wait3A_41 = arith.constant 0 : i32
          %dma_wait3A_42 = tpu.memref_slice %arg2[%add3A, %mul3A_0, %dma_wait3A_41] : memref<16x10240x64xf32, #tpu.memory_space<hbm>> -> memref<1x640x64xf32, #tpu.memory_space<hbm>>
          %dma_wait3A_43 = tpu.memref_squeeze %dma_wait3A_42 : memref<1x640x64xf32, #tpu.memory_space<hbm>> -> memref<640x64xf32, #tpu.memory_space<hbm>>
          tpu.wait_dma2 semaphore(%run_scoped3A : memref<!tpu.dma_semaphore, #tpu.memory_space<semaphore_mem>>) src(%dma_wait3A_43 : memref<640x64xf32, #tpu.memory_space<hbm>>) dst(%dma_wait3A_40 : memref<640x64xf32, #tpu.memory_space<vmem_shared>>)
          tpu.yield
        }) : () -> ()
        "tpu.region"() ({
          %run_scoped3A = tpu.sem_alloc : memref<!tpu.dma_semaphore, #tpu.memory_space<semaphore_mem>>
          %dma_start3A_34 = arith.constant 0 : i32
          %dma_start3A_35 = tpu.memref_slice %arg17[%mul3A_0, %dma_start3A_34] : memref<10240x64xf32, #tpu.memory_space<vmem_shared>> -> memref<640x64xf32, #tpu.memory_space<vmem_shared>>
          %dma_start3A_36 = arith.constant 0 : i32
          %dma_start3A_37 = tpu.memref_slice %arg6[%mul3A_0, %dma_start3A_36] : memref<10240x64xf32, #tpu.memory_space<hbm>> -> memref<640x64xf32, #tpu.memory_space<hbm>>
          tpu.enqueue_dma source(%dma_start3A_37 : memref<640x64xf32, #tpu.memory_space<hbm>>) target(%dma_start3A_35 : memref<640x64xf32, #tpu.memory_space<vmem_shared>>) target_semaphore(%run_scoped3A : memref<!tpu.dma_semaphore, #tpu.memory_space<semaphore_mem>>)
          %dma_wait3A_38 = arith.constant 0 : i32
          %dma_wait3A_39 = tpu.memref_slice %arg17[%mul3A_0, %dma_wait3A_38] : memref<10240x64xf32, #tpu.memory_space<vmem_shared>> -> memref<640x64xf32, #tpu.memory_space<vmem_shared>>
          %dma_wait3A_40 = arith.constant 0 : i32
          %dma_wait3A_41 = tpu.memref_slice %arg6[%mul3A_0, %dma_wait3A_40] : memref<10240x64xf32, #tpu.memory_space<hbm>> -> memref<640x64xf32, #tpu.memory_space<hbm>>
          tpu.wait_dma2 semaphore(%run_scoped3A : memref<!tpu.dma_semaphore, #tpu.memory_space<semaphore_mem>>) src(%dma_wait3A_41 : memref<640x64xf32, #tpu.memory_space<hbm>>) dst(%dma_wait3A_39 : memref<640x64xf32, #tpu.memory_space<vmem_shared>>)
          tpu.yield
        }) : () -> ()
        %barrier3A = arith.constant 0 : index
        tpu.barrier barrier_id(%barrier3A)
        %add3A_16 = arith.constant 0 : i32
        %add3A_17 = arith.addi %mul3A_2, %add3A_16 : i32
        "tpu.region"() ({
          %run_scoped3A = tpu.sem_alloc : memref<!tpu.dma_semaphore, #tpu.memory_space<semaphore_mem>>
          %dma_start3A_34 = tpu.memref_slice %arg4[%add3A_17] : memref<320000xi32, #tpu.memory_space<hbm>> -> memref<200xi32, #tpu.memory_space<hbm>>
          %dma_start3A_35 = tpu.memref_slice %arg4[%add3A_17] : memref<320000xi32, #tpu.memory_space<hbm>> -> memref<200xi32, #tpu.memory_space<hbm>>
          tpu.enqueue_dma source(%dma_start3A_35 : memref<200xi32, #tpu.memory_space<hbm>>) target(%arg8 : memref<200xi32, #tpu.memory_space<vmem>>) target_semaphore(%run_scoped3A : memref<!tpu.dma_semaphore, #tpu.memory_space<semaphore_mem>>)
          %dma_wait3A_36 = tpu.memref_slice %arg4[%add3A_17] : memref<320000xi32, #tpu.memory_space<hbm>> -> memref<200xi32, #tpu.memory_space<hbm>>
          %dma_wait3A_37 = tpu.memref_slice %arg4[%add3A_17] : memref<320000xi32, #tpu.memory_space<hbm>> -> memref<200xi32, #tpu.memory_space<hbm>>
          tpu.wait_dma2 semaphore(%run_scoped3A : memref<!tpu.dma_semaphore, #tpu.memory_space<semaphore_mem>>) src(%dma_wait3A_37 : memref<200xi32, #tpu.memory_space<hbm>>) dst(%arg8 : memref<200xi32, #tpu.memory_space<vmem>>)
          tpu.yield
        }) : () -> ()
        "tpu.region"() ({
          %run_scoped3A = tpu.sem_alloc : memref<!tpu.dma_semaphore, #tpu.memory_space<semaphore_mem>>
          %dma_start3A_34 = tpu.memref_slice %arg5[%add3A_17] : memref<320000xi32, #tpu.memory_space<hbm>> -> memref<200xi32, #tpu.memory_space<hbm>>
          %dma_start3A_35 = tpu.memref_slice %arg5[%add3A_17] : memref<320000xi32, #tpu.memory_space<hbm>> -> memref<200xi32, #tpu.memory_space<hbm>>
          tpu.enqueue_dma source(%dma_start3A_35 : memref<200xi32, #tpu.memory_space<hbm>>) target(%arg10 : memref<200xi32, #tpu.memory_space<vmem>>) target_semaphore(%run_scoped3A : memref<!tpu.dma_semaphore, #tpu.memory_space<semaphore_mem>>)
          %dma_wait3A_36 = tpu.memref_slice %arg5[%add3A_17] : memref<320000xi32, #tpu.memory_space<hbm>> -> memref<200xi32, #tpu.memory_space<hbm>>
          %dma_wait3A_37 = tpu.memref_slice %arg5[%add3A_17] : memref<320000xi32, #tpu.memory_space<hbm>> -> memref<200xi32, #tpu.memory_space<hbm>>
          tpu.wait_dma2 semaphore(%run_scoped3A : memref<!tpu.dma_semaphore, #tpu.memory_space<semaphore_mem>>) src(%dma_wait3A_37 : memref<200xi32, #tpu.memory_space<hbm>>) dst(%arg10 : memref<200xi32, #tpu.memory_space<vmem>>)
          tpu.yield
        }) : () -> ()
        "tpu.region"() ({
          %run_scoped3A = tpu.sem_alloc : memref<!tpu.dma_semaphore, #tpu.memory_space<semaphore_mem>>
          %dma_start3A_34 = arith.constant 0 : i32
          %dma_start3A_35 = tpu.memref_slice %arg3[%add3A_17, %dma_start3A_34] : memref<320000x16xf32, #tpu.memory_space<hbm>> -> memref<200x16xf32, #tpu.memory_space<hbm>>
          %dma_start3A_36 = arith.constant 0 : i32
          %dma_start3A_37 = tpu.memref_slice %arg3[%add3A_17, %dma_start3A_36] : memref<320000x16xf32, #tpu.memory_space<hbm>> -> memref<200x16xf32, #tpu.memory_space<hbm>>
          tpu.enqueue_dma source(%dma_start3A_37 : memref<200x16xf32, #tpu.memory_space<hbm>>) target(%arg12 : memref<200x16xf32, #tpu.memory_space<vmem>>) target_semaphore(%run_scoped3A : memref<!tpu.dma_semaphore, #tpu.memory_space<semaphore_mem>>)
          %dma_wait3A_38 = arith.constant 0 : i32
          %dma_wait3A_39 = tpu.memref_slice %arg3[%add3A_17, %dma_wait3A_38] : memref<320000x16xf32, #tpu.memory_space<hbm>> -> memref<200x16xf32, #tpu.memory_space<hbm>>
          %dma_wait3A_40 = arith.constant 0 : i32
          %dma_wait3A_41 = tpu.memref_slice %arg3[%add3A_17, %dma_wait3A_40] : memref<320000x16xf32, #tpu.memory_space<hbm>> -> memref<200x16xf32, #tpu.memory_space<hbm>>
          tpu.wait_dma2 semaphore(%run_scoped3A : memref<!tpu.dma_semaphore, #tpu.memory_space<semaphore_mem>>) src(%dma_wait3A_41 : memref<200x16xf32, #tpu.memory_space<hbm>>) dst(%arg12 : memref<200x16xf32, #tpu.memory_space<vmem>>)
          tpu.yield
        }) : () -> ()
        %dma_start3A = arith.constant 0 : i32
        %dma_start3A_18 = arith.constant 0 : i32
        %dma_start3A_19 = tpu.memref_slice %arg16[%dma_start3A, %dma_start3A_18] : memref<10240x64xf32, #tpu.memory_space<vmem_shared>> -> memref<10240x64xf32, #tpu.memory_space<vmem_shared>>
        tpu.enqueue_indirect_dma source(%dma_start3A_19 : memref<10240x64xf32, #tpu.memory_space<vmem_shared>>) target(%arg14 : memref<200x64xf32, #tpu.memory_space<vmem>>) offsets(%arg8 : memref<200xi32, #tpu.memory_space<vmem>>) semaphore(%arg18 : memref<!tpu.dma_semaphore, #tpu.memory_space<semaphore_mem>>)
        %scan3A_20 = arith.constant 0 : i32
        %scan3A_21 = arith.constant 0 : i32
        %scan3A_22 = arith.constant 50 : i32
        %scan3A_23 = arith.addi %scan3A_21, %scan3A_22 : i32
        %scan3A_24 = arith.constant 1 : i32
        %scan3A_25 = scf.for %scan3A_34 = %scan3A_21 to %scan3A_23 step %scan3A_24 iter_args(%scan3A_35 = %scan3A_20) -> (i32)  : i32 {
          %gt3A = arith.constant 0 : i32
          %gt3A_36 = arith.cmpi sgt, %scan3A_34, %gt3A : i32
          %convert_element_type3A_37 = arith.extui %gt3A_36 : i1 to i32
          %cond3A_38 = arith.constant 0 : i32
          %cond3A_39 = arith.cmpi ne, %convert_element_type3A_37, %cond3A_38 : i32
          scf.if %cond3A_39 {
            %dma_wait3A_82 = arith.constant 0 : i32
            %dma_wait3A_83 = arith.constant 0 : i32
            %dma_wait3A_84 = tpu.memref_slice %arg17[%dma_wait3A_82, %dma_wait3A_83] : memref<10240x64xf32, #tpu.memory_space<vmem_shared>> -> memref<10240x64xf32, #tpu.memory_space<vmem_shared>>
            tpu.wait_indirect_dma semaphore(%arg21 : memref<!tpu.dma_semaphore, #tpu.memory_space<semaphore_mem>>) src(%arg15 : memref<200x64xf32, #tpu.memory_space<vmem>>) dst(%dma_wait3A_84 : memref<10240x64xf32, #tpu.memory_space<vmem_shared>>)
          } else {
          }
          %mul3A_40 = arith.constant 2 : i32
          %mul3A_41 = arith.muli %mul3A_40, %scan3A_34 : i32
          %add3A_42 = arith.constant 1 : i32
          %add3A_43 = arith.addi %mul3A_41, %add3A_42 : i32
          %mul3A_44 = arith.constant 200 : i32
          %mul3A_45 = arith.muli %add3A_43, %mul3A_44 : i32
          %add3A_46 = arith.addi %mul3A_2, %mul3A_45 : i32
          "tpu.region"() ({
            %run_scoped3A = tpu.sem_alloc : memref<!tpu.dma_semaphore, #tpu.memory_space<semaphore_mem>>
            %dma_start3A_82 = tpu.memref_slice %arg4[%add3A_46] : memref<320000xi32, #tpu.memory_space<hbm>> -> memref<200xi32, #tpu.memory_space<hbm>>
            %dma_start3A_83 = tpu.memref_slice %arg4[%add3A_46] : memref<320000xi32, #tpu.memory_space<hbm>> -> memref<200xi32, #tpu.memory_space<hbm>>
            tpu.enqueue_dma source(%dma_start3A_83 : memref<200xi32, #tpu.memory_space<hbm>>) target(%arg9 : memref<200xi32, #tpu.memory_space<vmem>>) target_semaphore(%run_scoped3A : memref<!tpu.dma_semaphore, #tpu.memory_space<semaphore_mem>>)
            %dma_wait3A_84 = tpu.memref_slice %arg4[%add3A_46] : memref<320000xi32, #tpu.memory_space<hbm>> -> memref<200xi32, #tpu.memory_space<hbm>>
            %dma_wait3A_85 = tpu.memref_slice %arg4[%add3A_46] : memref<320000xi32, #tpu.memory_space<hbm>> -> memref<200xi32, #tpu.memory_space<hbm>>
            tpu.wait_dma2 semaphore(%run_scoped3A : memref<!tpu.dma_semaphore, #tpu.memory_space<semaphore_mem>>) src(%dma_wait3A_85 : memref<200xi32, #tpu.memory_space<hbm>>) dst(%arg9 : memref<200xi32, #tpu.memory_space<vmem>>)
            tpu.yield
          }) : () -> ()
          "tpu.region"() ({
            %run_scoped3A = tpu.sem_alloc : memref<!tpu.dma_semaphore, #tpu.memory_space<semaphore_mem>>
            %dma_start3A_82 = tpu.memref_slice %arg5[%add3A_46] : memref<320000xi32, #tpu.memory_space<hbm>> -> memref<200xi32, #tpu.memory_space<hbm>>
            %dma_start3A_83 = tpu.memref_slice %arg5[%add3A_46] : memref<320000xi32, #tpu.memory_space<hbm>> -> memref<200xi32, #tpu.memory_space<hbm>>
            tpu.enqueue_dma source(%dma_start3A_83 : memref<200xi32, #tpu.memory_space<hbm>>) target(%arg11 : memref<200xi32, #tpu.memory_space<vmem>>) target_semaphore(%run_scoped3A : memref<!tpu.dma_semaphore, #tpu.memory_space<semaphore_mem>>)
            %dma_wait3A_84 = tpu.memref_slice %arg5[%add3A_46] : memref<320000xi32, #tpu.memory_space<hbm>> -> memref<200xi32, #tpu.memory_space<hbm>>
            %dma_wait3A_85 = tpu.memref_slice %arg5[%add3A_46] : memref<320000xi32, #tpu.memory_space<hbm>> -> memref<200xi32, #tpu.memory_space<hbm>>
            tpu.wait_dma2 semaphore(%run_scoped3A : memref<!tpu.dma_semaphore, #tpu.memory_space<semaphore_mem>>) src(%dma_wait3A_85 : memref<200xi32, #tpu.memory_space<hbm>>) dst(%arg11 : memref<200xi32, #tpu.memory_space<vmem>>)
            tpu.yield
          }) : () -> ()
          "tpu.region"() ({
            %run_scoped3A = tpu.sem_alloc : memref<!tpu.dma_semaphore, #tpu.memory_space<semaphore_mem>>
            %dma_start3A_82 = arith.constant 0 : i32
            %dma_start3A_83 = tpu.memref_slice %arg3[%add3A_46, %dma_start3A_82] : memref<320000x16xf32, #tpu.memory_space<hbm>> -> memref<200x16xf32, #tpu.memory_space<hbm>>
            %dma_start3A_84 = arith.constant 0 : i32
            %dma_start3A_85 = tpu.memref_slice %arg3[%add3A_46, %dma_start3A_84] : memref<320000x16xf32, #tpu.memory_space<hbm>> -> memref<200x16xf32, #tpu.memory_space<hbm>>
            tpu.enqueue_dma source(%dma_start3A_85 : memref<200x16xf32, #tpu.memory_space<hbm>>) target(%arg13 : memref<200x16xf32, #tpu.memory_space<vmem>>) target_semaphore(%run_scoped3A : memref<!tpu.dma_semaphore, #tpu.memory_space<semaphore_mem>>)
            %dma_wait3A_86 = arith.constant 0 : i32
            %dma_wait3A_87 = tpu.memref_slice %arg3[%add3A_46, %dma_wait3A_86] : memref<320000x16xf32, #tpu.memory_space<hbm>> -> memref<200x16xf32, #tpu.memory_space<hbm>>
            %dma_wait3A_88 = arith.constant 0 : i32
            %dma_wait3A_89 = tpu.memref_slice %arg3[%add3A_46, %dma_wait3A_88] : memref<320000x16xf32, #tpu.memory_space<hbm>> -> memref<200x16xf32, #tpu.memory_space<hbm>>
            tpu.wait_dma2 semaphore(%run_scoped3A : memref<!tpu.dma_semaphore, #tpu.memory_space<semaphore_mem>>) src(%dma_wait3A_89 : memref<200x16xf32, #tpu.memory_space<hbm>>) dst(%arg13 : memref<200x16xf32, #tpu.memory_space<vmem>>)
            tpu.yield
          }) : () -> ()
          %dma_start3A_47 = arith.constant 0 : i32
          %dma_start3A_48 = arith.constant 0 : i32
          %dma_start3A_49 = tpu.memref_slice %arg16[%dma_start3A_47, %dma_start3A_48] : memref<10240x64xf32, #tpu.memory_space<vmem_shared>> -> memref<10240x64xf32, #tpu.memory_space<vmem_shared>>
          tpu.enqueue_indirect_dma source(%dma_start3A_49 : memref<10240x64xf32, #tpu.memory_space<vmem_shared>>) target(%arg15 : memref<200x64xf32, #tpu.memory_space<vmem>>) offsets(%arg9 : memref<200xi32, #tpu.memory_space<vmem>>) semaphore(%arg19 : memref<!tpu.dma_semaphore, #tpu.memory_space<semaphore_mem>>)
          %dma_wait3A_50 = arith.constant 0 : i32
          %dma_wait3A_51 = arith.constant 0 : i32
          %dma_wait3A_52 = tpu.memref_slice %arg16[%dma_wait3A_50, %dma_wait3A_51] : memref<10240x64xf32, #tpu.memory_space<vmem_shared>> -> memref<10240x64xf32, #tpu.memory_space<vmem_shared>>
          tpu.wait_indirect_dma semaphore(%arg18 : memref<!tpu.dma_semaphore, #tpu.memory_space<semaphore_mem>>) src(%dma_wait3A_52 : memref<10240x64xf32, #tpu.memory_space<vmem_shared>>) dst(%arg14 : memref<200x64xf32, #tpu.memory_space<vmem>>)
          %scan3A_53 = arith.constant 0 : i32
          %scan3A_54 = arith.constant 0 : i32
          %scan3A_55 = arith.constant 50 : i32
          %scan3A_56 = arith.addi %scan3A_54, %scan3A_55 : i32
          %scan3A_57 = arith.constant 1 : i32
          %scan3A_58 = scf.for %scan3A_82 = %scan3A_54 to %scan3A_56 step %scan3A_57 iter_args(%scan3A_83 = %scan3A_53) -> (i32)  : i32 {
            %mul3A_84 = arith.constant 4 : i32
            %mul3A_85 = arith.muli %scan3A_82, %mul3A_84 : i32
            %add3A_86 = arith.constant 0 : i32
            %add3A_87 = arith.addi %mul3A_85, %add3A_86 : i32
            %get3A = arith.index_cast %add3A_87 : i32 to index
            %get3A_88 = arith.constant 0 : index
            %get3A_89 = tpu.vector_load %arg12[%get3A, %get3A_88] {strides = array<i32>} : memref<200x16xf32, #tpu.memory_space<vmem>>, vector<1x16xf32>,
            %get3A_90 = vector.shape_cast %get3A_89 : vector<1x16xf32> to vector<16xf32>
            %get3A_91 = arith.index_cast %add3A_87 : i32 to index
            %get3A_92 = arith.constant 0 : index
            %get3A_93 = tpu.vector_load %arg14[%get3A_91, %get3A_92] {strides = array<i32>} : memref<200x64xf32, #tpu.memory_space<vmem>>, vector<1x16xf32>,
            %get3A_94 = vector.shape_cast %get3A_93 : vector<1x16xf32> to vector<16xf32>
            %mul3A_95 = arith.mulf %get3A_94, %get3A_90 : vector<16xf32>
            %swap3A = arith.index_cast %add3A_87 : i32 to index
            %swap3A_96 = arith.constant 0 : index
            %swap3A_97 = tpu.vector_load %arg14[%swap3A, %swap3A_96] {strides = array<i32>} : memref<200x64xf32, #tpu.memory_space<vmem>>, vector<1x16xf32>,
            %swap3A_98 = vector.shape_cast %swap3A_97 : vector<1x16xf32> to vector<16xf32>
            %swap3A_99 = vector.shape_cast %mul3A_95 : vector<16xf32> to vector<1x16xf32>
            tpu.vector_store %arg14[%swap3A, %swap3A_96], %swap3A_99 {strides = array<i32>} : memref<200x64xf32, #tpu.memory_space<vmem>>, vector<1x16xf32>,
            %get3A_100 = arith.index_cast %add3A_87 : i32 to index
            %get3A_101 = arith.constant 16 : index
            %get3A_102 = tpu.vector_load %arg14[%get3A_100, %get3A_101] {strides = array<i32>} : memref<200x64xf32, #tpu.memory_space<vmem>>, vector<1x16xf32>,
            %get3A_103 = vector.shape_cast %get3A_102 : vector<1x16xf32> to vector<16xf32>
            %mul3A_104 = arith.mulf %get3A_103, %get3A_90 : vector<16xf32>
            %swap3A_105 = arith.index_cast %add3A_87 : i32 to index
            %swap3A_106 = arith.constant 16 : index
            %swap3A_107 = tpu.vector_load %arg14[%swap3A_105, %swap3A_106] {strides = array<i32>} : memref<200x64xf32, #tpu.memory_space<vmem>>, vector<1x16xf32>,
            %swap3A_108 = vector.shape_cast %swap3A_107 : vector<1x16xf32> to vector<16xf32>
            %swap3A_109 = vector.shape_cast %mul3A_104 : vector<16xf32> to vector<1x16xf32>
            tpu.vector_store %arg14[%swap3A_105, %swap3A_106], %swap3A_109 {strides = array<i32>} : memref<200x64xf32, #tpu.memory_space<vmem>>, vector<1x16xf32>,
            %get3A_110 = arith.index_cast %add3A_87 : i32 to index
            %get3A_111 = arith.constant 32 : index
            %get3A_112 = tpu.vector_load %arg14[%get3A_110, %get3A_111] {strides = array<i32>} : memref<200x64xf32, #tpu.memory_space<vmem>>, vector<1x16xf32>,
            %get3A_113 = vector.shape_cast %get3A_112 : vector<1x16xf32> to vector<16xf32>
            %mul3A_114 = arith.mulf %get3A_113, %get3A_90 : vector<16xf32>
            %swap3A_115 = arith.index_cast %add3A_87 : i32 to index
            %swap3A_116 = arith.constant 32 : index
            %swap3A_117 = tpu.vector_load %arg14[%swap3A_115, %swap3A_116] {strides = array<i32>} : memref<200x64xf32, #tpu.memory_space<vmem>>, vector<1x16xf32>,
            %swap3A_118 = vector.shape_cast %swap3A_117 : vector<1x16xf32> to vector<16xf32>
            %swap3A_119 = vector.shape_cast %mul3A_114 : vector<16xf32> to vector<1x16xf32>
            tpu.vector_store %arg14[%swap3A_115, %swap3A_116], %swap3A_119 {strides = array<i32>} : memref<200x64xf32, #tpu.memory_space<vmem>>, vector<1x16xf32>,
            %get3A_120 = arith.index_cast %add3A_87 : i32 to index
            %get3A_121 = arith.constant 48 : index
            %get3A_122 = tpu.vector_load %arg14[%get3A_120, %get3A_121] {strides = array<i32>} : memref<200x64xf32, #tpu.memory_space<vmem>>, vector<1x16xf32>,
            %get3A_123 = vector.shape_cast %get3A_122 : vector<1x16xf32> to vector<16xf32>
            %mul3A_124 = arith.mulf %get3A_123, %get3A_90 : vector<16xf32>
            %swap3A_125 = arith.index_cast %add3A_87 : i32 to index
            %swap3A_126 = arith.constant 48 : index
            %swap3A_127 = tpu.vector_load %arg14[%swap3A_125, %swap3A_126] {strides = array<i32>} : memref<200x64xf32, #tpu.memory_space<vmem>>, vector<1x16xf32>,
            %swap3A_128 = vector.shape_cast %swap3A_127 : vector<1x16xf32> to vector<16xf32>
            %swap3A_129 = vector.shape_cast %mul3A_124 : vector<16xf32> to vector<1x16xf32>
            tpu.vector_store %arg14[%swap3A_125, %swap3A_126], %swap3A_129 {strides = array<i32>} : memref<200x64xf32, #tpu.memory_space<vmem>>, vector<1x16xf32>,
            %mul3A_130 = arith.constant 4 : i32
            %mul3A_131 = arith.muli %scan3A_82, %mul3A_130 : i32
            %add3A_132 = arith.constant 1 : i32
            %add3A_133 = arith.addi %mul3A_131, %add3A_132 : i32
            %get3A_134 = arith.index_cast %add3A_133 : i32 to index
            %get3A_135 = arith.constant 0 : index
            %get3A_136 = tpu.vector_load %arg12[%get3A_134, %get3A_135] {strides = array<i32>} : memref<200x16xf32, #tpu.memory_space<vmem>>, vector<1x16xf32>,
            %get3A_137 = vector.shape_cast %get3A_136 : vector<1x16xf32> to vector<16xf32>
            %get3A_138 = arith.index_cast %add3A_133 : i32 to index
            %get3A_139 = arith.constant 0 : index
            %get3A_140 = tpu.vector_load %arg14[%get3A_138, %get3A_139] {strides = array<i32>} : memref<200x64xf32, #tpu.memory_space<vmem>>, vector<1x16xf32>,
            %get3A_141 = vector.shape_cast %get3A_140 : vector<1x16xf32> to vector<16xf32>
            %mul3A_142 = arith.mulf %get3A_141, %get3A_137 : vector<16xf32>
            %swap3A_143 = arith.index_cast %add3A_133 : i32 to index
            %swap3A_144 = arith.constant 0 : index
            %swap3A_145 = tpu.vector_load %arg14[%swap3A_143, %swap3A_144] {strides = array<i32>} : memref<200x64xf32, #tpu.memory_space<vmem>>, vector<1x16xf32>,
            %swap3A_146 = vector.shape_cast %swap3A_145 : vector<1x16xf32> to vector<16xf32>
            %swap3A_147 = vector.shape_cast %mul3A_142 : vector<16xf32> to vector<1x16xf32>
            tpu.vector_store %arg14[%swap3A_143, %swap3A_144], %swap3A_147 {strides = array<i32>} : memref<200x64xf32, #tpu.memory_space<vmem>>, vector<1x16xf32>,
            %get3A_148 = arith.index_cast %add3A_133 : i32 to index
            %get3A_149 = arith.constant 16 : index
            %get3A_150 = tpu.vector_load %arg14[%get3A_148, %get3A_149] {strides = array<i32>} : memref<200x64xf32, #tpu.memory_space<vmem>>, vector<1x16xf32>,
            %get3A_151 = vector.shape_cast %get3A_150 : vector<1x16xf32> to vector<16xf32>
            %mul3A_152 = arith.mulf %get3A_151, %get3A_137 : vector<16xf32>
            %swap3A_153 = arith.index_cast %add3A_133 : i32 to index
            %swap3A_154 = arith.constant 16 : index
            %swap3A_155 = tpu.vector_load %arg14[%swap3A_153, %swap3A_154] {strides = array<i32>} : memref<200x64xf32, #tpu.memory_space<vmem>>, vector<1x16xf32>,
            %swap3A_156 = vector.shape_cast %swap3A_155 : vector<1x16xf32> to vector<16xf32>
            %swap3A_157 = vector.shape_cast %mul3A_152 : vector<16xf32> to vector<1x16xf32>
            tpu.vector_store %arg14[%swap3A_153, %swap3A_154], %swap3A_157 {strides = array<i32>} : memref<200x64xf32, #tpu.memory_space<vmem>>, vector<1x16xf32>,
            %get3A_158 = arith.index_cast %add3A_133 : i32 to index
            %get3A_159 = arith.constant 32 : index
            %get3A_160 = tpu.vector_load %arg14[%get3A_158, %get3A_159] {strides = array<i32>} : memref<200x64xf32, #tpu.memory_space<vmem>>, vector<1x16xf32>,
            %get3A_161 = vector.shape_cast %get3A_160 : vector<1x16xf32> to vector<16xf32>
            %mul3A_162 = arith.mulf %get3A_161, %get3A_137 : vector<16xf32>
            %swap3A_163 = arith.index_cast %add3A_133 : i32 to index
            %swap3A_164 = arith.constant 32 : index
            %swap3A_165 = tpu.vector_load %arg14[%swap3A_163, %swap3A_164] {strides = array<i32>} : memref<200x64xf32, #tpu.memory_space<vmem>>, vector<1x16xf32>,
            %swap3A_166 = vector.shape_cast %swap3A_165 : vector<1x16xf32> to vector<16xf32>
            %swap3A_167 = vector.shape_cast %mul3A_162 : vector<16xf32> to vector<1x16xf32>
            tpu.vector_store %arg14[%swap3A_163, %swap3A_164], %swap3A_167 {strides = array<i32>} : memref<200x64xf32, #tpu.memory_space<vmem>>, vector<1x16xf32>,
            %get3A_168 = arith.index_cast %add3A_133 : i32 to index
            %get3A_169 = arith.constant 48 : index
            %get3A_170 = tpu.vector_load %arg14[%get3A_168, %get3A_169] {strides = array<i32>} : memref<200x64xf32, #tpu.memory_space<vmem>>, vector<1x16xf32>,
            %get3A_171 = vector.shape_cast %get3A_170 : vector<1x16xf32> to vector<16xf32>
            %mul3A_172 = arith.mulf %get3A_171, %get3A_137 : vector<16xf32>
            %swap3A_173 = arith.index_cast %add3A_133 : i32 to index
            %swap3A_174 = arith.constant 48 : index
            %swap3A_175 = tpu.vector_load %arg14[%swap3A_173, %swap3A_174] {strides = array<i32>} : memref<200x64xf32, #tpu.memory_space<vmem>>, vector<1x16xf32>,
            %swap3A_176 = vector.shape_cast %swap3A_175 : vector<1x16xf32> to vector<16xf32>
            %swap3A_177 = vector.shape_cast %mul3A_172 : vector<16xf32> to vector<1x16xf32>
            tpu.vector_store %arg14[%swap3A_173, %swap3A_174], %swap3A_177 {strides = array<i32>} : memref<200x64xf32, #tpu.memory_space<vmem>>, vector<1x16xf32>,
            %mul3A_178 = arith.constant 4 : i32
            %mul3A_179 = arith.muli %scan3A_82, %mul3A_178 : i32
            %add3A_180 = arith.constant 2 : i32
            %add3A_181 = arith.addi %mul3A_179, %add3A_180 : i32
            %get3A_182 = arith.index_cast %add3A_181 : i32 to index
            %get3A_183 = arith.constant 0 : index
            %get3A_184 = tpu.vector_load %arg12[%get3A_182, %get3A_183] {strides = array<i32>} : memref<200x16xf32, #tpu.memory_space<vmem>>, vector<1x16xf32>,
            %get3A_185 = vector.shape_cast %get3A_184 : vector<1x16xf32> to vector<16xf32>
            %get3A_186 = arith.index_cast %add3A_181 : i32 to index
            %get3A_187 = arith.constant 0 : index
            %get3A_188 = tpu.vector_load %arg14[%get3A_186, %get3A_187] {strides = array<i32>} : memref<200x64xf32, #tpu.memory_space<vmem>>, vector<1x16xf32>,
            %get3A_189 = vector.shape_cast %get3A_188 : vector<1x16xf32> to vector<16xf32>
            %mul3A_190 = arith.mulf %get3A_189, %get3A_185 : vector<16xf32>
            %swap3A_191 = arith.index_cast %add3A_181 : i32 to index
            %swap3A_192 = arith.constant 0 : index
            %swap3A_193 = tpu.vector_load %arg14[%swap3A_191, %swap3A_192] {strides = array<i32>} : memref<200x64xf32, #tpu.memory_space<vmem>>, vector<1x16xf32>,
            %swap3A_194 = vector.shape_cast %swap3A_193 : vector<1x16xf32> to vector<16xf32>
            %swap3A_195 = vector.shape_cast %mul3A_190 : vector<16xf32> to vector<1x16xf32>
            tpu.vector_store %arg14[%swap3A_191, %swap3A_192], %swap3A_195 {strides = array<i32>} : memref<200x64xf32, #tpu.memory_space<vmem>>, vector<1x16xf32>,
            %get3A_196 = arith.index_cast %add3A_181 : i32 to index
            %get3A_197 = arith.constant 16 : index
            %get3A_198 = tpu.vector_load %arg14[%get3A_196, %get3A_197] {strides = array<i32>} : memref<200x64xf32, #tpu.memory_space<vmem>>, vector<1x16xf32>,
            %get3A_199 = vector.shape_cast %get3A_198 : vector<1x16xf32> to vector<16xf32>
            %mul3A_200 = arith.mulf %get3A_199, %get3A_185 : vector<16xf32>
            %swap3A_201 = arith.index_cast %add3A_181 : i32 to index
            %swap3A_202 = arith.constant 16 : index
            %swap3A_203 = tpu.vector_load %arg14[%swap3A_201, %swap3A_202] {strides = array<i32>} : memref<200x64xf32, #tpu.memory_space<vmem>>, vector<1x16xf32>,
            %swap3A_204 = vector.shape_cast %swap3A_203 : vector<1x16xf32> to vector<16xf32>
            %swap3A_205 = vector.shape_cast %mul3A_200 : vector<16xf32> to vector<1x16xf32>
            tpu.vector_store %arg14[%swap3A_201, %swap3A_202], %swap3A_205 {strides = array<i32>} : memref<200x64xf32, #tpu.memory_space<vmem>>, vector<1x16xf32>,
            %get3A_206 = arith.index_cast %add3A_181 : i32 to index
            %get3A_207 = arith.constant 32 : index
            %get3A_208 = tpu.vector_load %arg14[%get3A_206, %get3A_207] {strides = array<i32>} : memref<200x64xf32, #tpu.memory_space<vmem>>, vector<1x16xf32>,
            %get3A_209 = vector.shape_cast %get3A_208 : vector<1x16xf32> to vector<16xf32>
            %mul3A_210 = arith.mulf %get3A_209, %get3A_185 : vector<16xf32>
            %swap3A_211 = arith.index_cast %add3A_181 : i32 to index
            %swap3A_212 = arith.constant 32 : index
            %swap3A_213 = tpu.vector_load %arg14[%swap3A_211, %swap3A_212] {strides = array<i32>} : memref<200x64xf32, #tpu.memory_space<vmem>>, vector<1x16xf32>,
            %swap3A_214 = vector.shape_cast %swap3A_213 : vector<1x16xf32> to vector<16xf32>
            %swap3A_215 = vector.shape_cast %mul3A_210 : vector<16xf32> to vector<1x16xf32>
            tpu.vector_store %arg14[%swap3A_211, %swap3A_212], %swap3A_215 {strides = array<i32>} : memref<200x64xf32, #tpu.memory_space<vmem>>, vector<1x16xf32>,
            %get3A_216 = arith.index_cast %add3A_181 : i32 to index
            %get3A_217 = arith.constant 48 : index
            %get3A_218 = tpu.vector_load %arg14[%get3A_216, %get3A_217] {strides = array<i32>} : memref<200x64xf32, #tpu.memory_space<vmem>>, vector<1x16xf32>,
            %get3A_219 = vector.shape_cast %get3A_218 : vector<1x16xf32> to vector<16xf32>
            %mul3A_220 = arith.mulf %get3A_219, %get3A_185 : vector<16xf32>
            %swap3A_221 = arith.index_cast %add3A_181 : i32 to index
            %swap3A_222 = arith.constant 48 : index
            %swap3A_223 = tpu.vector_load %arg14[%swap3A_221, %swap3A_222] {strides = array<i32>} : memref<200x64xf32, #tpu.memory_space<vmem>>, vector<1x16xf32>,
            %swap3A_224 = vector.shape_cast %swap3A_223 : vector<1x16xf32> to vector<16xf32>
            %swap3A_225 = vector.shape_cast %mul3A_220 : vector<16xf32> to vector<1x16xf32>
            tpu.vector_store %arg14[%swap3A_221, %swap3A_222], %swap3A_225 {strides = array<i32>} : memref<200x64xf32, #tpu.memory_space<vmem>>, vector<1x16xf32>,
            %mul3A_226 = arith.constant 4 : i32
            %mul3A_227 = arith.muli %scan3A_82, %mul3A_226 : i32
            %add3A_228 = arith.constant 3 : i32
            %add3A_229 = arith.addi %mul3A_227, %add3A_228 : i32
            %get3A_230 = arith.index_cast %add3A_229 : i32 to index
            %get3A_231 = arith.constant 0 : index
            %get3A_232 = tpu.vector_load %arg12[%get3A_230, %get3A_231] {strides = array<i32>} : memref<200x16xf32, #tpu.memory_space<vmem>>, vector<1x16xf32>,
            %get3A_233 = vector.shape_cast %get3A_232 : vector<1x16xf32> to vector<16xf32>
            %get3A_234 = arith.index_cast %add3A_229 : i32 to index
            %get3A_235 = arith.constant 0 : index
            %get3A_236 = tpu.vector_load %arg14[%get3A_234, %get3A_235] {strides = array<i32>} : memref<200x64xf32, #tpu.memory_space<vmem>>, vector<1x16xf32>,
            %get3A_237 = vector.shape_cast %get3A_236 : vector<1x16xf32> to vector<16xf32>
            %mul3A_238 = arith.mulf %get3A_237, %get3A_233 : vector<16xf32>
            %swap3A_239 = arith.index_cast %add3A_229 : i32 to index
            %swap3A_240 = arith.constant 0 : index
            %swap3A_241 = tpu.vector_load %arg14[%swap3A_239, %swap3A_240] {strides = array<i32>} : memref<200x64xf32, #tpu.memory_space<vmem>>, vector<1x16xf32>,
            %swap3A_242 = vector.shape_cast %swap3A_241 : vector<1x16xf32> to vector<16xf32>
            %swap3A_243 = vector.shape_cast %mul3A_238 : vector<16xf32> to vector<1x16xf32>
            tpu.vector_store %arg14[%swap3A_239, %swap3A_240], %swap3A_243 {strides = array<i32>} : memref<200x64xf32, #tpu.memory_space<vmem>>, vector<1x16xf32>,
            %get3A_244 = arith.index_cast %add3A_229 : i32 to index
            %get3A_245 = arith.constant 16 : index
            %get3A_246 = tpu.vector_load %arg14[%get3A_244, %get3A_245] {strides = array<i32>} : memref<200x64xf32, #tpu.memory_space<vmem>>, vector<1x16xf32>,
            %get3A_247 = vector.shape_cast %get3A_246 : vector<1x16xf32> to vector<16xf32>
            %mul3A_248 = arith.mulf %get3A_247, %get3A_233 : vector<16xf32>
            %swap3A_249 = arith.index_cast %add3A_229 : i32 to index
            %swap3A_250 = arith.constant 16 : index
            %swap3A_251 = tpu.vector_load %arg14[%swap3A_249, %swap3A_250] {strides = array<i32>} : memref<200x64xf32, #tpu.memory_space<vmem>>, vector<1x16xf32>,
            %swap3A_252 = vector.shape_cast %swap3A_251 : vector<1x16xf32> to vector<16xf32>
            %swap3A_253 = vector.shape_cast %mul3A_248 : vector<16xf32> to vector<1x16xf32>
            tpu.vector_store %arg14[%swap3A_249, %swap3A_250], %swap3A_253 {strides = array<i32>} : memref<200x64xf32, #tpu.memory_space<vmem>>, vector<1x16xf32>,
            %get3A_254 = arith.index_cast %add3A_229 : i32 to index
            %get3A_255 = arith.constant 32 : index
            %get3A_256 = tpu.vector_load %arg14[%get3A_254, %get3A_255] {strides = array<i32>} : memref<200x64xf32, #tpu.memory_space<vmem>>, vector<1x16xf32>,
            %get3A_257 = vector.shape_cast %get3A_256 : vector<1x16xf32> to vector<16xf32>
            %mul3A_258 = arith.mulf %get3A_257, %get3A_233 : vector<16xf32>
            %swap3A_259 = arith.index_cast %add3A_229 : i32 to index
            %swap3A_260 = arith.constant 32 : index
            %swap3A_261 = tpu.vector_load %arg14[%swap3A_259, %swap3A_260] {strides = array<i32>} : memref<200x64xf32, #tpu.memory_space<vmem>>, vector<1x16xf32>,
            %swap3A_262 = vector.shape_cast %swap3A_261 : vector<1x16xf32> to vector<16xf32>
            %swap3A_263 = vector.shape_cast %mul3A_258 : vector<16xf32> to vector<1x16xf32>
            tpu.vector_store %arg14[%swap3A_259, %swap3A_260], %swap3A_263 {strides = array<i32>} : memref<200x64xf32, #tpu.memory_space<vmem>>, vector<1x16xf32>,
            %get3A_264 = arith.index_cast %add3A_229 : i32 to index
            %get3A_265 = arith.constant 48 : index
            %get3A_266 = tpu.vector_load %arg14[%get3A_264, %get3A_265] {strides = array<i32>} : memref<200x64xf32, #tpu.memory_space<vmem>>, vector<1x16xf32>,
            %get3A_267 = vector.shape_cast %get3A_266 : vector<1x16xf32> to vector<16xf32>
            %mul3A_268 = arith.mulf %get3A_267, %get3A_233 : vector<16xf32>
            %swap3A_269 = arith.index_cast %add3A_229 : i32 to index
            %swap3A_270 = arith.constant 48 : index
            %swap3A_271 = tpu.vector_load %arg14[%swap3A_269, %swap3A_270] {strides = array<i32>} : memref<200x64xf32, #tpu.memory_space<vmem>>, vector<1x16xf32>,
            %swap3A_272 = vector.shape_cast %swap3A_271 : vector<1x16xf32> to vector<16xf32>
            %swap3A_273 = vector.shape_cast %mul3A_268 : vector<16xf32> to vector<1x16xf32>
            tpu.vector_store %arg14[%swap3A_269, %swap3A_270], %swap3A_273 {strides = array<i32>} : memref<200x64xf32, #tpu.memory_space<vmem>>, vector<1x16xf32>,
            %scan3A_274 = arith.constant 0 : i32
            scf.yield %scan3A_274 : i32
          }
          %scan3A_59 = arith.constant 50 : i32
          %dma_start3A_60 = arith.constant 0 : i32
          %dma_start3A_61 = arith.constant 0 : i32
          %dma_start3A_62 = tpu.memref_slice %arg17[%dma_start3A_60, %dma_start3A_61] : memref<10240x64xf32, #tpu.memory_space<vmem_shared>> -> memref<10240x64xf32, #tpu.memory_space<vmem_shared>>
          tpu.enqueue_indirect_dma source(%arg14 : memref<200x64xf32, #tpu.memory_space<vmem>>) target(%dma_start3A_62 : memref<10240x64xf32, #tpu.memory_space<vmem_shared>>) offsets(%arg10 : memref<200xi32, #tpu.memory_space<vmem>>) semaphore(%arg20 : memref<!tpu.dma_semaphore, #tpu.memory_space<semaphore_mem>>) {add = true}
          %lt3A_63 = arith.constant 49 : i32
          %lt3A_64 = arith.cmpi slt, %scan3A_34, %lt3A_63 : i32
          %convert_element_type3A_65 = arith.extui %lt3A_64 : i1 to i32
          %cond3A_66 = arith.constant 0 : i32
          %cond3A_67 = arith.cmpi ne, %convert_element_type3A_65, %cond3A_66 : i32
          scf.if %cond3A_67 {
            %dma_wait3A_82 = arith.constant 0 : i32
            %dma_wait3A_83 = arith.constant 0 : i32
            %dma_wait3A_84 = tpu.memref_slice %arg17[%dma_wait3A_82, %dma_wait3A_83] : memref<10240x64xf32, #tpu.memory_space<vmem_shared>> -> memref<10240x64xf32, #tpu.memory_space<vmem_shared>>
            tpu.wait_indirect_dma semaphore(%arg20 : memref<!tpu.dma_semaphore, #tpu.memory_space<semaphore_mem>>) src(%arg14 : memref<200x64xf32, #tpu.memory_space<vmem>>) dst(%dma_wait3A_84 : memref<10240x64xf32, #tpu.memory_space<vmem_shared>>)
            %mul3A_85 = arith.constant 2 : i32
            %mul3A_86 = arith.muli %mul3A_85, %scan3A_34 : i32
            %add3A_87 = arith.constant 2 : i32
            %add3A_88 = arith.addi %mul3A_86, %add3A_87 : i32
            %mul3A_89 = arith.constant 200 : i32
            %mul3A_90 = arith.muli %add3A_88, %mul3A_89 : i32
            %add3A_91 = arith.addi %mul3A_2, %mul3A_90 : i32
            "tpu.region"() ({
              %run_scoped3A = tpu.sem_alloc : memref<!tpu.dma_semaphore, #tpu.memory_space<semaphore_mem>>
              %dma_start3A_95 = tpu.memref_slice %arg4[%add3A_91] : memref<320000xi32, #tpu.memory_space<hbm>> -> memref<200xi32, #tpu.memory_space<hbm>>
              %dma_start3A_96 = tpu.memref_slice %arg4[%add3A_91] : memref<320000xi32, #tpu.memory_space<hbm>> -> memref<200xi32, #tpu.memory_space<hbm>>
              tpu.enqueue_dma source(%dma_start3A_96 : memref<200xi32, #tpu.memory_space<hbm>>) target(%arg8 : memref<200xi32, #tpu.memory_space<vmem>>) target_semaphore(%run_scoped3A : memref<!tpu.dma_semaphore, #tpu.memory_space<semaphore_mem>>)
              %dma_wait3A_97 = tpu.memref_slice %arg4[%add3A_91] : memref<320000xi32, #tpu.memory_space<hbm>> -> memref<200xi32, #tpu.memory_space<hbm>>
              %dma_wait3A_98 = tpu.memref_slice %arg4[%add3A_91] : memref<320000xi32, #tpu.memory_space<hbm>> -> memref<200xi32, #tpu.memory_space<hbm>>
              tpu.wait_dma2 semaphore(%run_scoped3A : memref<!tpu.dma_semaphore, #tpu.memory_space<semaphore_mem>>) src(%dma_wait3A_98 : memref<200xi32, #tpu.memory_space<hbm>>) dst(%arg8 : memref<200xi32, #tpu.memory_space<vmem>>)
              tpu.yield
            }) : () -> ()
            "tpu.region"() ({
              %run_scoped3A = tpu.sem_alloc : memref<!tpu.dma_semaphore, #tpu.memory_space<semaphore_mem>>
              %dma_start3A_95 = tpu.memref_slice %arg5[%add3A_91] : memref<320000xi32, #tpu.memory_space<hbm>> -> memref<200xi32, #tpu.memory_space<hbm>>
              %dma_start3A_96 = tpu.memref_slice %arg5[%add3A_91] : memref<320000xi32, #tpu.memory_space<hbm>> -> memref<200xi32, #tpu.memory_space<hbm>>
              tpu.enqueue_dma source(%dma_start3A_96 : memref<200xi32, #tpu.memory_space<hbm>>) target(%arg10 : memref<200xi32, #tpu.memory_space<vmem>>) target_semaphore(%run_scoped3A : memref<!tpu.dma_semaphore, #tpu.memory_space<semaphore_mem>>)
              %dma_wait3A_97 = tpu.memref_slice %arg5[%add3A_91] : memref<320000xi32, #tpu.memory_space<hbm>> -> memref<200xi32, #tpu.memory_space<hbm>>
              %dma_wait3A_98 = tpu.memref_slice %arg5[%add3A_91] : memref<320000xi32, #tpu.memory_space<hbm>> -> memref<200xi32, #tpu.memory_space<hbm>>
              tpu.wait_dma2 semaphore(%run_scoped3A : memref<!tpu.dma_semaphore, #tpu.memory_space<semaphore_mem>>) src(%dma_wait3A_98 : memref<200xi32, #tpu.memory_space<hbm>>) dst(%arg10 : memref<200xi32, #tpu.memory_space<vmem>>)
              tpu.yield
            }) : () -> ()
            "tpu.region"() ({
              %run_scoped3A = tpu.sem_alloc : memref<!tpu.dma_semaphore, #tpu.memory_space<semaphore_mem>>
              %dma_start3A_95 = arith.constant 0 : i32
              %dma_start3A_96 = tpu.memref_slice %arg3[%add3A_91, %dma_start3A_95] : memref<320000x16xf32, #tpu.memory_space<hbm>> -> memref<200x16xf32, #tpu.memory_space<hbm>>
              %dma_start3A_97 = arith.constant 0 : i32
              %dma_start3A_98 = tpu.memref_slice %arg3[%add3A_91, %dma_start3A_97] : memref<320000x16xf32, #tpu.memory_space<hbm>> -> memref<200x16xf32, #tpu.memory_space<hbm>>
              tpu.enqueue_dma source(%dma_start3A_98 : memref<200x16xf32, #tpu.memory_space<hbm>>) target(%arg12 : memref<200x16xf32, #tpu.memory_space<vmem>>) target_semaphore(%run_scoped3A : memref<!tpu.dma_semaphore, #tpu.memory_space<semaphore_mem>>)
              %dma_wait3A_99 = arith.constant 0 : i32
              %dma_wait3A_100 = tpu.memref_slice %arg3[%add3A_91, %dma_wait3A_99] : memref<320000x16xf32, #tpu.memory_space<hbm>> -> memref<200x16xf32, #tpu.memory_space<hbm>>
              %dma_wait3A_101 = arith.constant 0 : i32
              %dma_wait3A_102 = tpu.memref_slice %arg3[%add3A_91, %dma_wait3A_101] : memref<320000x16xf32, #tpu.memory_space<hbm>> -> memref<200x16xf32, #tpu.memory_space<hbm>>
              tpu.wait_dma2 semaphore(%run_scoped3A : memref<!tpu.dma_semaphore, #tpu.memory_space<semaphore_mem>>) src(%dma_wait3A_102 : memref<200x16xf32, #tpu.memory_space<hbm>>) dst(%arg12 : memref<200x16xf32, #tpu.memory_space<vmem>>)
              tpu.yield
            }) : () -> ()
            %dma_start3A_92 = arith.constant 0 : i32
            %dma_start3A_93 = arith.constant 0 : i32
            %dma_start3A_94 = tpu.memref_slice %arg16[%dma_start3A_92, %dma_start3A_93] : memref<10240x64xf32, #tpu.memory_space<vmem_shared>> -> memref<10240x64xf32, #tpu.memory_space<vmem_shared>>
            tpu.enqueue_indirect_dma source(%dma_start3A_94 : memref<10240x64xf32, #tpu.memory_space<vmem_shared>>) target(%arg14 : memref<200x64xf32, #tpu.memory_space<vmem>>) offsets(%arg8 : memref<200xi32, #tpu.memory_space<vmem>>) semaphore(%arg18 : memref<!tpu.dma_semaphore, #tpu.memory_space<semaphore_mem>>)
          } else {
          }
          %dma_wait3A_68 = arith.constant 0 : i32
          %dma_wait3A_69 = arith.constant 0 : i32
          %dma_wait3A_70 = tpu.memref_slice %arg16[%dma_wait3A_68, %dma_wait3A_69] : memref<10240x64xf32, #tpu.memory_space<vmem_shared>> -> memref<10240x64xf32, #tpu.memory_space<vmem_shared>>
          tpu.wait_indirect_dma semaphore(%arg19 : memref<!tpu.dma_semaphore, #tpu.memory_space<semaphore_mem>>) src(%dma_wait3A_70 : memref<10240x64xf32, #tpu.memory_space<vmem_shared>>) dst(%arg15 : memref<200x64xf32, #tpu.memory_space<vmem>>)
          %scan3A_71 = arith.constant 0 : i32
          %scan3A_72 = arith.constant 0 : i32
          %scan3A_73 = arith.constant 50 : i32
          %scan3A_74 = arith.addi %scan3A_72, %scan3A_73 : i32
          %scan3A_75 = arith.constant 1 : i32
          %scan3A_76 = scf.for %scan3A_82 = %scan3A_72 to %scan3A_74 step %scan3A_75 iter_args(%scan3A_83 = %scan3A_71) -> (i32)  : i32 {
            %mul3A_84 = arith.constant 4 : i32
            %mul3A_85 = arith.muli %scan3A_82, %mul3A_84 : i32
            %add3A_86 = arith.constant 0 : i32
            %add3A_87 = arith.addi %mul3A_85, %add3A_86 : i32
            %get3A = arith.index_cast %add3A_87 : i32 to index
            %get3A_88 = arith.constant 0 : index
            %get3A_89 = tpu.vector_load %arg13[%get3A, %get3A_88] {strides = array<i32>} : memref<200x16xf32, #tpu.memory_space<vmem>>, vector<1x16xf32>,
            %get3A_90 = vector.shape_cast %get3A_89 : vector<1x16xf32> to vector<16xf32>
            %get3A_91 = arith.index_cast %add3A_87 : i32 to index
            %get3A_92 = arith.constant 0 : index
            %get3A_93 = tpu.vector_load %arg15[%get3A_91, %get3A_92] {strides = array<i32>} : memref<200x64xf32, #tpu.memory_space<vmem>>, vector<1x16xf32>,
            %get3A_94 = vector.shape_cast %get3A_93 : vector<1x16xf32> to vector<16xf32>
            %mul3A_95 = arith.mulf %get3A_94, %get3A_90 : vector<16xf32>
            %swap3A = arith.index_cast %add3A_87 : i32 to index
            %swap3A_96 = arith.constant 0 : index
            %swap3A_97 = tpu.vector_load %arg15[%swap3A, %swap3A_96] {strides = array<i32>} : memref<200x64xf32, #tpu.memory_space<vmem>>, vector<1x16xf32>,
            %swap3A_98 = vector.shape_cast %swap3A_97 : vector<1x16xf32> to vector<16xf32>
            %swap3A_99 = vector.shape_cast %mul3A_95 : vector<16xf32> to vector<1x16xf32>
            tpu.vector_store %arg15[%swap3A, %swap3A_96], %swap3A_99 {strides = array<i32>} : memref<200x64xf32, #tpu.memory_space<vmem>>, vector<1x16xf32>,
            %get3A_100 = arith.index_cast %add3A_87 : i32 to index
            %get3A_101 = arith.constant 16 : index
            %get3A_102 = tpu.vector_load %arg15[%get3A_100, %get3A_101] {strides = array<i32>} : memref<200x64xf32, #tpu.memory_space<vmem>>, vector<1x16xf32>,
            %get3A_103 = vector.shape_cast %get3A_102 : vector<1x16xf32> to vector<16xf32>
            %mul3A_104 = arith.mulf %get3A_103, %get3A_90 : vector<16xf32>
            %swap3A_105 = arith.index_cast %add3A_87 : i32 to index
            %swap3A_106 = arith.constant 16 : index
            %swap3A_107 = tpu.vector_load %arg15[%swap3A_105, %swap3A_106] {strides = array<i32>} : memref<200x64xf32, #tpu.memory_space<vmem>>, vector<1x16xf32>,
            %swap3A_108 = vector.shape_cast %swap3A_107 : vector<1x16xf32> to vector<16xf32>
            %swap3A_109 = vector.shape_cast %mul3A_104 : vector<16xf32> to vector<1x16xf32>
            tpu.vector_store %arg15[%swap3A_105, %swap3A_106], %swap3A_109 {strides = array<i32>} : memref<200x64xf32, #tpu.memory_space<vmem>>, vector<1x16xf32>,
            %get3A_110 = arith.index_cast %add3A_87 : i32 to index
            %get3A_111 = arith.constant 32 : index
            %get3A_112 = tpu.vector_load %arg15[%get3A_110, %get3A_111] {strides = array<i32>} : memref<200x64xf32, #tpu.memory_space<vmem>>, vector<1x16xf32>,
            %get3A_113 = vector.shape_cast %get3A_112 : vector<1x16xf32> to vector<16xf32>
            %mul3A_114 = arith.mulf %get3A_113, %get3A_90 : vector<16xf32>
            %swap3A_115 = arith.index_cast %add3A_87 : i32 to index
            %swap3A_116 = arith.constant 32 : index
            %swap3A_117 = tpu.vector_load %arg15[%swap3A_115, %swap3A_116] {strides = array<i32>} : memref<200x64xf32, #tpu.memory_space<vmem>>, vector<1x16xf32>,
            %swap3A_118 = vector.shape_cast %swap3A_117 : vector<1x16xf32> to vector<16xf32>
            %swap3A_119 = vector.shape_cast %mul3A_114 : vector<16xf32> to vector<1x16xf32>
            tpu.vector_store %arg15[%swap3A_115, %swap3A_116], %swap3A_119 {strides = array<i32>} : memref<200x64xf32, #tpu.memory_space<vmem>>, vector<1x16xf32>,
            %get3A_120 = arith.index_cast %add3A_87 : i32 to index
            %get3A_121 = arith.constant 48 : index
            %get3A_122 = tpu.vector_load %arg15[%get3A_120, %get3A_121] {strides = array<i32>} : memref<200x64xf32, #tpu.memory_space<vmem>>, vector<1x16xf32>,
            %get3A_123 = vector.shape_cast %get3A_122 : vector<1x16xf32> to vector<16xf32>
            %mul3A_124 = arith.mulf %get3A_123, %get3A_90 : vector<16xf32>
            %swap3A_125 = arith.index_cast %add3A_87 : i32 to index
            %swap3A_126 = arith.constant 48 : index
            %swap3A_127 = tpu.vector_load %arg15[%swap3A_125, %swap3A_126] {strides = array<i32>} : memref<200x64xf32, #tpu.memory_space<vmem>>, vector<1x16xf32>,
            %swap3A_128 = vector.shape_cast %swap3A_127 : vector<1x16xf32> to vector<16xf32>
            %swap3A_129 = vector.shape_cast %mul3A_124 : vector<16xf32> to vector<1x16xf32>
            tpu.vector_store %arg15[%swap3A_125, %swap3A_126], %swap3A_129 {strides = array<i32>} : memref<200x64xf32, #tpu.memory_space<vmem>>, vector<1x16xf32>,
            %mul3A_130 = arith.constant 4 : i32
            %mul3A_131 = arith.muli %scan3A_82, %mul3A_130 : i32
            %add3A_132 = arith.constant 1 : i32
            %add3A_133 = arith.addi %mul3A_131, %add3A_132 : i32
            %get3A_134 = arith.index_cast %add3A_133 : i32 to index
            %get3A_135 = arith.constant 0 : index
            %get3A_136 = tpu.vector_load %arg13[%get3A_134, %get3A_135] {strides = array<i32>} : memref<200x16xf32, #tpu.memory_space<vmem>>, vector<1x16xf32>,
            %get3A_137 = vector.shape_cast %get3A_136 : vector<1x16xf32> to vector<16xf32>
            %get3A_138 = arith.index_cast %add3A_133 : i32 to index
            %get3A_139 = arith.constant 0 : index
            %get3A_140 = tpu.vector_load %arg15[%get3A_138, %get3A_139] {strides = array<i32>} : memref<200x64xf32, #tpu.memory_space<vmem>>, vector<1x16xf32>,
            %get3A_141 = vector.shape_cast %get3A_140 : vector<1x16xf32> to vector<16xf32>
            %mul3A_142 = arith.mulf %get3A_141, %get3A_137 : vector<16xf32>
            %swap3A_143 = arith.index_cast %add3A_133 : i32 to index
            %swap3A_144 = arith.constant 0 : index
            %swap3A_145 = tpu.vector_load %arg15[%swap3A_143, %swap3A_144] {strides = array<i32>} : memref<200x64xf32, #tpu.memory_space<vmem>>, vector<1x16xf32>,
            %swap3A_146 = vector.shape_cast %swap3A_145 : vector<1x16xf32> to vector<16xf32>
            %swap3A_147 = vector.shape_cast %mul3A_142 : vector<16xf32> to vector<1x16xf32>
            tpu.vector_store %arg15[%swap3A_143, %swap3A_144], %swap3A_147 {strides = array<i32>} : memref<200x64xf32, #tpu.memory_space<vmem>>, vector<1x16xf32>,
            %get3A_148 = arith.index_cast %add3A_133 : i32 to index
            %get3A_149 = arith.constant 16 : index
            %get3A_150 = tpu.vector_load %arg15[%get3A_148, %get3A_149] {strides = array<i32>} : memref<200x64xf32, #tpu.memory_space<vmem>>, vector<1x16xf32>,
            %get3A_151 = vector.shape_cast %get3A_150 : vector<1x16xf32> to vector<16xf32>
            %mul3A_152 = arith.mulf %get3A_151, %get3A_137 : vector<16xf32>
            %swap3A_153 = arith.index_cast %add3A_133 : i32 to index
            %swap3A_154 = arith.constant 16 : index
            %swap3A_155 = tpu.vector_load %arg15[%swap3A_153, %swap3A_154] {strides = array<i32>} : memref<200x64xf32, #tpu.memory_space<vmem>>, vector<1x16xf32>,
            %swap3A_156 = vector.shape_cast %swap3A_155 : vector<1x16xf32> to vector<16xf32>
            %swap3A_157 = vector.shape_cast %mul3A_152 : vector<16xf32> to vector<1x16xf32>
            tpu.vector_store %arg15[%swap3A_153, %swap3A_154], %swap3A_157 {strides = array<i32>} : memref<200x64xf32, #tpu.memory_space<vmem>>, vector<1x16xf32>,
            %get3A_158 = arith.index_cast %add3A_133 : i32 to index
            %get3A_159 = arith.constant 32 : index
            %get3A_160 = tpu.vector_load %arg15[%get3A_158, %get3A_159] {strides = array<i32>} : memref<200x64xf32, #tpu.memory_space<vmem>>, vector<1x16xf32>,
            %get3A_161 = vector.shape_cast %get3A_160 : vector<1x16xf32> to vector<16xf32>
            %mul3A_162 = arith.mulf %get3A_161, %get3A_137 : vector<16xf32>
            %swap3A_163 = arith.index_cast %add3A_133 : i32 to index
            %swap3A_164 = arith.constant 32 : index
            %swap3A_165 = tpu.vector_load %arg15[%swap3A_163, %swap3A_164] {strides = array<i32>} : memref<200x64xf32, #tpu.memory_space<vmem>>, vector<1x16xf32>,
            %swap3A_166 = vector.shape_cast %swap3A_165 : vector<1x16xf32> to vector<16xf32>
            %swap3A_167 = vector.shape_cast %mul3A_162 : vector<16xf32> to vector<1x16xf32>
            tpu.vector_store %arg15[%swap3A_163, %swap3A_164], %swap3A_167 {strides = array<i32>} : memref<200x64xf32, #tpu.memory_space<vmem>>, vector<1x16xf32>,
            %get3A_168 = arith.index_cast %add3A_133 : i32 to index
            %get3A_169 = arith.constant 48 : index
            %get3A_170 = tpu.vector_load %arg15[%get3A_168, %get3A_169] {strides = array<i32>} : memref<200x64xf32, #tpu.memory_space<vmem>>, vector<1x16xf32>,
            %get3A_171 = vector.shape_cast %get3A_170 : vector<1x16xf32> to vector<16xf32>
            %mul3A_172 = arith.mulf %get3A_171, %get3A_137 : vector<16xf32>
            %swap3A_173 = arith.index_cast %add3A_133 : i32 to index
            %swap3A_174 = arith.constant 48 : index
            %swap3A_175 = tpu.vector_load %arg15[%swap3A_173, %swap3A_174] {strides = array<i32>} : memref<200x64xf32, #tpu.memory_space<vmem>>, vector<1x16xf32>,
            %swap3A_176 = vector.shape_cast %swap3A_175 : vector<1x16xf32> to vector<16xf32>
            %swap3A_177 = vector.shape_cast %mul3A_172 : vector<16xf32> to vector<1x16xf32>
            tpu.vector_store %arg15[%swap3A_173, %swap3A_174], %swap3A_177 {strides = array<i32>} : memref<200x64xf32, #tpu.memory_space<vmem>>, vector<1x16xf32>,
            %mul3A_178 = arith.constant 4 : i32
            %mul3A_179 = arith.muli %scan3A_82, %mul3A_178 : i32
            %add3A_180 = arith.constant 2 : i32
            %add3A_181 = arith.addi %mul3A_179, %add3A_180 : i32
            %get3A_182 = arith.index_cast %add3A_181 : i32 to index
            %get3A_183 = arith.constant 0 : index
            %get3A_184 = tpu.vector_load %arg13[%get3A_182, %get3A_183] {strides = array<i32>} : memref<200x16xf32, #tpu.memory_space<vmem>>, vector<1x16xf32>,
            %get3A_185 = vector.shape_cast %get3A_184 : vector<1x16xf32> to vector<16xf32>
            %get3A_186 = arith.index_cast %add3A_181 : i32 to index
            %get3A_187 = arith.constant 0 : index
            %get3A_188 = tpu.vector_load %arg15[%get3A_186, %get3A_187] {strides = array<i32>} : memref<200x64xf32, #tpu.memory_space<vmem>>, vector<1x16xf32>,
            %get3A_189 = vector.shape_cast %get3A_188 : vector<1x16xf32> to vector<16xf32>
            %mul3A_190 = arith.mulf %get3A_189, %get3A_185 : vector<16xf32>
            %swap3A_191 = arith.index_cast %add3A_181 : i32 to index
            %swap3A_192 = arith.constant 0 : index
            %swap3A_193 = tpu.vector_load %arg15[%swap3A_191, %swap3A_192] {strides = array<i32>} : memref<200x64xf32, #tpu.memory_space<vmem>>, vector<1x16xf32>,
            %swap3A_194 = vector.shape_cast %swap3A_193 : vector<1x16xf32> to vector<16xf32>
            %swap3A_195 = vector.shape_cast %mul3A_190 : vector<16xf32> to vector<1x16xf32>
            tpu.vector_store %arg15[%swap3A_191, %swap3A_192], %swap3A_195 {strides = array<i32>} : memref<200x64xf32, #tpu.memory_space<vmem>>, vector<1x16xf32>,
            %get3A_196 = arith.index_cast %add3A_181 : i32 to index
            %get3A_197 = arith.constant 16 : index
            %get3A_198 = tpu.vector_load %arg15[%get3A_196, %get3A_197] {strides = array<i32>} : memref<200x64xf32, #tpu.memory_space<vmem>>, vector<1x16xf32>,
            %get3A_199 = vector.shape_cast %get3A_198 : vector<1x16xf32> to vector<16xf32>
            %mul3A_200 = arith.mulf %get3A_199, %get3A_185 : vector<16xf32>
            %swap3A_201 = arith.index_cast %add3A_181 : i32 to index
            %swap3A_202 = arith.constant 16 : index
            %swap3A_203 = tpu.vector_load %arg15[%swap3A_201, %swap3A_202] {strides = array<i32>} : memref<200x64xf32, #tpu.memory_space<vmem>>, vector<1x16xf32>,
            %swap3A_204 = vector.shape_cast %swap3A_203 : vector<1x16xf32> to vector<16xf32>
            %swap3A_205 = vector.shape_cast %mul3A_200 : vector<16xf32> to vector<1x16xf32>
            tpu.vector_store %arg15[%swap3A_201, %swap3A_202], %swap3A_205 {strides = array<i32>} : memref<200x64xf32, #tpu.memory_space<vmem>>, vector<1x16xf32>,
            %get3A_206 = arith.index_cast %add3A_181 : i32 to index
            %get3A_207 = arith.constant 32 : index
            %get3A_208 = tpu.vector_load %arg15[%get3A_206, %get3A_207] {strides = array<i32>} : memref<200x64xf32, #tpu.memory_space<vmem>>, vector<1x16xf32>,
            %get3A_209 = vector.shape_cast %get3A_208 : vector<1x16xf32> to vector<16xf32>
            %mul3A_210 = arith.mulf %get3A_209, %get3A_185 : vector<16xf32>
            %swap3A_211 = arith.index_cast %add3A_181 : i32 to index
            %swap3A_212 = arith.constant 32 : index
            %swap3A_213 = tpu.vector_load %arg15[%swap3A_211, %swap3A_212] {strides = array<i32>} : memref<200x64xf32, #tpu.memory_space<vmem>>, vector<1x16xf32>,
            %swap3A_214 = vector.shape_cast %swap3A_213 : vector<1x16xf32> to vector<16xf32>
            %swap3A_215 = vector.shape_cast %mul3A_210 : vector<16xf32> to vector<1x16xf32>
            tpu.vector_store %arg15[%swap3A_211, %swap3A_212], %swap3A_215 {strides = array<i32>} : memref<200x64xf32, #tpu.memory_space<vmem>>, vector<1x16xf32>,
            %get3A_216 = arith.index_cast %add3A_181 : i32 to index
            %get3A_217 = arith.constant 48 : index
            %get3A_218 = tpu.vector_load %arg15[%get3A_216, %get3A_217] {strides = array<i32>} : memref<200x64xf32, #tpu.memory_space<vmem>>, vector<1x16xf32>,
            %get3A_219 = vector.shape_cast %get3A_218 : vector<1x16xf32> to vector<16xf32>
            %mul3A_220 = arith.mulf %get3A_219, %get3A_185 : vector<16xf32>
            %swap3A_221 = arith.index_cast %add3A_181 : i32 to index
            %swap3A_222 = arith.constant 48 : index
            %swap3A_223 = tpu.vector_load %arg15[%swap3A_221, %swap3A_222] {strides = array<i32>} : memref<200x64xf32, #tpu.memory_space<vmem>>, vector<1x16xf32>,
            %swap3A_224 = vector.shape_cast %swap3A_223 : vector<1x16xf32> to vector<16xf32>
            %swap3A_225 = vector.shape_cast %mul3A_220 : vector<16xf32> to vector<1x16xf32>
            tpu.vector_store %arg15[%swap3A_221, %swap3A_222], %swap3A_225 {strides = array<i32>} : memref<200x64xf32, #tpu.memory_space<vmem>>, vector<1x16xf32>,
            %mul3A_226 = arith.constant 4 : i32
            %mul3A_227 = arith.muli %scan3A_82, %mul3A_226 : i32
            %add3A_228 = arith.constant 3 : i32
            %add3A_229 = arith.addi %mul3A_227, %add3A_228 : i32
            %get3A_230 = arith.index_cast %add3A_229 : i32 to index
            %get3A_231 = arith.constant 0 : index
            %get3A_232 = tpu.vector_load %arg13[%get3A_230, %get3A_231] {strides = array<i32>} : memref<200x16xf32, #tpu.memory_space<vmem>>, vector<1x16xf32>,
            %get3A_233 = vector.shape_cast %get3A_232 : vector<1x16xf32> to vector<16xf32>
            %get3A_234 = arith.index_cast %add3A_229 : i32 to index
            %get3A_235 = arith.constant 0 : index
            %get3A_236 = tpu.vector_load %arg15[%get3A_234, %get3A_235] {strides = array<i32>} : memref<200x64xf32, #tpu.memory_space<vmem>>, vector<1x16xf32>,
            %get3A_237 = vector.shape_cast %get3A_236 : vector<1x16xf32> to vector<16xf32>
            %mul3A_238 = arith.mulf %get3A_237, %get3A_233 : vector<16xf32>
            %swap3A_239 = arith.index_cast %add3A_229 : i32 to index
            %swap3A_240 = arith.constant 0 : index
            %swap3A_241 = tpu.vector_load %arg15[%swap3A_239, %swap3A_240] {strides = array<i32>} : memref<200x64xf32, #tpu.memory_space<vmem>>, vector<1x16xf32>,
            %swap3A_242 = vector.shape_cast %swap3A_241 : vector<1x16xf32> to vector<16xf32>
            %swap3A_243 = vector.shape_cast %mul3A_238 : vector<16xf32> to vector<1x16xf32>
            tpu.vector_store %arg15[%swap3A_239, %swap3A_240], %swap3A_243 {strides = array<i32>} : memref<200x64xf32, #tpu.memory_space<vmem>>, vector<1x16xf32>,
            %get3A_244 = arith.index_cast %add3A_229 : i32 to index
            %get3A_245 = arith.constant 16 : index
            %get3A_246 = tpu.vector_load %arg15[%get3A_244, %get3A_245] {strides = array<i32>} : memref<200x64xf32, #tpu.memory_space<vmem>>, vector<1x16xf32>,
            %get3A_247 = vector.shape_cast %get3A_246 : vector<1x16xf32> to vector<16xf32>
            %mul3A_248 = arith.mulf %get3A_247, %get3A_233 : vector<16xf32>
            %swap3A_249 = arith.index_cast %add3A_229 : i32 to index
            %swap3A_250 = arith.constant 16 : index
            %swap3A_251 = tpu.vector_load %arg15[%swap3A_249, %swap3A_250] {strides = array<i32>} : memref<200x64xf32, #tpu.memory_space<vmem>>, vector<1x16xf32>,
            %swap3A_252 = vector.shape_cast %swap3A_251 : vector<1x16xf32> to vector<16xf32>
            %swap3A_253 = vector.shape_cast %mul3A_248 : vector<16xf32> to vector<1x16xf32>
            tpu.vector_store %arg15[%swap3A_249, %swap3A_250], %swap3A_253 {strides = array<i32>} : memref<200x64xf32, #tpu.memory_space<vmem>>, vector<1x16xf32>,
            %get3A_254 = arith.index_cast %add3A_229 : i32 to index
            %get3A_255 = arith.constant 32 : index
            %get3A_256 = tpu.vector_load %arg15[%get3A_254, %get3A_255] {strides = array<i32>} : memref<200x64xf32, #tpu.memory_space<vmem>>, vector<1x16xf32>,
            %get3A_257 = vector.shape_cast %get3A_256 : vector<1x16xf32> to vector<16xf32>
            %mul3A_258 = arith.mulf %get3A_257, %get3A_233 : vector<16xf32>
            %swap3A_259 = arith.index_cast %add3A_229 : i32 to index
            %swap3A_260 = arith.constant 32 : index
            %swap3A_261 = tpu.vector_load %arg15[%swap3A_259, %swap3A_260] {strides = array<i32>} : memref<200x64xf32, #tpu.memory_space<vmem>>, vector<1x16xf32>,
            %swap3A_262 = vector.shape_cast %swap3A_261 : vector<1x16xf32> to vector<16xf32>
            %swap3A_263 = vector.shape_cast %mul3A_258 : vector<16xf32> to vector<1x16xf32>
            tpu.vector_store %arg15[%swap3A_259, %swap3A_260], %swap3A_263 {strides = array<i32>} : memref<200x64xf32, #tpu.memory_space<vmem>>, vector<1x16xf32>,
            %get3A_264 = arith.index_cast %add3A_229 : i32 to index
            %get3A_265 = arith.constant 48 : index
            %get3A_266 = tpu.vector_load %arg15[%get3A_264, %get3A_265] {strides = array<i32>} : memref<200x64xf32, #tpu.memory_space<vmem>>, vector<1x16xf32>,
            %get3A_267 = vector.shape_cast %get3A_266 : vector<1x16xf32> to vector<16xf32>
            %mul3A_268 = arith.mulf %get3A_267, %get3A_233 : vector<16xf32>
            %swap3A_269 = arith.index_cast %add3A_229 : i32 to index
            %swap3A_270 = arith.constant 48 : index
            %swap3A_271 = tpu.vector_load %arg15[%swap3A_269, %swap3A_270] {strides = array<i32>} : memref<200x64xf32, #tpu.memory_space<vmem>>, vector<1x16xf32>,
            %swap3A_272 = vector.shape_cast %swap3A_271 : vector<1x16xf32> to vector<16xf32>
            %swap3A_273 = vector.shape_cast %mul3A_268 : vector<16xf32> to vector<1x16xf32>
            tpu.vector_store %arg15[%swap3A_269, %swap3A_270], %swap3A_273 {strides = array<i32>} : memref<200x64xf32, #tpu.memory_space<vmem>>, vector<1x16xf32>,
            %scan3A_274 = arith.constant 0 : i32
            scf.yield %scan3A_274 : i32
          }
          %scan3A_77 = arith.constant 50 : i32
          %dma_start3A_78 = arith.constant 0 : i32
          %dma_start3A_79 = arith.constant 0 : i32
          %dma_start3A_80 = tpu.memref_slice %arg17[%dma_start3A_78, %dma_start3A_79] : memref<10240x64xf32, #tpu.memory_space<vmem_shared>> -> memref<10240x64xf32, #tpu.memory_space<vmem_shared>>
          tpu.enqueue_indirect_dma source(%arg15 : memref<200x64xf32, #tpu.memory_space<vmem>>) target(%dma_start3A_80 : memref<10240x64xf32, #tpu.memory_space<vmem_shared>>) offsets(%arg11 : memref<200xi32, #tpu.memory_space<vmem>>) semaphore(%arg21 : memref<!tpu.dma_semaphore, #tpu.memory_space<semaphore_mem>>) {add = true}
          %scan3A_81 = arith.constant 0 : i32
          scf.yield %scan3A_81 : i32
        }
        %scan3A_26 = arith.constant 50 : i32
        %dma_wait3A = arith.constant 0 : i32
        %dma_wait3A_27 = arith.constant 0 : i32
        %dma_wait3A_28 = tpu.memref_slice %arg17[%dma_wait3A, %dma_wait3A_27] : memref<10240x64xf32, #tpu.memory_space<vmem_shared>> -> memref<10240x64xf32, #tpu.memory_space<vmem_shared>>
        tpu.wait_indirect_dma semaphore(%arg20 : memref<!tpu.dma_semaphore, #tpu.memory_space<semaphore_mem>>) src(%arg14 : memref<200x64xf32, #tpu.memory_space<vmem>>) dst(%dma_wait3A_28 : memref<10240x64xf32, #tpu.memory_space<vmem_shared>>)
        %dma_wait3A_29 = arith.constant 0 : i32
        %dma_wait3A_30 = arith.constant 0 : i32
        %dma_wait3A_31 = tpu.memref_slice %arg17[%dma_wait3A_29, %dma_wait3A_30] : memref<10240x64xf32, #tpu.memory_space<vmem_shared>> -> memref<10240x64xf32, #tpu.memory_space<vmem_shared>>
        tpu.wait_indirect_dma semaphore(%arg21 : memref<!tpu.dma_semaphore, #tpu.memory_space<semaphore_mem>>) src(%arg15 : memref<200x64xf32, #tpu.memory_space<vmem>>) dst(%dma_wait3A_31 : memref<10240x64xf32, #tpu.memory_space<vmem_shared>>)
        %barrier3A_32 = arith.constant 0 : index
        tpu.barrier barrier_id(%barrier3A_32)
        "tpu.region"() ({
          %run_scoped3A = tpu.sem_alloc : memref<!tpu.dma_semaphore, #tpu.memory_space<semaphore_mem>>
          %dma_start3A_34 = arith.constant 0 : i32
          %dma_start3A_35 = tpu.memref_slice %arg7[%add3A, %mul3A_0, %dma_start3A_34] : memref<16x10240x64xf32, #tpu.memory_space<hbm>> -> memref<1x640x64xf32, #tpu.memory_space<hbm>>
          %dma_start3A_36 = tpu.memref_squeeze %dma_start3A_35 : memref<1x640x64xf32, #tpu.memory_space<hbm>> -> memref<640x64xf32, #tpu.memory_space<hbm>>
          %dma_start3A_37 = arith.constant 0 : i32
          %dma_start3A_38 = tpu.memref_slice %arg17[%mul3A_0, %dma_start3A_37] : memref<10240x64xf32, #tpu.memory_space<vmem_shared>> -> memref<640x64xf32, #tpu.memory_space<vmem_shared>>
          tpu.enqueue_dma source(%dma_start3A_38 : memref<640x64xf32, #tpu.memory_space<vmem_shared>>) target(%dma_start3A_36 : memref<640x64xf32, #tpu.memory_space<hbm>>) target_semaphore(%run_scoped3A : memref<!tpu.dma_semaphore, #tpu.memory_space<semaphore_mem>>)
          %dma_wait3A_39 = arith.constant 0 : i32
          %dma_wait3A_40 = tpu.memref_slice %arg7[%add3A, %mul3A_0, %dma_wait3A_39] : memref<16x10240x64xf32, #tpu.memory_space<hbm>> -> memref<1x640x64xf32, #tpu.memory_space<hbm>>
          %dma_wait3A_41 = tpu.memref_squeeze %dma_wait3A_40 : memref<1x640x64xf32, #tpu.memory_space<hbm>> -> memref<640x64xf32, #tpu.memory_space<hbm>>
          %dma_wait3A_42 = arith.constant 0 : i32
          %dma_wait3A_43 = tpu.memref_slice %arg17[%mul3A_0, %dma_wait3A_42] : memref<10240x64xf32, #tpu.memory_space<vmem_shared>> -> memref<640x64xf32, #tpu.memory_space<vmem_shared>>
          tpu.wait_dma2 semaphore(%run_scoped3A : memref<!tpu.dma_semaphore, #tpu.memory_space<semaphore_mem>>) src(%dma_wait3A_43 : memref<640x64xf32, #tpu.memory_space<vmem_shared>>) dst(%dma_wait3A_41 : memref<640x64xf32, #tpu.memory_space<hbm>>)
          tpu.yield
        }) : () -> ()
        %barrier3A_33 = arith.constant 0 : index
        tpu.barrier barrier_id(%barrier3A_33)
      } else {
      }
      %scan3A_15 = arith.constant 0 : i32
      scf.yield %scan3A_15 : i32
    }
    %scan3A_8 = arith.constant 8 : i32
    return
  }
}

#map = affine_map<(d0, d1) -> (0, 0)>
#map1 = affine_map<(d0, d1) -> (0)>
#map2 = affine_map<(d0, d1) -> (0, 0, 0)>
module attributes {stable_mosaic.version = 14 : i64} {
  func.func @body(%arg0: i32, %arg1: i32, %arg2: memref<10240x16xf32, #tpu.memory_space<hbm>>, %arg3: memref<10240x16xf32, #tpu.memory_space<hbm>>, %arg4: memref<1x128xf32, #tpu.memory_space<hbm>>, %arg5: memref<320000xi32, #tpu.memory_space<hbm>>, %arg6: memref<320000xi32, #tpu.memory_space<hbm>>, %arg7: memref<10240x16xf32, #tpu.memory_space<hbm>>, %arg8: memref<2x10240x16xf32, #tpu.memory_space<hbm>>, %arg9: memref<320000x16xf32, #tpu.memory_space<hbm>>, %arg10: memref<400xi32, #tpu.memory_space<vmem>>, %arg11: memref<400xi32, #tpu.memory_space<vmem>>, %arg12: memref<400x16xf32, #tpu.memory_space<vmem>>, %arg13: memref<400x16xf32, #tpu.memory_space<vmem>>, %arg14: memref<400x16xf32, #tpu.memory_space<vmem>>, %arg15: memref<16xf32, #tpu.memory_space<vmem>>, %arg16: memref<10240x16xf32, #tpu.memory_space<vmem_shared>>, %arg17: memref<!tpu.dma_semaphore, #tpu.memory_space<semaphore_mem>>) attributes {dimension_semantics = [#tpu.dimension_semantics<core_parallel>, #tpu.dimension_semantics<subcore_parallel>], iteration_bounds = array<i64: 2, 16>, scalar_prefetch = 0 : i64, scratch_operands = 8 : i64, tpu.core_type = #tpu.core_type<sc_vector_subcore>, window_params = [{transform_indices = #map}, {transform_indices = #map}, {transform_indices = #map}, {transform_indices = #map1}, {transform_indices = #map1}, {transform_indices = #map}, {transform_indices = #map2}, {transform_indices = #map}]} {
    %mul3A = arith.constant 16 : i32
    %mul3A_0 = arith.muli %arg0, %mul3A : i32
    %add3A = arith.addi %mul3A_0, %arg1 : i32
    %mul3A_1 = arith.constant 640 : i32
    %mul3A_2 = arith.muli %arg1, %mul3A_1 : i32
    %run_scoped3A = arith.constant 0 : i32
    "tpu.region"() ({
      %run_scoped3A_12 = tpu.sem_alloc : memref<!tpu.dma_semaphore, #tpu.memory_space<semaphore_mem>>
      %dma_start3A = arith.constant 0 : i32
      %dma_start3A_13 = tpu.memref_slice %arg4[%run_scoped3A, %dma_start3A] : memref<1x128xf32, #tpu.memory_space<hbm>> -> memref<1x16xf32, #tpu.memory_space<hbm>>
      %dma_start3A_14 = tpu.memref_squeeze %dma_start3A_13 : memref<1x16xf32, #tpu.memory_space<hbm>> -> memref<16xf32, #tpu.memory_space<hbm>>
      %dma_start3A_15 = arith.constant 0 : i32
      %dma_start3A_16 = tpu.memref_slice %arg4[%run_scoped3A, %dma_start3A_15] : memref<1x128xf32, #tpu.memory_space<hbm>> -> memref<1x16xf32, #tpu.memory_space<hbm>>
      %dma_start3A_17 = tpu.memref_squeeze %dma_start3A_16 : memref<1x16xf32, #tpu.memory_space<hbm>> -> memref<16xf32, #tpu.memory_space<hbm>>
      tpu.enqueue_dma source(%dma_start3A_17 : memref<16xf32, #tpu.memory_space<hbm>>) target(%arg15 : memref<16xf32, #tpu.memory_space<vmem>>) target_semaphore(%run_scoped3A_12 : memref<!tpu.dma_semaphore, #tpu.memory_space<semaphore_mem>>)
      %dma_wait3A = arith.constant 0 : i32
      %dma_wait3A_18 = tpu.memref_slice %arg4[%run_scoped3A, %dma_wait3A] : memref<1x128xf32, #tpu.memory_space<hbm>> -> memref<1x16xf32, #tpu.memory_space<hbm>>
      %dma_wait3A_19 = tpu.memref_squeeze %dma_wait3A_18 : memref<1x16xf32, #tpu.memory_space<hbm>> -> memref<16xf32, #tpu.memory_space<hbm>>
      %dma_wait3A_20 = arith.constant 0 : i32
      %dma_wait3A_21 = tpu.memref_slice %arg4[%run_scoped3A, %dma_wait3A_20] : memref<1x128xf32, #tpu.memory_space<hbm>> -> memref<1x16xf32, #tpu.memory_space<hbm>>
      %dma_wait3A_22 = tpu.memref_squeeze %dma_wait3A_21 : memref<1x16xf32, #tpu.memory_space<hbm>> -> memref<16xf32, #tpu.memory_space<hbm>>
      tpu.wait_dma2 semaphore(%run_scoped3A_12 : memref<!tpu.dma_semaphore, #tpu.memory_space<semaphore_mem>>) src(%dma_wait3A_22 : memref<16xf32, #tpu.memory_space<hbm>>) dst(%arg15 : memref<16xf32, #tpu.memory_space<vmem>>)
      tpu.yield
    }) : () -> ()
    %get3A = arith.constant 0 : index
    %get3A_3 = tpu.vector_load %arg15[%get3A] {strides = array<i32>} : memref<16xf32, #tpu.memory_space<vmem>>, vector<16xf32>,
    %get3A_4 = vector.shape_cast %get3A_3 : vector<16xf32> to vector<16xf32>
    "tpu.region"() ({
      %run_scoped3A_12 = tpu.sem_alloc : memref<!tpu.dma_semaphore, #tpu.memory_space<semaphore_mem>>
      %dma_start3A = arith.constant 0 : i32
      %dma_start3A_13 = tpu.memref_slice %arg16[%mul3A_2, %dma_start3A] : memref<10240x16xf32, #tpu.memory_space<vmem_shared>> -> memref<640x16xf32, #tpu.memory_space<vmem_shared>>
      %dma_start3A_14 = arith.constant 0 : i32
      %dma_start3A_15 = tpu.memref_slice %arg7[%mul3A_2, %dma_start3A_14] : memref<10240x16xf32, #tpu.memory_space<hbm>> -> memref<640x16xf32, #tpu.memory_space<hbm>>
      tpu.enqueue_dma source(%dma_start3A_15 : memref<640x16xf32, #tpu.memory_space<hbm>>) target(%dma_start3A_13 : memref<640x16xf32, #tpu.memory_space<vmem_shared>>) target_semaphore(%run_scoped3A_12 : memref<!tpu.dma_semaphore, #tpu.memory_space<semaphore_mem>>)
      %dma_wait3A = arith.constant 0 : i32
      %dma_wait3A_16 = tpu.memref_slice %arg16[%mul3A_2, %dma_wait3A] : memref<10240x16xf32, #tpu.memory_space<vmem_shared>> -> memref<640x16xf32, #tpu.memory_space<vmem_shared>>
      %dma_wait3A_17 = arith.constant 0 : i32
      %dma_wait3A_18 = tpu.memref_slice %arg7[%mul3A_2, %dma_wait3A_17] : memref<10240x16xf32, #tpu.memory_space<hbm>> -> memref<640x16xf32, #tpu.memory_space<hbm>>
      tpu.wait_dma2 semaphore(%run_scoped3A_12 : memref<!tpu.dma_semaphore, #tpu.memory_space<semaphore_mem>>) src(%dma_wait3A_18 : memref<640x16xf32, #tpu.memory_space<hbm>>) dst(%dma_wait3A_16 : memref<640x16xf32, #tpu.memory_space<vmem_shared>>)
      tpu.yield
    }) : () -> ()
    %barrier3A = arith.constant 0 : index
    tpu.barrier barrier_id(%barrier3A)
    %scan3A = arith.constant 0 : i32
    %scan3A_5 = arith.constant 0 : i32
    %scan3A_6 = arith.constant 25 : i32
    %scan3A_7 = arith.addi %scan3A_5, %scan3A_6 : i32
    %scan3A_8 = arith.constant 1 : i32
    %scan3A_9 = scf.for %scan3A_12 = %scan3A_5 to %scan3A_7 step %scan3A_8 iter_args(%scan3A_13 = %scan3A) -> (i32)  : i32 {
      %mul3A_14 = arith.constant 10000 : i32
      %mul3A_15 = arith.muli %add3A, %mul3A_14 : i32
      %mul3A_16 = arith.constant 400 : i32
      %mul3A_17 = arith.muli %scan3A_12, %mul3A_16 : i32
      %add3A_18 = arith.addi %mul3A_15, %mul3A_17 : i32
      "tpu.region"() ({
        %run_scoped3A_37 = tpu.sem_alloc : memref<!tpu.dma_semaphore, #tpu.memory_space<semaphore_mem>>
        %dma_start3A_38 = tpu.memref_slice %arg5[%add3A_18] : memref<320000xi32, #tpu.memory_space<hbm>> -> memref<400xi32, #tpu.memory_space<hbm>>
        %dma_start3A_39 = tpu.memref_slice %arg5[%add3A_18] : memref<320000xi32, #tpu.memory_space<hbm>> -> memref<400xi32, #tpu.memory_space<hbm>>
        tpu.enqueue_dma source(%dma_start3A_39 : memref<400xi32, #tpu.memory_space<hbm>>) target(%arg10 : memref<400xi32, #tpu.memory_space<vmem>>) target_semaphore(%run_scoped3A_37 : memref<!tpu.dma_semaphore, #tpu.memory_space<semaphore_mem>>)
        %dma_wait3A_40 = tpu.memref_slice %arg5[%add3A_18] : memref<320000xi32, #tpu.memory_space<hbm>> -> memref<400xi32, #tpu.memory_space<hbm>>
        %dma_wait3A_41 = tpu.memref_slice %arg5[%add3A_18] : memref<320000xi32, #tpu.memory_space<hbm>> -> memref<400xi32, #tpu.memory_space<hbm>>
        tpu.wait_dma2 semaphore(%run_scoped3A_37 : memref<!tpu.dma_semaphore, #tpu.memory_space<semaphore_mem>>) src(%dma_wait3A_41 : memref<400xi32, #tpu.memory_space<hbm>>) dst(%arg10 : memref<400xi32, #tpu.memory_space<vmem>>)
        tpu.yield
      }) : () -> ()
      "tpu.region"() ({
        %run_scoped3A_37 = tpu.sem_alloc : memref<!tpu.dma_semaphore, #tpu.memory_space<semaphore_mem>>
        %dma_start3A_38 = tpu.memref_slice %arg6[%add3A_18] : memref<320000xi32, #tpu.memory_space<hbm>> -> memref<400xi32, #tpu.memory_space<hbm>>
        %dma_start3A_39 = tpu.memref_slice %arg6[%add3A_18] : memref<320000xi32, #tpu.memory_space<hbm>> -> memref<400xi32, #tpu.memory_space<hbm>>
        tpu.enqueue_dma source(%dma_start3A_39 : memref<400xi32, #tpu.memory_space<hbm>>) target(%arg11 : memref<400xi32, #tpu.memory_space<vmem>>) target_semaphore(%run_scoped3A_37 : memref<!tpu.dma_semaphore, #tpu.memory_space<semaphore_mem>>)
        %dma_wait3A_40 = tpu.memref_slice %arg6[%add3A_18] : memref<320000xi32, #tpu.memory_space<hbm>> -> memref<400xi32, #tpu.memory_space<hbm>>
        %dma_wait3A_41 = tpu.memref_slice %arg6[%add3A_18] : memref<320000xi32, #tpu.memory_space<hbm>> -> memref<400xi32, #tpu.memory_space<hbm>>
        tpu.wait_dma2 semaphore(%run_scoped3A_37 : memref<!tpu.dma_semaphore, #tpu.memory_space<semaphore_mem>>) src(%dma_wait3A_41 : memref<400xi32, #tpu.memory_space<hbm>>) dst(%arg11 : memref<400xi32, #tpu.memory_space<vmem>>)
        tpu.yield
      }) : () -> ()
      %dma_start3A = arith.constant 0 : i32
      %dma_start3A_19 = arith.constant 0 : i32
      %dma_start3A_20 = tpu.memref_slice %arg2[%dma_start3A, %dma_start3A_19] : memref<10240x16xf32, #tpu.memory_space<hbm>> -> memref<10240x16xf32, #tpu.memory_space<hbm>>
      tpu.enqueue_indirect_dma source(%dma_start3A_20 : memref<10240x16xf32, #tpu.memory_space<hbm>>) target(%arg12 : memref<400x16xf32, #tpu.memory_space<vmem>>) offsets(%arg10 : memref<400xi32, #tpu.memory_space<vmem>>) semaphore(%arg17 : memref<!tpu.dma_semaphore, #tpu.memory_space<semaphore_mem>>)
      %dma_wait3A = arith.constant 0 : i32
      %dma_wait3A_21 = arith.constant 0 : i32
      %dma_wait3A_22 = tpu.memref_slice %arg2[%dma_wait3A, %dma_wait3A_21] : memref<10240x16xf32, #tpu.memory_space<hbm>> -> memref<10240x16xf32, #tpu.memory_space<hbm>>
      tpu.wait_indirect_dma semaphore(%arg17 : memref<!tpu.dma_semaphore, #tpu.memory_space<semaphore_mem>>) src(%dma_wait3A_22 : memref<10240x16xf32, #tpu.memory_space<hbm>>) dst(%arg12 : memref<400x16xf32, #tpu.memory_space<vmem>>)
      %dma_start3A_23 = arith.constant 0 : i32
      %dma_start3A_24 = arith.constant 0 : i32
      %dma_start3A_25 = tpu.memref_slice %arg3[%dma_start3A_23, %dma_start3A_24] : memref<10240x16xf32, #tpu.memory_space<hbm>> -> memref<10240x16xf32, #tpu.memory_space<hbm>>
      tpu.enqueue_indirect_dma source(%dma_start3A_25 : memref<10240x16xf32, #tpu.memory_space<hbm>>) target(%arg13 : memref<400x16xf32, #tpu.memory_space<vmem>>) offsets(%arg11 : memref<400xi32, #tpu.memory_space<vmem>>) semaphore(%arg17 : memref<!tpu.dma_semaphore, #tpu.memory_space<semaphore_mem>>)
      %dma_wait3A_26 = arith.constant 0 : i32
      %dma_wait3A_27 = arith.constant 0 : i32
      %dma_wait3A_28 = tpu.memref_slice %arg3[%dma_wait3A_26, %dma_wait3A_27] : memref<10240x16xf32, #tpu.memory_space<hbm>> -> memref<10240x16xf32, #tpu.memory_space<hbm>>
      tpu.wait_indirect_dma semaphore(%arg17 : memref<!tpu.dma_semaphore, #tpu.memory_space<semaphore_mem>>) src(%dma_wait3A_28 : memref<10240x16xf32, #tpu.memory_space<hbm>>) dst(%arg13 : memref<400x16xf32, #tpu.memory_space<vmem>>)
      %scan3A_29 = arith.constant 0 : i32
      %scan3A_30 = arith.constant 0 : i32
      %scan3A_31 = arith.constant 400 : i32
      %scan3A_32 = arith.addi %scan3A_30, %scan3A_31 : i32
      %scan3A_33 = arith.constant 1 : i32
      %scan3A_34 = scf.for %scan3A_37 = %scan3A_30 to %scan3A_32 step %scan3A_33 iter_args(%scan3A_38 = %scan3A_29) -> (i32)  : i32 {
        %get3A_39 = arith.index_cast %scan3A_37 : i32 to index
        %get3A_40 = arith.constant 0 : index
        %get3A_41 = tpu.vector_load %arg12[%get3A_39, %get3A_40] {strides = array<i32>} : memref<400x16xf32, #tpu.memory_space<vmem>>, vector<1x16xf32>,
        %get3A_42 = vector.shape_cast %get3A_41 : vector<1x16xf32> to vector<16xf32>
        %get3A_43 = arith.index_cast %scan3A_37 : i32 to index
        %get3A_44 = arith.constant 0 : index
        %get3A_45 = tpu.vector_load %arg13[%get3A_43, %get3A_44] {strides = array<i32>} : memref<400x16xf32, #tpu.memory_space<vmem>>, vector<1x16xf32>,
        %get3A_46 = vector.shape_cast %get3A_45 : vector<1x16xf32> to vector<16xf32>
        %add3A_47 = arith.addf %get3A_42, %get3A_46 : vector<16xf32>
        %ge3A = arith.constant 0.000000e+00 : f32
        %ge3A_48 = vector.broadcast %ge3A : f32 to vector<16xf32>
        %ge3A_49 = arith.cmpf oge, %add3A_47, %ge3A_48 : vector<16xf32>
        %mul3A_50 = arith.constant 2.000000e-01 : f32
        %mul3A_51 = vector.broadcast %mul3A_50 : f32 to vector<16xf32>
        %mul3A_52 = arith.mulf %add3A_47, %mul3A_51 : vector<16xf32>
        %select_n3A = arith.select %ge3A_49, %add3A_47, %mul3A_52 : vector<16xi1>, vector<16xf32>
        %sub3A = arith.subf %select_n3A, %get3A_4 : vector<16xf32>
        %exp3A = math.exp %sub3A : vector<16xf32>
        %swap3A = arith.index_cast %scan3A_37 : i32 to index
        %swap3A_53 = arith.constant 0 : index
        %swap3A_54 = tpu.vector_load %arg14[%swap3A, %swap3A_53] {strides = array<i32>} : memref<400x16xf32, #tpu.memory_space<vmem>>, vector<1x16xf32>,
        %swap3A_55 = vector.shape_cast %swap3A_54 : vector<1x16xf32> to vector<16xf32>
        %swap3A_56 = vector.shape_cast %exp3A : vector<16xf32> to vector<1x16xf32>
        tpu.vector_store %arg14[%swap3A, %swap3A_53], %swap3A_56 {strides = array<i32>} : memref<400x16xf32, #tpu.memory_space<vmem>>, vector<1x16xf32>,
        %scan3A_57 = arith.constant 0 : i32
        scf.yield %scan3A_57 : i32
      }
      %scan3A_35 = arith.constant 400 : i32
      "tpu.region"() ({
        %run_scoped3A_37 = tpu.sem_alloc : memref<!tpu.dma_semaphore, #tpu.memory_space<semaphore_mem>>
        %dma_start3A_38 = arith.constant 0 : i32
        %dma_start3A_39 = arith.constant 0 : i32
        %dma_start3A_40 = tpu.memref_slice %arg16[%dma_start3A_38, %dma_start3A_39] : memref<10240x16xf32, #tpu.memory_space<vmem_shared>> -> memref<10240x16xf32, #tpu.memory_space<vmem_shared>>
        tpu.enqueue_indirect_dma source(%arg14 : memref<400x16xf32, #tpu.memory_space<vmem>>) target(%dma_start3A_40 : memref<10240x16xf32, #tpu.memory_space<vmem_shared>>) offsets(%arg11 : memref<400xi32, #tpu.memory_space<vmem>>) semaphore(%run_scoped3A_37 : memref<!tpu.dma_semaphore, #tpu.memory_space<semaphore_mem>>) {add = true}
        %dma_wait3A_41 = arith.constant 0 : i32
        %dma_wait3A_42 = arith.constant 0 : i32
        %dma_wait3A_43 = tpu.memref_slice %arg16[%dma_wait3A_41, %dma_wait3A_42] : memref<10240x16xf32, #tpu.memory_space<vmem_shared>> -> memref<10240x16xf32, #tpu.memory_space<vmem_shared>>
        tpu.wait_indirect_dma semaphore(%run_scoped3A_37 : memref<!tpu.dma_semaphore, #tpu.memory_space<semaphore_mem>>) src(%arg14 : memref<400x16xf32, #tpu.memory_space<vmem>>) dst(%dma_wait3A_43 : memref<10240x16xf32, #tpu.memory_space<vmem_shared>>)
        tpu.yield
      }) : () -> ()
      "tpu.region"() ({
        %run_scoped3A_37 = tpu.sem_alloc : memref<!tpu.dma_semaphore, #tpu.memory_space<semaphore_mem>>
        %dma_start3A_38 = arith.constant 0 : i32
        %dma_start3A_39 = tpu.memref_slice %arg9[%add3A_18, %dma_start3A_38] : memref<320000x16xf32, #tpu.memory_space<hbm>> -> memref<400x16xf32, #tpu.memory_space<hbm>>
        %dma_start3A_40 = arith.constant 0 : i32
        %dma_start3A_41 = tpu.memref_slice %arg9[%add3A_18, %dma_start3A_40] : memref<320000x16xf32, #tpu.memory_space<hbm>> -> memref<400x16xf32, #tpu.memory_space<hbm>>
        tpu.enqueue_dma source(%arg14 : memref<400x16xf32, #tpu.memory_space<vmem>>) target(%dma_start3A_41 : memref<400x16xf32, #tpu.memory_space<hbm>>) target_semaphore(%run_scoped3A_37 : memref<!tpu.dma_semaphore, #tpu.memory_space<semaphore_mem>>)
        %dma_wait3A_42 = arith.constant 0 : i32
        %dma_wait3A_43 = tpu.memref_slice %arg9[%add3A_18, %dma_wait3A_42] : memref<320000x16xf32, #tpu.memory_space<hbm>> -> memref<400x16xf32, #tpu.memory_space<hbm>>
        %dma_wait3A_44 = arith.constant 0 : i32
        %dma_wait3A_45 = tpu.memref_slice %arg9[%add3A_18, %dma_wait3A_44] : memref<320000x16xf32, #tpu.memory_space<hbm>> -> memref<400x16xf32, #tpu.memory_space<hbm>>
        tpu.wait_dma2 semaphore(%run_scoped3A_37 : memref<!tpu.dma_semaphore, #tpu.memory_space<semaphore_mem>>) src(%arg14 : memref<400x16xf32, #tpu.memory_space<vmem>>) dst(%dma_wait3A_45 : memref<400x16xf32, #tpu.memory_space<hbm>>)
        tpu.yield
      }) : () -> ()
      %scan3A_36 = arith.constant 0 : i32
      scf.yield %scan3A_36 : i32
    }
    %scan3A_10 = arith.constant 25 : i32
    %barrier3A_11 = arith.constant 0 : index
    tpu.barrier barrier_id(%barrier3A_11)
    "tpu.region"() ({
      %run_scoped3A_12 = tpu.sem_alloc : memref<!tpu.dma_semaphore, #tpu.memory_space<semaphore_mem>>
      %dma_start3A = arith.constant 0 : i32
      %dma_start3A_13 = tpu.memref_slice %arg8[%arg0, %mul3A_2, %dma_start3A] : memref<2x10240x16xf32, #tpu.memory_space<hbm>> -> memref<1x640x16xf32, #tpu.memory_space<hbm>>
      %dma_start3A_14 = tpu.memref_squeeze %dma_start3A_13 : memref<1x640x16xf32, #tpu.memory_space<hbm>> -> memref<640x16xf32, #tpu.memory_space<hbm>>
      %dma_start3A_15 = arith.constant 0 : i32
      %dma_start3A_16 = tpu.memref_slice %arg16[%mul3A_2, %dma_start3A_15] : memref<10240x16xf32, #tpu.memory_space<vmem_shared>> -> memref<640x16xf32, #tpu.memory_space<vmem_shared>>
      tpu.enqueue_dma source(%dma_start3A_16 : memref<640x16xf32, #tpu.memory_space<vmem_shared>>) target(%dma_start3A_14 : memref<640x16xf32, #tpu.memory_space<hbm>>) target_semaphore(%run_scoped3A_12 : memref<!tpu.dma_semaphore, #tpu.memory_space<semaphore_mem>>)
      %dma_wait3A = arith.constant 0 : i32
      %dma_wait3A_17 = tpu.memref_slice %arg8[%arg0, %mul3A_2, %dma_wait3A] : memref<2x10240x16xf32, #tpu.memory_space<hbm>> -> memref<1x640x16xf32, #tpu.memory_space<hbm>>
      %dma_wait3A_18 = tpu.memref_squeeze %dma_wait3A_17 : memref<1x640x16xf32, #tpu.memory_space<hbm>> -> memref<640x16xf32, #tpu.memory_space<hbm>>
      %dma_wait3A_19 = arith.constant 0 : i32
      %dma_wait3A_20 = tpu.memref_slice %arg16[%mul3A_2, %dma_wait3A_19] : memref<10240x16xf32, #tpu.memory_space<vmem_shared>> -> memref<640x16xf32, #tpu.memory_space<vmem_shared>>
      tpu.wait_dma2 semaphore(%run_scoped3A_12 : memref<!tpu.dma_semaphore, #tpu.memory_space<semaphore_mem>>) src(%dma_wait3A_20 : memref<640x16xf32, #tpu.memory_space<vmem_shared>>) dst(%dma_wait3A_18 : memref<640x16xf32, #tpu.memory_space<hbm>>)
      tpu.yield
    }) : () -> ()
    return
  }
}

#map = affine_map<(d0, d1) -> (0, 0, 0)>
#map1 = affine_map<(d0, d1) -> (0, 0)>
#map2 = affine_map<(d0, d1) -> (0)>
module attributes {stable_mosaic.version = 14 : i64} {
  func.func @body(%arg0: i32, %arg1: i32, %arg2: memref<8x10240x64xf32, #tpu.memory_space<hbm>>, %arg3: memref<320000x16xf32, #tpu.memory_space<hbm>>, %arg4: memref<320000xi32, #tpu.memory_space<hbm>>, %arg5: memref<320000xi32, #tpu.memory_space<hbm>>, %arg6: memref<10240x64xf32, #tpu.memory_space<hbm>>, %arg7: memref<8x10240x64xf32, #tpu.memory_space<hbm>>, %arg8: memref<200xi32, #tpu.memory_space<vmem>>, %arg9: memref<200xi32, #tpu.memory_space<vmem>>, %arg10: memref<200xi32, #tpu.memory_space<vmem>>, %arg11: memref<200xi32, #tpu.memory_space<vmem>>, %arg12: memref<200x16xf32, #tpu.memory_space<vmem>>, %arg13: memref<200x16xf32, #tpu.memory_space<vmem>>, %arg14: memref<200x64xf32, #tpu.memory_space<vmem>>, %arg15: memref<200x64xf32, #tpu.memory_space<vmem>>, %arg16: memref<10240x64xf32, #tpu.memory_space<vmem_shared>>, %arg17: memref<10240x64xf32, #tpu.memory_space<vmem_shared>>, %arg18: memref<!tpu.dma_semaphore, #tpu.memory_space<semaphore_mem>>, %arg19: memref<!tpu.dma_semaphore, #tpu.memory_space<semaphore_mem>>, %arg20: memref<!tpu.dma_semaphore, #tpu.memory_space<semaphore_mem>>, %arg21: memref<!tpu.dma_semaphore, #tpu.memory_space<semaphore_mem>>) attributes {dimension_semantics = [#tpu.dimension_semantics<core_parallel>, #tpu.dimension_semantics<subcore_parallel>], iteration_bounds = array<i64: 2, 16>, scalar_prefetch = 0 : i64, scratch_operands = 14 : i64, tpu.core_type = #tpu.core_type<sc_vector_subcore>, window_params = [{transform_indices = #map}, {transform_indices = #map1}, {transform_indices = #map2}, {transform_indices = #map2}, {transform_indices = #map1}, {transform_indices = #map}]} {
    %mul3A = arith.constant 640 : i32
    %mul3A_0 = arith.muli %arg1, %mul3A : i32
    %mul3A_1 = arith.constant 20000 : i32
    %mul3A_2 = arith.muli %arg1, %mul3A_1 : i32
    %scan3A = arith.constant 0 : i32
    %scan3A_3 = arith.constant 0 : i32
    %scan3A_4 = arith.constant 4 : i32
    %scan3A_5 = arith.addi %scan3A_3, %scan3A_4 : i32
    %scan3A_6 = arith.constant 1 : i32
    %scan3A_7 = scf.for %scan3A_9 = %scan3A_3 to %scan3A_5 step %scan3A_6 iter_args(%scan3A_10 = %scan3A) -> (i32)  : i32 {
      %mul3A_11 = arith.constant 4 : i32
      %mul3A_12 = arith.muli %arg0, %mul3A_11 : i32
      %add3A = arith.addi %mul3A_12, %scan3A_9 : i32
      %lt3A = arith.constant 8 : i32
      %lt3A_13 = arith.cmpi slt, %add3A, %lt3A : i32
      %convert_element_type3A = arith.extui %lt3A_13 : i1 to i32
      %cond3A = arith.constant 0 : i32
      %cond3A_14 = arith.cmpi ne, %convert_element_type3A, %cond3A : i32
      scf.if %cond3A_14 {
        "tpu.region"() ({
          %run_scoped3A = tpu.sem_alloc : memref<!tpu.dma_semaphore, #tpu.memory_space<semaphore_mem>>
          %dma_start3A_34 = arith.constant 0 : i32
          %dma_start3A_35 = tpu.memref_slice %arg16[%mul3A_0, %dma_start3A_34] : memref<10240x64xf32, #tpu.memory_space<vmem_shared>> -> memref<640x64xf32, #tpu.memory_space<vmem_shared>>
          %dma_start3A_36 = arith.constant 0 : i32
          %dma_start3A_37 = tpu.memref_slice %arg2[%add3A, %mul3A_0, %dma_start3A_36] : memref<8x10240x64xf32, #tpu.memory_space<hbm>> -> memref<1x640x64xf32, #tpu.memory_space<hbm>>
          %dma_start3A_38 = tpu.memref_squeeze %dma_start3A_37 : memref<1x640x64xf32, #tpu.memory_space<hbm>> -> memref<640x64xf32, #tpu.memory_space<hbm>>
          tpu.enqueue_dma source(%dma_start3A_38 : memref<640x64xf32, #tpu.memory_space<hbm>>) target(%dma_start3A_35 : memref<640x64xf32, #tpu.memory_space<vmem_shared>>) target_semaphore(%run_scoped3A : memref<!tpu.dma_semaphore, #tpu.memory_space<semaphore_mem>>)
          %dma_wait3A_39 = arith.constant 0 : i32
          %dma_wait3A_40 = tpu.memref_slice %arg16[%mul3A_0, %dma_wait3A_39] : memref<10240x64xf32, #tpu.memory_space<vmem_shared>> -> memref<640x64xf32, #tpu.memory_space<vmem_shared>>
          %dma_wait3A_41 = arith.constant 0 : i32
          %dma_wait3A_42 = tpu.memref_slice %arg2[%add3A, %mul3A_0, %dma_wait3A_41] : memref<8x10240x64xf32, #tpu.memory_space<hbm>> -> memref<1x640x64xf32, #tpu.memory_space<hbm>>
          %dma_wait3A_43 = tpu.memref_squeeze %dma_wait3A_42 : memref<1x640x64xf32, #tpu.memory_space<hbm>> -> memref<640x64xf32, #tpu.memory_space<hbm>>
          tpu.wait_dma2 semaphore(%run_scoped3A : memref<!tpu.dma_semaphore, #tpu.memory_space<semaphore_mem>>) src(%dma_wait3A_43 : memref<640x64xf32, #tpu.memory_space<hbm>>) dst(%dma_wait3A_40 : memref<640x64xf32, #tpu.memory_space<vmem_shared>>)
          tpu.yield
        }) : () -> ()
        "tpu.region"() ({
          %run_scoped3A = tpu.sem_alloc : memref<!tpu.dma_semaphore, #tpu.memory_space<semaphore_mem>>
          %dma_start3A_34 = arith.constant 0 : i32
          %dma_start3A_35 = tpu.memref_slice %arg17[%mul3A_0, %dma_start3A_34] : memref<10240x64xf32, #tpu.memory_space<vmem_shared>> -> memref<640x64xf32, #tpu.memory_space<vmem_shared>>
          %dma_start3A_36 = arith.constant 0 : i32
          %dma_start3A_37 = tpu.memref_slice %arg6[%mul3A_0, %dma_start3A_36] : memref<10240x64xf32, #tpu.memory_space<hbm>> -> memref<640x64xf32, #tpu.memory_space<hbm>>
          tpu.enqueue_dma source(%dma_start3A_37 : memref<640x64xf32, #tpu.memory_space<hbm>>) target(%dma_start3A_35 : memref<640x64xf32, #tpu.memory_space<vmem_shared>>) target_semaphore(%run_scoped3A : memref<!tpu.dma_semaphore, #tpu.memory_space<semaphore_mem>>)
          %dma_wait3A_38 = arith.constant 0 : i32
          %dma_wait3A_39 = tpu.memref_slice %arg17[%mul3A_0, %dma_wait3A_38] : memref<10240x64xf32, #tpu.memory_space<vmem_shared>> -> memref<640x64xf32, #tpu.memory_space<vmem_shared>>
          %dma_wait3A_40 = arith.constant 0 : i32
          %dma_wait3A_41 = tpu.memref_slice %arg6[%mul3A_0, %dma_wait3A_40] : memref<10240x64xf32, #tpu.memory_space<hbm>> -> memref<640x64xf32, #tpu.memory_space<hbm>>
          tpu.wait_dma2 semaphore(%run_scoped3A : memref<!tpu.dma_semaphore, #tpu.memory_space<semaphore_mem>>) src(%dma_wait3A_41 : memref<640x64xf32, #tpu.memory_space<hbm>>) dst(%dma_wait3A_39 : memref<640x64xf32, #tpu.memory_space<vmem_shared>>)
          tpu.yield
        }) : () -> ()
        %barrier3A = arith.constant 0 : index
        tpu.barrier barrier_id(%barrier3A)
        %add3A_16 = arith.constant 0 : i32
        %add3A_17 = arith.addi %mul3A_2, %add3A_16 : i32
        "tpu.region"() ({
          %run_scoped3A = tpu.sem_alloc : memref<!tpu.dma_semaphore, #tpu.memory_space<semaphore_mem>>
          %dma_start3A_34 = tpu.memref_slice %arg4[%add3A_17] : memref<320000xi32, #tpu.memory_space<hbm>> -> memref<200xi32, #tpu.memory_space<hbm>>
          %dma_start3A_35 = tpu.memref_slice %arg4[%add3A_17] : memref<320000xi32, #tpu.memory_space<hbm>> -> memref<200xi32, #tpu.memory_space<hbm>>
          tpu.enqueue_dma source(%dma_start3A_35 : memref<200xi32, #tpu.memory_space<hbm>>) target(%arg8 : memref<200xi32, #tpu.memory_space<vmem>>) target_semaphore(%run_scoped3A : memref<!tpu.dma_semaphore, #tpu.memory_space<semaphore_mem>>)
          %dma_wait3A_36 = tpu.memref_slice %arg4[%add3A_17] : memref<320000xi32, #tpu.memory_space<hbm>> -> memref<200xi32, #tpu.memory_space<hbm>>
          %dma_wait3A_37 = tpu.memref_slice %arg4[%add3A_17] : memref<320000xi32, #tpu.memory_space<hbm>> -> memref<200xi32, #tpu.memory_space<hbm>>
          tpu.wait_dma2 semaphore(%run_scoped3A : memref<!tpu.dma_semaphore, #tpu.memory_space<semaphore_mem>>) src(%dma_wait3A_37 : memref<200xi32, #tpu.memory_space<hbm>>) dst(%arg8 : memref<200xi32, #tpu.memory_space<vmem>>)
          tpu.yield
        }) : () -> ()
        "tpu.region"() ({
          %run_scoped3A = tpu.sem_alloc : memref<!tpu.dma_semaphore, #tpu.memory_space<semaphore_mem>>
          %dma_start3A_34 = tpu.memref_slice %arg5[%add3A_17] : memref<320000xi32, #tpu.memory_space<hbm>> -> memref<200xi32, #tpu.memory_space<hbm>>
          %dma_start3A_35 = tpu.memref_slice %arg5[%add3A_17] : memref<320000xi32, #tpu.memory_space<hbm>> -> memref<200xi32, #tpu.memory_space<hbm>>
          tpu.enqueue_dma source(%dma_start3A_35 : memref<200xi32, #tpu.memory_space<hbm>>) target(%arg10 : memref<200xi32, #tpu.memory_space<vmem>>) target_semaphore(%run_scoped3A : memref<!tpu.dma_semaphore, #tpu.memory_space<semaphore_mem>>)
          %dma_wait3A_36 = tpu.memref_slice %arg5[%add3A_17] : memref<320000xi32, #tpu.memory_space<hbm>> -> memref<200xi32, #tpu.memory_space<hbm>>
          %dma_wait3A_37 = tpu.memref_slice %arg5[%add3A_17] : memref<320000xi32, #tpu.memory_space<hbm>> -> memref<200xi32, #tpu.memory_space<hbm>>
          tpu.wait_dma2 semaphore(%run_scoped3A : memref<!tpu.dma_semaphore, #tpu.memory_space<semaphore_mem>>) src(%dma_wait3A_37 : memref<200xi32, #tpu.memory_space<hbm>>) dst(%arg10 : memref<200xi32, #tpu.memory_space<vmem>>)
          tpu.yield
        }) : () -> ()
        "tpu.region"() ({
          %run_scoped3A = tpu.sem_alloc : memref<!tpu.dma_semaphore, #tpu.memory_space<semaphore_mem>>
          %dma_start3A_34 = arith.constant 0 : i32
          %dma_start3A_35 = tpu.memref_slice %arg3[%add3A_17, %dma_start3A_34] : memref<320000x16xf32, #tpu.memory_space<hbm>> -> memref<200x16xf32, #tpu.memory_space<hbm>>
          %dma_start3A_36 = arith.constant 0 : i32
          %dma_start3A_37 = tpu.memref_slice %arg3[%add3A_17, %dma_start3A_36] : memref<320000x16xf32, #tpu.memory_space<hbm>> -> memref<200x16xf32, #tpu.memory_space<hbm>>
          tpu.enqueue_dma source(%dma_start3A_37 : memref<200x16xf32, #tpu.memory_space<hbm>>) target(%arg12 : memref<200x16xf32, #tpu.memory_space<vmem>>) target_semaphore(%run_scoped3A : memref<!tpu.dma_semaphore, #tpu.memory_space<semaphore_mem>>)
          %dma_wait3A_38 = arith.constant 0 : i32
          %dma_wait3A_39 = tpu.memref_slice %arg3[%add3A_17, %dma_wait3A_38] : memref<320000x16xf32, #tpu.memory_space<hbm>> -> memref<200x16xf32, #tpu.memory_space<hbm>>
          %dma_wait3A_40 = arith.constant 0 : i32
          %dma_wait3A_41 = tpu.memref_slice %arg3[%add3A_17, %dma_wait3A_40] : memref<320000x16xf32, #tpu.memory_space<hbm>> -> memref<200x16xf32, #tpu.memory_space<hbm>>
          tpu.wait_dma2 semaphore(%run_scoped3A : memref<!tpu.dma_semaphore, #tpu.memory_space<semaphore_mem>>) src(%dma_wait3A_41 : memref<200x16xf32, #tpu.memory_space<hbm>>) dst(%arg12 : memref<200x16xf32, #tpu.memory_space<vmem>>)
          tpu.yield
        }) : () -> ()
        %dma_start3A = arith.constant 0 : i32
        %dma_start3A_18 = arith.constant 0 : i32
        %dma_start3A_19 = tpu.memref_slice %arg16[%dma_start3A, %dma_start3A_18] : memref<10240x64xf32, #tpu.memory_space<vmem_shared>> -> memref<10240x64xf32, #tpu.memory_space<vmem_shared>>
        tpu.enqueue_indirect_dma source(%dma_start3A_19 : memref<10240x64xf32, #tpu.memory_space<vmem_shared>>) target(%arg14 : memref<200x64xf32, #tpu.memory_space<vmem>>) offsets(%arg8 : memref<200xi32, #tpu.memory_space<vmem>>) semaphore(%arg18 : memref<!tpu.dma_semaphore, #tpu.memory_space<semaphore_mem>>)
        %scan3A_20 = arith.constant 0 : i32
        %scan3A_21 = arith.constant 0 : i32
        %scan3A_22 = arith.constant 50 : i32
        %scan3A_23 = arith.addi %scan3A_21, %scan3A_22 : i32
        %scan3A_24 = arith.constant 1 : i32
        %scan3A_25 = scf.for %scan3A_34 = %scan3A_21 to %scan3A_23 step %scan3A_24 iter_args(%scan3A_35 = %scan3A_20) -> (i32)  : i32 {
          %gt3A = arith.constant 0 : i32
          %gt3A_36 = arith.cmpi sgt, %scan3A_34, %gt3A : i32
          %convert_element_type3A_37 = arith.extui %gt3A_36 : i1 to i32
          %cond3A_38 = arith.constant 0 : i32
          %cond3A_39 = arith.cmpi ne, %convert_element_type3A_37, %cond3A_38 : i32
          scf.if %cond3A_39 {
            %dma_wait3A_82 = arith.constant 0 : i32
            %dma_wait3A_83 = arith.constant 0 : i32
            %dma_wait3A_84 = tpu.memref_slice %arg17[%dma_wait3A_82, %dma_wait3A_83] : memref<10240x64xf32, #tpu.memory_space<vmem_shared>> -> memref<10240x64xf32, #tpu.memory_space<vmem_shared>>
            tpu.wait_indirect_dma semaphore(%arg21 : memref<!tpu.dma_semaphore, #tpu.memory_space<semaphore_mem>>) src(%arg15 : memref<200x64xf32, #tpu.memory_space<vmem>>) dst(%dma_wait3A_84 : memref<10240x64xf32, #tpu.memory_space<vmem_shared>>)
          } else {
          }
          %mul3A_40 = arith.constant 2 : i32
          %mul3A_41 = arith.muli %mul3A_40, %scan3A_34 : i32
          %add3A_42 = arith.constant 1 : i32
          %add3A_43 = arith.addi %mul3A_41, %add3A_42 : i32
          %mul3A_44 = arith.constant 200 : i32
          %mul3A_45 = arith.muli %add3A_43, %mul3A_44 : i32
          %add3A_46 = arith.addi %mul3A_2, %mul3A_45 : i32
          "tpu.region"() ({
            %run_scoped3A = tpu.sem_alloc : memref<!tpu.dma_semaphore, #tpu.memory_space<semaphore_mem>>
            %dma_start3A_82 = tpu.memref_slice %arg4[%add3A_46] : memref<320000xi32, #tpu.memory_space<hbm>> -> memref<200xi32, #tpu.memory_space<hbm>>
            %dma_start3A_83 = tpu.memref_slice %arg4[%add3A_46] : memref<320000xi32, #tpu.memory_space<hbm>> -> memref<200xi32, #tpu.memory_space<hbm>>
            tpu.enqueue_dma source(%dma_start3A_83 : memref<200xi32, #tpu.memory_space<hbm>>) target(%arg9 : memref<200xi32, #tpu.memory_space<vmem>>) target_semaphore(%run_scoped3A : memref<!tpu.dma_semaphore, #tpu.memory_space<semaphore_mem>>)
            %dma_wait3A_84 = tpu.memref_slice %arg4[%add3A_46] : memref<320000xi32, #tpu.memory_space<hbm>> -> memref<200xi32, #tpu.memory_space<hbm>>
            %dma_wait3A_85 = tpu.memref_slice %arg4[%add3A_46] : memref<320000xi32, #tpu.memory_space<hbm>> -> memref<200xi32, #tpu.memory_space<hbm>>
            tpu.wait_dma2 semaphore(%run_scoped3A : memref<!tpu.dma_semaphore, #tpu.memory_space<semaphore_mem>>) src(%dma_wait3A_85 : memref<200xi32, #tpu.memory_space<hbm>>) dst(%arg9 : memref<200xi32, #tpu.memory_space<vmem>>)
            tpu.yield
          }) : () -> ()
          "tpu.region"() ({
            %run_scoped3A = tpu.sem_alloc : memref<!tpu.dma_semaphore, #tpu.memory_space<semaphore_mem>>
            %dma_start3A_82 = tpu.memref_slice %arg5[%add3A_46] : memref<320000xi32, #tpu.memory_space<hbm>> -> memref<200xi32, #tpu.memory_space<hbm>>
            %dma_start3A_83 = tpu.memref_slice %arg5[%add3A_46] : memref<320000xi32, #tpu.memory_space<hbm>> -> memref<200xi32, #tpu.memory_space<hbm>>
            tpu.enqueue_dma source(%dma_start3A_83 : memref<200xi32, #tpu.memory_space<hbm>>) target(%arg11 : memref<200xi32, #tpu.memory_space<vmem>>) target_semaphore(%run_scoped3A : memref<!tpu.dma_semaphore, #tpu.memory_space<semaphore_mem>>)
            %dma_wait3A_84 = tpu.memref_slice %arg5[%add3A_46] : memref<320000xi32, #tpu.memory_space<hbm>> -> memref<200xi32, #tpu.memory_space<hbm>>
            %dma_wait3A_85 = tpu.memref_slice %arg5[%add3A_46] : memref<320000xi32, #tpu.memory_space<hbm>> -> memref<200xi32, #tpu.memory_space<hbm>>
            tpu.wait_dma2 semaphore(%run_scoped3A : memref<!tpu.dma_semaphore, #tpu.memory_space<semaphore_mem>>) src(%dma_wait3A_85 : memref<200xi32, #tpu.memory_space<hbm>>) dst(%arg11 : memref<200xi32, #tpu.memory_space<vmem>>)
            tpu.yield
          }) : () -> ()
          "tpu.region"() ({
            %run_scoped3A = tpu.sem_alloc : memref<!tpu.dma_semaphore, #tpu.memory_space<semaphore_mem>>
            %dma_start3A_82 = arith.constant 0 : i32
            %dma_start3A_83 = tpu.memref_slice %arg3[%add3A_46, %dma_start3A_82] : memref<320000x16xf32, #tpu.memory_space<hbm>> -> memref<200x16xf32, #tpu.memory_space<hbm>>
            %dma_start3A_84 = arith.constant 0 : i32
            %dma_start3A_85 = tpu.memref_slice %arg3[%add3A_46, %dma_start3A_84] : memref<320000x16xf32, #tpu.memory_space<hbm>> -> memref<200x16xf32, #tpu.memory_space<hbm>>
            tpu.enqueue_dma source(%dma_start3A_85 : memref<200x16xf32, #tpu.memory_space<hbm>>) target(%arg13 : memref<200x16xf32, #tpu.memory_space<vmem>>) target_semaphore(%run_scoped3A : memref<!tpu.dma_semaphore, #tpu.memory_space<semaphore_mem>>)
            %dma_wait3A_86 = arith.constant 0 : i32
            %dma_wait3A_87 = tpu.memref_slice %arg3[%add3A_46, %dma_wait3A_86] : memref<320000x16xf32, #tpu.memory_space<hbm>> -> memref<200x16xf32, #tpu.memory_space<hbm>>
            %dma_wait3A_88 = arith.constant 0 : i32
            %dma_wait3A_89 = tpu.memref_slice %arg3[%add3A_46, %dma_wait3A_88] : memref<320000x16xf32, #tpu.memory_space<hbm>> -> memref<200x16xf32, #tpu.memory_space<hbm>>
            tpu.wait_dma2 semaphore(%run_scoped3A : memref<!tpu.dma_semaphore, #tpu.memory_space<semaphore_mem>>) src(%dma_wait3A_89 : memref<200x16xf32, #tpu.memory_space<hbm>>) dst(%arg13 : memref<200x16xf32, #tpu.memory_space<vmem>>)
            tpu.yield
          }) : () -> ()
          %dma_start3A_47 = arith.constant 0 : i32
          %dma_start3A_48 = arith.constant 0 : i32
          %dma_start3A_49 = tpu.memref_slice %arg16[%dma_start3A_47, %dma_start3A_48] : memref<10240x64xf32, #tpu.memory_space<vmem_shared>> -> memref<10240x64xf32, #tpu.memory_space<vmem_shared>>
          tpu.enqueue_indirect_dma source(%dma_start3A_49 : memref<10240x64xf32, #tpu.memory_space<vmem_shared>>) target(%arg15 : memref<200x64xf32, #tpu.memory_space<vmem>>) offsets(%arg9 : memref<200xi32, #tpu.memory_space<vmem>>) semaphore(%arg19 : memref<!tpu.dma_semaphore, #tpu.memory_space<semaphore_mem>>)
          %dma_wait3A_50 = arith.constant 0 : i32
          %dma_wait3A_51 = arith.constant 0 : i32
          %dma_wait3A_52 = tpu.memref_slice %arg16[%dma_wait3A_50, %dma_wait3A_51] : memref<10240x64xf32, #tpu.memory_space<vmem_shared>> -> memref<10240x64xf32, #tpu.memory_space<vmem_shared>>
          tpu.wait_indirect_dma semaphore(%arg18 : memref<!tpu.dma_semaphore, #tpu.memory_space<semaphore_mem>>) src(%dma_wait3A_52 : memref<10240x64xf32, #tpu.memory_space<vmem_shared>>) dst(%arg14 : memref<200x64xf32, #tpu.memory_space<vmem>>)
          %scan3A_53 = arith.constant 0 : i32
          %scan3A_54 = arith.constant 0 : i32
          %scan3A_55 = arith.constant 50 : i32
          %scan3A_56 = arith.addi %scan3A_54, %scan3A_55 : i32
          %scan3A_57 = arith.constant 1 : i32
          %scan3A_58 = scf.for %scan3A_82 = %scan3A_54 to %scan3A_56 step %scan3A_57 iter_args(%scan3A_83 = %scan3A_53) -> (i32)  : i32 {
            %mul3A_84 = arith.constant 4 : i32
            %mul3A_85 = arith.muli %scan3A_82, %mul3A_84 : i32
            %add3A_86 = arith.constant 0 : i32
            %add3A_87 = arith.addi %mul3A_85, %add3A_86 : i32
            %get3A = arith.index_cast %add3A_87 : i32 to index
            %get3A_88 = arith.constant 0 : index
            %get3A_89 = tpu.vector_load %arg12[%get3A, %get3A_88] {strides = array<i32>} : memref<200x16xf32, #tpu.memory_space<vmem>>, vector<1x16xf32>,
            %get3A_90 = vector.shape_cast %get3A_89 : vector<1x16xf32> to vector<16xf32>
            %get3A_91 = arith.index_cast %add3A_87 : i32 to index
            %get3A_92 = arith.constant 0 : index
            %get3A_93 = tpu.vector_load %arg14[%get3A_91, %get3A_92] {strides = array<i32>} : memref<200x64xf32, #tpu.memory_space<vmem>>, vector<1x16xf32>,
            %get3A_94 = vector.shape_cast %get3A_93 : vector<1x16xf32> to vector<16xf32>
            %mul3A_95 = arith.mulf %get3A_94, %get3A_90 : vector<16xf32>
            %swap3A = arith.index_cast %add3A_87 : i32 to index
            %swap3A_96 = arith.constant 0 : index
            %swap3A_97 = tpu.vector_load %arg14[%swap3A, %swap3A_96] {strides = array<i32>} : memref<200x64xf32, #tpu.memory_space<vmem>>, vector<1x16xf32>,
            %swap3A_98 = vector.shape_cast %swap3A_97 : vector<1x16xf32> to vector<16xf32>
            %swap3A_99 = vector.shape_cast %mul3A_95 : vector<16xf32> to vector<1x16xf32>
            tpu.vector_store %arg14[%swap3A, %swap3A_96], %swap3A_99 {strides = array<i32>} : memref<200x64xf32, #tpu.memory_space<vmem>>, vector<1x16xf32>,
            %get3A_100 = arith.index_cast %add3A_87 : i32 to index
            %get3A_101 = arith.constant 16 : index
            %get3A_102 = tpu.vector_load %arg14[%get3A_100, %get3A_101] {strides = array<i32>} : memref<200x64xf32, #tpu.memory_space<vmem>>, vector<1x16xf32>,
            %get3A_103 = vector.shape_cast %get3A_102 : vector<1x16xf32> to vector<16xf32>
            %mul3A_104 = arith.mulf %get3A_103, %get3A_90 : vector<16xf32>
            %swap3A_105 = arith.index_cast %add3A_87 : i32 to index
            %swap3A_106 = arith.constant 16 : index
            %swap3A_107 = tpu.vector_load %arg14[%swap3A_105, %swap3A_106] {strides = array<i32>} : memref<200x64xf32, #tpu.memory_space<vmem>>, vector<1x16xf32>,
            %swap3A_108 = vector.shape_cast %swap3A_107 : vector<1x16xf32> to vector<16xf32>
            %swap3A_109 = vector.shape_cast %mul3A_104 : vector<16xf32> to vector<1x16xf32>
            tpu.vector_store %arg14[%swap3A_105, %swap3A_106], %swap3A_109 {strides = array<i32>} : memref<200x64xf32, #tpu.memory_space<vmem>>, vector<1x16xf32>,
            %get3A_110 = arith.index_cast %add3A_87 : i32 to index
            %get3A_111 = arith.constant 32 : index
            %get3A_112 = tpu.vector_load %arg14[%get3A_110, %get3A_111] {strides = array<i32>} : memref<200x64xf32, #tpu.memory_space<vmem>>, vector<1x16xf32>,
            %get3A_113 = vector.shape_cast %get3A_112 : vector<1x16xf32> to vector<16xf32>
            %mul3A_114 = arith.mulf %get3A_113, %get3A_90 : vector<16xf32>
            %swap3A_115 = arith.index_cast %add3A_87 : i32 to index
            %swap3A_116 = arith.constant 32 : index
            %swap3A_117 = tpu.vector_load %arg14[%swap3A_115, %swap3A_116] {strides = array<i32>} : memref<200x64xf32, #tpu.memory_space<vmem>>, vector<1x16xf32>,
            %swap3A_118 = vector.shape_cast %swap3A_117 : vector<1x16xf32> to vector<16xf32>
            %swap3A_119 = vector.shape_cast %mul3A_114 : vector<16xf32> to vector<1x16xf32>
            tpu.vector_store %arg14[%swap3A_115, %swap3A_116], %swap3A_119 {strides = array<i32>} : memref<200x64xf32, #tpu.memory_space<vmem>>, vector<1x16xf32>,
            %get3A_120 = arith.index_cast %add3A_87 : i32 to index
            %get3A_121 = arith.constant 48 : index
            %get3A_122 = tpu.vector_load %arg14[%get3A_120, %get3A_121] {strides = array<i32>} : memref<200x64xf32, #tpu.memory_space<vmem>>, vector<1x16xf32>,
            %get3A_123 = vector.shape_cast %get3A_122 : vector<1x16xf32> to vector<16xf32>
            %mul3A_124 = arith.mulf %get3A_123, %get3A_90 : vector<16xf32>
            %swap3A_125 = arith.index_cast %add3A_87 : i32 to index
            %swap3A_126 = arith.constant 48 : index
            %swap3A_127 = tpu.vector_load %arg14[%swap3A_125, %swap3A_126] {strides = array<i32>} : memref<200x64xf32, #tpu.memory_space<vmem>>, vector<1x16xf32>,
            %swap3A_128 = vector.shape_cast %swap3A_127 : vector<1x16xf32> to vector<16xf32>
            %swap3A_129 = vector.shape_cast %mul3A_124 : vector<16xf32> to vector<1x16xf32>
            tpu.vector_store %arg14[%swap3A_125, %swap3A_126], %swap3A_129 {strides = array<i32>} : memref<200x64xf32, #tpu.memory_space<vmem>>, vector<1x16xf32>,
            %mul3A_130 = arith.constant 4 : i32
            %mul3A_131 = arith.muli %scan3A_82, %mul3A_130 : i32
            %add3A_132 = arith.constant 1 : i32
            %add3A_133 = arith.addi %mul3A_131, %add3A_132 : i32
            %get3A_134 = arith.index_cast %add3A_133 : i32 to index
            %get3A_135 = arith.constant 0 : index
            %get3A_136 = tpu.vector_load %arg12[%get3A_134, %get3A_135] {strides = array<i32>} : memref<200x16xf32, #tpu.memory_space<vmem>>, vector<1x16xf32>,
            %get3A_137 = vector.shape_cast %get3A_136 : vector<1x16xf32> to vector<16xf32>
            %get3A_138 = arith.index_cast %add3A_133 : i32 to index
            %get3A_139 = arith.constant 0 : index
            %get3A_140 = tpu.vector_load %arg14[%get3A_138, %get3A_139] {strides = array<i32>} : memref<200x64xf32, #tpu.memory_space<vmem>>, vector<1x16xf32>,
            %get3A_141 = vector.shape_cast %get3A_140 : vector<1x16xf32> to vector<16xf32>
            %mul3A_142 = arith.mulf %get3A_141, %get3A_137 : vector<16xf32>
            %swap3A_143 = arith.index_cast %add3A_133 : i32 to index
            %swap3A_144 = arith.constant 0 : index
            %swap3A_145 = tpu.vector_load %arg14[%swap3A_143, %swap3A_144] {strides = array<i32>} : memref<200x64xf32, #tpu.memory_space<vmem>>, vector<1x16xf32>,
            %swap3A_146 = vector.shape_cast %swap3A_145 : vector<1x16xf32> to vector<16xf32>
            %swap3A_147 = vector.shape_cast %mul3A_142 : vector<16xf32> to vector<1x16xf32>
            tpu.vector_store %arg14[%swap3A_143, %swap3A_144], %swap3A_147 {strides = array<i32>} : memref<200x64xf32, #tpu.memory_space<vmem>>, vector<1x16xf32>,
            %get3A_148 = arith.index_cast %add3A_133 : i32 to index
            %get3A_149 = arith.constant 16 : index
            %get3A_150 = tpu.vector_load %arg14[%get3A_148, %get3A_149] {strides = array<i32>} : memref<200x64xf32, #tpu.memory_space<vmem>>, vector<1x16xf32>,
            %get3A_151 = vector.shape_cast %get3A_150 : vector<1x16xf32> to vector<16xf32>
            %mul3A_152 = arith.mulf %get3A_151, %get3A_137 : vector<16xf32>
            %swap3A_153 = arith.index_cast %add3A_133 : i32 to index
            %swap3A_154 = arith.constant 16 : index
            %swap3A_155 = tpu.vector_load %arg14[%swap3A_153, %swap3A_154] {strides = array<i32>} : memref<200x64xf32, #tpu.memory_space<vmem>>, vector<1x16xf32>,
            %swap3A_156 = vector.shape_cast %swap3A_155 : vector<1x16xf32> to vector<16xf32>
            %swap3A_157 = vector.shape_cast %mul3A_152 : vector<16xf32> to vector<1x16xf32>
            tpu.vector_store %arg14[%swap3A_153, %swap3A_154], %swap3A_157 {strides = array<i32>} : memref<200x64xf32, #tpu.memory_space<vmem>>, vector<1x16xf32>,
            %get3A_158 = arith.index_cast %add3A_133 : i32 to index
            %get3A_159 = arith.constant 32 : index
            %get3A_160 = tpu.vector_load %arg14[%get3A_158, %get3A_159] {strides = array<i32>} : memref<200x64xf32, #tpu.memory_space<vmem>>, vector<1x16xf32>,
            %get3A_161 = vector.shape_cast %get3A_160 : vector<1x16xf32> to vector<16xf32>
            %mul3A_162 = arith.mulf %get3A_161, %get3A_137 : vector<16xf32>
            %swap3A_163 = arith.index_cast %add3A_133 : i32 to index
            %swap3A_164 = arith.constant 32 : index
            %swap3A_165 = tpu.vector_load %arg14[%swap3A_163, %swap3A_164] {strides = array<i32>} : memref<200x64xf32, #tpu.memory_space<vmem>>, vector<1x16xf32>,
            %swap3A_166 = vector.shape_cast %swap3A_165 : vector<1x16xf32> to vector<16xf32>
            %swap3A_167 = vector.shape_cast %mul3A_162 : vector<16xf32> to vector<1x16xf32>
            tpu.vector_store %arg14[%swap3A_163, %swap3A_164], %swap3A_167 {strides = array<i32>} : memref<200x64xf32, #tpu.memory_space<vmem>>, vector<1x16xf32>,
            %get3A_168 = arith.index_cast %add3A_133 : i32 to index
            %get3A_169 = arith.constant 48 : index
            %get3A_170 = tpu.vector_load %arg14[%get3A_168, %get3A_169] {strides = array<i32>} : memref<200x64xf32, #tpu.memory_space<vmem>>, vector<1x16xf32>,
            %get3A_171 = vector.shape_cast %get3A_170 : vector<1x16xf32> to vector<16xf32>
            %mul3A_172 = arith.mulf %get3A_171, %get3A_137 : vector<16xf32>
            %swap3A_173 = arith.index_cast %add3A_133 : i32 to index
            %swap3A_174 = arith.constant 48 : index
            %swap3A_175 = tpu.vector_load %arg14[%swap3A_173, %swap3A_174] {strides = array<i32>} : memref<200x64xf32, #tpu.memory_space<vmem>>, vector<1x16xf32>,
            %swap3A_176 = vector.shape_cast %swap3A_175 : vector<1x16xf32> to vector<16xf32>
            %swap3A_177 = vector.shape_cast %mul3A_172 : vector<16xf32> to vector<1x16xf32>
            tpu.vector_store %arg14[%swap3A_173, %swap3A_174], %swap3A_177 {strides = array<i32>} : memref<200x64xf32, #tpu.memory_space<vmem>>, vector<1x16xf32>,
            %mul3A_178 = arith.constant 4 : i32
            %mul3A_179 = arith.muli %scan3A_82, %mul3A_178 : i32
            %add3A_180 = arith.constant 2 : i32
            %add3A_181 = arith.addi %mul3A_179, %add3A_180 : i32
            %get3A_182 = arith.index_cast %add3A_181 : i32 to index
            %get3A_183 = arith.constant 0 : index
            %get3A_184 = tpu.vector_load %arg12[%get3A_182, %get3A_183] {strides = array<i32>} : memref<200x16xf32, #tpu.memory_space<vmem>>, vector<1x16xf32>,
            %get3A_185 = vector.shape_cast %get3A_184 : vector<1x16xf32> to vector<16xf32>
            %get3A_186 = arith.index_cast %add3A_181 : i32 to index
            %get3A_187 = arith.constant 0 : index
            %get3A_188 = tpu.vector_load %arg14[%get3A_186, %get3A_187] {strides = array<i32>} : memref<200x64xf32, #tpu.memory_space<vmem>>, vector<1x16xf32>,
            %get3A_189 = vector.shape_cast %get3A_188 : vector<1x16xf32> to vector<16xf32>
            %mul3A_190 = arith.mulf %get3A_189, %get3A_185 : vector<16xf32>
            %swap3A_191 = arith.index_cast %add3A_181 : i32 to index
            %swap3A_192 = arith.constant 0 : index
            %swap3A_193 = tpu.vector_load %arg14[%swap3A_191, %swap3A_192] {strides = array<i32>} : memref<200x64xf32, #tpu.memory_space<vmem>>, vector<1x16xf32>,
            %swap3A_194 = vector.shape_cast %swap3A_193 : vector<1x16xf32> to vector<16xf32>
            %swap3A_195 = vector.shape_cast %mul3A_190 : vector<16xf32> to vector<1x16xf32>
            tpu.vector_store %arg14[%swap3A_191, %swap3A_192], %swap3A_195 {strides = array<i32>} : memref<200x64xf32, #tpu.memory_space<vmem>>, vector<1x16xf32>,
            %get3A_196 = arith.index_cast %add3A_181 : i32 to index
            %get3A_197 = arith.constant 16 : index
            %get3A_198 = tpu.vector_load %arg14[%get3A_196, %get3A_197] {strides = array<i32>} : memref<200x64xf32, #tpu.memory_space<vmem>>, vector<1x16xf32>,
            %get3A_199 = vector.shape_cast %get3A_198 : vector<1x16xf32> to vector<16xf32>
            %mul3A_200 = arith.mulf %get3A_199, %get3A_185 : vector<16xf32>
            %swap3A_201 = arith.index_cast %add3A_181 : i32 to index
            %swap3A_202 = arith.constant 16 : index
            %swap3A_203 = tpu.vector_load %arg14[%swap3A_201, %swap3A_202] {strides = array<i32>} : memref<200x64xf32, #tpu.memory_space<vmem>>, vector<1x16xf32>,
            %swap3A_204 = vector.shape_cast %swap3A_203 : vector<1x16xf32> to vector<16xf32>
            %swap3A_205 = vector.shape_cast %mul3A_200 : vector<16xf32> to vector<1x16xf32>
            tpu.vector_store %arg14[%swap3A_201, %swap3A_202], %swap3A_205 {strides = array<i32>} : memref<200x64xf32, #tpu.memory_space<vmem>>, vector<1x16xf32>,
            %get3A_206 = arith.index_cast %add3A_181 : i32 to index
            %get3A_207 = arith.constant 32 : index
            %get3A_208 = tpu.vector_load %arg14[%get3A_206, %get3A_207] {strides = array<i32>} : memref<200x64xf32, #tpu.memory_space<vmem>>, vector<1x16xf32>,
            %get3A_209 = vector.shape_cast %get3A_208 : vector<1x16xf32> to vector<16xf32>
            %mul3A_210 = arith.mulf %get3A_209, %get3A_185 : vector<16xf32>
            %swap3A_211 = arith.index_cast %add3A_181 : i32 to index
            %swap3A_212 = arith.constant 32 : index
            %swap3A_213 = tpu.vector_load %arg14[%swap3A_211, %swap3A_212] {strides = array<i32>} : memref<200x64xf32, #tpu.memory_space<vmem>>, vector<1x16xf32>,
            %swap3A_214 = vector.shape_cast %swap3A_213 : vector<1x16xf32> to vector<16xf32>
            %swap3A_215 = vector.shape_cast %mul3A_210 : vector<16xf32> to vector<1x16xf32>
            tpu.vector_store %arg14[%swap3A_211, %swap3A_212], %swap3A_215 {strides = array<i32>} : memref<200x64xf32, #tpu.memory_space<vmem>>, vector<1x16xf32>,
            %get3A_216 = arith.index_cast %add3A_181 : i32 to index
            %get3A_217 = arith.constant 48 : index
            %get3A_218 = tpu.vector_load %arg14[%get3A_216, %get3A_217] {strides = array<i32>} : memref<200x64xf32, #tpu.memory_space<vmem>>, vector<1x16xf32>,
            %get3A_219 = vector.shape_cast %get3A_218 : vector<1x16xf32> to vector<16xf32>
            %mul3A_220 = arith.mulf %get3A_219, %get3A_185 : vector<16xf32>
            %swap3A_221 = arith.index_cast %add3A_181 : i32 to index
            %swap3A_222 = arith.constant 48 : index
            %swap3A_223 = tpu.vector_load %arg14[%swap3A_221, %swap3A_222] {strides = array<i32>} : memref<200x64xf32, #tpu.memory_space<vmem>>, vector<1x16xf32>,
            %swap3A_224 = vector.shape_cast %swap3A_223 : vector<1x16xf32> to vector<16xf32>
            %swap3A_225 = vector.shape_cast %mul3A_220 : vector<16xf32> to vector<1x16xf32>
            tpu.vector_store %arg14[%swap3A_221, %swap3A_222], %swap3A_225 {strides = array<i32>} : memref<200x64xf32, #tpu.memory_space<vmem>>, vector<1x16xf32>,
            %mul3A_226 = arith.constant 4 : i32
            %mul3A_227 = arith.muli %scan3A_82, %mul3A_226 : i32
            %add3A_228 = arith.constant 3 : i32
            %add3A_229 = arith.addi %mul3A_227, %add3A_228 : i32
            %get3A_230 = arith.index_cast %add3A_229 : i32 to index
            %get3A_231 = arith.constant 0 : index
            %get3A_232 = tpu.vector_load %arg12[%get3A_230, %get3A_231] {strides = array<i32>} : memref<200x16xf32, #tpu.memory_space<vmem>>, vector<1x16xf32>,
            %get3A_233 = vector.shape_cast %get3A_232 : vector<1x16xf32> to vector<16xf32>
            %get3A_234 = arith.index_cast %add3A_229 : i32 to index
            %get3A_235 = arith.constant 0 : index
            %get3A_236 = tpu.vector_load %arg14[%get3A_234, %get3A_235] {strides = array<i32>} : memref<200x64xf32, #tpu.memory_space<vmem>>, vector<1x16xf32>,
            %get3A_237 = vector.shape_cast %get3A_236 : vector<1x16xf32> to vector<16xf32>
            %mul3A_238 = arith.mulf %get3A_237, %get3A_233 : vector<16xf32>
            %swap3A_239 = arith.index_cast %add3A_229 : i32 to index
            %swap3A_240 = arith.constant 0 : index
            %swap3A_241 = tpu.vector_load %arg14[%swap3A_239, %swap3A_240] {strides = array<i32>} : memref<200x64xf32, #tpu.memory_space<vmem>>, vector<1x16xf32>,
            %swap3A_242 = vector.shape_cast %swap3A_241 : vector<1x16xf32> to vector<16xf32>
            %swap3A_243 = vector.shape_cast %mul3A_238 : vector<16xf32> to vector<1x16xf32>
            tpu.vector_store %arg14[%swap3A_239, %swap3A_240], %swap3A_243 {strides = array<i32>} : memref<200x64xf32, #tpu.memory_space<vmem>>, vector<1x16xf32>,
            %get3A_244 = arith.index_cast %add3A_229 : i32 to index
            %get3A_245 = arith.constant 16 : index
            %get3A_246 = tpu.vector_load %arg14[%get3A_244, %get3A_245] {strides = array<i32>} : memref<200x64xf32, #tpu.memory_space<vmem>>, vector<1x16xf32>,
            %get3A_247 = vector.shape_cast %get3A_246 : vector<1x16xf32> to vector<16xf32>
            %mul3A_248 = arith.mulf %get3A_247, %get3A_233 : vector<16xf32>
            %swap3A_249 = arith.index_cast %add3A_229 : i32 to index
            %swap3A_250 = arith.constant 16 : index
            %swap3A_251 = tpu.vector_load %arg14[%swap3A_249, %swap3A_250] {strides = array<i32>} : memref<200x64xf32, #tpu.memory_space<vmem>>, vector<1x16xf32>,
            %swap3A_252 = vector.shape_cast %swap3A_251 : vector<1x16xf32> to vector<16xf32>
            %swap3A_253 = vector.shape_cast %mul3A_248 : vector<16xf32> to vector<1x16xf32>
            tpu.vector_store %arg14[%swap3A_249, %swap3A_250], %swap3A_253 {strides = array<i32>} : memref<200x64xf32, #tpu.memory_space<vmem>>, vector<1x16xf32>,
            %get3A_254 = arith.index_cast %add3A_229 : i32 to index
            %get3A_255 = arith.constant 32 : index
            %get3A_256 = tpu.vector_load %arg14[%get3A_254, %get3A_255] {strides = array<i32>} : memref<200x64xf32, #tpu.memory_space<vmem>>, vector<1x16xf32>,
            %get3A_257 = vector.shape_cast %get3A_256 : vector<1x16xf32> to vector<16xf32>
            %mul3A_258 = arith.mulf %get3A_257, %get3A_233 : vector<16xf32>
            %swap3A_259 = arith.index_cast %add3A_229 : i32 to index
            %swap3A_260 = arith.constant 32 : index
            %swap3A_261 = tpu.vector_load %arg14[%swap3A_259, %swap3A_260] {strides = array<i32>} : memref<200x64xf32, #tpu.memory_space<vmem>>, vector<1x16xf32>,
            %swap3A_262 = vector.shape_cast %swap3A_261 : vector<1x16xf32> to vector<16xf32>
            %swap3A_263 = vector.shape_cast %mul3A_258 : vector<16xf32> to vector<1x16xf32>
            tpu.vector_store %arg14[%swap3A_259, %swap3A_260], %swap3A_263 {strides = array<i32>} : memref<200x64xf32, #tpu.memory_space<vmem>>, vector<1x16xf32>,
            %get3A_264 = arith.index_cast %add3A_229 : i32 to index
            %get3A_265 = arith.constant 48 : index
            %get3A_266 = tpu.vector_load %arg14[%get3A_264, %get3A_265] {strides = array<i32>} : memref<200x64xf32, #tpu.memory_space<vmem>>, vector<1x16xf32>,
            %get3A_267 = vector.shape_cast %get3A_266 : vector<1x16xf32> to vector<16xf32>
            %mul3A_268 = arith.mulf %get3A_267, %get3A_233 : vector<16xf32>
            %swap3A_269 = arith.index_cast %add3A_229 : i32 to index
            %swap3A_270 = arith.constant 48 : index
            %swap3A_271 = tpu.vector_load %arg14[%swap3A_269, %swap3A_270] {strides = array<i32>} : memref<200x64xf32, #tpu.memory_space<vmem>>, vector<1x16xf32>,
            %swap3A_272 = vector.shape_cast %swap3A_271 : vector<1x16xf32> to vector<16xf32>
            %swap3A_273 = vector.shape_cast %mul3A_268 : vector<16xf32> to vector<1x16xf32>
            tpu.vector_store %arg14[%swap3A_269, %swap3A_270], %swap3A_273 {strides = array<i32>} : memref<200x64xf32, #tpu.memory_space<vmem>>, vector<1x16xf32>,
            %scan3A_274 = arith.constant 0 : i32
            scf.yield %scan3A_274 : i32
          }
          %scan3A_59 = arith.constant 50 : i32
          %dma_start3A_60 = arith.constant 0 : i32
          %dma_start3A_61 = arith.constant 0 : i32
          %dma_start3A_62 = tpu.memref_slice %arg17[%dma_start3A_60, %dma_start3A_61] : memref<10240x64xf32, #tpu.memory_space<vmem_shared>> -> memref<10240x64xf32, #tpu.memory_space<vmem_shared>>
          tpu.enqueue_indirect_dma source(%arg14 : memref<200x64xf32, #tpu.memory_space<vmem>>) target(%dma_start3A_62 : memref<10240x64xf32, #tpu.memory_space<vmem_shared>>) offsets(%arg10 : memref<200xi32, #tpu.memory_space<vmem>>) semaphore(%arg20 : memref<!tpu.dma_semaphore, #tpu.memory_space<semaphore_mem>>) {add = true}
          %lt3A_63 = arith.constant 49 : i32
          %lt3A_64 = arith.cmpi slt, %scan3A_34, %lt3A_63 : i32
          %convert_element_type3A_65 = arith.extui %lt3A_64 : i1 to i32
          %cond3A_66 = arith.constant 0 : i32
          %cond3A_67 = arith.cmpi ne, %convert_element_type3A_65, %cond3A_66 : i32
          scf.if %cond3A_67 {
            %dma_wait3A_82 = arith.constant 0 : i32
            %dma_wait3A_83 = arith.constant 0 : i32
            %dma_wait3A_84 = tpu.memref_slice %arg17[%dma_wait3A_82, %dma_wait3A_83] : memref<10240x64xf32, #tpu.memory_space<vmem_shared>> -> memref<10240x64xf32, #tpu.memory_space<vmem_shared>>
            tpu.wait_indirect_dma semaphore(%arg20 : memref<!tpu.dma_semaphore, #tpu.memory_space<semaphore_mem>>) src(%arg14 : memref<200x64xf32, #tpu.memory_space<vmem>>) dst(%dma_wait3A_84 : memref<10240x64xf32, #tpu.memory_space<vmem_shared>>)
            %mul3A_85 = arith.constant 2 : i32
            %mul3A_86 = arith.muli %mul3A_85, %scan3A_34 : i32
            %add3A_87 = arith.constant 2 : i32
            %add3A_88 = arith.addi %mul3A_86, %add3A_87 : i32
            %mul3A_89 = arith.constant 200 : i32
            %mul3A_90 = arith.muli %add3A_88, %mul3A_89 : i32
            %add3A_91 = arith.addi %mul3A_2, %mul3A_90 : i32
            "tpu.region"() ({
              %run_scoped3A = tpu.sem_alloc : memref<!tpu.dma_semaphore, #tpu.memory_space<semaphore_mem>>
              %dma_start3A_95 = tpu.memref_slice %arg4[%add3A_91] : memref<320000xi32, #tpu.memory_space<hbm>> -> memref<200xi32, #tpu.memory_space<hbm>>
              %dma_start3A_96 = tpu.memref_slice %arg4[%add3A_91] : memref<320000xi32, #tpu.memory_space<hbm>> -> memref<200xi32, #tpu.memory_space<hbm>>
              tpu.enqueue_dma source(%dma_start3A_96 : memref<200xi32, #tpu.memory_space<hbm>>) target(%arg8 : memref<200xi32, #tpu.memory_space<vmem>>) target_semaphore(%run_scoped3A : memref<!tpu.dma_semaphore, #tpu.memory_space<semaphore_mem>>)
              %dma_wait3A_97 = tpu.memref_slice %arg4[%add3A_91] : memref<320000xi32, #tpu.memory_space<hbm>> -> memref<200xi32, #tpu.memory_space<hbm>>
              %dma_wait3A_98 = tpu.memref_slice %arg4[%add3A_91] : memref<320000xi32, #tpu.memory_space<hbm>> -> memref<200xi32, #tpu.memory_space<hbm>>
              tpu.wait_dma2 semaphore(%run_scoped3A : memref<!tpu.dma_semaphore, #tpu.memory_space<semaphore_mem>>) src(%dma_wait3A_98 : memref<200xi32, #tpu.memory_space<hbm>>) dst(%arg8 : memref<200xi32, #tpu.memory_space<vmem>>)
              tpu.yield
            }) : () -> ()
            "tpu.region"() ({
              %run_scoped3A = tpu.sem_alloc : memref<!tpu.dma_semaphore, #tpu.memory_space<semaphore_mem>>
              %dma_start3A_95 = tpu.memref_slice %arg5[%add3A_91] : memref<320000xi32, #tpu.memory_space<hbm>> -> memref<200xi32, #tpu.memory_space<hbm>>
              %dma_start3A_96 = tpu.memref_slice %arg5[%add3A_91] : memref<320000xi32, #tpu.memory_space<hbm>> -> memref<200xi32, #tpu.memory_space<hbm>>
              tpu.enqueue_dma source(%dma_start3A_96 : memref<200xi32, #tpu.memory_space<hbm>>) target(%arg10 : memref<200xi32, #tpu.memory_space<vmem>>) target_semaphore(%run_scoped3A : memref<!tpu.dma_semaphore, #tpu.memory_space<semaphore_mem>>)
              %dma_wait3A_97 = tpu.memref_slice %arg5[%add3A_91] : memref<320000xi32, #tpu.memory_space<hbm>> -> memref<200xi32, #tpu.memory_space<hbm>>
              %dma_wait3A_98 = tpu.memref_slice %arg5[%add3A_91] : memref<320000xi32, #tpu.memory_space<hbm>> -> memref<200xi32, #tpu.memory_space<hbm>>
              tpu.wait_dma2 semaphore(%run_scoped3A : memref<!tpu.dma_semaphore, #tpu.memory_space<semaphore_mem>>) src(%dma_wait3A_98 : memref<200xi32, #tpu.memory_space<hbm>>) dst(%arg10 : memref<200xi32, #tpu.memory_space<vmem>>)
              tpu.yield
            }) : () -> ()
            "tpu.region"() ({
              %run_scoped3A = tpu.sem_alloc : memref<!tpu.dma_semaphore, #tpu.memory_space<semaphore_mem>>
              %dma_start3A_95 = arith.constant 0 : i32
              %dma_start3A_96 = tpu.memref_slice %arg3[%add3A_91, %dma_start3A_95] : memref<320000x16xf32, #tpu.memory_space<hbm>> -> memref<200x16xf32, #tpu.memory_space<hbm>>
              %dma_start3A_97 = arith.constant 0 : i32
              %dma_start3A_98 = tpu.memref_slice %arg3[%add3A_91, %dma_start3A_97] : memref<320000x16xf32, #tpu.memory_space<hbm>> -> memref<200x16xf32, #tpu.memory_space<hbm>>
              tpu.enqueue_dma source(%dma_start3A_98 : memref<200x16xf32, #tpu.memory_space<hbm>>) target(%arg12 : memref<200x16xf32, #tpu.memory_space<vmem>>) target_semaphore(%run_scoped3A : memref<!tpu.dma_semaphore, #tpu.memory_space<semaphore_mem>>)
              %dma_wait3A_99 = arith.constant 0 : i32
              %dma_wait3A_100 = tpu.memref_slice %arg3[%add3A_91, %dma_wait3A_99] : memref<320000x16xf32, #tpu.memory_space<hbm>> -> memref<200x16xf32, #tpu.memory_space<hbm>>
              %dma_wait3A_101 = arith.constant 0 : i32
              %dma_wait3A_102 = tpu.memref_slice %arg3[%add3A_91, %dma_wait3A_101] : memref<320000x16xf32, #tpu.memory_space<hbm>> -> memref<200x16xf32, #tpu.memory_space<hbm>>
              tpu.wait_dma2 semaphore(%run_scoped3A : memref<!tpu.dma_semaphore, #tpu.memory_space<semaphore_mem>>) src(%dma_wait3A_102 : memref<200x16xf32, #tpu.memory_space<hbm>>) dst(%arg12 : memref<200x16xf32, #tpu.memory_space<vmem>>)
              tpu.yield
            }) : () -> ()
            %dma_start3A_92 = arith.constant 0 : i32
            %dma_start3A_93 = arith.constant 0 : i32
            %dma_start3A_94 = tpu.memref_slice %arg16[%dma_start3A_92, %dma_start3A_93] : memref<10240x64xf32, #tpu.memory_space<vmem_shared>> -> memref<10240x64xf32, #tpu.memory_space<vmem_shared>>
            tpu.enqueue_indirect_dma source(%dma_start3A_94 : memref<10240x64xf32, #tpu.memory_space<vmem_shared>>) target(%arg14 : memref<200x64xf32, #tpu.memory_space<vmem>>) offsets(%arg8 : memref<200xi32, #tpu.memory_space<vmem>>) semaphore(%arg18 : memref<!tpu.dma_semaphore, #tpu.memory_space<semaphore_mem>>)
          } else {
          }
          %dma_wait3A_68 = arith.constant 0 : i32
          %dma_wait3A_69 = arith.constant 0 : i32
          %dma_wait3A_70 = tpu.memref_slice %arg16[%dma_wait3A_68, %dma_wait3A_69] : memref<10240x64xf32, #tpu.memory_space<vmem_shared>> -> memref<10240x64xf32, #tpu.memory_space<vmem_shared>>
          tpu.wait_indirect_dma semaphore(%arg19 : memref<!tpu.dma_semaphore, #tpu.memory_space<semaphore_mem>>) src(%dma_wait3A_70 : memref<10240x64xf32, #tpu.memory_space<vmem_shared>>) dst(%arg15 : memref<200x64xf32, #tpu.memory_space<vmem>>)
          %scan3A_71 = arith.constant 0 : i32
          %scan3A_72 = arith.constant 0 : i32
          %scan3A_73 = arith.constant 50 : i32
          %scan3A_74 = arith.addi %scan3A_72, %scan3A_73 : i32
          %scan3A_75 = arith.constant 1 : i32
          %scan3A_76 = scf.for %scan3A_82 = %scan3A_72 to %scan3A_74 step %scan3A_75 iter_args(%scan3A_83 = %scan3A_71) -> (i32)  : i32 {
            %mul3A_84 = arith.constant 4 : i32
            %mul3A_85 = arith.muli %scan3A_82, %mul3A_84 : i32
            %add3A_86 = arith.constant 0 : i32
            %add3A_87 = arith.addi %mul3A_85, %add3A_86 : i32
            %get3A = arith.index_cast %add3A_87 : i32 to index
            %get3A_88 = arith.constant 0 : index
            %get3A_89 = tpu.vector_load %arg13[%get3A, %get3A_88] {strides = array<i32>} : memref<200x16xf32, #tpu.memory_space<vmem>>, vector<1x16xf32>,
            %get3A_90 = vector.shape_cast %get3A_89 : vector<1x16xf32> to vector<16xf32>
            %get3A_91 = arith.index_cast %add3A_87 : i32 to index
            %get3A_92 = arith.constant 0 : index
            %get3A_93 = tpu.vector_load %arg15[%get3A_91, %get3A_92] {strides = array<i32>} : memref<200x64xf32, #tpu.memory_space<vmem>>, vector<1x16xf32>,
            %get3A_94 = vector.shape_cast %get3A_93 : vector<1x16xf32> to vector<16xf32>
            %mul3A_95 = arith.mulf %get3A_94, %get3A_90 : vector<16xf32>
            %swap3A = arith.index_cast %add3A_87 : i32 to index
            %swap3A_96 = arith.constant 0 : index
            %swap3A_97 = tpu.vector_load %arg15[%swap3A, %swap3A_96] {strides = array<i32>} : memref<200x64xf32, #tpu.memory_space<vmem>>, vector<1x16xf32>,
            %swap3A_98 = vector.shape_cast %swap3A_97 : vector<1x16xf32> to vector<16xf32>
            %swap3A_99 = vector.shape_cast %mul3A_95 : vector<16xf32> to vector<1x16xf32>
            tpu.vector_store %arg15[%swap3A, %swap3A_96], %swap3A_99 {strides = array<i32>} : memref<200x64xf32, #tpu.memory_space<vmem>>, vector<1x16xf32>,
            %get3A_100 = arith.index_cast %add3A_87 : i32 to index
            %get3A_101 = arith.constant 16 : index
            %get3A_102 = tpu.vector_load %arg15[%get3A_100, %get3A_101] {strides = array<i32>} : memref<200x64xf32, #tpu.memory_space<vmem>>, vector<1x16xf32>,
            %get3A_103 = vector.shape_cast %get3A_102 : vector<1x16xf32> to vector<16xf32>
            %mul3A_104 = arith.mulf %get3A_103, %get3A_90 : vector<16xf32>
            %swap3A_105 = arith.index_cast %add3A_87 : i32 to index
            %swap3A_106 = arith.constant 16 : index
            %swap3A_107 = tpu.vector_load %arg15[%swap3A_105, %swap3A_106] {strides = array<i32>} : memref<200x64xf32, #tpu.memory_space<vmem>>, vector<1x16xf32>,
            %swap3A_108 = vector.shape_cast %swap3A_107 : vector<1x16xf32> to vector<16xf32>
            %swap3A_109 = vector.shape_cast %mul3A_104 : vector<16xf32> to vector<1x16xf32>
            tpu.vector_store %arg15[%swap3A_105, %swap3A_106], %swap3A_109 {strides = array<i32>} : memref<200x64xf32, #tpu.memory_space<vmem>>, vector<1x16xf32>,
            %get3A_110 = arith.index_cast %add3A_87 : i32 to index
            %get3A_111 = arith.constant 32 : index
            %get3A_112 = tpu.vector_load %arg15[%get3A_110, %get3A_111] {strides = array<i32>} : memref<200x64xf32, #tpu.memory_space<vmem>>, vector<1x16xf32>,
            %get3A_113 = vector.shape_cast %get3A_112 : vector<1x16xf32> to vector<16xf32>
            %mul3A_114 = arith.mulf %get3A_113, %get3A_90 : vector<16xf32>
            %swap3A_115 = arith.index_cast %add3A_87 : i32 to index
            %swap3A_116 = arith.constant 32 : index
            %swap3A_117 = tpu.vector_load %arg15[%swap3A_115, %swap3A_116] {strides = array<i32>} : memref<200x64xf32, #tpu.memory_space<vmem>>, vector<1x16xf32>,
            %swap3A_118 = vector.shape_cast %swap3A_117 : vector<1x16xf32> to vector<16xf32>
            %swap3A_119 = vector.shape_cast %mul3A_114 : vector<16xf32> to vector<1x16xf32>
            tpu.vector_store %arg15[%swap3A_115, %swap3A_116], %swap3A_119 {strides = array<i32>} : memref<200x64xf32, #tpu.memory_space<vmem>>, vector<1x16xf32>,
            %get3A_120 = arith.index_cast %add3A_87 : i32 to index
            %get3A_121 = arith.constant 48 : index
            %get3A_122 = tpu.vector_load %arg15[%get3A_120, %get3A_121] {strides = array<i32>} : memref<200x64xf32, #tpu.memory_space<vmem>>, vector<1x16xf32>,
            %get3A_123 = vector.shape_cast %get3A_122 : vector<1x16xf32> to vector<16xf32>
            %mul3A_124 = arith.mulf %get3A_123, %get3A_90 : vector<16xf32>
            %swap3A_125 = arith.index_cast %add3A_87 : i32 to index
            %swap3A_126 = arith.constant 48 : index
            %swap3A_127 = tpu.vector_load %arg15[%swap3A_125, %swap3A_126] {strides = array<i32>} : memref<200x64xf32, #tpu.memory_space<vmem>>, vector<1x16xf32>,
            %swap3A_128 = vector.shape_cast %swap3A_127 : vector<1x16xf32> to vector<16xf32>
            %swap3A_129 = vector.shape_cast %mul3A_124 : vector<16xf32> to vector<1x16xf32>
            tpu.vector_store %arg15[%swap3A_125, %swap3A_126], %swap3A_129 {strides = array<i32>} : memref<200x64xf32, #tpu.memory_space<vmem>>, vector<1x16xf32>,
            %mul3A_130 = arith.constant 4 : i32
            %mul3A_131 = arith.muli %scan3A_82, %mul3A_130 : i32
            %add3A_132 = arith.constant 1 : i32
            %add3A_133 = arith.addi %mul3A_131, %add3A_132 : i32
            %get3A_134 = arith.index_cast %add3A_133 : i32 to index
            %get3A_135 = arith.constant 0 : index
            %get3A_136 = tpu.vector_load %arg13[%get3A_134, %get3A_135] {strides = array<i32>} : memref<200x16xf32, #tpu.memory_space<vmem>>, vector<1x16xf32>,
            %get3A_137 = vector.shape_cast %get3A_136 : vector<1x16xf32> to vector<16xf32>
            %get3A_138 = arith.index_cast %add3A_133 : i32 to index
            %get3A_139 = arith.constant 0 : index
            %get3A_140 = tpu.vector_load %arg15[%get3A_138, %get3A_139] {strides = array<i32>} : memref<200x64xf32, #tpu.memory_space<vmem>>, vector<1x16xf32>,
            %get3A_141 = vector.shape_cast %get3A_140 : vector<1x16xf32> to vector<16xf32>
            %mul3A_142 = arith.mulf %get3A_141, %get3A_137 : vector<16xf32>
            %swap3A_143 = arith.index_cast %add3A_133 : i32 to index
            %swap3A_144 = arith.constant 0 : index
            %swap3A_145 = tpu.vector_load %arg15[%swap3A_143, %swap3A_144] {strides = array<i32>} : memref<200x64xf32, #tpu.memory_space<vmem>>, vector<1x16xf32>,
            %swap3A_146 = vector.shape_cast %swap3A_145 : vector<1x16xf32> to vector<16xf32>
            %swap3A_147 = vector.shape_cast %mul3A_142 : vector<16xf32> to vector<1x16xf32>
            tpu.vector_store %arg15[%swap3A_143, %swap3A_144], %swap3A_147 {strides = array<i32>} : memref<200x64xf32, #tpu.memory_space<vmem>>, vector<1x16xf32>,
            %get3A_148 = arith.index_cast %add3A_133 : i32 to index
            %get3A_149 = arith.constant 16 : index
            %get3A_150 = tpu.vector_load %arg15[%get3A_148, %get3A_149] {strides = array<i32>} : memref<200x64xf32, #tpu.memory_space<vmem>>, vector<1x16xf32>,
            %get3A_151 = vector.shape_cast %get3A_150 : vector<1x16xf32> to vector<16xf32>
            %mul3A_152 = arith.mulf %get3A_151, %get3A_137 : vector<16xf32>
            %swap3A_153 = arith.index_cast %add3A_133 : i32 to index
            %swap3A_154 = arith.constant 16 : index
            %swap3A_155 = tpu.vector_load %arg15[%swap3A_153, %swap3A_154] {strides = array<i32>} : memref<200x64xf32, #tpu.memory_space<vmem>>, vector<1x16xf32>,
            %swap3A_156 = vector.shape_cast %swap3A_155 : vector<1x16xf32> to vector<16xf32>
            %swap3A_157 = vector.shape_cast %mul3A_152 : vector<16xf32> to vector<1x16xf32>
            tpu.vector_store %arg15[%swap3A_153, %swap3A_154], %swap3A_157 {strides = array<i32>} : memref<200x64xf32, #tpu.memory_space<vmem>>, vector<1x16xf32>,
            %get3A_158 = arith.index_cast %add3A_133 : i32 to index
            %get3A_159 = arith.constant 32 : index
            %get3A_160 = tpu.vector_load %arg15[%get3A_158, %get3A_159] {strides = array<i32>} : memref<200x64xf32, #tpu.memory_space<vmem>>, vector<1x16xf32>,
            %get3A_161 = vector.shape_cast %get3A_160 : vector<1x16xf32> to vector<16xf32>
            %mul3A_162 = arith.mulf %get3A_161, %get3A_137 : vector<16xf32>
            %swap3A_163 = arith.index_cast %add3A_133 : i32 to index
            %swap3A_164 = arith.constant 32 : index
            %swap3A_165 = tpu.vector_load %arg15[%swap3A_163, %swap3A_164] {strides = array<i32>} : memref<200x64xf32, #tpu.memory_space<vmem>>, vector<1x16xf32>,
            %swap3A_166 = vector.shape_cast %swap3A_165 : vector<1x16xf32> to vector<16xf32>
            %swap3A_167 = vector.shape_cast %mul3A_162 : vector<16xf32> to vector<1x16xf32>
            tpu.vector_store %arg15[%swap3A_163, %swap3A_164], %swap3A_167 {strides = array<i32>} : memref<200x64xf32, #tpu.memory_space<vmem>>, vector<1x16xf32>,
            %get3A_168 = arith.index_cast %add3A_133 : i32 to index
            %get3A_169 = arith.constant 48 : index
            %get3A_170 = tpu.vector_load %arg15[%get3A_168, %get3A_169] {strides = array<i32>} : memref<200x64xf32, #tpu.memory_space<vmem>>, vector<1x16xf32>,
            %get3A_171 = vector.shape_cast %get3A_170 : vector<1x16xf32> to vector<16xf32>
            %mul3A_172 = arith.mulf %get3A_171, %get3A_137 : vector<16xf32>
            %swap3A_173 = arith.index_cast %add3A_133 : i32 to index
            %swap3A_174 = arith.constant 48 : index
            %swap3A_175 = tpu.vector_load %arg15[%swap3A_173, %swap3A_174] {strides = array<i32>} : memref<200x64xf32, #tpu.memory_space<vmem>>, vector<1x16xf32>,
            %swap3A_176 = vector.shape_cast %swap3A_175 : vector<1x16xf32> to vector<16xf32>
            %swap3A_177 = vector.shape_cast %mul3A_172 : vector<16xf32> to vector<1x16xf32>
            tpu.vector_store %arg15[%swap3A_173, %swap3A_174], %swap3A_177 {strides = array<i32>} : memref<200x64xf32, #tpu.memory_space<vmem>>, vector<1x16xf32>,
            %mul3A_178 = arith.constant 4 : i32
            %mul3A_179 = arith.muli %scan3A_82, %mul3A_178 : i32
            %add3A_180 = arith.constant 2 : i32
            %add3A_181 = arith.addi %mul3A_179, %add3A_180 : i32
            %get3A_182 = arith.index_cast %add3A_181 : i32 to index
            %get3A_183 = arith.constant 0 : index
            %get3A_184 = tpu.vector_load %arg13[%get3A_182, %get3A_183] {strides = array<i32>} : memref<200x16xf32, #tpu.memory_space<vmem>>, vector<1x16xf32>,
            %get3A_185 = vector.shape_cast %get3A_184 : vector<1x16xf32> to vector<16xf32>
            %get3A_186 = arith.index_cast %add3A_181 : i32 to index
            %get3A_187 = arith.constant 0 : index
            %get3A_188 = tpu.vector_load %arg15[%get3A_186, %get3A_187] {strides = array<i32>} : memref<200x64xf32, #tpu.memory_space<vmem>>, vector<1x16xf32>,
            %get3A_189 = vector.shape_cast %get3A_188 : vector<1x16xf32> to vector<16xf32>
            %mul3A_190 = arith.mulf %get3A_189, %get3A_185 : vector<16xf32>
            %swap3A_191 = arith.index_cast %add3A_181 : i32 to index
            %swap3A_192 = arith.constant 0 : index
            %swap3A_193 = tpu.vector_load %arg15[%swap3A_191, %swap3A_192] {strides = array<i32>} : memref<200x64xf32, #tpu.memory_space<vmem>>, vector<1x16xf32>,
            %swap3A_194 = vector.shape_cast %swap3A_193 : vector<1x16xf32> to vector<16xf32>
            %swap3A_195 = vector.shape_cast %mul3A_190 : vector<16xf32> to vector<1x16xf32>
            tpu.vector_store %arg15[%swap3A_191, %swap3A_192], %swap3A_195 {strides = array<i32>} : memref<200x64xf32, #tpu.memory_space<vmem>>, vector<1x16xf32>,
            %get3A_196 = arith.index_cast %add3A_181 : i32 to index
            %get3A_197 = arith.constant 16 : index
            %get3A_198 = tpu.vector_load %arg15[%get3A_196, %get3A_197] {strides = array<i32>} : memref<200x64xf32, #tpu.memory_space<vmem>>, vector<1x16xf32>,
            %get3A_199 = vector.shape_cast %get3A_198 : vector<1x16xf32> to vector<16xf32>
            %mul3A_200 = arith.mulf %get3A_199, %get3A_185 : vector<16xf32>
            %swap3A_201 = arith.index_cast %add3A_181 : i32 to index
            %swap3A_202 = arith.constant 16 : index
            %swap3A_203 = tpu.vector_load %arg15[%swap3A_201, %swap3A_202] {strides = array<i32>} : memref<200x64xf32, #tpu.memory_space<vmem>>, vector<1x16xf32>,
            %swap3A_204 = vector.shape_cast %swap3A_203 : vector<1x16xf32> to vector<16xf32>
            %swap3A_205 = vector.shape_cast %mul3A_200 : vector<16xf32> to vector<1x16xf32>
            tpu.vector_store %arg15[%swap3A_201, %swap3A_202], %swap3A_205 {strides = array<i32>} : memref<200x64xf32, #tpu.memory_space<vmem>>, vector<1x16xf32>,
            %get3A_206 = arith.index_cast %add3A_181 : i32 to index
            %get3A_207 = arith.constant 32 : index
            %get3A_208 = tpu.vector_load %arg15[%get3A_206, %get3A_207] {strides = array<i32>} : memref<200x64xf32, #tpu.memory_space<vmem>>, vector<1x16xf32>,
            %get3A_209 = vector.shape_cast %get3A_208 : vector<1x16xf32> to vector<16xf32>
            %mul3A_210 = arith.mulf %get3A_209, %get3A_185 : vector<16xf32>
            %swap3A_211 = arith.index_cast %add3A_181 : i32 to index
            %swap3A_212 = arith.constant 32 : index
            %swap3A_213 = tpu.vector_load %arg15[%swap3A_211, %swap3A_212] {strides = array<i32>} : memref<200x64xf32, #tpu.memory_space<vmem>>, vector<1x16xf32>,
            %swap3A_214 = vector.shape_cast %swap3A_213 : vector<1x16xf32> to vector<16xf32>
            %swap3A_215 = vector.shape_cast %mul3A_210 : vector<16xf32> to vector<1x16xf32>
            tpu.vector_store %arg15[%swap3A_211, %swap3A_212], %swap3A_215 {strides = array<i32>} : memref<200x64xf32, #tpu.memory_space<vmem>>, vector<1x16xf32>,
            %get3A_216 = arith.index_cast %add3A_181 : i32 to index
            %get3A_217 = arith.constant 48 : index
            %get3A_218 = tpu.vector_load %arg15[%get3A_216, %get3A_217] {strides = array<i32>} : memref<200x64xf32, #tpu.memory_space<vmem>>, vector<1x16xf32>,
            %get3A_219 = vector.shape_cast %get3A_218 : vector<1x16xf32> to vector<16xf32>
            %mul3A_220 = arith.mulf %get3A_219, %get3A_185 : vector<16xf32>
            %swap3A_221 = arith.index_cast %add3A_181 : i32 to index
            %swap3A_222 = arith.constant 48 : index
            %swap3A_223 = tpu.vector_load %arg15[%swap3A_221, %swap3A_222] {strides = array<i32>} : memref<200x64xf32, #tpu.memory_space<vmem>>, vector<1x16xf32>,
            %swap3A_224 = vector.shape_cast %swap3A_223 : vector<1x16xf32> to vector<16xf32>
            %swap3A_225 = vector.shape_cast %mul3A_220 : vector<16xf32> to vector<1x16xf32>
            tpu.vector_store %arg15[%swap3A_221, %swap3A_222], %swap3A_225 {strides = array<i32>} : memref<200x64xf32, #tpu.memory_space<vmem>>, vector<1x16xf32>,
            %mul3A_226 = arith.constant 4 : i32
            %mul3A_227 = arith.muli %scan3A_82, %mul3A_226 : i32
            %add3A_228 = arith.constant 3 : i32
            %add3A_229 = arith.addi %mul3A_227, %add3A_228 : i32
            %get3A_230 = arith.index_cast %add3A_229 : i32 to index
            %get3A_231 = arith.constant 0 : index
            %get3A_232 = tpu.vector_load %arg13[%get3A_230, %get3A_231] {strides = array<i32>} : memref<200x16xf32, #tpu.memory_space<vmem>>, vector<1x16xf32>,
            %get3A_233 = vector.shape_cast %get3A_232 : vector<1x16xf32> to vector<16xf32>
            %get3A_234 = arith.index_cast %add3A_229 : i32 to index
            %get3A_235 = arith.constant 0 : index
            %get3A_236 = tpu.vector_load %arg15[%get3A_234, %get3A_235] {strides = array<i32>} : memref<200x64xf32, #tpu.memory_space<vmem>>, vector<1x16xf32>,
            %get3A_237 = vector.shape_cast %get3A_236 : vector<1x16xf32> to vector<16xf32>
            %mul3A_238 = arith.mulf %get3A_237, %get3A_233 : vector<16xf32>
            %swap3A_239 = arith.index_cast %add3A_229 : i32 to index
            %swap3A_240 = arith.constant 0 : index
            %swap3A_241 = tpu.vector_load %arg15[%swap3A_239, %swap3A_240] {strides = array<i32>} : memref<200x64xf32, #tpu.memory_space<vmem>>, vector<1x16xf32>,
            %swap3A_242 = vector.shape_cast %swap3A_241 : vector<1x16xf32> to vector<16xf32>
            %swap3A_243 = vector.shape_cast %mul3A_238 : vector<16xf32> to vector<1x16xf32>
            tpu.vector_store %arg15[%swap3A_239, %swap3A_240], %swap3A_243 {strides = array<i32>} : memref<200x64xf32, #tpu.memory_space<vmem>>, vector<1x16xf32>,
            %get3A_244 = arith.index_cast %add3A_229 : i32 to index
            %get3A_245 = arith.constant 16 : index
            %get3A_246 = tpu.vector_load %arg15[%get3A_244, %get3A_245] {strides = array<i32>} : memref<200x64xf32, #tpu.memory_space<vmem>>, vector<1x16xf32>,
            %get3A_247 = vector.shape_cast %get3A_246 : vector<1x16xf32> to vector<16xf32>
            %mul3A_248 = arith.mulf %get3A_247, %get3A_233 : vector<16xf32>
            %swap3A_249 = arith.index_cast %add3A_229 : i32 to index
            %swap3A_250 = arith.constant 16 : index
            %swap3A_251 = tpu.vector_load %arg15[%swap3A_249, %swap3A_250] {strides = array<i32>} : memref<200x64xf32, #tpu.memory_space<vmem>>, vector<1x16xf32>,
            %swap3A_252 = vector.shape_cast %swap3A_251 : vector<1x16xf32> to vector<16xf32>
            %swap3A_253 = vector.shape_cast %mul3A_248 : vector<16xf32> to vector<1x16xf32>
            tpu.vector_store %arg15[%swap3A_249, %swap3A_250], %swap3A_253 {strides = array<i32>} : memref<200x64xf32, #tpu.memory_space<vmem>>, vector<1x16xf32>,
            %get3A_254 = arith.index_cast %add3A_229 : i32 to index
            %get3A_255 = arith.constant 32 : index
            %get3A_256 = tpu.vector_load %arg15[%get3A_254, %get3A_255] {strides = array<i32>} : memref<200x64xf32, #tpu.memory_space<vmem>>, vector<1x16xf32>,
            %get3A_257 = vector.shape_cast %get3A_256 : vector<1x16xf32> to vector<16xf32>
            %mul3A_258 = arith.mulf %get3A_257, %get3A_233 : vector<16xf32>
            %swap3A_259 = arith.index_cast %add3A_229 : i32 to index
            %swap3A_260 = arith.constant 32 : index
            %swap3A_261 = tpu.vector_load %arg15[%swap3A_259, %swap3A_260] {strides = array<i32>} : memref<200x64xf32, #tpu.memory_space<vmem>>, vector<1x16xf32>,
            %swap3A_262 = vector.shape_cast %swap3A_261 : vector<1x16xf32> to vector<16xf32>
            %swap3A_263 = vector.shape_cast %mul3A_258 : vector<16xf32> to vector<1x16xf32>
            tpu.vector_store %arg15[%swap3A_259, %swap3A_260], %swap3A_263 {strides = array<i32>} : memref<200x64xf32, #tpu.memory_space<vmem>>, vector<1x16xf32>,
            %get3A_264 = arith.index_cast %add3A_229 : i32 to index
            %get3A_265 = arith.constant 48 : index
            %get3A_266 = tpu.vector_load %arg15[%get3A_264, %get3A_265] {strides = array<i32>} : memref<200x64xf32, #tpu.memory_space<vmem>>, vector<1x16xf32>,
            %get3A_267 = vector.shape_cast %get3A_266 : vector<1x16xf32> to vector<16xf32>
            %mul3A_268 = arith.mulf %get3A_267, %get3A_233 : vector<16xf32>
            %swap3A_269 = arith.index_cast %add3A_229 : i32 to index
            %swap3A_270 = arith.constant 48 : index
            %swap3A_271 = tpu.vector_load %arg15[%swap3A_269, %swap3A_270] {strides = array<i32>} : memref<200x64xf32, #tpu.memory_space<vmem>>, vector<1x16xf32>,
            %swap3A_272 = vector.shape_cast %swap3A_271 : vector<1x16xf32> to vector<16xf32>
            %swap3A_273 = vector.shape_cast %mul3A_268 : vector<16xf32> to vector<1x16xf32>
            tpu.vector_store %arg15[%swap3A_269, %swap3A_270], %swap3A_273 {strides = array<i32>} : memref<200x64xf32, #tpu.memory_space<vmem>>, vector<1x16xf32>,
            %scan3A_274 = arith.constant 0 : i32
            scf.yield %scan3A_274 : i32
          }
          %scan3A_77 = arith.constant 50 : i32
          %dma_start3A_78 = arith.constant 0 : i32
          %dma_start3A_79 = arith.constant 0 : i32
          %dma_start3A_80 = tpu.memref_slice %arg17[%dma_start3A_78, %dma_start3A_79] : memref<10240x64xf32, #tpu.memory_space<vmem_shared>> -> memref<10240x64xf32, #tpu.memory_space<vmem_shared>>
          tpu.enqueue_indirect_dma source(%arg15 : memref<200x64xf32, #tpu.memory_space<vmem>>) target(%dma_start3A_80 : memref<10240x64xf32, #tpu.memory_space<vmem_shared>>) offsets(%arg11 : memref<200xi32, #tpu.memory_space<vmem>>) semaphore(%arg21 : memref<!tpu.dma_semaphore, #tpu.memory_space<semaphore_mem>>) {add = true}
          %scan3A_81 = arith.constant 0 : i32
          scf.yield %scan3A_81 : i32
        }
        %scan3A_26 = arith.constant 50 : i32
        %dma_wait3A = arith.constant 0 : i32
        %dma_wait3A_27 = arith.constant 0 : i32
        %dma_wait3A_28 = tpu.memref_slice %arg17[%dma_wait3A, %dma_wait3A_27] : memref<10240x64xf32, #tpu.memory_space<vmem_shared>> -> memref<10240x64xf32, #tpu.memory_space<vmem_shared>>
        tpu.wait_indirect_dma semaphore(%arg20 : memref<!tpu.dma_semaphore, #tpu.memory_space<semaphore_mem>>) src(%arg14 : memref<200x64xf32, #tpu.memory_space<vmem>>) dst(%dma_wait3A_28 : memref<10240x64xf32, #tpu.memory_space<vmem_shared>>)
        %dma_wait3A_29 = arith.constant 0 : i32
        %dma_wait3A_30 = arith.constant 0 : i32
        %dma_wait3A_31 = tpu.memref_slice %arg17[%dma_wait3A_29, %dma_wait3A_30] : memref<10240x64xf32, #tpu.memory_space<vmem_shared>> -> memref<10240x64xf32, #tpu.memory_space<vmem_shared>>
        tpu.wait_indirect_dma semaphore(%arg21 : memref<!tpu.dma_semaphore, #tpu.memory_space<semaphore_mem>>) src(%arg15 : memref<200x64xf32, #tpu.memory_space<vmem>>) dst(%dma_wait3A_31 : memref<10240x64xf32, #tpu.memory_space<vmem_shared>>)
        %barrier3A_32 = arith.constant 0 : index
        tpu.barrier barrier_id(%barrier3A_32)
        "tpu.region"() ({
          %run_scoped3A = tpu.sem_alloc : memref<!tpu.dma_semaphore, #tpu.memory_space<semaphore_mem>>
          %dma_start3A_34 = arith.constant 0 : i32
          %dma_start3A_35 = tpu.memref_slice %arg7[%add3A, %mul3A_0, %dma_start3A_34] : memref<8x10240x64xf32, #tpu.memory_space<hbm>> -> memref<1x640x64xf32, #tpu.memory_space<hbm>>
          %dma_start3A_36 = tpu.memref_squeeze %dma_start3A_35 : memref<1x640x64xf32, #tpu.memory_space<hbm>> -> memref<640x64xf32, #tpu.memory_space<hbm>>
          %dma_start3A_37 = arith.constant 0 : i32
          %dma_start3A_38 = tpu.memref_slice %arg17[%mul3A_0, %dma_start3A_37] : memref<10240x64xf32, #tpu.memory_space<vmem_shared>> -> memref<640x64xf32, #tpu.memory_space<vmem_shared>>
          tpu.enqueue_dma source(%dma_start3A_38 : memref<640x64xf32, #tpu.memory_space<vmem_shared>>) target(%dma_start3A_36 : memref<640x64xf32, #tpu.memory_space<hbm>>) target_semaphore(%run_scoped3A : memref<!tpu.dma_semaphore, #tpu.memory_space<semaphore_mem>>)
          %dma_wait3A_39 = arith.constant 0 : i32
          %dma_wait3A_40 = tpu.memref_slice %arg7[%add3A, %mul3A_0, %dma_wait3A_39] : memref<8x10240x64xf32, #tpu.memory_space<hbm>> -> memref<1x640x64xf32, #tpu.memory_space<hbm>>
          %dma_wait3A_41 = tpu.memref_squeeze %dma_wait3A_40 : memref<1x640x64xf32, #tpu.memory_space<hbm>> -> memref<640x64xf32, #tpu.memory_space<hbm>>
          %dma_wait3A_42 = arith.constant 0 : i32
          %dma_wait3A_43 = tpu.memref_slice %arg17[%mul3A_0, %dma_wait3A_42] : memref<10240x64xf32, #tpu.memory_space<vmem_shared>> -> memref<640x64xf32, #tpu.memory_space<vmem_shared>>
          tpu.wait_dma2 semaphore(%run_scoped3A : memref<!tpu.dma_semaphore, #tpu.memory_space<semaphore_mem>>) src(%dma_wait3A_43 : memref<640x64xf32, #tpu.memory_space<vmem_shared>>) dst(%dma_wait3A_41 : memref<640x64xf32, #tpu.memory_space<hbm>>)
          tpu.yield
        }) : () -> ()
        %barrier3A_33 = arith.constant 0 : index
        tpu.barrier barrier_id(%barrier3A_33)
      } else {
      }
      %scan3A_15 = arith.constant 0 : i32
      scf.yield %scan3A_15 : i32
    }
    %scan3A_8 = arith.constant 4 : i32
    return
  }
}

#map = affine_map<(d0, d1) -> (0, 0)>
#map1 = affine_map<(d0, d1) -> (0)>
#map2 = affine_map<(d0, d1) -> (0, 0, 0)>
module attributes {stable_mosaic.version = 14 : i64} {
  func.func @body(%arg0: i32, %arg1: i32, %arg2: memref<10240x16xf32, #tpu.memory_space<hbm>>, %arg3: memref<10240x16xf32, #tpu.memory_space<hbm>>, %arg4: memref<1x128xf32, #tpu.memory_space<hbm>>, %arg5: memref<320000xi32, #tpu.memory_space<hbm>>, %arg6: memref<320000xi32, #tpu.memory_space<hbm>>, %arg7: memref<10240x16xf32, #tpu.memory_space<hbm>>, %arg8: memref<2x10240x16xf32, #tpu.memory_space<hbm>>, %arg9: memref<320000x16xf32, #tpu.memory_space<hbm>>, %arg10: memref<400xi32, #tpu.memory_space<vmem>>, %arg11: memref<400xi32, #tpu.memory_space<vmem>>, %arg12: memref<400x16xf32, #tpu.memory_space<vmem>>, %arg13: memref<400x16xf32, #tpu.memory_space<vmem>>, %arg14: memref<400x16xf32, #tpu.memory_space<vmem>>, %arg15: memref<16xf32, #tpu.memory_space<vmem>>, %arg16: memref<10240x16xf32, #tpu.memory_space<vmem_shared>>, %arg17: memref<!tpu.dma_semaphore, #tpu.memory_space<semaphore_mem>>) attributes {dimension_semantics = [#tpu.dimension_semantics<core_parallel>, #tpu.dimension_semantics<subcore_parallel>], iteration_bounds = array<i64: 2, 16>, scalar_prefetch = 0 : i64, scratch_operands = 8 : i64, tpu.core_type = #tpu.core_type<sc_vector_subcore>, window_params = [{transform_indices = #map}, {transform_indices = #map}, {transform_indices = #map}, {transform_indices = #map1}, {transform_indices = #map1}, {transform_indices = #map}, {transform_indices = #map2}, {transform_indices = #map}]} {
    %mul3A = arith.constant 16 : i32
    %mul3A_0 = arith.muli %arg0, %mul3A : i32
    %add3A = arith.addi %mul3A_0, %arg1 : i32
    %mul3A_1 = arith.constant 640 : i32
    %mul3A_2 = arith.muli %arg1, %mul3A_1 : i32
    %run_scoped3A = arith.constant 0 : i32
    "tpu.region"() ({
      %run_scoped3A_12 = tpu.sem_alloc : memref<!tpu.dma_semaphore, #tpu.memory_space<semaphore_mem>>
      %dma_start3A = arith.constant 0 : i32
      %dma_start3A_13 = tpu.memref_slice %arg4[%run_scoped3A, %dma_start3A] : memref<1x128xf32, #tpu.memory_space<hbm>> -> memref<1x16xf32, #tpu.memory_space<hbm>>
      %dma_start3A_14 = tpu.memref_squeeze %dma_start3A_13 : memref<1x16xf32, #tpu.memory_space<hbm>> -> memref<16xf32, #tpu.memory_space<hbm>>
      %dma_start3A_15 = arith.constant 0 : i32
      %dma_start3A_16 = tpu.memref_slice %arg4[%run_scoped3A, %dma_start3A_15] : memref<1x128xf32, #tpu.memory_space<hbm>> -> memref<1x16xf32, #tpu.memory_space<hbm>>
      %dma_start3A_17 = tpu.memref_squeeze %dma_start3A_16 : memref<1x16xf32, #tpu.memory_space<hbm>> -> memref<16xf32, #tpu.memory_space<hbm>>
      tpu.enqueue_dma source(%dma_start3A_17 : memref<16xf32, #tpu.memory_space<hbm>>) target(%arg15 : memref<16xf32, #tpu.memory_space<vmem>>) target_semaphore(%run_scoped3A_12 : memref<!tpu.dma_semaphore, #tpu.memory_space<semaphore_mem>>)
      %dma_wait3A = arith.constant 0 : i32
      %dma_wait3A_18 = tpu.memref_slice %arg4[%run_scoped3A, %dma_wait3A] : memref<1x128xf32, #tpu.memory_space<hbm>> -> memref<1x16xf32, #tpu.memory_space<hbm>>
      %dma_wait3A_19 = tpu.memref_squeeze %dma_wait3A_18 : memref<1x16xf32, #tpu.memory_space<hbm>> -> memref<16xf32, #tpu.memory_space<hbm>>
      %dma_wait3A_20 = arith.constant 0 : i32
      %dma_wait3A_21 = tpu.memref_slice %arg4[%run_scoped3A, %dma_wait3A_20] : memref<1x128xf32, #tpu.memory_space<hbm>> -> memref<1x16xf32, #tpu.memory_space<hbm>>
      %dma_wait3A_22 = tpu.memref_squeeze %dma_wait3A_21 : memref<1x16xf32, #tpu.memory_space<hbm>> -> memref<16xf32, #tpu.memory_space<hbm>>
      tpu.wait_dma2 semaphore(%run_scoped3A_12 : memref<!tpu.dma_semaphore, #tpu.memory_space<semaphore_mem>>) src(%dma_wait3A_22 : memref<16xf32, #tpu.memory_space<hbm>>) dst(%arg15 : memref<16xf32, #tpu.memory_space<vmem>>)
      tpu.yield
    }) : () -> ()
    %get3A = arith.constant 0 : index
    %get3A_3 = tpu.vector_load %arg15[%get3A] {strides = array<i32>} : memref<16xf32, #tpu.memory_space<vmem>>, vector<16xf32>,
    %get3A_4 = vector.shape_cast %get3A_3 : vector<16xf32> to vector<16xf32>
    "tpu.region"() ({
      %run_scoped3A_12 = tpu.sem_alloc : memref<!tpu.dma_semaphore, #tpu.memory_space<semaphore_mem>>
      %dma_start3A = arith.constant 0 : i32
      %dma_start3A_13 = tpu.memref_slice %arg16[%mul3A_2, %dma_start3A] : memref<10240x16xf32, #tpu.memory_space<vmem_shared>> -> memref<640x16xf32, #tpu.memory_space<vmem_shared>>
      %dma_start3A_14 = arith.constant 0 : i32
      %dma_start3A_15 = tpu.memref_slice %arg7[%mul3A_2, %dma_start3A_14] : memref<10240x16xf32, #tpu.memory_space<hbm>> -> memref<640x16xf32, #tpu.memory_space<hbm>>
      tpu.enqueue_dma source(%dma_start3A_15 : memref<640x16xf32, #tpu.memory_space<hbm>>) target(%dma_start3A_13 : memref<640x16xf32, #tpu.memory_space<vmem_shared>>) target_semaphore(%run_scoped3A_12 : memref<!tpu.dma_semaphore, #tpu.memory_space<semaphore_mem>>)
      %dma_wait3A = arith.constant 0 : i32
      %dma_wait3A_16 = tpu.memref_slice %arg16[%mul3A_2, %dma_wait3A] : memref<10240x16xf32, #tpu.memory_space<vmem_shared>> -> memref<640x16xf32, #tpu.memory_space<vmem_shared>>
      %dma_wait3A_17 = arith.constant 0 : i32
      %dma_wait3A_18 = tpu.memref_slice %arg7[%mul3A_2, %dma_wait3A_17] : memref<10240x16xf32, #tpu.memory_space<hbm>> -> memref<640x16xf32, #tpu.memory_space<hbm>>
      tpu.wait_dma2 semaphore(%run_scoped3A_12 : memref<!tpu.dma_semaphore, #tpu.memory_space<semaphore_mem>>) src(%dma_wait3A_18 : memref<640x16xf32, #tpu.memory_space<hbm>>) dst(%dma_wait3A_16 : memref<640x16xf32, #tpu.memory_space<vmem_shared>>)
      tpu.yield
    }) : () -> ()
    %barrier3A = arith.constant 0 : index
    tpu.barrier barrier_id(%barrier3A)
    %scan3A = arith.constant 0 : i32
    %scan3A_5 = arith.constant 0 : i32
    %scan3A_6 = arith.constant 25 : i32
    %scan3A_7 = arith.addi %scan3A_5, %scan3A_6 : i32
    %scan3A_8 = arith.constant 1 : i32
    %scan3A_9 = scf.for %scan3A_12 = %scan3A_5 to %scan3A_7 step %scan3A_8 iter_args(%scan3A_13 = %scan3A) -> (i32)  : i32 {
      %mul3A_14 = arith.constant 10000 : i32
      %mul3A_15 = arith.muli %add3A, %mul3A_14 : i32
      %mul3A_16 = arith.constant 400 : i32
      %mul3A_17 = arith.muli %scan3A_12, %mul3A_16 : i32
      %add3A_18 = arith.addi %mul3A_15, %mul3A_17 : i32
      "tpu.region"() ({
        %run_scoped3A_37 = tpu.sem_alloc : memref<!tpu.dma_semaphore, #tpu.memory_space<semaphore_mem>>
        %dma_start3A_38 = tpu.memref_slice %arg5[%add3A_18] : memref<320000xi32, #tpu.memory_space<hbm>> -> memref<400xi32, #tpu.memory_space<hbm>>
        %dma_start3A_39 = tpu.memref_slice %arg5[%add3A_18] : memref<320000xi32, #tpu.memory_space<hbm>> -> memref<400xi32, #tpu.memory_space<hbm>>
        tpu.enqueue_dma source(%dma_start3A_39 : memref<400xi32, #tpu.memory_space<hbm>>) target(%arg10 : memref<400xi32, #tpu.memory_space<vmem>>) target_semaphore(%run_scoped3A_37 : memref<!tpu.dma_semaphore, #tpu.memory_space<semaphore_mem>>)
        %dma_wait3A_40 = tpu.memref_slice %arg5[%add3A_18] : memref<320000xi32, #tpu.memory_space<hbm>> -> memref<400xi32, #tpu.memory_space<hbm>>
        %dma_wait3A_41 = tpu.memref_slice %arg5[%add3A_18] : memref<320000xi32, #tpu.memory_space<hbm>> -> memref<400xi32, #tpu.memory_space<hbm>>
        tpu.wait_dma2 semaphore(%run_scoped3A_37 : memref<!tpu.dma_semaphore, #tpu.memory_space<semaphore_mem>>) src(%dma_wait3A_41 : memref<400xi32, #tpu.memory_space<hbm>>) dst(%arg10 : memref<400xi32, #tpu.memory_space<vmem>>)
        tpu.yield
      }) : () -> ()
      "tpu.region"() ({
        %run_scoped3A_37 = tpu.sem_alloc : memref<!tpu.dma_semaphore, #tpu.memory_space<semaphore_mem>>
        %dma_start3A_38 = tpu.memref_slice %arg6[%add3A_18] : memref<320000xi32, #tpu.memory_space<hbm>> -> memref<400xi32, #tpu.memory_space<hbm>>
        %dma_start3A_39 = tpu.memref_slice %arg6[%add3A_18] : memref<320000xi32, #tpu.memory_space<hbm>> -> memref<400xi32, #tpu.memory_space<hbm>>
        tpu.enqueue_dma source(%dma_start3A_39 : memref<400xi32, #tpu.memory_space<hbm>>) target(%arg11 : memref<400xi32, #tpu.memory_space<vmem>>) target_semaphore(%run_scoped3A_37 : memref<!tpu.dma_semaphore, #tpu.memory_space<semaphore_mem>>)
        %dma_wait3A_40 = tpu.memref_slice %arg6[%add3A_18] : memref<320000xi32, #tpu.memory_space<hbm>> -> memref<400xi32, #tpu.memory_space<hbm>>
        %dma_wait3A_41 = tpu.memref_slice %arg6[%add3A_18] : memref<320000xi32, #tpu.memory_space<hbm>> -> memref<400xi32, #tpu.memory_space<hbm>>
        tpu.wait_dma2 semaphore(%run_scoped3A_37 : memref<!tpu.dma_semaphore, #tpu.memory_space<semaphore_mem>>) src(%dma_wait3A_41 : memref<400xi32, #tpu.memory_space<hbm>>) dst(%arg11 : memref<400xi32, #tpu.memory_space<vmem>>)
        tpu.yield
      }) : () -> ()
      %dma_start3A = arith.constant 0 : i32
      %dma_start3A_19 = arith.constant 0 : i32
      %dma_start3A_20 = tpu.memref_slice %arg2[%dma_start3A, %dma_start3A_19] : memref<10240x16xf32, #tpu.memory_space<hbm>> -> memref<10240x16xf32, #tpu.memory_space<hbm>>
      tpu.enqueue_indirect_dma source(%dma_start3A_20 : memref<10240x16xf32, #tpu.memory_space<hbm>>) target(%arg12 : memref<400x16xf32, #tpu.memory_space<vmem>>) offsets(%arg10 : memref<400xi32, #tpu.memory_space<vmem>>) semaphore(%arg17 : memref<!tpu.dma_semaphore, #tpu.memory_space<semaphore_mem>>)
      %dma_wait3A = arith.constant 0 : i32
      %dma_wait3A_21 = arith.constant 0 : i32
      %dma_wait3A_22 = tpu.memref_slice %arg2[%dma_wait3A, %dma_wait3A_21] : memref<10240x16xf32, #tpu.memory_space<hbm>> -> memref<10240x16xf32, #tpu.memory_space<hbm>>
      tpu.wait_indirect_dma semaphore(%arg17 : memref<!tpu.dma_semaphore, #tpu.memory_space<semaphore_mem>>) src(%dma_wait3A_22 : memref<10240x16xf32, #tpu.memory_space<hbm>>) dst(%arg12 : memref<400x16xf32, #tpu.memory_space<vmem>>)
      %dma_start3A_23 = arith.constant 0 : i32
      %dma_start3A_24 = arith.constant 0 : i32
      %dma_start3A_25 = tpu.memref_slice %arg3[%dma_start3A_23, %dma_start3A_24] : memref<10240x16xf32, #tpu.memory_space<hbm>> -> memref<10240x16xf32, #tpu.memory_space<hbm>>
      tpu.enqueue_indirect_dma source(%dma_start3A_25 : memref<10240x16xf32, #tpu.memory_space<hbm>>) target(%arg13 : memref<400x16xf32, #tpu.memory_space<vmem>>) offsets(%arg11 : memref<400xi32, #tpu.memory_space<vmem>>) semaphore(%arg17 : memref<!tpu.dma_semaphore, #tpu.memory_space<semaphore_mem>>)
      %dma_wait3A_26 = arith.constant 0 : i32
      %dma_wait3A_27 = arith.constant 0 : i32
      %dma_wait3A_28 = tpu.memref_slice %arg3[%dma_wait3A_26, %dma_wait3A_27] : memref<10240x16xf32, #tpu.memory_space<hbm>> -> memref<10240x16xf32, #tpu.memory_space<hbm>>
      tpu.wait_indirect_dma semaphore(%arg17 : memref<!tpu.dma_semaphore, #tpu.memory_space<semaphore_mem>>) src(%dma_wait3A_28 : memref<10240x16xf32, #tpu.memory_space<hbm>>) dst(%arg13 : memref<400x16xf32, #tpu.memory_space<vmem>>)
      %scan3A_29 = arith.constant 0 : i32
      %scan3A_30 = arith.constant 0 : i32
      %scan3A_31 = arith.constant 400 : i32
      %scan3A_32 = arith.addi %scan3A_30, %scan3A_31 : i32
      %scan3A_33 = arith.constant 1 : i32
      %scan3A_34 = scf.for %scan3A_37 = %scan3A_30 to %scan3A_32 step %scan3A_33 iter_args(%scan3A_38 = %scan3A_29) -> (i32)  : i32 {
        %get3A_39 = arith.index_cast %scan3A_37 : i32 to index
        %get3A_40 = arith.constant 0 : index
        %get3A_41 = tpu.vector_load %arg12[%get3A_39, %get3A_40] {strides = array<i32>} : memref<400x16xf32, #tpu.memory_space<vmem>>, vector<1x16xf32>,
        %get3A_42 = vector.shape_cast %get3A_41 : vector<1x16xf32> to vector<16xf32>
        %get3A_43 = arith.index_cast %scan3A_37 : i32 to index
        %get3A_44 = arith.constant 0 : index
        %get3A_45 = tpu.vector_load %arg13[%get3A_43, %get3A_44] {strides = array<i32>} : memref<400x16xf32, #tpu.memory_space<vmem>>, vector<1x16xf32>,
        %get3A_46 = vector.shape_cast %get3A_45 : vector<1x16xf32> to vector<16xf32>
        %add3A_47 = arith.addf %get3A_42, %get3A_46 : vector<16xf32>
        %ge3A = arith.constant 0.000000e+00 : f32
        %ge3A_48 = vector.broadcast %ge3A : f32 to vector<16xf32>
        %ge3A_49 = arith.cmpf oge, %add3A_47, %ge3A_48 : vector<16xf32>
        %mul3A_50 = arith.constant 2.000000e-01 : f32
        %mul3A_51 = vector.broadcast %mul3A_50 : f32 to vector<16xf32>
        %mul3A_52 = arith.mulf %add3A_47, %mul3A_51 : vector<16xf32>
        %select_n3A = arith.select %ge3A_49, %add3A_47, %mul3A_52 : vector<16xi1>, vector<16xf32>
        %sub3A = arith.subf %select_n3A, %get3A_4 : vector<16xf32>
        %exp3A = math.exp %sub3A : vector<16xf32>
        %swap3A = arith.index_cast %scan3A_37 : i32 to index
        %swap3A_53 = arith.constant 0 : index
        %swap3A_54 = tpu.vector_load %arg14[%swap3A, %swap3A_53] {strides = array<i32>} : memref<400x16xf32, #tpu.memory_space<vmem>>, vector<1x16xf32>,
        %swap3A_55 = vector.shape_cast %swap3A_54 : vector<1x16xf32> to vector<16xf32>
        %swap3A_56 = vector.shape_cast %exp3A : vector<16xf32> to vector<1x16xf32>
        tpu.vector_store %arg14[%swap3A, %swap3A_53], %swap3A_56 {strides = array<i32>} : memref<400x16xf32, #tpu.memory_space<vmem>>, vector<1x16xf32>,
        %scan3A_57 = arith.constant 0 : i32
        scf.yield %scan3A_57 : i32
      }
      %scan3A_35 = arith.constant 400 : i32
      "tpu.region"() ({
        %run_scoped3A_37 = tpu.sem_alloc : memref<!tpu.dma_semaphore, #tpu.memory_space<semaphore_mem>>
        %dma_start3A_38 = arith.constant 0 : i32
        %dma_start3A_39 = arith.constant 0 : i32
        %dma_start3A_40 = tpu.memref_slice %arg16[%dma_start3A_38, %dma_start3A_39] : memref<10240x16xf32, #tpu.memory_space<vmem_shared>> -> memref<10240x16xf32, #tpu.memory_space<vmem_shared>>
        tpu.enqueue_indirect_dma source(%arg14 : memref<400x16xf32, #tpu.memory_space<vmem>>) target(%dma_start3A_40 : memref<10240x16xf32, #tpu.memory_space<vmem_shared>>) offsets(%arg11 : memref<400xi32, #tpu.memory_space<vmem>>) semaphore(%run_scoped3A_37 : memref<!tpu.dma_semaphore, #tpu.memory_space<semaphore_mem>>) {add = true}
        %dma_wait3A_41 = arith.constant 0 : i32
        %dma_wait3A_42 = arith.constant 0 : i32
        %dma_wait3A_43 = tpu.memref_slice %arg16[%dma_wait3A_41, %dma_wait3A_42] : memref<10240x16xf32, #tpu.memory_space<vmem_shared>> -> memref<10240x16xf32, #tpu.memory_space<vmem_shared>>
        tpu.wait_indirect_dma semaphore(%run_scoped3A_37 : memref<!tpu.dma_semaphore, #tpu.memory_space<semaphore_mem>>) src(%arg14 : memref<400x16xf32, #tpu.memory_space<vmem>>) dst(%dma_wait3A_43 : memref<10240x16xf32, #tpu.memory_space<vmem_shared>>)
        tpu.yield
      }) : () -> ()
      "tpu.region"() ({
        %run_scoped3A_37 = tpu.sem_alloc : memref<!tpu.dma_semaphore, #tpu.memory_space<semaphore_mem>>
        %dma_start3A_38 = arith.constant 0 : i32
        %dma_start3A_39 = tpu.memref_slice %arg9[%add3A_18, %dma_start3A_38] : memref<320000x16xf32, #tpu.memory_space<hbm>> -> memref<400x16xf32, #tpu.memory_space<hbm>>
        %dma_start3A_40 = arith.constant 0 : i32
        %dma_start3A_41 = tpu.memref_slice %arg9[%add3A_18, %dma_start3A_40] : memref<320000x16xf32, #tpu.memory_space<hbm>> -> memref<400x16xf32, #tpu.memory_space<hbm>>
        tpu.enqueue_dma source(%arg14 : memref<400x16xf32, #tpu.memory_space<vmem>>) target(%dma_start3A_41 : memref<400x16xf32, #tpu.memory_space<hbm>>) target_semaphore(%run_scoped3A_37 : memref<!tpu.dma_semaphore, #tpu.memory_space<semaphore_mem>>)
        %dma_wait3A_42 = arith.constant 0 : i32
        %dma_wait3A_43 = tpu.memref_slice %arg9[%add3A_18, %dma_wait3A_42] : memref<320000x16xf32, #tpu.memory_space<hbm>> -> memref<400x16xf32, #tpu.memory_space<hbm>>
        %dma_wait3A_44 = arith.constant 0 : i32
        %dma_wait3A_45 = tpu.memref_slice %arg9[%add3A_18, %dma_wait3A_44] : memref<320000x16xf32, #tpu.memory_space<hbm>> -> memref<400x16xf32, #tpu.memory_space<hbm>>
        tpu.wait_dma2 semaphore(%run_scoped3A_37 : memref<!tpu.dma_semaphore, #tpu.memory_space<semaphore_mem>>) src(%arg14 : memref<400x16xf32, #tpu.memory_space<vmem>>) dst(%dma_wait3A_45 : memref<400x16xf32, #tpu.memory_space<hbm>>)
        tpu.yield
      }) : () -> ()
      %scan3A_36 = arith.constant 0 : i32
      scf.yield %scan3A_36 : i32
    }
    %scan3A_10 = arith.constant 25 : i32
    %barrier3A_11 = arith.constant 0 : index
    tpu.barrier barrier_id(%barrier3A_11)
    "tpu.region"() ({
      %run_scoped3A_12 = tpu.sem_alloc : memref<!tpu.dma_semaphore, #tpu.memory_space<semaphore_mem>>
      %dma_start3A = arith.constant 0 : i32
      %dma_start3A_13 = tpu.memref_slice %arg8[%arg0, %mul3A_2, %dma_start3A] : memref<2x10240x16xf32, #tpu.memory_space<hbm>> -> memref<1x640x16xf32, #tpu.memory_space<hbm>>
      %dma_start3A_14 = tpu.memref_squeeze %dma_start3A_13 : memref<1x640x16xf32, #tpu.memory_space<hbm>> -> memref<640x16xf32, #tpu.memory_space<hbm>>
      %dma_start3A_15 = arith.constant 0 : i32
      %dma_start3A_16 = tpu.memref_slice %arg16[%mul3A_2, %dma_start3A_15] : memref<10240x16xf32, #tpu.memory_space<vmem_shared>> -> memref<640x16xf32, #tpu.memory_space<vmem_shared>>
      tpu.enqueue_dma source(%dma_start3A_16 : memref<640x16xf32, #tpu.memory_space<vmem_shared>>) target(%dma_start3A_14 : memref<640x16xf32, #tpu.memory_space<hbm>>) target_semaphore(%run_scoped3A_12 : memref<!tpu.dma_semaphore, #tpu.memory_space<semaphore_mem>>)
      %dma_wait3A = arith.constant 0 : i32
      %dma_wait3A_17 = tpu.memref_slice %arg8[%arg0, %mul3A_2, %dma_wait3A] : memref<2x10240x16xf32, #tpu.memory_space<hbm>> -> memref<1x640x16xf32, #tpu.memory_space<hbm>>
      %dma_wait3A_18 = tpu.memref_squeeze %dma_wait3A_17 : memref<1x640x16xf32, #tpu.memory_space<hbm>> -> memref<640x16xf32, #tpu.memory_space<hbm>>
      %dma_wait3A_19 = arith.constant 0 : i32
      %dma_wait3A_20 = tpu.memref_slice %arg16[%mul3A_2, %dma_wait3A_19] : memref<10240x16xf32, #tpu.memory_space<vmem_shared>> -> memref<640x16xf32, #tpu.memory_space<vmem_shared>>
      tpu.wait_dma2 semaphore(%run_scoped3A_12 : memref<!tpu.dma_semaphore, #tpu.memory_space<semaphore_mem>>) src(%dma_wait3A_20 : memref<640x16xf32, #tpu.memory_space<vmem_shared>>) dst(%dma_wait3A_18 : memref<640x16xf32, #tpu.memory_space<hbm>>)
      tpu.yield
    }) : () -> ()
    return
  }
}

#map = affine_map<(d0, d1) -> (0, 0, 0)>
#map1 = affine_map<(d0, d1) -> (0, 0)>
#map2 = affine_map<(d0, d1) -> (0)>
module attributes {stable_mosaic.version = 14 : i64} {
  func.func @body(%arg0: i32, %arg1: i32, %arg2: memref<1x10240x16xf32, #tpu.memory_space<hbm>>, %arg3: memref<320000x16xf32, #tpu.memory_space<hbm>>, %arg4: memref<320000xi32, #tpu.memory_space<hbm>>, %arg5: memref<320000xi32, #tpu.memory_space<hbm>>, %arg6: memref<10240x16xf32, #tpu.memory_space<hbm>>, %arg7: memref<1x10240x16xf32, #tpu.memory_space<hbm>>, %arg8: memref<200xi32, #tpu.memory_space<vmem>>, %arg9: memref<200xi32, #tpu.memory_space<vmem>>, %arg10: memref<200xi32, #tpu.memory_space<vmem>>, %arg11: memref<200xi32, #tpu.memory_space<vmem>>, %arg12: memref<200x16xf32, #tpu.memory_space<vmem>>, %arg13: memref<200x16xf32, #tpu.memory_space<vmem>>, %arg14: memref<200x16xf32, #tpu.memory_space<vmem>>, %arg15: memref<200x16xf32, #tpu.memory_space<vmem>>, %arg16: memref<10240x16xf32, #tpu.memory_space<vmem_shared>>, %arg17: memref<10240x16xf32, #tpu.memory_space<vmem_shared>>, %arg18: memref<!tpu.dma_semaphore, #tpu.memory_space<semaphore_mem>>, %arg19: memref<!tpu.dma_semaphore, #tpu.memory_space<semaphore_mem>>, %arg20: memref<!tpu.dma_semaphore, #tpu.memory_space<semaphore_mem>>, %arg21: memref<!tpu.dma_semaphore, #tpu.memory_space<semaphore_mem>>) attributes {dimension_semantics = [#tpu.dimension_semantics<core_parallel>, #tpu.dimension_semantics<subcore_parallel>], iteration_bounds = array<i64: 2, 16>, scalar_prefetch = 0 : i64, scratch_operands = 14 : i64, tpu.core_type = #tpu.core_type<sc_vector_subcore>, window_params = [{transform_indices = #map}, {transform_indices = #map1}, {transform_indices = #map2}, {transform_indices = #map2}, {transform_indices = #map1}, {transform_indices = #map}]} {
    %mul3A = arith.constant 640 : i32
    %mul3A_0 = arith.muli %arg1, %mul3A : i32
    %mul3A_1 = arith.constant 20000 : i32
    %mul3A_2 = arith.muli %arg1, %mul3A_1 : i32
    %scan3A = arith.constant 0 : i32
    %scan3A_3 = arith.constant 0 : i32
    %mul3A_4 = arith.constant 1 : i32
    %mul3A_5 = arith.muli %arg0, %mul3A_4 : i32
    %add3A = arith.addi %mul3A_5, %scan3A_3 : i32
    %lt3A = arith.constant 1 : i32
    %lt3A_6 = arith.cmpi slt, %add3A, %lt3A : i32
    %convert_element_type3A = arith.extui %lt3A_6 : i1 to i32
    %cond3A = arith.constant 0 : i32
    %cond3A_7 = arith.cmpi ne, %convert_element_type3A, %cond3A : i32
    scf.if %cond3A_7 {
      "tpu.region"() ({
        %run_scoped3A = tpu.sem_alloc : memref<!tpu.dma_semaphore, #tpu.memory_space<semaphore_mem>>
        %dma_start3A_28 = arith.constant 0 : i32
        %dma_start3A_29 = tpu.memref_slice %arg16[%mul3A_0, %dma_start3A_28] : memref<10240x16xf32, #tpu.memory_space<vmem_shared>> -> memref<640x16xf32, #tpu.memory_space<vmem_shared>>
        %dma_start3A_30 = arith.constant 0 : i32
        %dma_start3A_31 = tpu.memref_slice %arg2[%add3A, %mul3A_0, %dma_start3A_30] : memref<1x10240x16xf32, #tpu.memory_space<hbm>> -> memref<1x640x16xf32, #tpu.memory_space<hbm>>
        %dma_start3A_32 = tpu.memref_squeeze %dma_start3A_31 : memref<1x640x16xf32, #tpu.memory_space<hbm>> -> memref<640x16xf32, #tpu.memory_space<hbm>>
        tpu.enqueue_dma source(%dma_start3A_32 : memref<640x16xf32, #tpu.memory_space<hbm>>) target(%dma_start3A_29 : memref<640x16xf32, #tpu.memory_space<vmem_shared>>) target_semaphore(%run_scoped3A : memref<!tpu.dma_semaphore, #tpu.memory_space<semaphore_mem>>)
        %dma_wait3A_33 = arith.constant 0 : i32
        %dma_wait3A_34 = tpu.memref_slice %arg16[%mul3A_0, %dma_wait3A_33] : memref<10240x16xf32, #tpu.memory_space<vmem_shared>> -> memref<640x16xf32, #tpu.memory_space<vmem_shared>>
        %dma_wait3A_35 = arith.constant 0 : i32
        %dma_wait3A_36 = tpu.memref_slice %arg2[%add3A, %mul3A_0, %dma_wait3A_35] : memref<1x10240x16xf32, #tpu.memory_space<hbm>> -> memref<1x640x16xf32, #tpu.memory_space<hbm>>
        %dma_wait3A_37 = tpu.memref_squeeze %dma_wait3A_36 : memref<1x640x16xf32, #tpu.memory_space<hbm>> -> memref<640x16xf32, #tpu.memory_space<hbm>>
        tpu.wait_dma2 semaphore(%run_scoped3A : memref<!tpu.dma_semaphore, #tpu.memory_space<semaphore_mem>>) src(%dma_wait3A_37 : memref<640x16xf32, #tpu.memory_space<hbm>>) dst(%dma_wait3A_34 : memref<640x16xf32, #tpu.memory_space<vmem_shared>>)
        tpu.yield
      }) : () -> ()
      "tpu.region"() ({
        %run_scoped3A = tpu.sem_alloc : memref<!tpu.dma_semaphore, #tpu.memory_space<semaphore_mem>>
        %dma_start3A_28 = arith.constant 0 : i32
        %dma_start3A_29 = tpu.memref_slice %arg17[%mul3A_0, %dma_start3A_28] : memref<10240x16xf32, #tpu.memory_space<vmem_shared>> -> memref<640x16xf32, #tpu.memory_space<vmem_shared>>
        %dma_start3A_30 = arith.constant 0 : i32
        %dma_start3A_31 = tpu.memref_slice %arg6[%mul3A_0, %dma_start3A_30] : memref<10240x16xf32, #tpu.memory_space<hbm>> -> memref<640x16xf32, #tpu.memory_space<hbm>>
        tpu.enqueue_dma source(%dma_start3A_31 : memref<640x16xf32, #tpu.memory_space<hbm>>) target(%dma_start3A_29 : memref<640x16xf32, #tpu.memory_space<vmem_shared>>) target_semaphore(%run_scoped3A : memref<!tpu.dma_semaphore, #tpu.memory_space<semaphore_mem>>)
        %dma_wait3A_32 = arith.constant 0 : i32
        %dma_wait3A_33 = tpu.memref_slice %arg17[%mul3A_0, %dma_wait3A_32] : memref<10240x16xf32, #tpu.memory_space<vmem_shared>> -> memref<640x16xf32, #tpu.memory_space<vmem_shared>>
        %dma_wait3A_34 = arith.constant 0 : i32
        %dma_wait3A_35 = tpu.memref_slice %arg6[%mul3A_0, %dma_wait3A_34] : memref<10240x16xf32, #tpu.memory_space<hbm>> -> memref<640x16xf32, #tpu.memory_space<hbm>>
        tpu.wait_dma2 semaphore(%run_scoped3A : memref<!tpu.dma_semaphore, #tpu.memory_space<semaphore_mem>>) src(%dma_wait3A_35 : memref<640x16xf32, #tpu.memory_space<hbm>>) dst(%dma_wait3A_33 : memref<640x16xf32, #tpu.memory_space<vmem_shared>>)
        tpu.yield
      }) : () -> ()
      %barrier3A = arith.constant 0 : index
      tpu.barrier barrier_id(%barrier3A)
      %add3A_10 = arith.constant 0 : i32
      %add3A_11 = arith.addi %mul3A_2, %add3A_10 : i32
      "tpu.region"() ({
        %run_scoped3A = tpu.sem_alloc : memref<!tpu.dma_semaphore, #tpu.memory_space<semaphore_mem>>
        %dma_start3A_28 = tpu.memref_slice %arg4[%add3A_11] : memref<320000xi32, #tpu.memory_space<hbm>> -> memref<200xi32, #tpu.memory_space<hbm>>
        %dma_start3A_29 = tpu.memref_slice %arg4[%add3A_11] : memref<320000xi32, #tpu.memory_space<hbm>> -> memref<200xi32, #tpu.memory_space<hbm>>
        tpu.enqueue_dma source(%dma_start3A_29 : memref<200xi32, #tpu.memory_space<hbm>>) target(%arg8 : memref<200xi32, #tpu.memory_space<vmem>>) target_semaphore(%run_scoped3A : memref<!tpu.dma_semaphore, #tpu.memory_space<semaphore_mem>>)
        %dma_wait3A_30 = tpu.memref_slice %arg4[%add3A_11] : memref<320000xi32, #tpu.memory_space<hbm>> -> memref<200xi32, #tpu.memory_space<hbm>>
        %dma_wait3A_31 = tpu.memref_slice %arg4[%add3A_11] : memref<320000xi32, #tpu.memory_space<hbm>> -> memref<200xi32, #tpu.memory_space<hbm>>
        tpu.wait_dma2 semaphore(%run_scoped3A : memref<!tpu.dma_semaphore, #tpu.memory_space<semaphore_mem>>) src(%dma_wait3A_31 : memref<200xi32, #tpu.memory_space<hbm>>) dst(%arg8 : memref<200xi32, #tpu.memory_space<vmem>>)
        tpu.yield
      }) : () -> ()
      "tpu.region"() ({
        %run_scoped3A = tpu.sem_alloc : memref<!tpu.dma_semaphore, #tpu.memory_space<semaphore_mem>>
        %dma_start3A_28 = tpu.memref_slice %arg5[%add3A_11] : memref<320000xi32, #tpu.memory_space<hbm>> -> memref<200xi32, #tpu.memory_space<hbm>>
        %dma_start3A_29 = tpu.memref_slice %arg5[%add3A_11] : memref<320000xi32, #tpu.memory_space<hbm>> -> memref<200xi32, #tpu.memory_space<hbm>>
        tpu.enqueue_dma source(%dma_start3A_29 : memref<200xi32, #tpu.memory_space<hbm>>) target(%arg10 : memref<200xi32, #tpu.memory_space<vmem>>) target_semaphore(%run_scoped3A : memref<!tpu.dma_semaphore, #tpu.memory_space<semaphore_mem>>)
        %dma_wait3A_30 = tpu.memref_slice %arg5[%add3A_11] : memref<320000xi32, #tpu.memory_space<hbm>> -> memref<200xi32, #tpu.memory_space<hbm>>
        %dma_wait3A_31 = tpu.memref_slice %arg5[%add3A_11] : memref<320000xi32, #tpu.memory_space<hbm>> -> memref<200xi32, #tpu.memory_space<hbm>>
        tpu.wait_dma2 semaphore(%run_scoped3A : memref<!tpu.dma_semaphore, #tpu.memory_space<semaphore_mem>>) src(%dma_wait3A_31 : memref<200xi32, #tpu.memory_space<hbm>>) dst(%arg10 : memref<200xi32, #tpu.memory_space<vmem>>)
        tpu.yield
      }) : () -> ()
      "tpu.region"() ({
        %run_scoped3A = tpu.sem_alloc : memref<!tpu.dma_semaphore, #tpu.memory_space<semaphore_mem>>
        %dma_start3A_28 = arith.constant 0 : i32
        %dma_start3A_29 = tpu.memref_slice %arg3[%add3A_11, %dma_start3A_28] : memref<320000x16xf32, #tpu.memory_space<hbm>> -> memref<200x16xf32, #tpu.memory_space<hbm>>
        %dma_start3A_30 = arith.constant 0 : i32
        %dma_start3A_31 = tpu.memref_slice %arg3[%add3A_11, %dma_start3A_30] : memref<320000x16xf32, #tpu.memory_space<hbm>> -> memref<200x16xf32, #tpu.memory_space<hbm>>
        tpu.enqueue_dma source(%dma_start3A_31 : memref<200x16xf32, #tpu.memory_space<hbm>>) target(%arg12 : memref<200x16xf32, #tpu.memory_space<vmem>>) target_semaphore(%run_scoped3A : memref<!tpu.dma_semaphore, #tpu.memory_space<semaphore_mem>>)
        %dma_wait3A_32 = arith.constant 0 : i32
        %dma_wait3A_33 = tpu.memref_slice %arg3[%add3A_11, %dma_wait3A_32] : memref<320000x16xf32, #tpu.memory_space<hbm>> -> memref<200x16xf32, #tpu.memory_space<hbm>>
        %dma_wait3A_34 = arith.constant 0 : i32
        %dma_wait3A_35 = tpu.memref_slice %arg3[%add3A_11, %dma_wait3A_34] : memref<320000x16xf32, #tpu.memory_space<hbm>> -> memref<200x16xf32, #tpu.memory_space<hbm>>
        tpu.wait_dma2 semaphore(%run_scoped3A : memref<!tpu.dma_semaphore, #tpu.memory_space<semaphore_mem>>) src(%dma_wait3A_35 : memref<200x16xf32, #tpu.memory_space<hbm>>) dst(%arg12 : memref<200x16xf32, #tpu.memory_space<vmem>>)
        tpu.yield
      }) : () -> ()
      %dma_start3A = arith.constant 0 : i32
      %dma_start3A_12 = arith.constant 0 : i32
      %dma_start3A_13 = tpu.memref_slice %arg16[%dma_start3A, %dma_start3A_12] : memref<10240x16xf32, #tpu.memory_space<vmem_shared>> -> memref<10240x16xf32, #tpu.memory_space<vmem_shared>>
      tpu.enqueue_indirect_dma source(%dma_start3A_13 : memref<10240x16xf32, #tpu.memory_space<vmem_shared>>) target(%arg14 : memref<200x16xf32, #tpu.memory_space<vmem>>) offsets(%arg8 : memref<200xi32, #tpu.memory_space<vmem>>) semaphore(%arg18 : memref<!tpu.dma_semaphore, #tpu.memory_space<semaphore_mem>>)
      %scan3A_14 = arith.constant 0 : i32
      %scan3A_15 = arith.constant 0 : i32
      %scan3A_16 = arith.constant 50 : i32
      %scan3A_17 = arith.addi %scan3A_15, %scan3A_16 : i32
      %scan3A_18 = arith.constant 1 : i32
      %scan3A_19 = scf.for %scan3A_28 = %scan3A_15 to %scan3A_17 step %scan3A_18 iter_args(%scan3A_29 = %scan3A_14) -> (i32)  : i32 {
        %gt3A = arith.constant 0 : i32
        %gt3A_30 = arith.cmpi sgt, %scan3A_28, %gt3A : i32
        %convert_element_type3A_31 = arith.extui %gt3A_30 : i1 to i32
        %cond3A_32 = arith.constant 0 : i32
        %cond3A_33 = arith.cmpi ne, %convert_element_type3A_31, %cond3A_32 : i32
        scf.if %cond3A_33 {
          %dma_wait3A_76 = arith.constant 0 : i32
          %dma_wait3A_77 = arith.constant 0 : i32
          %dma_wait3A_78 = tpu.memref_slice %arg17[%dma_wait3A_76, %dma_wait3A_77] : memref<10240x16xf32, #tpu.memory_space<vmem_shared>> -> memref<10240x16xf32, #tpu.memory_space<vmem_shared>>
          tpu.wait_indirect_dma semaphore(%arg21 : memref<!tpu.dma_semaphore, #tpu.memory_space<semaphore_mem>>) src(%arg15 : memref<200x16xf32, #tpu.memory_space<vmem>>) dst(%dma_wait3A_78 : memref<10240x16xf32, #tpu.memory_space<vmem_shared>>)
        } else {
        }
        %mul3A_34 = arith.constant 2 : i32
        %mul3A_35 = arith.muli %mul3A_34, %scan3A_28 : i32
        %add3A_36 = arith.constant 1 : i32
        %add3A_37 = arith.addi %mul3A_35, %add3A_36 : i32
        %mul3A_38 = arith.constant 200 : i32
        %mul3A_39 = arith.muli %add3A_37, %mul3A_38 : i32
        %add3A_40 = arith.addi %mul3A_2, %mul3A_39 : i32
        "tpu.region"() ({
          %run_scoped3A = tpu.sem_alloc : memref<!tpu.dma_semaphore, #tpu.memory_space<semaphore_mem>>
          %dma_start3A_76 = tpu.memref_slice %arg4[%add3A_40] : memref<320000xi32, #tpu.memory_space<hbm>> -> memref<200xi32, #tpu.memory_space<hbm>>
          %dma_start3A_77 = tpu.memref_slice %arg4[%add3A_40] : memref<320000xi32, #tpu.memory_space<hbm>> -> memref<200xi32, #tpu.memory_space<hbm>>
          tpu.enqueue_dma source(%dma_start3A_77 : memref<200xi32, #tpu.memory_space<hbm>>) target(%arg9 : memref<200xi32, #tpu.memory_space<vmem>>) target_semaphore(%run_scoped3A : memref<!tpu.dma_semaphore, #tpu.memory_space<semaphore_mem>>)
          %dma_wait3A_78 = tpu.memref_slice %arg4[%add3A_40] : memref<320000xi32, #tpu.memory_space<hbm>> -> memref<200xi32, #tpu.memory_space<hbm>>
          %dma_wait3A_79 = tpu.memref_slice %arg4[%add3A_40] : memref<320000xi32, #tpu.memory_space<hbm>> -> memref<200xi32, #tpu.memory_space<hbm>>
          tpu.wait_dma2 semaphore(%run_scoped3A : memref<!tpu.dma_semaphore, #tpu.memory_space<semaphore_mem>>) src(%dma_wait3A_79 : memref<200xi32, #tpu.memory_space<hbm>>) dst(%arg9 : memref<200xi32, #tpu.memory_space<vmem>>)
          tpu.yield
        }) : () -> ()
        "tpu.region"() ({
          %run_scoped3A = tpu.sem_alloc : memref<!tpu.dma_semaphore, #tpu.memory_space<semaphore_mem>>
          %dma_start3A_76 = tpu.memref_slice %arg5[%add3A_40] : memref<320000xi32, #tpu.memory_space<hbm>> -> memref<200xi32, #tpu.memory_space<hbm>>
          %dma_start3A_77 = tpu.memref_slice %arg5[%add3A_40] : memref<320000xi32, #tpu.memory_space<hbm>> -> memref<200xi32, #tpu.memory_space<hbm>>
          tpu.enqueue_dma source(%dma_start3A_77 : memref<200xi32, #tpu.memory_space<hbm>>) target(%arg11 : memref<200xi32, #tpu.memory_space<vmem>>) target_semaphore(%run_scoped3A : memref<!tpu.dma_semaphore, #tpu.memory_space<semaphore_mem>>)
          %dma_wait3A_78 = tpu.memref_slice %arg5[%add3A_40] : memref<320000xi32, #tpu.memory_space<hbm>> -> memref<200xi32, #tpu.memory_space<hbm>>
          %dma_wait3A_79 = tpu.memref_slice %arg5[%add3A_40] : memref<320000xi32, #tpu.memory_space<hbm>> -> memref<200xi32, #tpu.memory_space<hbm>>
          tpu.wait_dma2 semaphore(%run_scoped3A : memref<!tpu.dma_semaphore, #tpu.memory_space<semaphore_mem>>) src(%dma_wait3A_79 : memref<200xi32, #tpu.memory_space<hbm>>) dst(%arg11 : memref<200xi32, #tpu.memory_space<vmem>>)
          tpu.yield
        }) : () -> ()
        "tpu.region"() ({
          %run_scoped3A = tpu.sem_alloc : memref<!tpu.dma_semaphore, #tpu.memory_space<semaphore_mem>>
          %dma_start3A_76 = arith.constant 0 : i32
          %dma_start3A_77 = tpu.memref_slice %arg3[%add3A_40, %dma_start3A_76] : memref<320000x16xf32, #tpu.memory_space<hbm>> -> memref<200x16xf32, #tpu.memory_space<hbm>>
          %dma_start3A_78 = arith.constant 0 : i32
          %dma_start3A_79 = tpu.memref_slice %arg3[%add3A_40, %dma_start3A_78] : memref<320000x16xf32, #tpu.memory_space<hbm>> -> memref<200x16xf32, #tpu.memory_space<hbm>>
          tpu.enqueue_dma source(%dma_start3A_79 : memref<200x16xf32, #tpu.memory_space<hbm>>) target(%arg13 : memref<200x16xf32, #tpu.memory_space<vmem>>) target_semaphore(%run_scoped3A : memref<!tpu.dma_semaphore, #tpu.memory_space<semaphore_mem>>)
          %dma_wait3A_80 = arith.constant 0 : i32
          %dma_wait3A_81 = tpu.memref_slice %arg3[%add3A_40, %dma_wait3A_80] : memref<320000x16xf32, #tpu.memory_space<hbm>> -> memref<200x16xf32, #tpu.memory_space<hbm>>
          %dma_wait3A_82 = arith.constant 0 : i32
          %dma_wait3A_83 = tpu.memref_slice %arg3[%add3A_40, %dma_wait3A_82] : memref<320000x16xf32, #tpu.memory_space<hbm>> -> memref<200x16xf32, #tpu.memory_space<hbm>>
          tpu.wait_dma2 semaphore(%run_scoped3A : memref<!tpu.dma_semaphore, #tpu.memory_space<semaphore_mem>>) src(%dma_wait3A_83 : memref<200x16xf32, #tpu.memory_space<hbm>>) dst(%arg13 : memref<200x16xf32, #tpu.memory_space<vmem>>)
          tpu.yield
        }) : () -> ()
        %dma_start3A_41 = arith.constant 0 : i32
        %dma_start3A_42 = arith.constant 0 : i32
        %dma_start3A_43 = tpu.memref_slice %arg16[%dma_start3A_41, %dma_start3A_42] : memref<10240x16xf32, #tpu.memory_space<vmem_shared>> -> memref<10240x16xf32, #tpu.memory_space<vmem_shared>>
        tpu.enqueue_indirect_dma source(%dma_start3A_43 : memref<10240x16xf32, #tpu.memory_space<vmem_shared>>) target(%arg15 : memref<200x16xf32, #tpu.memory_space<vmem>>) offsets(%arg9 : memref<200xi32, #tpu.memory_space<vmem>>) semaphore(%arg19 : memref<!tpu.dma_semaphore, #tpu.memory_space<semaphore_mem>>)
        %dma_wait3A_44 = arith.constant 0 : i32
        %dma_wait3A_45 = arith.constant 0 : i32
        %dma_wait3A_46 = tpu.memref_slice %arg16[%dma_wait3A_44, %dma_wait3A_45] : memref<10240x16xf32, #tpu.memory_space<vmem_shared>> -> memref<10240x16xf32, #tpu.memory_space<vmem_shared>>
        tpu.wait_indirect_dma semaphore(%arg18 : memref<!tpu.dma_semaphore, #tpu.memory_space<semaphore_mem>>) src(%dma_wait3A_46 : memref<10240x16xf32, #tpu.memory_space<vmem_shared>>) dst(%arg14 : memref<200x16xf32, #tpu.memory_space<vmem>>)
        %scan3A_47 = arith.constant 0 : i32
        %scan3A_48 = arith.constant 0 : i32
        %scan3A_49 = arith.constant 50 : i32
        %scan3A_50 = arith.addi %scan3A_48, %scan3A_49 : i32
        %scan3A_51 = arith.constant 1 : i32
        %scan3A_52 = scf.for %scan3A_76 = %scan3A_48 to %scan3A_50 step %scan3A_51 iter_args(%scan3A_77 = %scan3A_47) -> (i32)  : i32 {
          %mul3A_78 = arith.constant 4 : i32
          %mul3A_79 = arith.muli %scan3A_76, %mul3A_78 : i32
          %add3A_80 = arith.constant 0 : i32
          %add3A_81 = arith.addi %mul3A_79, %add3A_80 : i32
          %get3A = arith.index_cast %add3A_81 : i32 to index
          %get3A_82 = arith.constant 0 : index
          %get3A_83 = tpu.vector_load %arg12[%get3A, %get3A_82] {strides = array<i32>} : memref<200x16xf32, #tpu.memory_space<vmem>>, vector<1x16xf32>,
          %get3A_84 = vector.shape_cast %get3A_83 : vector<1x16xf32> to vector<16xf32>
          %get3A_85 = arith.index_cast %add3A_81 : i32 to index
          %get3A_86 = arith.constant 0 : index
          %get3A_87 = tpu.vector_load %arg14[%get3A_85, %get3A_86] {strides = array<i32>} : memref<200x16xf32, #tpu.memory_space<vmem>>, vector<1x16xf32>,
          %get3A_88 = vector.shape_cast %get3A_87 : vector<1x16xf32> to vector<16xf32>
          %mul3A_89 = arith.mulf %get3A_88, %get3A_84 : vector<16xf32>
          %swap3A = arith.index_cast %add3A_81 : i32 to index
          %swap3A_90 = arith.constant 0 : index
          %swap3A_91 = tpu.vector_load %arg14[%swap3A, %swap3A_90] {strides = array<i32>} : memref<200x16xf32, #tpu.memory_space<vmem>>, vector<1x16xf32>,
          %swap3A_92 = vector.shape_cast %swap3A_91 : vector<1x16xf32> to vector<16xf32>
          %swap3A_93 = vector.shape_cast %mul3A_89 : vector<16xf32> to vector<1x16xf32>
          tpu.vector_store %arg14[%swap3A, %swap3A_90], %swap3A_93 {strides = array<i32>} : memref<200x16xf32, #tpu.memory_space<vmem>>, vector<1x16xf32>,
          %mul3A_94 = arith.constant 4 : i32
          %mul3A_95 = arith.muli %scan3A_76, %mul3A_94 : i32
          %add3A_96 = arith.constant 1 : i32
          %add3A_97 = arith.addi %mul3A_95, %add3A_96 : i32
          %get3A_98 = arith.index_cast %add3A_97 : i32 to index
          %get3A_99 = arith.constant 0 : index
          %get3A_100 = tpu.vector_load %arg12[%get3A_98, %get3A_99] {strides = array<i32>} : memref<200x16xf32, #tpu.memory_space<vmem>>, vector<1x16xf32>,
          %get3A_101 = vector.shape_cast %get3A_100 : vector<1x16xf32> to vector<16xf32>
          %get3A_102 = arith.index_cast %add3A_97 : i32 to index
          %get3A_103 = arith.constant 0 : index
          %get3A_104 = tpu.vector_load %arg14[%get3A_102, %get3A_103] {strides = array<i32>} : memref<200x16xf32, #tpu.memory_space<vmem>>, vector<1x16xf32>,
          %get3A_105 = vector.shape_cast %get3A_104 : vector<1x16xf32> to vector<16xf32>
          %mul3A_106 = arith.mulf %get3A_105, %get3A_101 : vector<16xf32>
          %swap3A_107 = arith.index_cast %add3A_97 : i32 to index
          %swap3A_108 = arith.constant 0 : index
          %swap3A_109 = tpu.vector_load %arg14[%swap3A_107, %swap3A_108] {strides = array<i32>} : memref<200x16xf32, #tpu.memory_space<vmem>>, vector<1x16xf32>,
          %swap3A_110 = vector.shape_cast %swap3A_109 : vector<1x16xf32> to vector<16xf32>
          %swap3A_111 = vector.shape_cast %mul3A_106 : vector<16xf32> to vector<1x16xf32>
          tpu.vector_store %arg14[%swap3A_107, %swap3A_108], %swap3A_111 {strides = array<i32>} : memref<200x16xf32, #tpu.memory_space<vmem>>, vector<1x16xf32>,
          %mul3A_112 = arith.constant 4 : i32
          %mul3A_113 = arith.muli %scan3A_76, %mul3A_112 : i32
          %add3A_114 = arith.constant 2 : i32
          %add3A_115 = arith.addi %mul3A_113, %add3A_114 : i32
          %get3A_116 = arith.index_cast %add3A_115 : i32 to index
          %get3A_117 = arith.constant 0 : index
          %get3A_118 = tpu.vector_load %arg12[%get3A_116, %get3A_117] {strides = array<i32>} : memref<200x16xf32, #tpu.memory_space<vmem>>, vector<1x16xf32>,
          %get3A_119 = vector.shape_cast %get3A_118 : vector<1x16xf32> to vector<16xf32>
          %get3A_120 = arith.index_cast %add3A_115 : i32 to index
          %get3A_121 = arith.constant 0 : index
          %get3A_122 = tpu.vector_load %arg14[%get3A_120, %get3A_121] {strides = array<i32>} : memref<200x16xf32, #tpu.memory_space<vmem>>, vector<1x16xf32>,
          %get3A_123 = vector.shape_cast %get3A_122 : vector<1x16xf32> to vector<16xf32>
          %mul3A_124 = arith.mulf %get3A_123, %get3A_119 : vector<16xf32>
          %swap3A_125 = arith.index_cast %add3A_115 : i32 to index
          %swap3A_126 = arith.constant 0 : index
          %swap3A_127 = tpu.vector_load %arg14[%swap3A_125, %swap3A_126] {strides = array<i32>} : memref<200x16xf32, #tpu.memory_space<vmem>>, vector<1x16xf32>,
          %swap3A_128 = vector.shape_cast %swap3A_127 : vector<1x16xf32> to vector<16xf32>
          %swap3A_129 = vector.shape_cast %mul3A_124 : vector<16xf32> to vector<1x16xf32>
          tpu.vector_store %arg14[%swap3A_125, %swap3A_126], %swap3A_129 {strides = array<i32>} : memref<200x16xf32, #tpu.memory_space<vmem>>, vector<1x16xf32>,
          %mul3A_130 = arith.constant 4 : i32
          %mul3A_131 = arith.muli %scan3A_76, %mul3A_130 : i32
          %add3A_132 = arith.constant 3 : i32
          %add3A_133 = arith.addi %mul3A_131, %add3A_132 : i32
          %get3A_134 = arith.index_cast %add3A_133 : i32 to index
          %get3A_135 = arith.constant 0 : index
          %get3A_136 = tpu.vector_load %arg12[%get3A_134, %get3A_135] {strides = array<i32>} : memref<200x16xf32, #tpu.memory_space<vmem>>, vector<1x16xf32>,
          %get3A_137 = vector.shape_cast %get3A_136 : vector<1x16xf32> to vector<16xf32>
          %get3A_138 = arith.index_cast %add3A_133 : i32 to index
          %get3A_139 = arith.constant 0 : index
          %get3A_140 = tpu.vector_load %arg14[%get3A_138, %get3A_139] {strides = array<i32>} : memref<200x16xf32, #tpu.memory_space<vmem>>, vector<1x16xf32>,
          %get3A_141 = vector.shape_cast %get3A_140 : vector<1x16xf32> to vector<16xf32>
          %mul3A_142 = arith.mulf %get3A_141, %get3A_137 : vector<16xf32>
          %swap3A_143 = arith.index_cast %add3A_133 : i32 to index
          %swap3A_144 = arith.constant 0 : index
          %swap3A_145 = tpu.vector_load %arg14[%swap3A_143, %swap3A_144] {strides = array<i32>} : memref<200x16xf32, #tpu.memory_space<vmem>>, vector<1x16xf32>,
          %swap3A_146 = vector.shape_cast %swap3A_145 : vector<1x16xf32> to vector<16xf32>
          %swap3A_147 = vector.shape_cast %mul3A_142 : vector<16xf32> to vector<1x16xf32>
          tpu.vector_store %arg14[%swap3A_143, %swap3A_144], %swap3A_147 {strides = array<i32>} : memref<200x16xf32, #tpu.memory_space<vmem>>, vector<1x16xf32>,
          %scan3A_148 = arith.constant 0 : i32
          scf.yield %scan3A_148 : i32
        }
        %scan3A_53 = arith.constant 50 : i32
        %dma_start3A_54 = arith.constant 0 : i32
        %dma_start3A_55 = arith.constant 0 : i32
        %dma_start3A_56 = tpu.memref_slice %arg17[%dma_start3A_54, %dma_start3A_55] : memref<10240x16xf32, #tpu.memory_space<vmem_shared>> -> memref<10240x16xf32, #tpu.memory_space<vmem_shared>>
        tpu.enqueue_indirect_dma source(%arg14 : memref<200x16xf32, #tpu.memory_space<vmem>>) target(%dma_start3A_56 : memref<10240x16xf32, #tpu.memory_space<vmem_shared>>) offsets(%arg10 : memref<200xi32, #tpu.memory_space<vmem>>) semaphore(%arg20 : memref<!tpu.dma_semaphore, #tpu.memory_space<semaphore_mem>>) {add = true}
        %lt3A_57 = arith.constant 49 : i32
        %lt3A_58 = arith.cmpi slt, %scan3A_28, %lt3A_57 : i32
        %convert_element_type3A_59 = arith.extui %lt3A_58 : i1 to i32
        %cond3A_60 = arith.constant 0 : i32
        %cond3A_61 = arith.cmpi ne, %convert_element_type3A_59, %cond3A_60 : i32
        scf.if %cond3A_61 {
          %dma_wait3A_76 = arith.constant 0 : i32
          %dma_wait3A_77 = arith.constant 0 : i32
          %dma_wait3A_78 = tpu.memref_slice %arg17[%dma_wait3A_76, %dma_wait3A_77] : memref<10240x16xf32, #tpu.memory_space<vmem_shared>> -> memref<10240x16xf32, #tpu.memory_space<vmem_shared>>
          tpu.wait_indirect_dma semaphore(%arg20 : memref<!tpu.dma_semaphore, #tpu.memory_space<semaphore_mem>>) src(%arg14 : memref<200x16xf32, #tpu.memory_space<vmem>>) dst(%dma_wait3A_78 : memref<10240x16xf32, #tpu.memory_space<vmem_shared>>)
          %mul3A_79 = arith.constant 2 : i32
          %mul3A_80 = arith.muli %mul3A_79, %scan3A_28 : i32
          %add3A_81 = arith.constant 2 : i32
          %add3A_82 = arith.addi %mul3A_80, %add3A_81 : i32
          %mul3A_83 = arith.constant 200 : i32
          %mul3A_84 = arith.muli %add3A_82, %mul3A_83 : i32
          %add3A_85 = arith.addi %mul3A_2, %mul3A_84 : i32
          "tpu.region"() ({
            %run_scoped3A = tpu.sem_alloc : memref<!tpu.dma_semaphore, #tpu.memory_space<semaphore_mem>>
            %dma_start3A_89 = tpu.memref_slice %arg4[%add3A_85] : memref<320000xi32, #tpu.memory_space<hbm>> -> memref<200xi32, #tpu.memory_space<hbm>>
            %dma_start3A_90 = tpu.memref_slice %arg4[%add3A_85] : memref<320000xi32, #tpu.memory_space<hbm>> -> memref<200xi32, #tpu.memory_space<hbm>>
            tpu.enqueue_dma source(%dma_start3A_90 : memref<200xi32, #tpu.memory_space<hbm>>) target(%arg8 : memref<200xi32, #tpu.memory_space<vmem>>) target_semaphore(%run_scoped3A : memref<!tpu.dma_semaphore, #tpu.memory_space<semaphore_mem>>)
            %dma_wait3A_91 = tpu.memref_slice %arg4[%add3A_85] : memref<320000xi32, #tpu.memory_space<hbm>> -> memref<200xi32, #tpu.memory_space<hbm>>
            %dma_wait3A_92 = tpu.memref_slice %arg4[%add3A_85] : memref<320000xi32, #tpu.memory_space<hbm>> -> memref<200xi32, #tpu.memory_space<hbm>>
            tpu.wait_dma2 semaphore(%run_scoped3A : memref<!tpu.dma_semaphore, #tpu.memory_space<semaphore_mem>>) src(%dma_wait3A_92 : memref<200xi32, #tpu.memory_space<hbm>>) dst(%arg8 : memref<200xi32, #tpu.memory_space<vmem>>)
            tpu.yield
          }) : () -> ()
          "tpu.region"() ({
            %run_scoped3A = tpu.sem_alloc : memref<!tpu.dma_semaphore, #tpu.memory_space<semaphore_mem>>
            %dma_start3A_89 = tpu.memref_slice %arg5[%add3A_85] : memref<320000xi32, #tpu.memory_space<hbm>> -> memref<200xi32, #tpu.memory_space<hbm>>
            %dma_start3A_90 = tpu.memref_slice %arg5[%add3A_85] : memref<320000xi32, #tpu.memory_space<hbm>> -> memref<200xi32, #tpu.memory_space<hbm>>
            tpu.enqueue_dma source(%dma_start3A_90 : memref<200xi32, #tpu.memory_space<hbm>>) target(%arg10 : memref<200xi32, #tpu.memory_space<vmem>>) target_semaphore(%run_scoped3A : memref<!tpu.dma_semaphore, #tpu.memory_space<semaphore_mem>>)
            %dma_wait3A_91 = tpu.memref_slice %arg5[%add3A_85] : memref<320000xi32, #tpu.memory_space<hbm>> -> memref<200xi32, #tpu.memory_space<hbm>>
            %dma_wait3A_92 = tpu.memref_slice %arg5[%add3A_85] : memref<320000xi32, #tpu.memory_space<hbm>> -> memref<200xi32, #tpu.memory_space<hbm>>
            tpu.wait_dma2 semaphore(%run_scoped3A : memref<!tpu.dma_semaphore, #tpu.memory_space<semaphore_mem>>) src(%dma_wait3A_92 : memref<200xi32, #tpu.memory_space<hbm>>) dst(%arg10 : memref<200xi32, #tpu.memory_space<vmem>>)
            tpu.yield
          }) : () -> ()
          "tpu.region"() ({
            %run_scoped3A = tpu.sem_alloc : memref<!tpu.dma_semaphore, #tpu.memory_space<semaphore_mem>>
            %dma_start3A_89 = arith.constant 0 : i32
            %dma_start3A_90 = tpu.memref_slice %arg3[%add3A_85, %dma_start3A_89] : memref<320000x16xf32, #tpu.memory_space<hbm>> -> memref<200x16xf32, #tpu.memory_space<hbm>>
            %dma_start3A_91 = arith.constant 0 : i32
            %dma_start3A_92 = tpu.memref_slice %arg3[%add3A_85, %dma_start3A_91] : memref<320000x16xf32, #tpu.memory_space<hbm>> -> memref<200x16xf32, #tpu.memory_space<hbm>>
            tpu.enqueue_dma source(%dma_start3A_92 : memref<200x16xf32, #tpu.memory_space<hbm>>) target(%arg12 : memref<200x16xf32, #tpu.memory_space<vmem>>) target_semaphore(%run_scoped3A : memref<!tpu.dma_semaphore, #tpu.memory_space<semaphore_mem>>)
            %dma_wait3A_93 = arith.constant 0 : i32
            %dma_wait3A_94 = tpu.memref_slice %arg3[%add3A_85, %dma_wait3A_93] : memref<320000x16xf32, #tpu.memory_space<hbm>> -> memref<200x16xf32, #tpu.memory_space<hbm>>
            %dma_wait3A_95 = arith.constant 0 : i32
            %dma_wait3A_96 = tpu.memref_slice %arg3[%add3A_85, %dma_wait3A_95] : memref<320000x16xf32, #tpu.memory_space<hbm>> -> memref<200x16xf32, #tpu.memory_space<hbm>>
            tpu.wait_dma2 semaphore(%run_scoped3A : memref<!tpu.dma_semaphore, #tpu.memory_space<semaphore_mem>>) src(%dma_wait3A_96 : memref<200x16xf32, #tpu.memory_space<hbm>>) dst(%arg12 : memref<200x16xf32, #tpu.memory_space<vmem>>)
            tpu.yield
          }) : () -> ()
          %dma_start3A_86 = arith.constant 0 : i32
          %dma_start3A_87 = arith.constant 0 : i32
          %dma_start3A_88 = tpu.memref_slice %arg16[%dma_start3A_86, %dma_start3A_87] : memref<10240x16xf32, #tpu.memory_space<vmem_shared>> -> memref<10240x16xf32, #tpu.memory_space<vmem_shared>>
          tpu.enqueue_indirect_dma source(%dma_start3A_88 : memref<10240x16xf32, #tpu.memory_space<vmem_shared>>) target(%arg14 : memref<200x16xf32, #tpu.memory_space<vmem>>) offsets(%arg8 : memref<200xi32, #tpu.memory_space<vmem>>) semaphore(%arg18 : memref<!tpu.dma_semaphore, #tpu.memory_space<semaphore_mem>>)
        } else {
        }
        %dma_wait3A_62 = arith.constant 0 : i32
        %dma_wait3A_63 = arith.constant 0 : i32
        %dma_wait3A_64 = tpu.memref_slice %arg16[%dma_wait3A_62, %dma_wait3A_63] : memref<10240x16xf32, #tpu.memory_space<vmem_shared>> -> memref<10240x16xf32, #tpu.memory_space<vmem_shared>>
        tpu.wait_indirect_dma semaphore(%arg19 : memref<!tpu.dma_semaphore, #tpu.memory_space<semaphore_mem>>) src(%dma_wait3A_64 : memref<10240x16xf32, #tpu.memory_space<vmem_shared>>) dst(%arg15 : memref<200x16xf32, #tpu.memory_space<vmem>>)
        %scan3A_65 = arith.constant 0 : i32
        %scan3A_66 = arith.constant 0 : i32
        %scan3A_67 = arith.constant 50 : i32
        %scan3A_68 = arith.addi %scan3A_66, %scan3A_67 : i32
        %scan3A_69 = arith.constant 1 : i32
        %scan3A_70 = scf.for %scan3A_76 = %scan3A_66 to %scan3A_68 step %scan3A_69 iter_args(%scan3A_77 = %scan3A_65) -> (i32)  : i32 {
          %mul3A_78 = arith.constant 4 : i32
          %mul3A_79 = arith.muli %scan3A_76, %mul3A_78 : i32
          %add3A_80 = arith.constant 0 : i32
          %add3A_81 = arith.addi %mul3A_79, %add3A_80 : i32
          %get3A = arith.index_cast %add3A_81 : i32 to index
          %get3A_82 = arith.constant 0 : index
          %get3A_83 = tpu.vector_load %arg13[%get3A, %get3A_82] {strides = array<i32>} : memref<200x16xf32, #tpu.memory_space<vmem>>, vector<1x16xf32>,
          %get3A_84 = vector.shape_cast %get3A_83 : vector<1x16xf32> to vector<16xf32>
          %get3A_85 = arith.index_cast %add3A_81 : i32 to index
          %get3A_86 = arith.constant 0 : index
          %get3A_87 = tpu.vector_load %arg15[%get3A_85, %get3A_86] {strides = array<i32>} : memref<200x16xf32, #tpu.memory_space<vmem>>, vector<1x16xf32>,
          %get3A_88 = vector.shape_cast %get3A_87 : vector<1x16xf32> to vector<16xf32>
          %mul3A_89 = arith.mulf %get3A_88, %get3A_84 : vector<16xf32>
          %swap3A = arith.index_cast %add3A_81 : i32 to index
          %swap3A_90 = arith.constant 0 : index
          %swap3A_91 = tpu.vector_load %arg15[%swap3A, %swap3A_90] {strides = array<i32>} : memref<200x16xf32, #tpu.memory_space<vmem>>, vector<1x16xf32>,
          %swap3A_92 = vector.shape_cast %swap3A_91 : vector<1x16xf32> to vector<16xf32>
          %swap3A_93 = vector.shape_cast %mul3A_89 : vector<16xf32> to vector<1x16xf32>
          tpu.vector_store %arg15[%swap3A, %swap3A_90], %swap3A_93 {strides = array<i32>} : memref<200x16xf32, #tpu.memory_space<vmem>>, vector<1x16xf32>,
          %mul3A_94 = arith.constant 4 : i32
          %mul3A_95 = arith.muli %scan3A_76, %mul3A_94 : i32
          %add3A_96 = arith.constant 1 : i32
          %add3A_97 = arith.addi %mul3A_95, %add3A_96 : i32
          %get3A_98 = arith.index_cast %add3A_97 : i32 to index
          %get3A_99 = arith.constant 0 : index
          %get3A_100 = tpu.vector_load %arg13[%get3A_98, %get3A_99] {strides = array<i32>} : memref<200x16xf32, #tpu.memory_space<vmem>>, vector<1x16xf32>,
          %get3A_101 = vector.shape_cast %get3A_100 : vector<1x16xf32> to vector<16xf32>
          %get3A_102 = arith.index_cast %add3A_97 : i32 to index
          %get3A_103 = arith.constant 0 : index
          %get3A_104 = tpu.vector_load %arg15[%get3A_102, %get3A_103] {strides = array<i32>} : memref<200x16xf32, #tpu.memory_space<vmem>>, vector<1x16xf32>,
          %get3A_105 = vector.shape_cast %get3A_104 : vector<1x16xf32> to vector<16xf32>
          %mul3A_106 = arith.mulf %get3A_105, %get3A_101 : vector<16xf32>
          %swap3A_107 = arith.index_cast %add3A_97 : i32 to index
          %swap3A_108 = arith.constant 0 : index
          %swap3A_109 = tpu.vector_load %arg15[%swap3A_107, %swap3A_108] {strides = array<i32>} : memref<200x16xf32, #tpu.memory_space<vmem>>, vector<1x16xf32>,
          %swap3A_110 = vector.shape_cast %swap3A_109 : vector<1x16xf32> to vector<16xf32>
          %swap3A_111 = vector.shape_cast %mul3A_106 : vector<16xf32> to vector<1x16xf32>
          tpu.vector_store %arg15[%swap3A_107, %swap3A_108], %swap3A_111 {strides = array<i32>} : memref<200x16xf32, #tpu.memory_space<vmem>>, vector<1x16xf32>,
          %mul3A_112 = arith.constant 4 : i32
          %mul3A_113 = arith.muli %scan3A_76, %mul3A_112 : i32
          %add3A_114 = arith.constant 2 : i32
          %add3A_115 = arith.addi %mul3A_113, %add3A_114 : i32
          %get3A_116 = arith.index_cast %add3A_115 : i32 to index
          %get3A_117 = arith.constant 0 : index
          %get3A_118 = tpu.vector_load %arg13[%get3A_116, %get3A_117] {strides = array<i32>} : memref<200x16xf32, #tpu.memory_space<vmem>>, vector<1x16xf32>,
          %get3A_119 = vector.shape_cast %get3A_118 : vector<1x16xf32> to vector<16xf32>
          %get3A_120 = arith.index_cast %add3A_115 : i32 to index
          %get3A_121 = arith.constant 0 : index
          %get3A_122 = tpu.vector_load %arg15[%get3A_120, %get3A_121] {strides = array<i32>} : memref<200x16xf32, #tpu.memory_space<vmem>>, vector<1x16xf32>,
          %get3A_123 = vector.shape_cast %get3A_122 : vector<1x16xf32> to vector<16xf32>
          %mul3A_124 = arith.mulf %get3A_123, %get3A_119 : vector<16xf32>
          %swap3A_125 = arith.index_cast %add3A_115 : i32 to index
          %swap3A_126 = arith.constant 0 : index
          %swap3A_127 = tpu.vector_load %arg15[%swap3A_125, %swap3A_126] {strides = array<i32>} : memref<200x16xf32, #tpu.memory_space<vmem>>, vector<1x16xf32>,
          %swap3A_128 = vector.shape_cast %swap3A_127 : vector<1x16xf32> to vector<16xf32>
          %swap3A_129 = vector.shape_cast %mul3A_124 : vector<16xf32> to vector<1x16xf32>
          tpu.vector_store %arg15[%swap3A_125, %swap3A_126], %swap3A_129 {strides = array<i32>} : memref<200x16xf32, #tpu.memory_space<vmem>>, vector<1x16xf32>,
          %mul3A_130 = arith.constant 4 : i32
          %mul3A_131 = arith.muli %scan3A_76, %mul3A_130 : i32
          %add3A_132 = arith.constant 3 : i32
          %add3A_133 = arith.addi %mul3A_131, %add3A_132 : i32
          %get3A_134 = arith.index_cast %add3A_133 : i32 to index
          %get3A_135 = arith.constant 0 : index
          %get3A_136 = tpu.vector_load %arg13[%get3A_134, %get3A_135] {strides = array<i32>} : memref<200x16xf32, #tpu.memory_space<vmem>>, vector<1x16xf32>,
          %get3A_137 = vector.shape_cast %get3A_136 : vector<1x16xf32> to vector<16xf32>
          %get3A_138 = arith.index_cast %add3A_133 : i32 to index
          %get3A_139 = arith.constant 0 : index
          %get3A_140 = tpu.vector_load %arg15[%get3A_138, %get3A_139] {strides = array<i32>} : memref<200x16xf32, #tpu.memory_space<vmem>>, vector<1x16xf32>,
          %get3A_141 = vector.shape_cast %get3A_140 : vector<1x16xf32> to vector<16xf32>
          %mul3A_142 = arith.mulf %get3A_141, %get3A_137 : vector<16xf32>
          %swap3A_143 = arith.index_cast %add3A_133 : i32 to index
          %swap3A_144 = arith.constant 0 : index
          %swap3A_145 = tpu.vector_load %arg15[%swap3A_143, %swap3A_144] {strides = array<i32>} : memref<200x16xf32, #tpu.memory_space<vmem>>, vector<1x16xf32>,
          %swap3A_146 = vector.shape_cast %swap3A_145 : vector<1x16xf32> to vector<16xf32>
          %swap3A_147 = vector.shape_cast %mul3A_142 : vector<16xf32> to vector<1x16xf32>
          tpu.vector_store %arg15[%swap3A_143, %swap3A_144], %swap3A_147 {strides = array<i32>} : memref<200x16xf32, #tpu.memory_space<vmem>>, vector<1x16xf32>,
          %scan3A_148 = arith.constant 0 : i32
          scf.yield %scan3A_148 : i32
        }
        %scan3A_71 = arith.constant 50 : i32
        %dma_start3A_72 = arith.constant 0 : i32
        %dma_start3A_73 = arith.constant 0 : i32
        %dma_start3A_74 = tpu.memref_slice %arg17[%dma_start3A_72, %dma_start3A_73] : memref<10240x16xf32, #tpu.memory_space<vmem_shared>> -> memref<10240x16xf32, #tpu.memory_space<vmem_shared>>
        tpu.enqueue_indirect_dma source(%arg15 : memref<200x16xf32, #tpu.memory_space<vmem>>) target(%dma_start3A_74 : memref<10240x16xf32, #tpu.memory_space<vmem_shared>>) offsets(%arg11 : memref<200xi32, #tpu.memory_space<vmem>>) semaphore(%arg21 : memref<!tpu.dma_semaphore, #tpu.memory_space<semaphore_mem>>) {add = true}
        %scan3A_75 = arith.constant 0 : i32
        scf.yield %scan3A_75 : i32
      }
      %scan3A_20 = arith.constant 50 : i32
      %dma_wait3A = arith.constant 0 : i32
      %dma_wait3A_21 = arith.constant 0 : i32
      %dma_wait3A_22 = tpu.memref_slice %arg17[%dma_wait3A, %dma_wait3A_21] : memref<10240x16xf32, #tpu.memory_space<vmem_shared>> -> memref<10240x16xf32, #tpu.memory_space<vmem_shared>>
      tpu.wait_indirect_dma semaphore(%arg20 : memref<!tpu.dma_semaphore, #tpu.memory_space<semaphore_mem>>) src(%arg14 : memref<200x16xf32, #tpu.memory_space<vmem>>) dst(%dma_wait3A_22 : memref<10240x16xf32, #tpu.memory_space<vmem_shared>>)
      %dma_wait3A_23 = arith.constant 0 : i32
      %dma_wait3A_24 = arith.constant 0 : i32
      %dma_wait3A_25 = tpu.memref_slice %arg17[%dma_wait3A_23, %dma_wait3A_24] : memref<10240x16xf32, #tpu.memory_space<vmem_shared>> -> memref<10240x16xf32, #tpu.memory_space<vmem_shared>>
      tpu.wait_indirect_dma semaphore(%arg21 : memref<!tpu.dma_semaphore, #tpu.memory_space<semaphore_mem>>) src(%arg15 : memref<200x16xf32, #tpu.memory_space<vmem>>) dst(%dma_wait3A_25 : memref<10240x16xf32, #tpu.memory_space<vmem_shared>>)
      %barrier3A_26 = arith.constant 0 : index
      tpu.barrier barrier_id(%barrier3A_26)
      "tpu.region"() ({
        %run_scoped3A = tpu.sem_alloc : memref<!tpu.dma_semaphore, #tpu.memory_space<semaphore_mem>>
        %dma_start3A_28 = arith.constant 0 : i32
        %dma_start3A_29 = tpu.memref_slice %arg7[%add3A, %mul3A_0, %dma_start3A_28] : memref<1x10240x16xf32, #tpu.memory_space<hbm>> -> memref<1x640x16xf32, #tpu.memory_space<hbm>>
        %dma_start3A_30 = tpu.memref_squeeze %dma_start3A_29 : memref<1x640x16xf32, #tpu.memory_space<hbm>> -> memref<640x16xf32, #tpu.memory_space<hbm>>
        %dma_start3A_31 = arith.constant 0 : i32
        %dma_start3A_32 = tpu.memref_slice %arg17[%mul3A_0, %dma_start3A_31] : memref<10240x16xf32, #tpu.memory_space<vmem_shared>> -> memref<640x16xf32, #tpu.memory_space<vmem_shared>>
        tpu.enqueue_dma source(%dma_start3A_32 : memref<640x16xf32, #tpu.memory_space<vmem_shared>>) target(%dma_start3A_30 : memref<640x16xf32, #tpu.memory_space<hbm>>) target_semaphore(%run_scoped3A : memref<!tpu.dma_semaphore, #tpu.memory_space<semaphore_mem>>)
        %dma_wait3A_33 = arith.constant 0 : i32
        %dma_wait3A_34 = tpu.memref_slice %arg7[%add3A, %mul3A_0, %dma_wait3A_33] : memref<1x10240x16xf32, #tpu.memory_space<hbm>> -> memref<1x640x16xf32, #tpu.memory_space<hbm>>
        %dma_wait3A_35 = tpu.memref_squeeze %dma_wait3A_34 : memref<1x640x16xf32, #tpu.memory_space<hbm>> -> memref<640x16xf32, #tpu.memory_space<hbm>>
        %dma_wait3A_36 = arith.constant 0 : i32
        %dma_wait3A_37 = tpu.memref_slice %arg17[%mul3A_0, %dma_wait3A_36] : memref<10240x16xf32, #tpu.memory_space<vmem_shared>> -> memref<640x16xf32, #tpu.memory_space<vmem_shared>>
        tpu.wait_dma2 semaphore(%run_scoped3A : memref<!tpu.dma_semaphore, #tpu.memory_space<semaphore_mem>>) src(%dma_wait3A_37 : memref<640x16xf32, #tpu.memory_space<vmem_shared>>) dst(%dma_wait3A_35 : memref<640x16xf32, #tpu.memory_space<hbm>>)
        tpu.yield
      }) : () -> ()
      %barrier3A_27 = arith.constant 0 : index
      tpu.barrier barrier_id(%barrier3A_27)
    } else {
    }
    %scan3A_8 = arith.constant 0 : i32
    %scan3A_9 = arith.constant 1 : i32
    return
  }
}

module attributes {stable_mosaic.version = 14 : i64} {
  func.func @kern(%arg0: i32, %arg1: memref<1024x128xf32, #tpu.memory_space<vmem>>, %arg2: memref<16x128x64xf32, #tpu.memory_space<vmem>>, %arg3: memref<16x64x16xf32, #tpu.memory_space<vmem>>, %arg4: memref<16x64x16xf32, #tpu.memory_space<vmem>>, %arg5: memref<16x1024x64xf32, #tpu.memory_space<vmem>>, %arg6: memref<1024x16xf32, #tpu.memory_space<vmem>>, %arg7: memref<1024x16xf32, #tpu.memory_space<vmem>>, %arg8: memref<1x128xf32, #tpu.memory_space<vmem>>, %arg9: memref<2xf32, #tpu.memory_space<smem>>) attributes {dimension_semantics = [#tpu.dimension_semantics<arbitrary>], iteration_bounds = array<i64: 10>, scalar_prefetch = 0 : i64, scratch_operands = 1 : i64, tpu.core_type = #tpu.core_type<tc>, window_params = [{transform_indices = @transform_0, window_bounds = array<i64: 1024, 128>}, {pipeline_mode = #tpu.pipeline_mode<synchronous>, transform_indices = @transform_1, window_bounds = array<i64: 16, 128, 64>}, {pipeline_mode = #tpu.pipeline_mode<synchronous>, transform_indices = @transform_2, window_bounds = array<i64: 16, 64, 16>}, {pipeline_mode = #tpu.pipeline_mode<synchronous>, transform_indices = @transform_3, window_bounds = array<i64: 16, 64, 16>}, {transform_indices = @transform_4, window_bounds = array<i64: 16, 1024, 64>}, {transform_indices = @transform_5, window_bounds = array<i64: 1024, 16>}, {transform_indices = @transform_6, window_bounds = array<i64: 1024, 16>}, {pipeline_mode = #tpu.pipeline_mode<synchronous>, transform_indices = @transform_7, window_bounds = array<i64: 1, 128>}]} {
    %get3A = arith.constant 0 : index
    %get3A_0 = arith.constant 0 : index
    %get3A_1 = vector.load %arg1[%get3A, %get3A_0] : memref<1024x128xf32, #tpu.memory_space<vmem>>, vector<1024x128xf32>
    %broadcast_in_dim3A = arith.constant 0.000000e+00 : f32
    %broadcast_in_dim3A_2 = vector.broadcast %broadcast_in_dim3A : f32 to vector<1024x16xf32>
    %broadcast_in_dim3A_3 = arith.constant 0.000000e+00 : f32
    %broadcast_in_dim3A_4 = vector.broadcast %broadcast_in_dim3A_3 : f32 to vector<1024x16xf32>
    %get3A_5 = arith.constant 0 : index
    %get3A_6 = arith.constant 0 : index
    %get3A_7 = arith.constant 0 : index
    %get3A_8 = vector.load %arg2[%get3A_5, %get3A_6, %get3A_7] : memref<16x128x64xf32, #tpu.memory_space<vmem>>, vector<1x128x64xf32>
    %get3A_9 = vector.shape_cast %get3A_8 : vector<1x128x64xf32> to vector<128x64xf32>
    %dot_general3A = arith.constant dense<0.000000e+00> : vector<1024x64xf32>
    %dot_general3A_10 = tpu.matmul %get3A_1, %get3A_9, %dot_general3A {dimension_numbers = #tpu.dot_dimension_numbers<[1], [0], [0], [1], [0, 0, 1, 1], [], []>, transpose_lhs_hint = false} : vector<1024x128xf32>, vector<128x64xf32>, vector<1024x64xf32> -> vector<1024x64xf32>
    %swap3A = arith.constant 0 : index
    %swap3A_11 = arith.constant 0 : index
    %swap3A_12 = arith.constant 0 : index
    %swap3A_13 = vector.load %arg5[%swap3A, %swap3A_11, %swap3A_12] : memref<16x1024x64xf32, #tpu.memory_space<vmem>>, vector<1x1024x64xf32>
    %swap3A_14 = vector.shape_cast %swap3A_13 : vector<1x1024x64xf32> to vector<1024x64xf32>
    %swap3A_15 = vector.shape_cast %dot_general3A_10 : vector<1024x64xf32> to vector<1x1024x64xf32>
    tpu.vector_store %arg5[%swap3A, %swap3A_11, %swap3A_12], %swap3A_15 {strides = array<i32>} : memref<16x1024x64xf32, #tpu.memory_space<vmem>>, vector<1x1024x64xf32>,
    %get3A_16 = arith.constant 0 : index
    %get3A_17 = arith.constant 0 : index
    %get3A_18 = arith.constant 0 : index
    %get3A_19 = vector.load %arg3[%get3A_16, %get3A_17, %get3A_18] : memref<16x64x16xf32, #tpu.memory_space<vmem>>, vector<1x64x16xf32>
    %get3A_20 = vector.shape_cast %get3A_19 : vector<1x64x16xf32> to vector<64x16xf32>
    %dot_general3A_21 = arith.constant dense<0.000000e+00> : vector<1024x16xf32>
    %dot_general3A_22 = tpu.matmul %dot_general3A_10, %get3A_20, %dot_general3A_21 {dimension_numbers = #tpu.dot_dimension_numbers<[1], [0], [0], [1], [0, 0, 1, 1], [], []>, transpose_lhs_hint = false} : vector<1024x64xf32>, vector<64x16xf32>, vector<1024x16xf32> -> vector<1024x16xf32>
    %add3A = arith.addf %broadcast_in_dim3A_2, %dot_general3A_22 : vector<1024x16xf32>
    %get3A_23 = arith.constant 0 : index
    %get3A_24 = arith.constant 0 : index
    %get3A_25 = arith.constant 0 : index
    %get3A_26 = vector.load %arg4[%get3A_23, %get3A_24, %get3A_25] : memref<16x64x16xf32, #tpu.memory_space<vmem>>, vector<1x64x16xf32>
    %get3A_27 = vector.shape_cast %get3A_26 : vector<1x64x16xf32> to vector<64x16xf32>
    %dot_general3A_28 = arith.constant dense<0.000000e+00> : vector<1024x16xf32>
    %dot_general3A_29 = tpu.matmul %dot_general3A_10, %get3A_27, %dot_general3A_28 {dimension_numbers = #tpu.dot_dimension_numbers<[1], [0], [0], [1], [0, 0, 1, 1], [], []>, transpose_lhs_hint = false} : vector<1024x64xf32>, vector<64x16xf32>, vector<1024x16xf32> -> vector<1024x16xf32>
    %add3A_30 = arith.addf %broadcast_in_dim3A_4, %dot_general3A_29 : vector<1024x16xf32>
    %get3A_31 = arith.constant 1 : index
    %get3A_32 = arith.constant 0 : index
    %get3A_33 = arith.constant 0 : index
    %get3A_34 = vector.load %arg2[%get3A_31, %get3A_32, %get3A_33] : memref<16x128x64xf32, #tpu.memory_space<vmem>>, vector<1x128x64xf32>
    %get3A_35 = vector.shape_cast %get3A_34 : vector<1x128x64xf32> to vector<128x64xf32>
    %dot_general3A_36 = arith.constant dense<0.000000e+00> : vector<1024x64xf32>
    %dot_general3A_37 = tpu.matmul %get3A_1, %get3A_35, %dot_general3A_36 {dimension_numbers = #tpu.dot_dimension_numbers<[1], [0], [0], [1], [0, 0, 1, 1], [], []>, transpose_lhs_hint = false} : vector<1024x128xf32>, vector<128x64xf32>, vector<1024x64xf32> -> vector<1024x64xf32>
    %swap3A_38 = arith.constant 1 : index
    %swap3A_39 = arith.constant 0 : index
    %swap3A_40 = arith.constant 0 : index
    %swap3A_41 = vector.load %arg5[%swap3A_38, %swap3A_39, %swap3A_40] : memref<16x1024x64xf32, #tpu.memory_space<vmem>>, vector<1x1024x64xf32>
    %swap3A_42 = vector.shape_cast %swap3A_41 : vector<1x1024x64xf32> to vector<1024x64xf32>
    %swap3A_43 = vector.shape_cast %dot_general3A_37 : vector<1024x64xf32> to vector<1x1024x64xf32>
    tpu.vector_store %arg5[%swap3A_38, %swap3A_39, %swap3A_40], %swap3A_43 {strides = array<i32>} : memref<16x1024x64xf32, #tpu.memory_space<vmem>>, vector<1x1024x64xf32>,
    %get3A_44 = arith.constant 1 : index
    %get3A_45 = arith.constant 0 : index
    %get3A_46 = arith.constant 0 : index
    %get3A_47 = vector.load %arg3[%get3A_44, %get3A_45, %get3A_46] : memref<16x64x16xf32, #tpu.memory_space<vmem>>, vector<1x64x16xf32>
    %get3A_48 = vector.shape_cast %get3A_47 : vector<1x64x16xf32> to vector<64x16xf32>
    %dot_general3A_49 = arith.constant dense<0.000000e+00> : vector<1024x16xf32>
    %dot_general3A_50 = tpu.matmul %dot_general3A_37, %get3A_48, %dot_general3A_49 {dimension_numbers = #tpu.dot_dimension_numbers<[1], [0], [0], [1], [0, 0, 1, 1], [], []>, transpose_lhs_hint = false} : vector<1024x64xf32>, vector<64x16xf32>, vector<1024x16xf32> -> vector<1024x16xf32>
    %add3A_51 = arith.addf %add3A, %dot_general3A_50 : vector<1024x16xf32>
    %get3A_52 = arith.constant 1 : index
    %get3A_53 = arith.constant 0 : index
    %get3A_54 = arith.constant 0 : index
    %get3A_55 = vector.load %arg4[%get3A_52, %get3A_53, %get3A_54] : memref<16x64x16xf32, #tpu.memory_space<vmem>>, vector<1x64x16xf32>
    %get3A_56 = vector.shape_cast %get3A_55 : vector<1x64x16xf32> to vector<64x16xf32>
    %dot_general3A_57 = arith.constant dense<0.000000e+00> : vector<1024x16xf32>
    %dot_general3A_58 = tpu.matmul %dot_general3A_37, %get3A_56, %dot_general3A_57 {dimension_numbers = #tpu.dot_dimension_numbers<[1], [0], [0], [1], [0, 0, 1, 1], [], []>, transpose_lhs_hint = false} : vector<1024x64xf32>, vector<64x16xf32>, vector<1024x16xf32> -> vector<1024x16xf32>
    %add3A_59 = arith.addf %add3A_30, %dot_general3A_58 : vector<1024x16xf32>
    %get3A_60 = arith.constant 2 : index
    %get3A_61 = arith.constant 0 : index
    %get3A_62 = arith.constant 0 : index
    %get3A_63 = vector.load %arg2[%get3A_60, %get3A_61, %get3A_62] : memref<16x128x64xf32, #tpu.memory_space<vmem>>, vector<1x128x64xf32>
    %get3A_64 = vector.shape_cast %get3A_63 : vector<1x128x64xf32> to vector<128x64xf32>
    %dot_general3A_65 = arith.constant dense<0.000000e+00> : vector<1024x64xf32>
    %dot_general3A_66 = tpu.matmul %get3A_1, %get3A_64, %dot_general3A_65 {dimension_numbers = #tpu.dot_dimension_numbers<[1], [0], [0], [1], [0, 0, 1, 1], [], []>, transpose_lhs_hint = false} : vector<1024x128xf32>, vector<128x64xf32>, vector<1024x64xf32> -> vector<1024x64xf32>
    %swap3A_67 = arith.constant 2 : index
    %swap3A_68 = arith.constant 0 : index
    %swap3A_69 = arith.constant 0 : index
    %swap3A_70 = vector.load %arg5[%swap3A_67, %swap3A_68, %swap3A_69] : memref<16x1024x64xf32, #tpu.memory_space<vmem>>, vector<1x1024x64xf32>
    %swap3A_71 = vector.shape_cast %swap3A_70 : vector<1x1024x64xf32> to vector<1024x64xf32>
    %swap3A_72 = vector.shape_cast %dot_general3A_66 : vector<1024x64xf32> to vector<1x1024x64xf32>
    tpu.vector_store %arg5[%swap3A_67, %swap3A_68, %swap3A_69], %swap3A_72 {strides = array<i32>} : memref<16x1024x64xf32, #tpu.memory_space<vmem>>, vector<1x1024x64xf32>,
    %get3A_73 = arith.constant 2 : index
    %get3A_74 = arith.constant 0 : index
    %get3A_75 = arith.constant 0 : index
    %get3A_76 = vector.load %arg3[%get3A_73, %get3A_74, %get3A_75] : memref<16x64x16xf32, #tpu.memory_space<vmem>>, vector<1x64x16xf32>
    %get3A_77 = vector.shape_cast %get3A_76 : vector<1x64x16xf32> to vector<64x16xf32>
    %dot_general3A_78 = arith.constant dense<0.000000e+00> : vector<1024x16xf32>
    %dot_general3A_79 = tpu.matmul %dot_general3A_66, %get3A_77, %dot_general3A_78 {dimension_numbers = #tpu.dot_dimension_numbers<[1], [0], [0], [1], [0, 0, 1, 1], [], []>, transpose_lhs_hint = false} : vector<1024x64xf32>, vector<64x16xf32>, vector<1024x16xf32> -> vector<1024x16xf32>
    %add3A_80 = arith.addf %add3A_51, %dot_general3A_79 : vector<1024x16xf32>
    %get3A_81 = arith.constant 2 : index
    %get3A_82 = arith.constant 0 : index
    %get3A_83 = arith.constant 0 : index
    %get3A_84 = vector.load %arg4[%get3A_81, %get3A_82, %get3A_83] : memref<16x64x16xf32, #tpu.memory_space<vmem>>, vector<1x64x16xf32>
    %get3A_85 = vector.shape_cast %get3A_84 : vector<1x64x16xf32> to vector<64x16xf32>
    %dot_general3A_86 = arith.constant dense<0.000000e+00> : vector<1024x16xf32>
    %dot_general3A_87 = tpu.matmul %dot_general3A_66, %get3A_85, %dot_general3A_86 {dimension_numbers = #tpu.dot_dimension_numbers<[1], [0], [0], [1], [0, 0, 1, 1], [], []>, transpose_lhs_hint = false} : vector<1024x64xf32>, vector<64x16xf32>, vector<1024x16xf32> -> vector<1024x16xf32>
    %add3A_88 = arith.addf %add3A_59, %dot_general3A_87 : vector<1024x16xf32>
    %get3A_89 = arith.constant 3 : index
    %get3A_90 = arith.constant 0 : index
    %get3A_91 = arith.constant 0 : index
    %get3A_92 = vector.load %arg2[%get3A_89, %get3A_90, %get3A_91] : memref<16x128x64xf32, #tpu.memory_space<vmem>>, vector<1x128x64xf32>
    %get3A_93 = vector.shape_cast %get3A_92 : vector<1x128x64xf32> to vector<128x64xf32>
    %dot_general3A_94 = arith.constant dense<0.000000e+00> : vector<1024x64xf32>
    %dot_general3A_95 = tpu.matmul %get3A_1, %get3A_93, %dot_general3A_94 {dimension_numbers = #tpu.dot_dimension_numbers<[1], [0], [0], [1], [0, 0, 1, 1], [], []>, transpose_lhs_hint = false} : vector<1024x128xf32>, vector<128x64xf32>, vector<1024x64xf32> -> vector<1024x64xf32>
    %swap3A_96 = arith.constant 3 : index
    %swap3A_97 = arith.constant 0 : index
    %swap3A_98 = arith.constant 0 : index
    %swap3A_99 = vector.load %arg5[%swap3A_96, %swap3A_97, %swap3A_98] : memref<16x1024x64xf32, #tpu.memory_space<vmem>>, vector<1x1024x64xf32>
    %swap3A_100 = vector.shape_cast %swap3A_99 : vector<1x1024x64xf32> to vector<1024x64xf32>
    %swap3A_101 = vector.shape_cast %dot_general3A_95 : vector<1024x64xf32> to vector<1x1024x64xf32>
    tpu.vector_store %arg5[%swap3A_96, %swap3A_97, %swap3A_98], %swap3A_101 {strides = array<i32>} : memref<16x1024x64xf32, #tpu.memory_space<vmem>>, vector<1x1024x64xf32>,
    %get3A_102 = arith.constant 3 : index
    %get3A_103 = arith.constant 0 : index
    %get3A_104 = arith.constant 0 : index
    %get3A_105 = vector.load %arg3[%get3A_102, %get3A_103, %get3A_104] : memref<16x64x16xf32, #tpu.memory_space<vmem>>, vector<1x64x16xf32>
    %get3A_106 = vector.shape_cast %get3A_105 : vector<1x64x16xf32> to vector<64x16xf32>
    %dot_general3A_107 = arith.constant dense<0.000000e+00> : vector<1024x16xf32>
    %dot_general3A_108 = tpu.matmul %dot_general3A_95, %get3A_106, %dot_general3A_107 {dimension_numbers = #tpu.dot_dimension_numbers<[1], [0], [0], [1], [0, 0, 1, 1], [], []>, transpose_lhs_hint = false} : vector<1024x64xf32>, vector<64x16xf32>, vector<1024x16xf32> -> vector<1024x16xf32>
    %add3A_109 = arith.addf %add3A_80, %dot_general3A_108 : vector<1024x16xf32>
    %get3A_110 = arith.constant 3 : index
    %get3A_111 = arith.constant 0 : index
    %get3A_112 = arith.constant 0 : index
    %get3A_113 = vector.load %arg4[%get3A_110, %get3A_111, %get3A_112] : memref<16x64x16xf32, #tpu.memory_space<vmem>>, vector<1x64x16xf32>
    %get3A_114 = vector.shape_cast %get3A_113 : vector<1x64x16xf32> to vector<64x16xf32>
    %dot_general3A_115 = arith.constant dense<0.000000e+00> : vector<1024x16xf32>
    %dot_general3A_116 = tpu.matmul %dot_general3A_95, %get3A_114, %dot_general3A_115 {dimension_numbers = #tpu.dot_dimension_numbers<[1], [0], [0], [1], [0, 0, 1, 1], [], []>, transpose_lhs_hint = false} : vector<1024x64xf32>, vector<64x16xf32>, vector<1024x16xf32> -> vector<1024x16xf32>
    %add3A_117 = arith.addf %add3A_88, %dot_general3A_116 : vector<1024x16xf32>
    %get3A_118 = arith.constant 4 : index
    %get3A_119 = arith.constant 0 : index
    %get3A_120 = arith.constant 0 : index
    %get3A_121 = vector.load %arg2[%get3A_118, %get3A_119, %get3A_120] : memref<16x128x64xf32, #tpu.memory_space<vmem>>, vector<1x128x64xf32>
    %get3A_122 = vector.shape_cast %get3A_121 : vector<1x128x64xf32> to vector<128x64xf32>
    %dot_general3A_123 = arith.constant dense<0.000000e+00> : vector<1024x64xf32>
    %dot_general3A_124 = tpu.matmul %get3A_1, %get3A_122, %dot_general3A_123 {dimension_numbers = #tpu.dot_dimension_numbers<[1], [0], [0], [1], [0, 0, 1, 1], [], []>, transpose_lhs_hint = false} : vector<1024x128xf32>, vector<128x64xf32>, vector<1024x64xf32> -> vector<1024x64xf32>
    %swap3A_125 = arith.constant 4 : index
    %swap3A_126 = arith.constant 0 : index
    %swap3A_127 = arith.constant 0 : index
    %swap3A_128 = vector.load %arg5[%swap3A_125, %swap3A_126, %swap3A_127] : memref<16x1024x64xf32, #tpu.memory_space<vmem>>, vector<1x1024x64xf32>
    %swap3A_129 = vector.shape_cast %swap3A_128 : vector<1x1024x64xf32> to vector<1024x64xf32>
    %swap3A_130 = vector.shape_cast %dot_general3A_124 : vector<1024x64xf32> to vector<1x1024x64xf32>
    tpu.vector_store %arg5[%swap3A_125, %swap3A_126, %swap3A_127], %swap3A_130 {strides = array<i32>} : memref<16x1024x64xf32, #tpu.memory_space<vmem>>, vector<1x1024x64xf32>,
    %get3A_131 = arith.constant 4 : index
    %get3A_132 = arith.constant 0 : index
    %get3A_133 = arith.constant 0 : index
    %get3A_134 = vector.load %arg3[%get3A_131, %get3A_132, %get3A_133] : memref<16x64x16xf32, #tpu.memory_space<vmem>>, vector<1x64x16xf32>
    %get3A_135 = vector.shape_cast %get3A_134 : vector<1x64x16xf32> to vector<64x16xf32>
    %dot_general3A_136 = arith.constant dense<0.000000e+00> : vector<1024x16xf32>
    %dot_general3A_137 = tpu.matmul %dot_general3A_124, %get3A_135, %dot_general3A_136 {dimension_numbers = #tpu.dot_dimension_numbers<[1], [0], [0], [1], [0, 0, 1, 1], [], []>, transpose_lhs_hint = false} : vector<1024x64xf32>, vector<64x16xf32>, vector<1024x16xf32> -> vector<1024x16xf32>
    %add3A_138 = arith.addf %add3A_109, %dot_general3A_137 : vector<1024x16xf32>
    %get3A_139 = arith.constant 4 : index
    %get3A_140 = arith.constant 0 : index
    %get3A_141 = arith.constant 0 : index
    %get3A_142 = vector.load %arg4[%get3A_139, %get3A_140, %get3A_141] : memref<16x64x16xf32, #tpu.memory_space<vmem>>, vector<1x64x16xf32>
    %get3A_143 = vector.shape_cast %get3A_142 : vector<1x64x16xf32> to vector<64x16xf32>
    %dot_general3A_144 = arith.constant dense<0.000000e+00> : vector<1024x16xf32>
    %dot_general3A_145 = tpu.matmul %dot_general3A_124, %get3A_143, %dot_general3A_144 {dimension_numbers = #tpu.dot_dimension_numbers<[1], [0], [0], [1], [0, 0, 1, 1], [], []>, transpose_lhs_hint = false} : vector<1024x64xf32>, vector<64x16xf32>, vector<1024x16xf32> -> vector<1024x16xf32>
    %add3A_146 = arith.addf %add3A_117, %dot_general3A_145 : vector<1024x16xf32>
    %get3A_147 = arith.constant 5 : index
    %get3A_148 = arith.constant 0 : index
    %get3A_149 = arith.constant 0 : index
    %get3A_150 = vector.load %arg2[%get3A_147, %get3A_148, %get3A_149] : memref<16x128x64xf32, #tpu.memory_space<vmem>>, vector<1x128x64xf32>
    %get3A_151 = vector.shape_cast %get3A_150 : vector<1x128x64xf32> to vector<128x64xf32>
    %dot_general3A_152 = arith.constant dense<0.000000e+00> : vector<1024x64xf32>
    %dot_general3A_153 = tpu.matmul %get3A_1, %get3A_151, %dot_general3A_152 {dimension_numbers = #tpu.dot_dimension_numbers<[1], [0], [0], [1], [0, 0, 1, 1], [], []>, transpose_lhs_hint = false} : vector<1024x128xf32>, vector<128x64xf32>, vector<1024x64xf32> -> vector<1024x64xf32>
    %swap3A_154 = arith.constant 5 : index
    %swap3A_155 = arith.constant 0 : index
    %swap3A_156 = arith.constant 0 : index
    %swap3A_157 = vector.load %arg5[%swap3A_154, %swap3A_155, %swap3A_156] : memref<16x1024x64xf32, #tpu.memory_space<vmem>>, vector<1x1024x64xf32>
    %swap3A_158 = vector.shape_cast %swap3A_157 : vector<1x1024x64xf32> to vector<1024x64xf32>
    %swap3A_159 = vector.shape_cast %dot_general3A_153 : vector<1024x64xf32> to vector<1x1024x64xf32>
    tpu.vector_store %arg5[%swap3A_154, %swap3A_155, %swap3A_156], %swap3A_159 {strides = array<i32>} : memref<16x1024x64xf32, #tpu.memory_space<vmem>>, vector<1x1024x64xf32>,
    %get3A_160 = arith.constant 5 : index
    %get3A_161 = arith.constant 0 : index
    %get3A_162 = arith.constant 0 : index
    %get3A_163 = vector.load %arg3[%get3A_160, %get3A_161, %get3A_162] : memref<16x64x16xf32, #tpu.memory_space<vmem>>, vector<1x64x16xf32>
    %get3A_164 = vector.shape_cast %get3A_163 : vector<1x64x16xf32> to vector<64x16xf32>
    %dot_general3A_165 = arith.constant dense<0.000000e+00> : vector<1024x16xf32>
    %dot_general3A_166 = tpu.matmul %dot_general3A_153, %get3A_164, %dot_general3A_165 {dimension_numbers = #tpu.dot_dimension_numbers<[1], [0], [0], [1], [0, 0, 1, 1], [], []>, transpose_lhs_hint = false} : vector<1024x64xf32>, vector<64x16xf32>, vector<1024x16xf32> -> vector<1024x16xf32>
    %add3A_167 = arith.addf %add3A_138, %dot_general3A_166 : vector<1024x16xf32>
    %get3A_168 = arith.constant 5 : index
    %get3A_169 = arith.constant 0 : index
    %get3A_170 = arith.constant 0 : index
    %get3A_171 = vector.load %arg4[%get3A_168, %get3A_169, %get3A_170] : memref<16x64x16xf32, #tpu.memory_space<vmem>>, vector<1x64x16xf32>
    %get3A_172 = vector.shape_cast %get3A_171 : vector<1x64x16xf32> to vector<64x16xf32>
    %dot_general3A_173 = arith.constant dense<0.000000e+00> : vector<1024x16xf32>
    %dot_general3A_174 = tpu.matmul %dot_general3A_153, %get3A_172, %dot_general3A_173 {dimension_numbers = #tpu.dot_dimension_numbers<[1], [0], [0], [1], [0, 0, 1, 1], [], []>, transpose_lhs_hint = false} : vector<1024x64xf32>, vector<64x16xf32>, vector<1024x16xf32> -> vector<1024x16xf32>
    %add3A_175 = arith.addf %add3A_146, %dot_general3A_174 : vector<1024x16xf32>
    %get3A_176 = arith.constant 6 : index
    %get3A_177 = arith.constant 0 : index
    %get3A_178 = arith.constant 0 : index
    %get3A_179 = vector.load %arg2[%get3A_176, %get3A_177, %get3A_178] : memref<16x128x64xf32, #tpu.memory_space<vmem>>, vector<1x128x64xf32>
    %get3A_180 = vector.shape_cast %get3A_179 : vector<1x128x64xf32> to vector<128x64xf32>
    %dot_general3A_181 = arith.constant dense<0.000000e+00> : vector<1024x64xf32>
    %dot_general3A_182 = tpu.matmul %get3A_1, %get3A_180, %dot_general3A_181 {dimension_numbers = #tpu.dot_dimension_numbers<[1], [0], [0], [1], [0, 0, 1, 1], [], []>, transpose_lhs_hint = false} : vector<1024x128xf32>, vector<128x64xf32>, vector<1024x64xf32> -> vector<1024x64xf32>
    %swap3A_183 = arith.constant 6 : index
    %swap3A_184 = arith.constant 0 : index
    %swap3A_185 = arith.constant 0 : index
    %swap3A_186 = vector.load %arg5[%swap3A_183, %swap3A_184, %swap3A_185] : memref<16x1024x64xf32, #tpu.memory_space<vmem>>, vector<1x1024x64xf32>
    %swap3A_187 = vector.shape_cast %swap3A_186 : vector<1x1024x64xf32> to vector<1024x64xf32>
    %swap3A_188 = vector.shape_cast %dot_general3A_182 : vector<1024x64xf32> to vector<1x1024x64xf32>
    tpu.vector_store %arg5[%swap3A_183, %swap3A_184, %swap3A_185], %swap3A_188 {strides = array<i32>} : memref<16x1024x64xf32, #tpu.memory_space<vmem>>, vector<1x1024x64xf32>,
    %get3A_189 = arith.constant 6 : index
    %get3A_190 = arith.constant 0 : index
    %get3A_191 = arith.constant 0 : index
    %get3A_192 = vector.load %arg3[%get3A_189, %get3A_190, %get3A_191] : memref<16x64x16xf32, #tpu.memory_space<vmem>>, vector<1x64x16xf32>
    %get3A_193 = vector.shape_cast %get3A_192 : vector<1x64x16xf32> to vector<64x16xf32>
    %dot_general3A_194 = arith.constant dense<0.000000e+00> : vector<1024x16xf32>
    %dot_general3A_195 = tpu.matmul %dot_general3A_182, %get3A_193, %dot_general3A_194 {dimension_numbers = #tpu.dot_dimension_numbers<[1], [0], [0], [1], [0, 0, 1, 1], [], []>, transpose_lhs_hint = false} : vector<1024x64xf32>, vector<64x16xf32>, vector<1024x16xf32> -> vector<1024x16xf32>
    %add3A_196 = arith.addf %add3A_167, %dot_general3A_195 : vector<1024x16xf32>
    %get3A_197 = arith.constant 6 : index
    %get3A_198 = arith.constant 0 : index
    %get3A_199 = arith.constant 0 : index
    %get3A_200 = vector.load %arg4[%get3A_197, %get3A_198, %get3A_199] : memref<16x64x16xf32, #tpu.memory_space<vmem>>, vector<1x64x16xf32>
    %get3A_201 = vector.shape_cast %get3A_200 : vector<1x64x16xf32> to vector<64x16xf32>
    %dot_general3A_202 = arith.constant dense<0.000000e+00> : vector<1024x16xf32>
    %dot_general3A_203 = tpu.matmul %dot_general3A_182, %get3A_201, %dot_general3A_202 {dimension_numbers = #tpu.dot_dimension_numbers<[1], [0], [0], [1], [0, 0, 1, 1], [], []>, transpose_lhs_hint = false} : vector<1024x64xf32>, vector<64x16xf32>, vector<1024x16xf32> -> vector<1024x16xf32>
    %add3A_204 = arith.addf %add3A_175, %dot_general3A_203 : vector<1024x16xf32>
    %get3A_205 = arith.constant 7 : index
    %get3A_206 = arith.constant 0 : index
    %get3A_207 = arith.constant 0 : index
    %get3A_208 = vector.load %arg2[%get3A_205, %get3A_206, %get3A_207] : memref<16x128x64xf32, #tpu.memory_space<vmem>>, vector<1x128x64xf32>
    %get3A_209 = vector.shape_cast %get3A_208 : vector<1x128x64xf32> to vector<128x64xf32>
    %dot_general3A_210 = arith.constant dense<0.000000e+00> : vector<1024x64xf32>
    %dot_general3A_211 = tpu.matmul %get3A_1, %get3A_209, %dot_general3A_210 {dimension_numbers = #tpu.dot_dimension_numbers<[1], [0], [0], [1], [0, 0, 1, 1], [], []>, transpose_lhs_hint = false} : vector<1024x128xf32>, vector<128x64xf32>, vector<1024x64xf32> -> vector<1024x64xf32>
    %swap3A_212 = arith.constant 7 : index
    %swap3A_213 = arith.constant 0 : index
    %swap3A_214 = arith.constant 0 : index
    %swap3A_215 = vector.load %arg5[%swap3A_212, %swap3A_213, %swap3A_214] : memref<16x1024x64xf32, #tpu.memory_space<vmem>>, vector<1x1024x64xf32>
    %swap3A_216 = vector.shape_cast %swap3A_215 : vector<1x1024x64xf32> to vector<1024x64xf32>
    %swap3A_217 = vector.shape_cast %dot_general3A_211 : vector<1024x64xf32> to vector<1x1024x64xf32>
    tpu.vector_store %arg5[%swap3A_212, %swap3A_213, %swap3A_214], %swap3A_217 {strides = array<i32>} : memref<16x1024x64xf32, #tpu.memory_space<vmem>>, vector<1x1024x64xf32>,
    %get3A_218 = arith.constant 7 : index
    %get3A_219 = arith.constant 0 : index
    %get3A_220 = arith.constant 0 : index
    %get3A_221 = vector.load %arg3[%get3A_218, %get3A_219, %get3A_220] : memref<16x64x16xf32, #tpu.memory_space<vmem>>, vector<1x64x16xf32>
    %get3A_222 = vector.shape_cast %get3A_221 : vector<1x64x16xf32> to vector<64x16xf32>
    %dot_general3A_223 = arith.constant dense<0.000000e+00> : vector<1024x16xf32>
    %dot_general3A_224 = tpu.matmul %dot_general3A_211, %get3A_222, %dot_general3A_223 {dimension_numbers = #tpu.dot_dimension_numbers<[1], [0], [0], [1], [0, 0, 1, 1], [], []>, transpose_lhs_hint = false} : vector<1024x64xf32>, vector<64x16xf32>, vector<1024x16xf32> -> vector<1024x16xf32>
    %add3A_225 = arith.addf %add3A_196, %dot_general3A_224 : vector<1024x16xf32>
    %get3A_226 = arith.constant 7 : index
    %get3A_227 = arith.constant 0 : index
    %get3A_228 = arith.constant 0 : index
    %get3A_229 = vector.load %arg4[%get3A_226, %get3A_227, %get3A_228] : memref<16x64x16xf32, #tpu.memory_space<vmem>>, vector<1x64x16xf32>
    %get3A_230 = vector.shape_cast %get3A_229 : vector<1x64x16xf32> to vector<64x16xf32>
    %dot_general3A_231 = arith.constant dense<0.000000e+00> : vector<1024x16xf32>
    %dot_general3A_232 = tpu.matmul %dot_general3A_211, %get3A_230, %dot_general3A_231 {dimension_numbers = #tpu.dot_dimension_numbers<[1], [0], [0], [1], [0, 0, 1, 1], [], []>, transpose_lhs_hint = false} : vector<1024x64xf32>, vector<64x16xf32>, vector<1024x16xf32> -> vector<1024x16xf32>
    %add3A_233 = arith.addf %add3A_204, %dot_general3A_232 : vector<1024x16xf32>
    %get3A_234 = arith.constant 8 : index
    %get3A_235 = arith.constant 0 : index
    %get3A_236 = arith.constant 0 : index
    %get3A_237 = vector.load %arg2[%get3A_234, %get3A_235, %get3A_236] : memref<16x128x64xf32, #tpu.memory_space<vmem>>, vector<1x128x64xf32>
    %get3A_238 = vector.shape_cast %get3A_237 : vector<1x128x64xf32> to vector<128x64xf32>
    %dot_general3A_239 = arith.constant dense<0.000000e+00> : vector<1024x64xf32>
    %dot_general3A_240 = tpu.matmul %get3A_1, %get3A_238, %dot_general3A_239 {dimension_numbers = #tpu.dot_dimension_numbers<[1], [0], [0], [1], [0, 0, 1, 1], [], []>, transpose_lhs_hint = false} : vector<1024x128xf32>, vector<128x64xf32>, vector<1024x64xf32> -> vector<1024x64xf32>
    %swap3A_241 = arith.constant 8 : index
    %swap3A_242 = arith.constant 0 : index
    %swap3A_243 = arith.constant 0 : index
    %swap3A_244 = vector.load %arg5[%swap3A_241, %swap3A_242, %swap3A_243] : memref<16x1024x64xf32, #tpu.memory_space<vmem>>, vector<1x1024x64xf32>
    %swap3A_245 = vector.shape_cast %swap3A_244 : vector<1x1024x64xf32> to vector<1024x64xf32>
    %swap3A_246 = vector.shape_cast %dot_general3A_240 : vector<1024x64xf32> to vector<1x1024x64xf32>
    tpu.vector_store %arg5[%swap3A_241, %swap3A_242, %swap3A_243], %swap3A_246 {strides = array<i32>} : memref<16x1024x64xf32, #tpu.memory_space<vmem>>, vector<1x1024x64xf32>,
    %get3A_247 = arith.constant 8 : index
    %get3A_248 = arith.constant 0 : index
    %get3A_249 = arith.constant 0 : index
    %get3A_250 = vector.load %arg3[%get3A_247, %get3A_248, %get3A_249] : memref<16x64x16xf32, #tpu.memory_space<vmem>>, vector<1x64x16xf32>
    %get3A_251 = vector.shape_cast %get3A_250 : vector<1x64x16xf32> to vector<64x16xf32>
    %dot_general3A_252 = arith.constant dense<0.000000e+00> : vector<1024x16xf32>
    %dot_general3A_253 = tpu.matmul %dot_general3A_240, %get3A_251, %dot_general3A_252 {dimension_numbers = #tpu.dot_dimension_numbers<[1], [0], [0], [1], [0, 0, 1, 1], [], []>, transpose_lhs_hint = false} : vector<1024x64xf32>, vector<64x16xf32>, vector<1024x16xf32> -> vector<1024x16xf32>
    %add3A_254 = arith.addf %add3A_225, %dot_general3A_253 : vector<1024x16xf32>
    %get3A_255 = arith.constant 8 : index
    %get3A_256 = arith.constant 0 : index
    %get3A_257 = arith.constant 0 : index
    %get3A_258 = vector.load %arg4[%get3A_255, %get3A_256, %get3A_257] : memref<16x64x16xf32, #tpu.memory_space<vmem>>, vector<1x64x16xf32>
    %get3A_259 = vector.shape_cast %get3A_258 : vector<1x64x16xf32> to vector<64x16xf32>
    %dot_general3A_260 = arith.constant dense<0.000000e+00> : vector<1024x16xf32>
    %dot_general3A_261 = tpu.matmul %dot_general3A_240, %get3A_259, %dot_general3A_260 {dimension_numbers = #tpu.dot_dimension_numbers<[1], [0], [0], [1], [0, 0, 1, 1], [], []>, transpose_lhs_hint = false} : vector<1024x64xf32>, vector<64x16xf32>, vector<1024x16xf32> -> vector<1024x16xf32>
    %add3A_262 = arith.addf %add3A_233, %dot_general3A_261 : vector<1024x16xf32>
    %get3A_263 = arith.constant 9 : index
    %get3A_264 = arith.constant 0 : index
    %get3A_265 = arith.constant 0 : index
    %get3A_266 = vector.load %arg2[%get3A_263, %get3A_264, %get3A_265] : memref<16x128x64xf32, #tpu.memory_space<vmem>>, vector<1x128x64xf32>
    %get3A_267 = vector.shape_cast %get3A_266 : vector<1x128x64xf32> to vector<128x64xf32>
    %dot_general3A_268 = arith.constant dense<0.000000e+00> : vector<1024x64xf32>
    %dot_general3A_269 = tpu.matmul %get3A_1, %get3A_267, %dot_general3A_268 {dimension_numbers = #tpu.dot_dimension_numbers<[1], [0], [0], [1], [0, 0, 1, 1], [], []>, transpose_lhs_hint = false} : vector<1024x128xf32>, vector<128x64xf32>, vector<1024x64xf32> -> vector<1024x64xf32>
    %swap3A_270 = arith.constant 9 : index
    %swap3A_271 = arith.constant 0 : index
    %swap3A_272 = arith.constant 0 : index
    %swap3A_273 = vector.load %arg5[%swap3A_270, %swap3A_271, %swap3A_272] : memref<16x1024x64xf32, #tpu.memory_space<vmem>>, vector<1x1024x64xf32>
    %swap3A_274 = vector.shape_cast %swap3A_273 : vector<1x1024x64xf32> to vector<1024x64xf32>
    %swap3A_275 = vector.shape_cast %dot_general3A_269 : vector<1024x64xf32> to vector<1x1024x64xf32>
    tpu.vector_store %arg5[%swap3A_270, %swap3A_271, %swap3A_272], %swap3A_275 {strides = array<i32>} : memref<16x1024x64xf32, #tpu.memory_space<vmem>>, vector<1x1024x64xf32>,
    %get3A_276 = arith.constant 9 : index
    %get3A_277 = arith.constant 0 : index
    %get3A_278 = arith.constant 0 : index
    %get3A_279 = vector.load %arg3[%get3A_276, %get3A_277, %get3A_278] : memref<16x64x16xf32, #tpu.memory_space<vmem>>, vector<1x64x16xf32>
    %get3A_280 = vector.shape_cast %get3A_279 : vector<1x64x16xf32> to vector<64x16xf32>
    %dot_general3A_281 = arith.constant dense<0.000000e+00> : vector<1024x16xf32>
    %dot_general3A_282 = tpu.matmul %dot_general3A_269, %get3A_280, %dot_general3A_281 {dimension_numbers = #tpu.dot_dimension_numbers<[1], [0], [0], [1], [0, 0, 1, 1], [], []>, transpose_lhs_hint = false} : vector<1024x64xf32>, vector<64x16xf32>, vector<1024x16xf32> -> vector<1024x16xf32>
    %add3A_283 = arith.addf %add3A_254, %dot_general3A_282 : vector<1024x16xf32>
    %get3A_284 = arith.constant 9 : index
    %get3A_285 = arith.constant 0 : index
    %get3A_286 = arith.constant 0 : index
    %get3A_287 = vector.load %arg4[%get3A_284, %get3A_285, %get3A_286] : memref<16x64x16xf32, #tpu.memory_space<vmem>>, vector<1x64x16xf32>
    %get3A_288 = vector.shape_cast %get3A_287 : vector<1x64x16xf32> to vector<64x16xf32>
    %dot_general3A_289 = arith.constant dense<0.000000e+00> : vector<1024x16xf32>
    %dot_general3A_290 = tpu.matmul %dot_general3A_269, %get3A_288, %dot_general3A_289 {dimension_numbers = #tpu.dot_dimension_numbers<[1], [0], [0], [1], [0, 0, 1, 1], [], []>, transpose_lhs_hint = false} : vector<1024x64xf32>, vector<64x16xf32>, vector<1024x16xf32> -> vector<1024x16xf32>
    %add3A_291 = arith.addf %add3A_262, %dot_general3A_290 : vector<1024x16xf32>
    %get3A_292 = arith.constant 10 : index
    %get3A_293 = arith.constant 0 : index
    %get3A_294 = arith.constant 0 : index
    %get3A_295 = vector.load %arg2[%get3A_292, %get3A_293, %get3A_294] : memref<16x128x64xf32, #tpu.memory_space<vmem>>, vector<1x128x64xf32>
    %get3A_296 = vector.shape_cast %get3A_295 : vector<1x128x64xf32> to vector<128x64xf32>
    %dot_general3A_297 = arith.constant dense<0.000000e+00> : vector<1024x64xf32>
    %dot_general3A_298 = tpu.matmul %get3A_1, %get3A_296, %dot_general3A_297 {dimension_numbers = #tpu.dot_dimension_numbers<[1], [0], [0], [1], [0, 0, 1, 1], [], []>, transpose_lhs_hint = false} : vector<1024x128xf32>, vector<128x64xf32>, vector<1024x64xf32> -> vector<1024x64xf32>
    %swap3A_299 = arith.constant 10 : index
    %swap3A_300 = arith.constant 0 : index
    %swap3A_301 = arith.constant 0 : index
    %swap3A_302 = vector.load %arg5[%swap3A_299, %swap3A_300, %swap3A_301] : memref<16x1024x64xf32, #tpu.memory_space<vmem>>, vector<1x1024x64xf32>
    %swap3A_303 = vector.shape_cast %swap3A_302 : vector<1x1024x64xf32> to vector<1024x64xf32>
    %swap3A_304 = vector.shape_cast %dot_general3A_298 : vector<1024x64xf32> to vector<1x1024x64xf32>
    tpu.vector_store %arg5[%swap3A_299, %swap3A_300, %swap3A_301], %swap3A_304 {strides = array<i32>} : memref<16x1024x64xf32, #tpu.memory_space<vmem>>, vector<1x1024x64xf32>,
    %get3A_305 = arith.constant 10 : index
    %get3A_306 = arith.constant 0 : index
    %get3A_307 = arith.constant 0 : index
    %get3A_308 = vector.load %arg3[%get3A_305, %get3A_306, %get3A_307] : memref<16x64x16xf32, #tpu.memory_space<vmem>>, vector<1x64x16xf32>
    %get3A_309 = vector.shape_cast %get3A_308 : vector<1x64x16xf32> to vector<64x16xf32>
    %dot_general3A_310 = arith.constant dense<0.000000e+00> : vector<1024x16xf32>
    %dot_general3A_311 = tpu.matmul %dot_general3A_298, %get3A_309, %dot_general3A_310 {dimension_numbers = #tpu.dot_dimension_numbers<[1], [0], [0], [1], [0, 0, 1, 1], [], []>, transpose_lhs_hint = false} : vector<1024x64xf32>, vector<64x16xf32>, vector<1024x16xf32> -> vector<1024x16xf32>
    %add3A_312 = arith.addf %add3A_283, %dot_general3A_311 : vector<1024x16xf32>
    %get3A_313 = arith.constant 10 : index
    %get3A_314 = arith.constant 0 : index
    %get3A_315 = arith.constant 0 : index
    %get3A_316 = vector.load %arg4[%get3A_313, %get3A_314, %get3A_315] : memref<16x64x16xf32, #tpu.memory_space<vmem>>, vector<1x64x16xf32>
    %get3A_317 = vector.shape_cast %get3A_316 : vector<1x64x16xf32> to vector<64x16xf32>
    %dot_general3A_318 = arith.constant dense<0.000000e+00> : vector<1024x16xf32>
    %dot_general3A_319 = tpu.matmul %dot_general3A_298, %get3A_317, %dot_general3A_318 {dimension_numbers = #tpu.dot_dimension_numbers<[1], [0], [0], [1], [0, 0, 1, 1], [], []>, transpose_lhs_hint = false} : vector<1024x64xf32>, vector<64x16xf32>, vector<1024x16xf32> -> vector<1024x16xf32>
    %add3A_320 = arith.addf %add3A_291, %dot_general3A_319 : vector<1024x16xf32>
    %get3A_321 = arith.constant 11 : index
    %get3A_322 = arith.constant 0 : index
    %get3A_323 = arith.constant 0 : index
    %get3A_324 = vector.load %arg2[%get3A_321, %get3A_322, %get3A_323] : memref<16x128x64xf32, #tpu.memory_space<vmem>>, vector<1x128x64xf32>
    %get3A_325 = vector.shape_cast %get3A_324 : vector<1x128x64xf32> to vector<128x64xf32>
    %dot_general3A_326 = arith.constant dense<0.000000e+00> : vector<1024x64xf32>
    %dot_general3A_327 = tpu.matmul %get3A_1, %get3A_325, %dot_general3A_326 {dimension_numbers = #tpu.dot_dimension_numbers<[1], [0], [0], [1], [0, 0, 1, 1], [], []>, transpose_lhs_hint = false} : vector<1024x128xf32>, vector<128x64xf32>, vector<1024x64xf32> -> vector<1024x64xf32>
    %swap3A_328 = arith.constant 11 : index
    %swap3A_329 = arith.constant 0 : index
    %swap3A_330 = arith.constant 0 : index
    %swap3A_331 = vector.load %arg5[%swap3A_328, %swap3A_329, %swap3A_330] : memref<16x1024x64xf32, #tpu.memory_space<vmem>>, vector<1x1024x64xf32>
    %swap3A_332 = vector.shape_cast %swap3A_331 : vector<1x1024x64xf32> to vector<1024x64xf32>
    %swap3A_333 = vector.shape_cast %dot_general3A_327 : vector<1024x64xf32> to vector<1x1024x64xf32>
    tpu.vector_store %arg5[%swap3A_328, %swap3A_329, %swap3A_330], %swap3A_333 {strides = array<i32>} : memref<16x1024x64xf32, #tpu.memory_space<vmem>>, vector<1x1024x64xf32>,
    %get3A_334 = arith.constant 11 : index
    %get3A_335 = arith.constant 0 : index
    %get3A_336 = arith.constant 0 : index
    %get3A_337 = vector.load %arg3[%get3A_334, %get3A_335, %get3A_336] : memref<16x64x16xf32, #tpu.memory_space<vmem>>, vector<1x64x16xf32>
    %get3A_338 = vector.shape_cast %get3A_337 : vector<1x64x16xf32> to vector<64x16xf32>
    %dot_general3A_339 = arith.constant dense<0.000000e+00> : vector<1024x16xf32>
    %dot_general3A_340 = tpu.matmul %dot_general3A_327, %get3A_338, %dot_general3A_339 {dimension_numbers = #tpu.dot_dimension_numbers<[1], [0], [0], [1], [0, 0, 1, 1], [], []>, transpose_lhs_hint = false} : vector<1024x64xf32>, vector<64x16xf32>, vector<1024x16xf32> -> vector<1024x16xf32>
    %add3A_341 = arith.addf %add3A_312, %dot_general3A_340 : vector<1024x16xf32>
    %get3A_342 = arith.constant 11 : index
    %get3A_343 = arith.constant 0 : index
    %get3A_344 = arith.constant 0 : index
    %get3A_345 = vector.load %arg4[%get3A_342, %get3A_343, %get3A_344] : memref<16x64x16xf32, #tpu.memory_space<vmem>>, vector<1x64x16xf32>
    %get3A_346 = vector.shape_cast %get3A_345 : vector<1x64x16xf32> to vector<64x16xf32>
    %dot_general3A_347 = arith.constant dense<0.000000e+00> : vector<1024x16xf32>
    %dot_general3A_348 = tpu.matmul %dot_general3A_327, %get3A_346, %dot_general3A_347 {dimension_numbers = #tpu.dot_dimension_numbers<[1], [0], [0], [1], [0, 0, 1, 1], [], []>, transpose_lhs_hint = false} : vector<1024x64xf32>, vector<64x16xf32>, vector<1024x16xf32> -> vector<1024x16xf32>
    %add3A_349 = arith.addf %add3A_320, %dot_general3A_348 : vector<1024x16xf32>
    %get3A_350 = arith.constant 12 : index
    %get3A_351 = arith.constant 0 : index
    %get3A_352 = arith.constant 0 : index
    %get3A_353 = vector.load %arg2[%get3A_350, %get3A_351, %get3A_352] : memref<16x128x64xf32, #tpu.memory_space<vmem>>, vector<1x128x64xf32>
    %get3A_354 = vector.shape_cast %get3A_353 : vector<1x128x64xf32> to vector<128x64xf32>
    %dot_general3A_355 = arith.constant dense<0.000000e+00> : vector<1024x64xf32>
    %dot_general3A_356 = tpu.matmul %get3A_1, %get3A_354, %dot_general3A_355 {dimension_numbers = #tpu.dot_dimension_numbers<[1], [0], [0], [1], [0, 0, 1, 1], [], []>, transpose_lhs_hint = false} : vector<1024x128xf32>, vector<128x64xf32>, vector<1024x64xf32> -> vector<1024x64xf32>
    %swap3A_357 = arith.constant 12 : index
    %swap3A_358 = arith.constant 0 : index
    %swap3A_359 = arith.constant 0 : index
    %swap3A_360 = vector.load %arg5[%swap3A_357, %swap3A_358, %swap3A_359] : memref<16x1024x64xf32, #tpu.memory_space<vmem>>, vector<1x1024x64xf32>
    %swap3A_361 = vector.shape_cast %swap3A_360 : vector<1x1024x64xf32> to vector<1024x64xf32>
    %swap3A_362 = vector.shape_cast %dot_general3A_356 : vector<1024x64xf32> to vector<1x1024x64xf32>
    tpu.vector_store %arg5[%swap3A_357, %swap3A_358, %swap3A_359], %swap3A_362 {strides = array<i32>} : memref<16x1024x64xf32, #tpu.memory_space<vmem>>, vector<1x1024x64xf32>,
    %get3A_363 = arith.constant 12 : index
    %get3A_364 = arith.constant 0 : index
    %get3A_365 = arith.constant 0 : index
    %get3A_366 = vector.load %arg3[%get3A_363, %get3A_364, %get3A_365] : memref<16x64x16xf32, #tpu.memory_space<vmem>>, vector<1x64x16xf32>
    %get3A_367 = vector.shape_cast %get3A_366 : vector<1x64x16xf32> to vector<64x16xf32>
    %dot_general3A_368 = arith.constant dense<0.000000e+00> : vector<1024x16xf32>
    %dot_general3A_369 = tpu.matmul %dot_general3A_356, %get3A_367, %dot_general3A_368 {dimension_numbers = #tpu.dot_dimension_numbers<[1], [0], [0], [1], [0, 0, 1, 1], [], []>, transpose_lhs_hint = false} : vector<1024x64xf32>, vector<64x16xf32>, vector<1024x16xf32> -> vector<1024x16xf32>
    %add3A_370 = arith.addf %add3A_341, %dot_general3A_369 : vector<1024x16xf32>
    %get3A_371 = arith.constant 12 : index
    %get3A_372 = arith.constant 0 : index
    %get3A_373 = arith.constant 0 : index
    %get3A_374 = vector.load %arg4[%get3A_371, %get3A_372, %get3A_373] : memref<16x64x16xf32, #tpu.memory_space<vmem>>, vector<1x64x16xf32>
    %get3A_375 = vector.shape_cast %get3A_374 : vector<1x64x16xf32> to vector<64x16xf32>
    %dot_general3A_376 = arith.constant dense<0.000000e+00> : vector<1024x16xf32>
    %dot_general3A_377 = tpu.matmul %dot_general3A_356, %get3A_375, %dot_general3A_376 {dimension_numbers = #tpu.dot_dimension_numbers<[1], [0], [0], [1], [0, 0, 1, 1], [], []>, transpose_lhs_hint = false} : vector<1024x64xf32>, vector<64x16xf32>, vector<1024x16xf32> -> vector<1024x16xf32>
    %add3A_378 = arith.addf %add3A_349, %dot_general3A_377 : vector<1024x16xf32>
    %get3A_379 = arith.constant 13 : index
    %get3A_380 = arith.constant 0 : index
    %get3A_381 = arith.constant 0 : index
    %get3A_382 = vector.load %arg2[%get3A_379, %get3A_380, %get3A_381] : memref<16x128x64xf32, #tpu.memory_space<vmem>>, vector<1x128x64xf32>
    %get3A_383 = vector.shape_cast %get3A_382 : vector<1x128x64xf32> to vector<128x64xf32>
    %dot_general3A_384 = arith.constant dense<0.000000e+00> : vector<1024x64xf32>
    %dot_general3A_385 = tpu.matmul %get3A_1, %get3A_383, %dot_general3A_384 {dimension_numbers = #tpu.dot_dimension_numbers<[1], [0], [0], [1], [0, 0, 1, 1], [], []>, transpose_lhs_hint = false} : vector<1024x128xf32>, vector<128x64xf32>, vector<1024x64xf32> -> vector<1024x64xf32>
    %swap3A_386 = arith.constant 13 : index
    %swap3A_387 = arith.constant 0 : index
    %swap3A_388 = arith.constant 0 : index
    %swap3A_389 = vector.load %arg5[%swap3A_386, %swap3A_387, %swap3A_388] : memref<16x1024x64xf32, #tpu.memory_space<vmem>>, vector<1x1024x64xf32>
    %swap3A_390 = vector.shape_cast %swap3A_389 : vector<1x1024x64xf32> to vector<1024x64xf32>
    %swap3A_391 = vector.shape_cast %dot_general3A_385 : vector<1024x64xf32> to vector<1x1024x64xf32>
    tpu.vector_store %arg5[%swap3A_386, %swap3A_387, %swap3A_388], %swap3A_391 {strides = array<i32>} : memref<16x1024x64xf32, #tpu.memory_space<vmem>>, vector<1x1024x64xf32>,
    %get3A_392 = arith.constant 13 : index
    %get3A_393 = arith.constant 0 : index
    %get3A_394 = arith.constant 0 : index
    %get3A_395 = vector.load %arg3[%get3A_392, %get3A_393, %get3A_394] : memref<16x64x16xf32, #tpu.memory_space<vmem>>, vector<1x64x16xf32>
    %get3A_396 = vector.shape_cast %get3A_395 : vector<1x64x16xf32> to vector<64x16xf32>
    %dot_general3A_397 = arith.constant dense<0.000000e+00> : vector<1024x16xf32>
    %dot_general3A_398 = tpu.matmul %dot_general3A_385, %get3A_396, %dot_general3A_397 {dimension_numbers = #tpu.dot_dimension_numbers<[1], [0], [0], [1], [0, 0, 1, 1], [], []>, transpose_lhs_hint = false} : vector<1024x64xf32>, vector<64x16xf32>, vector<1024x16xf32> -> vector<1024x16xf32>
    %add3A_399 = arith.addf %add3A_370, %dot_general3A_398 : vector<1024x16xf32>
    %get3A_400 = arith.constant 13 : index
    %get3A_401 = arith.constant 0 : index
    %get3A_402 = arith.constant 0 : index
    %get3A_403 = vector.load %arg4[%get3A_400, %get3A_401, %get3A_402] : memref<16x64x16xf32, #tpu.memory_space<vmem>>, vector<1x64x16xf32>
    %get3A_404 = vector.shape_cast %get3A_403 : vector<1x64x16xf32> to vector<64x16xf32>
    %dot_general3A_405 = arith.constant dense<0.000000e+00> : vector<1024x16xf32>
    %dot_general3A_406 = tpu.matmul %dot_general3A_385, %get3A_404, %dot_general3A_405 {dimension_numbers = #tpu.dot_dimension_numbers<[1], [0], [0], [1], [0, 0, 1, 1], [], []>, transpose_lhs_hint = false} : vector<1024x64xf32>, vector<64x16xf32>, vector<1024x16xf32> -> vector<1024x16xf32>
    %add3A_407 = arith.addf %add3A_378, %dot_general3A_406 : vector<1024x16xf32>
    %get3A_408 = arith.constant 14 : index
    %get3A_409 = arith.constant 0 : index
    %get3A_410 = arith.constant 0 : index
    %get3A_411 = vector.load %arg2[%get3A_408, %get3A_409, %get3A_410] : memref<16x128x64xf32, #tpu.memory_space<vmem>>, vector<1x128x64xf32>
    %get3A_412 = vector.shape_cast %get3A_411 : vector<1x128x64xf32> to vector<128x64xf32>
    %dot_general3A_413 = arith.constant dense<0.000000e+00> : vector<1024x64xf32>
    %dot_general3A_414 = tpu.matmul %get3A_1, %get3A_412, %dot_general3A_413 {dimension_numbers = #tpu.dot_dimension_numbers<[1], [0], [0], [1], [0, 0, 1, 1], [], []>, transpose_lhs_hint = false} : vector<1024x128xf32>, vector<128x64xf32>, vector<1024x64xf32> -> vector<1024x64xf32>
    %swap3A_415 = arith.constant 14 : index
    %swap3A_416 = arith.constant 0 : index
    %swap3A_417 = arith.constant 0 : index
    %swap3A_418 = vector.load %arg5[%swap3A_415, %swap3A_416, %swap3A_417] : memref<16x1024x64xf32, #tpu.memory_space<vmem>>, vector<1x1024x64xf32>
    %swap3A_419 = vector.shape_cast %swap3A_418 : vector<1x1024x64xf32> to vector<1024x64xf32>
    %swap3A_420 = vector.shape_cast %dot_general3A_414 : vector<1024x64xf32> to vector<1x1024x64xf32>
    tpu.vector_store %arg5[%swap3A_415, %swap3A_416, %swap3A_417], %swap3A_420 {strides = array<i32>} : memref<16x1024x64xf32, #tpu.memory_space<vmem>>, vector<1x1024x64xf32>,
    %get3A_421 = arith.constant 14 : index
    %get3A_422 = arith.constant 0 : index
    %get3A_423 = arith.constant 0 : index
    %get3A_424 = vector.load %arg3[%get3A_421, %get3A_422, %get3A_423] : memref<16x64x16xf32, #tpu.memory_space<vmem>>, vector<1x64x16xf32>
    %get3A_425 = vector.shape_cast %get3A_424 : vector<1x64x16xf32> to vector<64x16xf32>
    %dot_general3A_426 = arith.constant dense<0.000000e+00> : vector<1024x16xf32>
    %dot_general3A_427 = tpu.matmul %dot_general3A_414, %get3A_425, %dot_general3A_426 {dimension_numbers = #tpu.dot_dimension_numbers<[1], [0], [0], [1], [0, 0, 1, 1], [], []>, transpose_lhs_hint = false} : vector<1024x64xf32>, vector<64x16xf32>, vector<1024x16xf32> -> vector<1024x16xf32>
    %add3A_428 = arith.addf %add3A_399, %dot_general3A_427 : vector<1024x16xf32>
    %get3A_429 = arith.constant 14 : index
    %get3A_430 = arith.constant 0 : index
    %get3A_431 = arith.constant 0 : index
    %get3A_432 = vector.load %arg4[%get3A_429, %get3A_430, %get3A_431] : memref<16x64x16xf32, #tpu.memory_space<vmem>>, vector<1x64x16xf32>
    %get3A_433 = vector.shape_cast %get3A_432 : vector<1x64x16xf32> to vector<64x16xf32>
    %dot_general3A_434 = arith.constant dense<0.000000e+00> : vector<1024x16xf32>
    %dot_general3A_435 = tpu.matmul %dot_general3A_414, %get3A_433, %dot_general3A_434 {dimension_numbers = #tpu.dot_dimension_numbers<[1], [0], [0], [1], [0, 0, 1, 1], [], []>, transpose_lhs_hint = false} : vector<1024x64xf32>, vector<64x16xf32>, vector<1024x16xf32> -> vector<1024x16xf32>
    %add3A_436 = arith.addf %add3A_407, %dot_general3A_435 : vector<1024x16xf32>
    %get3A_437 = arith.constant 15 : index
    %get3A_438 = arith.constant 0 : index
    %get3A_439 = arith.constant 0 : index
    %get3A_440 = vector.load %arg2[%get3A_437, %get3A_438, %get3A_439] : memref<16x128x64xf32, #tpu.memory_space<vmem>>, vector<1x128x64xf32>
    %get3A_441 = vector.shape_cast %get3A_440 : vector<1x128x64xf32> to vector<128x64xf32>
    %dot_general3A_442 = arith.constant dense<0.000000e+00> : vector<1024x64xf32>
    %dot_general3A_443 = tpu.matmul %get3A_1, %get3A_441, %dot_general3A_442 {dimension_numbers = #tpu.dot_dimension_numbers<[1], [0], [0], [1], [0, 0, 1, 1], [], []>, transpose_lhs_hint = false} : vector<1024x128xf32>, vector<128x64xf32>, vector<1024x64xf32> -> vector<1024x64xf32>
    %swap3A_444 = arith.constant 15 : index
    %swap3A_445 = arith.constant 0 : index
    %swap3A_446 = arith.constant 0 : index
    %swap3A_447 = vector.load %arg5[%swap3A_444, %swap3A_445, %swap3A_446] : memref<16x1024x64xf32, #tpu.memory_space<vmem>>, vector<1x1024x64xf32>
    %swap3A_448 = vector.shape_cast %swap3A_447 : vector<1x1024x64xf32> to vector<1024x64xf32>
    %swap3A_449 = vector.shape_cast %dot_general3A_443 : vector<1024x64xf32> to vector<1x1024x64xf32>
    tpu.vector_store %arg5[%swap3A_444, %swap3A_445, %swap3A_446], %swap3A_449 {strides = array<i32>} : memref<16x1024x64xf32, #tpu.memory_space<vmem>>, vector<1x1024x64xf32>,
    %get3A_450 = arith.constant 15 : index
    %get3A_451 = arith.constant 0 : index
    %get3A_452 = arith.constant 0 : index
    %get3A_453 = vector.load %arg3[%get3A_450, %get3A_451, %get3A_452] : memref<16x64x16xf32, #tpu.memory_space<vmem>>, vector<1x64x16xf32>
    %get3A_454 = vector.shape_cast %get3A_453 : vector<1x64x16xf32> to vector<64x16xf32>
    %dot_general3A_455 = arith.constant dense<0.000000e+00> : vector<1024x16xf32>
    %dot_general3A_456 = tpu.matmul %dot_general3A_443, %get3A_454, %dot_general3A_455 {dimension_numbers = #tpu.dot_dimension_numbers<[1], [0], [0], [1], [0, 0, 1, 1], [], []>, transpose_lhs_hint = false} : vector<1024x64xf32>, vector<64x16xf32>, vector<1024x16xf32> -> vector<1024x16xf32>
    %add3A_457 = arith.addf %add3A_428, %dot_general3A_456 : vector<1024x16xf32>
    %get3A_458 = arith.constant 15 : index
    %get3A_459 = arith.constant 0 : index
    %get3A_460 = arith.constant 0 : index
    %get3A_461 = vector.load %arg4[%get3A_458, %get3A_459, %get3A_460] : memref<16x64x16xf32, #tpu.memory_space<vmem>>, vector<1x64x16xf32>
    %get3A_462 = vector.shape_cast %get3A_461 : vector<1x64x16xf32> to vector<64x16xf32>
    %dot_general3A_463 = arith.constant dense<0.000000e+00> : vector<1024x16xf32>
    %dot_general3A_464 = tpu.matmul %dot_general3A_443, %get3A_462, %dot_general3A_463 {dimension_numbers = #tpu.dot_dimension_numbers<[1], [0], [0], [1], [0, 0, 1, 1], [], []>, transpose_lhs_hint = false} : vector<1024x64xf32>, vector<64x16xf32>, vector<1024x16xf32> -> vector<1024x16xf32>
    %add3A_465 = arith.addf %add3A_436, %dot_general3A_464 : vector<1024x16xf32>
    %swap3A_466 = arith.constant 0 : index
    %swap3A_467 = arith.constant 0 : index
    %swap3A_468 = vector.load %arg6[%swap3A_466, %swap3A_467] : memref<1024x16xf32, #tpu.memory_space<vmem>>, vector<1024x16xf32>
    tpu.vector_store %arg6[%swap3A_466, %swap3A_467], %add3A_457 {strides = array<i32>} : memref<1024x16xf32, #tpu.memory_space<vmem>>, vector<1024x16xf32>,
    %swap3A_469 = arith.constant 0 : index
    %swap3A_470 = arith.constant 0 : index
    %swap3A_471 = vector.load %arg7[%swap3A_469, %swap3A_470] : memref<1024x16xf32, #tpu.memory_space<vmem>>, vector<1024x16xf32>
    tpu.vector_store %arg7[%swap3A_469, %swap3A_470], %add3A_465 {strides = array<i32>} : memref<1024x16xf32, #tpu.memory_space<vmem>>, vector<1024x16xf32>,
    %reduce_max3A = vector.shape_cast %add3A_457 : vector<1024x16xf32> to vector<1x1024x16xf32>
    %reduce_max3A_472 = arith.constant dense<0xFF800000> : vector<1xf32>
    %reduce_max3A_473 = vector.multi_reduction <maximumf>, %reduce_max3A, %reduce_max3A_472 [1, 2] : vector<1x1024x16xf32> to vector<1xf32>
    %reduce_max3A_474 = vector.shape_cast %reduce_max3A_473 : vector<1xf32> to vector<1x1x1xf32>
    %reduce_max3A_475 = vector.extract %reduce_max3A_474[0, 0, 0] : f32 from vector<1x1x1xf32>
    %reduce_max3A_476 = vector.shape_cast %add3A_465 : vector<1024x16xf32> to vector<1x1024x16xf32>
    %reduce_max3A_477 = arith.constant dense<0xFF800000> : vector<1xf32>
    %reduce_max3A_478 = vector.multi_reduction <maximumf>, %reduce_max3A_476, %reduce_max3A_477 [1, 2] : vector<1x1024x16xf32> to vector<1xf32>
    %reduce_max3A_479 = vector.shape_cast %reduce_max3A_478 : vector<1xf32> to vector<1x1x1xf32>
    %reduce_max3A_480 = vector.extract %reduce_max3A_479[0, 0, 0] : f32 from vector<1x1x1xf32>
    %eq3A = arith.constant 0 : i32
    %eq3A_481 = arith.cmpi eq, %arg0, %eq3A : i32
    %get3A_482 = arith.constant 0 : index
    %get3A_483 = memref.load %arg9[%get3A_482] : memref<2xf32, #tpu.memory_space<smem>>
    %jit3A = arith.constant 0xFF800000 : f32
    %select_n3A = arith.select %eq3A_481, %jit3A, %get3A_483 : f32
    %max3A = arith.maximumf %select_n3A, %reduce_max3A_475 : f32
    %eq3A_484 = arith.constant 0 : i32
    %eq3A_485 = arith.cmpi eq, %arg0, %eq3A_484 : i32
    %get3A_486 = arith.constant 1 : index
    %get3A_487 = memref.load %arg9[%get3A_486] : memref<2xf32, #tpu.memory_space<smem>>
    %jit3A_488 = arith.constant 0xFF800000 : f32
    %select_n3A_489 = arith.select %eq3A_485, %jit3A_488, %get3A_487 : f32
    %max3A_490 = arith.maximumf %select_n3A_489, %reduce_max3A_480 : f32
    %swap3A_491 = arith.constant 0 : index
    %swap3A_492 = memref.load %arg9[%swap3A_491] : memref<2xf32, #tpu.memory_space<smem>>
    memref.store %max3A, %arg9[%swap3A_491] : memref<2xf32, #tpu.memory_space<smem>>
    %swap3A_493 = arith.constant 1 : index
    %swap3A_494 = memref.load %arg9[%swap3A_493] : memref<2xf32, #tpu.memory_space<smem>>
    memref.store %max3A_490, %arg9[%swap3A_493] : memref<2xf32, #tpu.memory_space<smem>>
    %add3A_495 = arith.addf %max3A, %max3A_490 : f32
    %ge3A = arith.constant 0.000000e+00 : f32
    %ge3A_496 = arith.cmpf oge, %add3A_495, %ge3A : f32
    %mul3A = arith.constant 2.000000e-01 : f32
    %mul3A_497 = arith.mulf %mul3A, %add3A_495 : f32
    %select_n3A_498 = arith.select %ge3A_496, %add3A_495, %mul3A_497 : f32
    %broadcast_in_dim3A_499 = vector.broadcast %select_n3A_498 : f32 to vector<1x128xf32>
    %swap3A_500 = arith.constant 0 : index
    %swap3A_501 = arith.constant 0 : index
    %swap3A_502 = vector.load %arg8[%swap3A_500, %swap3A_501] : memref<1x128xf32, #tpu.memory_space<vmem>>, vector<1x128xf32>
    tpu.vector_store %arg8[%swap3A_500, %swap3A_501], %broadcast_in_dim3A_499 {strides = array<i32>} : memref<1x128xf32, #tpu.memory_space<vmem>>, vector<1x128xf32>,
    return
  }
  func.func @transform_0(%arg0: i32) -> (i32, i32) {
    %c0_i32 = arith.constant 0 : i32
    %c0_i32_0 = arith.constant 0 : i32
    return %arg0, %c0_i32 : i32, i32
  }
  func.func @transform_1(%arg0: i32) -> (i32, i32, i32) {
    %c0_i32 = arith.constant 0 : i32
    %c0_i32_0 = arith.constant 0 : i32
    %c0_i32_1 = arith.constant 0 : i32
    %c0_i32_2 = arith.constant 0 : i32
    return %c0_i32, %c0_i32_0, %c0_i32_1 : i32, i32, i32
  }
  func.func @transform_2(%arg0: i32) -> (i32, i32, i32) {
    %c0_i32 = arith.constant 0 : i32
    %c0_i32_0 = arith.constant 0 : i32
    %c0_i32_1 = arith.constant 0 : i32
    %c0_i32_2 = arith.constant 0 : i32
    return %c0_i32, %c0_i32_0, %c0_i32_1 : i32, i32, i32
  }
  func.func @transform_3(%arg0: i32) -> (i32, i32, i32) {
    %c0_i32 = arith.constant 0 : i32
    %c0_i32_0 = arith.constant 0 : i32
    %c0_i32_1 = arith.constant 0 : i32
    %c0_i32_2 = arith.constant 0 : i32
    return %c0_i32, %c0_i32_0, %c0_i32_1 : i32, i32, i32
  }
  func.func @transform_4(%arg0: i32) -> (i32, i32, i32) {
    %c0_i32 = arith.constant 0 : i32
    %c0_i32_0 = arith.constant 0 : i32
    %c0_i32_1 = arith.constant 0 : i32
    return %c0_i32, %arg0, %c0_i32_0 : i32, i32, i32
  }
  func.func @transform_5(%arg0: i32) -> (i32, i32) {
    %c0_i32 = arith.constant 0 : i32
    %c0_i32_0 = arith.constant 0 : i32
    return %arg0, %c0_i32 : i32, i32
  }
  func.func @transform_6(%arg0: i32) -> (i32, i32) {
    %c0_i32 = arith.constant 0 : i32
    %c0_i32_0 = arith.constant 0 : i32
    return %arg0, %c0_i32 : i32, i32
  }
  func.func @transform_7(%arg0: i32) -> (i32, i32) {
    %c0_i32 = arith.constant 0 : i32
    %c0_i32_0 = arith.constant 0 : i32
    %c0_i32_1 = arith.constant 0 : i32
    return %c0_i32, %c0_i32_0 : i32, i32
  }
}

module attributes {stable_mosaic.version = 14 : i64} {
  func.func @kern(%arg0: i32, %arg1: memref<16x1024x64xf32, #tpu.memory_space<vmem>>, %arg2: memref<2x1024x16xf32, #tpu.memory_space<vmem>>, %arg3: memref<16x1x64xf32, #tpu.memory_space<vmem>>, %arg4: memref<8x1024x64xf32, #tpu.memory_space<vmem>>, %arg5: memref<8x64x16xf32, #tpu.memory_space<vmem>>, %arg6: memref<8x64x16xf32, #tpu.memory_space<vmem>>, %arg7: memref<8x1024x64xf32, #tpu.memory_space<vmem>>, %arg8: memref<1024x16xf32, #tpu.memory_space<vmem>>, %arg9: memref<1024x16xf32, #tpu.memory_space<vmem>>, %arg10: memref<1x128xf32, #tpu.memory_space<vmem>>, %arg11: memref<2xf32, #tpu.memory_space<smem>>) attributes {dimension_semantics = [#tpu.dimension_semantics<arbitrary>], iteration_bounds = array<i64: 10>, scalar_prefetch = 0 : i64, scratch_operands = 1 : i64, tpu.core_type = #tpu.core_type<tc>, window_params = [{transform_indices = @transform_0, window_bounds = array<i64: 16, 1024, 64>}, {transform_indices = @transform_1, window_bounds = array<i64: 2, 1024, 16>}, {pipeline_mode = #tpu.pipeline_mode<synchronous>, transform_indices = @transform_2, window_bounds = array<i64: 16, 1, 64>}, {pipeline_mode = #tpu.pipeline_mode<synchronous>, transform_indices = @transform_3, window_bounds = array<i64: 8, 1024, 64>}, {pipeline_mode = #tpu.pipeline_mode<synchronous>, transform_indices = @transform_4, window_bounds = array<i64: 8, 64, 16>}, {pipeline_mode = #tpu.pipeline_mode<synchronous>, transform_indices = @transform_5, window_bounds = array<i64: 8, 64, 16>}, {transform_indices = @transform_6, window_bounds = array<i64: 8, 1024, 64>}, {transform_indices = @transform_7, window_bounds = array<i64: 1024, 16>}, {transform_indices = @transform_8, window_bounds = array<i64: 1024, 16>}, {pipeline_mode = #tpu.pipeline_mode<synchronous>, transform_indices = @transform_9, window_bounds = array<i64: 1, 128>}]} {
    %get3A = arith.constant 0 : index
    %get3A_0 = arith.constant 0 : index
    %get3A_1 = arith.constant 0 : index
    %get3A_2 = vector.load %arg2[%get3A, %get3A_0, %get3A_1] : memref<2x1024x16xf32, #tpu.memory_space<vmem>>, vector<1x1024x16xf32>
    %get3A_3 = vector.shape_cast %get3A_2 : vector<1x1024x16xf32> to vector<1024x16xf32>
    %get3A_4 = arith.constant 1 : index
    %get3A_5 = arith.constant 0 : index
    %get3A_6 = arith.constant 0 : index
    %get3A_7 = vector.load %arg2[%get3A_4, %get3A_5, %get3A_6] : memref<2x1024x16xf32, #tpu.memory_space<vmem>>, vector<1x1024x16xf32>
    %get3A_8 = vector.shape_cast %get3A_7 : vector<1x1024x16xf32> to vector<1024x16xf32>
    %add3A = arith.addf %get3A_3, %get3A_8 : vector<1024x16xf32>
    %add3A_9 = arith.constant 1.000000e-16 : f32
    %add3A_10 = vector.broadcast %add3A_9 : f32 to vector<1024x16xf32>
    %add3A_11 = arith.addf %add3A, %add3A_10 : vector<1024x16xf32>
    %div3A = arith.constant 1.000000e+00 : f32
    %div3A_12 = vector.broadcast %div3A : f32 to vector<1024x16xf32>
    %div3A_13 = arith.divf %div3A_12, %add3A_11 : vector<1024x16xf32>
    %slice3A = vector.extract_strided_slice %div3A_13 {offsets = [0, 0], sizes = [1024, 8], strides = [1, 1]} : vector<1024x16xf32> to vector<1024x8xf32>
    %tile3A = tpu.concatenate %slice3A, %slice3A, %slice3A, %slice3A, %slice3A, %slice3A, %slice3A, %slice3A in 1 : vector<1024x8xf32>, vector<1024x8xf32>, vector<1024x8xf32>, vector<1024x8xf32>, vector<1024x8xf32>, vector<1024x8xf32>, vector<1024x8xf32>, vector<1024x8xf32> -> vector<1024x64xf32>
    %get3A_14 = arith.constant 0 : index
    %get3A_15 = arith.constant 0 : index
    %get3A_16 = arith.constant 0 : index
    %get3A_17 = vector.load %arg1[%get3A_14, %get3A_15, %get3A_16] : memref<16x1024x64xf32, #tpu.memory_space<vmem>>, vector<1x1024x64xf32>
    %get3A_18 = vector.shape_cast %get3A_17 : vector<1x1024x64xf32> to vector<1024x64xf32>
    %mul3A = arith.mulf %get3A_18, %tile3A : vector<1024x64xf32>
    %get3A_19 = arith.constant 0 : index
    %get3A_20 = arith.constant 0 : index
    %get3A_21 = arith.constant 0 : index
    %get3A_22 = vector.load %arg3[%get3A_19, %get3A_20, %get3A_21] : memref<16x1x64xf32, #tpu.memory_space<vmem>>, vector<1x1x64xf32>
    %get3A_23 = vector.shape_cast %get3A_22 : vector<1x1x64xf32> to vector<1x64xf32>
    %add3A_24 = vector.broadcast %get3A_23 : vector<1x64xf32> to vector<1024x64xf32>
    %add3A_25 = arith.addf %mul3A, %add3A_24 : vector<1024x64xf32>
    %gt3A = arith.constant 0.000000e+00 : f32
    %gt3A_26 = vector.broadcast %gt3A : f32 to vector<1024x64xf32>
    %gt3A_27 = arith.cmpf ogt, %add3A_25, %gt3A_26 : vector<1024x64xf32>
    %exp3A = math.exp %add3A_25 : vector<1024x64xf32>
    %sub3A = arith.constant 1.000000e+00 : f32
    %sub3A_28 = vector.broadcast %sub3A : f32 to vector<1024x64xf32>
    %sub3A_29 = arith.subf %exp3A, %sub3A_28 : vector<1024x64xf32>
    %select_n3A = arith.select %gt3A_27, %add3A_25, %sub3A_29 : vector<1024x64xi1>, vector<1024x64xf32>
    %get3A_30 = arith.constant 1 : index
    %get3A_31 = arith.constant 0 : index
    %get3A_32 = arith.constant 0 : index
    %get3A_33 = vector.load %arg1[%get3A_30, %get3A_31, %get3A_32] : memref<16x1024x64xf32, #tpu.memory_space<vmem>>, vector<1x1024x64xf32>
    %get3A_34 = vector.shape_cast %get3A_33 : vector<1x1024x64xf32> to vector<1024x64xf32>
    %mul3A_35 = arith.mulf %get3A_34, %tile3A : vector<1024x64xf32>
    %get3A_36 = arith.constant 1 : index
    %get3A_37 = arith.constant 0 : index
    %get3A_38 = arith.constant 0 : index
    %get3A_39 = vector.load %arg3[%get3A_36, %get3A_37, %get3A_38] : memref<16x1x64xf32, #tpu.memory_space<vmem>>, vector<1x1x64xf32>
    %get3A_40 = vector.shape_cast %get3A_39 : vector<1x1x64xf32> to vector<1x64xf32>
    %add3A_41 = vector.broadcast %get3A_40 : vector<1x64xf32> to vector<1024x64xf32>
    %add3A_42 = arith.addf %mul3A_35, %add3A_41 : vector<1024x64xf32>
    %gt3A_43 = arith.constant 0.000000e+00 : f32
    %gt3A_44 = vector.broadcast %gt3A_43 : f32 to vector<1024x64xf32>
    %gt3A_45 = arith.cmpf ogt, %add3A_42, %gt3A_44 : vector<1024x64xf32>
    %exp3A_46 = math.exp %add3A_42 : vector<1024x64xf32>
    %sub3A_47 = arith.constant 1.000000e+00 : f32
    %sub3A_48 = vector.broadcast %sub3A_47 : f32 to vector<1024x64xf32>
    %sub3A_49 = arith.subf %exp3A_46, %sub3A_48 : vector<1024x64xf32>
    %select_n3A_50 = arith.select %gt3A_45, %add3A_42, %sub3A_49 : vector<1024x64xi1>, vector<1024x64xf32>
    %get3A_51 = arith.constant 2 : index
    %get3A_52 = arith.constant 0 : index
    %get3A_53 = arith.constant 0 : index
    %get3A_54 = vector.load %arg1[%get3A_51, %get3A_52, %get3A_53] : memref<16x1024x64xf32, #tpu.memory_space<vmem>>, vector<1x1024x64xf32>
    %get3A_55 = vector.shape_cast %get3A_54 : vector<1x1024x64xf32> to vector<1024x64xf32>
    %mul3A_56 = arith.mulf %get3A_55, %tile3A : vector<1024x64xf32>
    %get3A_57 = arith.constant 2 : index
    %get3A_58 = arith.constant 0 : index
    %get3A_59 = arith.constant 0 : index
    %get3A_60 = vector.load %arg3[%get3A_57, %get3A_58, %get3A_59] : memref<16x1x64xf32, #tpu.memory_space<vmem>>, vector<1x1x64xf32>
    %get3A_61 = vector.shape_cast %get3A_60 : vector<1x1x64xf32> to vector<1x64xf32>
    %add3A_62 = vector.broadcast %get3A_61 : vector<1x64xf32> to vector<1024x64xf32>
    %add3A_63 = arith.addf %mul3A_56, %add3A_62 : vector<1024x64xf32>
    %gt3A_64 = arith.constant 0.000000e+00 : f32
    %gt3A_65 = vector.broadcast %gt3A_64 : f32 to vector<1024x64xf32>
    %gt3A_66 = arith.cmpf ogt, %add3A_63, %gt3A_65 : vector<1024x64xf32>
    %exp3A_67 = math.exp %add3A_63 : vector<1024x64xf32>
    %sub3A_68 = arith.constant 1.000000e+00 : f32
    %sub3A_69 = vector.broadcast %sub3A_68 : f32 to vector<1024x64xf32>
    %sub3A_70 = arith.subf %exp3A_67, %sub3A_69 : vector<1024x64xf32>
    %select_n3A_71 = arith.select %gt3A_66, %add3A_63, %sub3A_70 : vector<1024x64xi1>, vector<1024x64xf32>
    %get3A_72 = arith.constant 3 : index
    %get3A_73 = arith.constant 0 : index
    %get3A_74 = arith.constant 0 : index
    %get3A_75 = vector.load %arg1[%get3A_72, %get3A_73, %get3A_74] : memref<16x1024x64xf32, #tpu.memory_space<vmem>>, vector<1x1024x64xf32>
    %get3A_76 = vector.shape_cast %get3A_75 : vector<1x1024x64xf32> to vector<1024x64xf32>
    %mul3A_77 = arith.mulf %get3A_76, %tile3A : vector<1024x64xf32>
    %get3A_78 = arith.constant 3 : index
    %get3A_79 = arith.constant 0 : index
    %get3A_80 = arith.constant 0 : index
    %get3A_81 = vector.load %arg3[%get3A_78, %get3A_79, %get3A_80] : memref<16x1x64xf32, #tpu.memory_space<vmem>>, vector<1x1x64xf32>
    %get3A_82 = vector.shape_cast %get3A_81 : vector<1x1x64xf32> to vector<1x64xf32>
    %add3A_83 = vector.broadcast %get3A_82 : vector<1x64xf32> to vector<1024x64xf32>
    %add3A_84 = arith.addf %mul3A_77, %add3A_83 : vector<1024x64xf32>
    %gt3A_85 = arith.constant 0.000000e+00 : f32
    %gt3A_86 = vector.broadcast %gt3A_85 : f32 to vector<1024x64xf32>
    %gt3A_87 = arith.cmpf ogt, %add3A_84, %gt3A_86 : vector<1024x64xf32>
    %exp3A_88 = math.exp %add3A_84 : vector<1024x64xf32>
    %sub3A_89 = arith.constant 1.000000e+00 : f32
    %sub3A_90 = vector.broadcast %sub3A_89 : f32 to vector<1024x64xf32>
    %sub3A_91 = arith.subf %exp3A_88, %sub3A_90 : vector<1024x64xf32>
    %select_n3A_92 = arith.select %gt3A_87, %add3A_84, %sub3A_91 : vector<1024x64xi1>, vector<1024x64xf32>
    %get3A_93 = arith.constant 4 : index
    %get3A_94 = arith.constant 0 : index
    %get3A_95 = arith.constant 0 : index
    %get3A_96 = vector.load %arg1[%get3A_93, %get3A_94, %get3A_95] : memref<16x1024x64xf32, #tpu.memory_space<vmem>>, vector<1x1024x64xf32>
    %get3A_97 = vector.shape_cast %get3A_96 : vector<1x1024x64xf32> to vector<1024x64xf32>
    %mul3A_98 = arith.mulf %get3A_97, %tile3A : vector<1024x64xf32>
    %get3A_99 = arith.constant 4 : index
    %get3A_100 = arith.constant 0 : index
    %get3A_101 = arith.constant 0 : index
    %get3A_102 = vector.load %arg3[%get3A_99, %get3A_100, %get3A_101] : memref<16x1x64xf32, #tpu.memory_space<vmem>>, vector<1x1x64xf32>
    %get3A_103 = vector.shape_cast %get3A_102 : vector<1x1x64xf32> to vector<1x64xf32>
    %add3A_104 = vector.broadcast %get3A_103 : vector<1x64xf32> to vector<1024x64xf32>
    %add3A_105 = arith.addf %mul3A_98, %add3A_104 : vector<1024x64xf32>
    %gt3A_106 = arith.constant 0.000000e+00 : f32
    %gt3A_107 = vector.broadcast %gt3A_106 : f32 to vector<1024x64xf32>
    %gt3A_108 = arith.cmpf ogt, %add3A_105, %gt3A_107 : vector<1024x64xf32>
    %exp3A_109 = math.exp %add3A_105 : vector<1024x64xf32>
    %sub3A_110 = arith.constant 1.000000e+00 : f32
    %sub3A_111 = vector.broadcast %sub3A_110 : f32 to vector<1024x64xf32>
    %sub3A_112 = arith.subf %exp3A_109, %sub3A_111 : vector<1024x64xf32>
    %select_n3A_113 = arith.select %gt3A_108, %add3A_105, %sub3A_112 : vector<1024x64xi1>, vector<1024x64xf32>
    %get3A_114 = arith.constant 5 : index
    %get3A_115 = arith.constant 0 : index
    %get3A_116 = arith.constant 0 : index
    %get3A_117 = vector.load %arg1[%get3A_114, %get3A_115, %get3A_116] : memref<16x1024x64xf32, #tpu.memory_space<vmem>>, vector<1x1024x64xf32>
    %get3A_118 = vector.shape_cast %get3A_117 : vector<1x1024x64xf32> to vector<1024x64xf32>
    %mul3A_119 = arith.mulf %get3A_118, %tile3A : vector<1024x64xf32>
    %get3A_120 = arith.constant 5 : index
    %get3A_121 = arith.constant 0 : index
    %get3A_122 = arith.constant 0 : index
    %get3A_123 = vector.load %arg3[%get3A_120, %get3A_121, %get3A_122] : memref<16x1x64xf32, #tpu.memory_space<vmem>>, vector<1x1x64xf32>
    %get3A_124 = vector.shape_cast %get3A_123 : vector<1x1x64xf32> to vector<1x64xf32>
    %add3A_125 = vector.broadcast %get3A_124 : vector<1x64xf32> to vector<1024x64xf32>
    %add3A_126 = arith.addf %mul3A_119, %add3A_125 : vector<1024x64xf32>
    %gt3A_127 = arith.constant 0.000000e+00 : f32
    %gt3A_128 = vector.broadcast %gt3A_127 : f32 to vector<1024x64xf32>
    %gt3A_129 = arith.cmpf ogt, %add3A_126, %gt3A_128 : vector<1024x64xf32>
    %exp3A_130 = math.exp %add3A_126 : vector<1024x64xf32>
    %sub3A_131 = arith.constant 1.000000e+00 : f32
    %sub3A_132 = vector.broadcast %sub3A_131 : f32 to vector<1024x64xf32>
    %sub3A_133 = arith.subf %exp3A_130, %sub3A_132 : vector<1024x64xf32>
    %select_n3A_134 = arith.select %gt3A_129, %add3A_126, %sub3A_133 : vector<1024x64xi1>, vector<1024x64xf32>
    %get3A_135 = arith.constant 6 : index
    %get3A_136 = arith.constant 0 : index
    %get3A_137 = arith.constant 0 : index
    %get3A_138 = vector.load %arg1[%get3A_135, %get3A_136, %get3A_137] : memref<16x1024x64xf32, #tpu.memory_space<vmem>>, vector<1x1024x64xf32>
    %get3A_139 = vector.shape_cast %get3A_138 : vector<1x1024x64xf32> to vector<1024x64xf32>
    %mul3A_140 = arith.mulf %get3A_139, %tile3A : vector<1024x64xf32>
    %get3A_141 = arith.constant 6 : index
    %get3A_142 = arith.constant 0 : index
    %get3A_143 = arith.constant 0 : index
    %get3A_144 = vector.load %arg3[%get3A_141, %get3A_142, %get3A_143] : memref<16x1x64xf32, #tpu.memory_space<vmem>>, vector<1x1x64xf32>
    %get3A_145 = vector.shape_cast %get3A_144 : vector<1x1x64xf32> to vector<1x64xf32>
    %add3A_146 = vector.broadcast %get3A_145 : vector<1x64xf32> to vector<1024x64xf32>
    %add3A_147 = arith.addf %mul3A_140, %add3A_146 : vector<1024x64xf32>
    %gt3A_148 = arith.constant 0.000000e+00 : f32
    %gt3A_149 = vector.broadcast %gt3A_148 : f32 to vector<1024x64xf32>
    %gt3A_150 = arith.cmpf ogt, %add3A_147, %gt3A_149 : vector<1024x64xf32>
    %exp3A_151 = math.exp %add3A_147 : vector<1024x64xf32>
    %sub3A_152 = arith.constant 1.000000e+00 : f32
    %sub3A_153 = vector.broadcast %sub3A_152 : f32 to vector<1024x64xf32>
    %sub3A_154 = arith.subf %exp3A_151, %sub3A_153 : vector<1024x64xf32>
    %select_n3A_155 = arith.select %gt3A_150, %add3A_147, %sub3A_154 : vector<1024x64xi1>, vector<1024x64xf32>
    %get3A_156 = arith.constant 7 : index
    %get3A_157 = arith.constant 0 : index
    %get3A_158 = arith.constant 0 : index
    %get3A_159 = vector.load %arg1[%get3A_156, %get3A_157, %get3A_158] : memref<16x1024x64xf32, #tpu.memory_space<vmem>>, vector<1x1024x64xf32>
    %get3A_160 = vector.shape_cast %get3A_159 : vector<1x1024x64xf32> to vector<1024x64xf32>
    %mul3A_161 = arith.mulf %get3A_160, %tile3A : vector<1024x64xf32>
    %get3A_162 = arith.constant 7 : index
    %get3A_163 = arith.constant 0 : index
    %get3A_164 = arith.constant 0 : index
    %get3A_165 = vector.load %arg3[%get3A_162, %get3A_163, %get3A_164] : memref<16x1x64xf32, #tpu.memory_space<vmem>>, vector<1x1x64xf32>
    %get3A_166 = vector.shape_cast %get3A_165 : vector<1x1x64xf32> to vector<1x64xf32>
    %add3A_167 = vector.broadcast %get3A_166 : vector<1x64xf32> to vector<1024x64xf32>
    %add3A_168 = arith.addf %mul3A_161, %add3A_167 : vector<1024x64xf32>
    %gt3A_169 = arith.constant 0.000000e+00 : f32
    %gt3A_170 = vector.broadcast %gt3A_169 : f32 to vector<1024x64xf32>
    %gt3A_171 = arith.cmpf ogt, %add3A_168, %gt3A_170 : vector<1024x64xf32>
    %exp3A_172 = math.exp %add3A_168 : vector<1024x64xf32>
    %sub3A_173 = arith.constant 1.000000e+00 : f32
    %sub3A_174 = vector.broadcast %sub3A_173 : f32 to vector<1024x64xf32>
    %sub3A_175 = arith.subf %exp3A_172, %sub3A_174 : vector<1024x64xf32>
    %select_n3A_176 = arith.select %gt3A_171, %add3A_168, %sub3A_175 : vector<1024x64xi1>, vector<1024x64xf32>
    %get3A_177 = arith.constant 8 : index
    %get3A_178 = arith.constant 0 : index
    %get3A_179 = arith.constant 0 : index
    %get3A_180 = vector.load %arg1[%get3A_177, %get3A_178, %get3A_179] : memref<16x1024x64xf32, #tpu.memory_space<vmem>>, vector<1x1024x64xf32>
    %get3A_181 = vector.shape_cast %get3A_180 : vector<1x1024x64xf32> to vector<1024x64xf32>
    %mul3A_182 = arith.mulf %get3A_181, %tile3A : vector<1024x64xf32>
    %get3A_183 = arith.constant 8 : index
    %get3A_184 = arith.constant 0 : index
    %get3A_185 = arith.constant 0 : index
    %get3A_186 = vector.load %arg3[%get3A_183, %get3A_184, %get3A_185] : memref<16x1x64xf32, #tpu.memory_space<vmem>>, vector<1x1x64xf32>
    %get3A_187 = vector.shape_cast %get3A_186 : vector<1x1x64xf32> to vector<1x64xf32>
    %add3A_188 = vector.broadcast %get3A_187 : vector<1x64xf32> to vector<1024x64xf32>
    %add3A_189 = arith.addf %mul3A_182, %add3A_188 : vector<1024x64xf32>
    %gt3A_190 = arith.constant 0.000000e+00 : f32
    %gt3A_191 = vector.broadcast %gt3A_190 : f32 to vector<1024x64xf32>
    %gt3A_192 = arith.cmpf ogt, %add3A_189, %gt3A_191 : vector<1024x64xf32>
    %exp3A_193 = math.exp %add3A_189 : vector<1024x64xf32>
    %sub3A_194 = arith.constant 1.000000e+00 : f32
    %sub3A_195 = vector.broadcast %sub3A_194 : f32 to vector<1024x64xf32>
    %sub3A_196 = arith.subf %exp3A_193, %sub3A_195 : vector<1024x64xf32>
    %select_n3A_197 = arith.select %gt3A_192, %add3A_189, %sub3A_196 : vector<1024x64xi1>, vector<1024x64xf32>
    %get3A_198 = arith.constant 9 : index
    %get3A_199 = arith.constant 0 : index
    %get3A_200 = arith.constant 0 : index
    %get3A_201 = vector.load %arg1[%get3A_198, %get3A_199, %get3A_200] : memref<16x1024x64xf32, #tpu.memory_space<vmem>>, vector<1x1024x64xf32>
    %get3A_202 = vector.shape_cast %get3A_201 : vector<1x1024x64xf32> to vector<1024x64xf32>
    %mul3A_203 = arith.mulf %get3A_202, %tile3A : vector<1024x64xf32>
    %get3A_204 = arith.constant 9 : index
    %get3A_205 = arith.constant 0 : index
    %get3A_206 = arith.constant 0 : index
    %get3A_207 = vector.load %arg3[%get3A_204, %get3A_205, %get3A_206] : memref<16x1x64xf32, #tpu.memory_space<vmem>>, vector<1x1x64xf32>
    %get3A_208 = vector.shape_cast %get3A_207 : vector<1x1x64xf32> to vector<1x64xf32>
    %add3A_209 = vector.broadcast %get3A_208 : vector<1x64xf32> to vector<1024x64xf32>
    %add3A_210 = arith.addf %mul3A_203, %add3A_209 : vector<1024x64xf32>
    %gt3A_211 = arith.constant 0.000000e+00 : f32
    %gt3A_212 = vector.broadcast %gt3A_211 : f32 to vector<1024x64xf32>
    %gt3A_213 = arith.cmpf ogt, %add3A_210, %gt3A_212 : vector<1024x64xf32>
    %exp3A_214 = math.exp %add3A_210 : vector<1024x64xf32>
    %sub3A_215 = arith.constant 1.000000e+00 : f32
    %sub3A_216 = vector.broadcast %sub3A_215 : f32 to vector<1024x64xf32>
    %sub3A_217 = arith.subf %exp3A_214, %sub3A_216 : vector<1024x64xf32>
    %select_n3A_218 = arith.select %gt3A_213, %add3A_210, %sub3A_217 : vector<1024x64xi1>, vector<1024x64xf32>
    %get3A_219 = arith.constant 10 : index
    %get3A_220 = arith.constant 0 : index
    %get3A_221 = arith.constant 0 : index
    %get3A_222 = vector.load %arg1[%get3A_219, %get3A_220, %get3A_221] : memref<16x1024x64xf32, #tpu.memory_space<vmem>>, vector<1x1024x64xf32>
    %get3A_223 = vector.shape_cast %get3A_222 : vector<1x1024x64xf32> to vector<1024x64xf32>
    %mul3A_224 = arith.mulf %get3A_223, %tile3A : vector<1024x64xf32>
    %get3A_225 = arith.constant 10 : index
    %get3A_226 = arith.constant 0 : index
    %get3A_227 = arith.constant 0 : index
    %get3A_228 = vector.load %arg3[%get3A_225, %get3A_226, %get3A_227] : memref<16x1x64xf32, #tpu.memory_space<vmem>>, vector<1x1x64xf32>
    %get3A_229 = vector.shape_cast %get3A_228 : vector<1x1x64xf32> to vector<1x64xf32>
    %add3A_230 = vector.broadcast %get3A_229 : vector<1x64xf32> to vector<1024x64xf32>
    %add3A_231 = arith.addf %mul3A_224, %add3A_230 : vector<1024x64xf32>
    %gt3A_232 = arith.constant 0.000000e+00 : f32
    %gt3A_233 = vector.broadcast %gt3A_232 : f32 to vector<1024x64xf32>
    %gt3A_234 = arith.cmpf ogt, %add3A_231, %gt3A_233 : vector<1024x64xf32>
    %exp3A_235 = math.exp %add3A_231 : vector<1024x64xf32>
    %sub3A_236 = arith.constant 1.000000e+00 : f32
    %sub3A_237 = vector.broadcast %sub3A_236 : f32 to vector<1024x64xf32>
    %sub3A_238 = arith.subf %exp3A_235, %sub3A_237 : vector<1024x64xf32>
    %select_n3A_239 = arith.select %gt3A_234, %add3A_231, %sub3A_238 : vector<1024x64xi1>, vector<1024x64xf32>
    %get3A_240 = arith.constant 11 : index
    %get3A_241 = arith.constant 0 : index
    %get3A_242 = arith.constant 0 : index
    %get3A_243 = vector.load %arg1[%get3A_240, %get3A_241, %get3A_242] : memref<16x1024x64xf32, #tpu.memory_space<vmem>>, vector<1x1024x64xf32>
    %get3A_244 = vector.shape_cast %get3A_243 : vector<1x1024x64xf32> to vector<1024x64xf32>
    %mul3A_245 = arith.mulf %get3A_244, %tile3A : vector<1024x64xf32>
    %get3A_246 = arith.constant 11 : index
    %get3A_247 = arith.constant 0 : index
    %get3A_248 = arith.constant 0 : index
    %get3A_249 = vector.load %arg3[%get3A_246, %get3A_247, %get3A_248] : memref<16x1x64xf32, #tpu.memory_space<vmem>>, vector<1x1x64xf32>
    %get3A_250 = vector.shape_cast %get3A_249 : vector<1x1x64xf32> to vector<1x64xf32>
    %add3A_251 = vector.broadcast %get3A_250 : vector<1x64xf32> to vector<1024x64xf32>
    %add3A_252 = arith.addf %mul3A_245, %add3A_251 : vector<1024x64xf32>
    %gt3A_253 = arith.constant 0.000000e+00 : f32
    %gt3A_254 = vector.broadcast %gt3A_253 : f32 to vector<1024x64xf32>
    %gt3A_255 = arith.cmpf ogt, %add3A_252, %gt3A_254 : vector<1024x64xf32>
    %exp3A_256 = math.exp %add3A_252 : vector<1024x64xf32>
    %sub3A_257 = arith.constant 1.000000e+00 : f32
    %sub3A_258 = vector.broadcast %sub3A_257 : f32 to vector<1024x64xf32>
    %sub3A_259 = arith.subf %exp3A_256, %sub3A_258 : vector<1024x64xf32>
    %select_n3A_260 = arith.select %gt3A_255, %add3A_252, %sub3A_259 : vector<1024x64xi1>, vector<1024x64xf32>
    %get3A_261 = arith.constant 12 : index
    %get3A_262 = arith.constant 0 : index
    %get3A_263 = arith.constant 0 : index
    %get3A_264 = vector.load %arg1[%get3A_261, %get3A_262, %get3A_263] : memref<16x1024x64xf32, #tpu.memory_space<vmem>>, vector<1x1024x64xf32>
    %get3A_265 = vector.shape_cast %get3A_264 : vector<1x1024x64xf32> to vector<1024x64xf32>
    %mul3A_266 = arith.mulf %get3A_265, %tile3A : vector<1024x64xf32>
    %get3A_267 = arith.constant 12 : index
    %get3A_268 = arith.constant 0 : index
    %get3A_269 = arith.constant 0 : index
    %get3A_270 = vector.load %arg3[%get3A_267, %get3A_268, %get3A_269] : memref<16x1x64xf32, #tpu.memory_space<vmem>>, vector<1x1x64xf32>
    %get3A_271 = vector.shape_cast %get3A_270 : vector<1x1x64xf32> to vector<1x64xf32>
    %add3A_272 = vector.broadcast %get3A_271 : vector<1x64xf32> to vector<1024x64xf32>
    %add3A_273 = arith.addf %mul3A_266, %add3A_272 : vector<1024x64xf32>
    %gt3A_274 = arith.constant 0.000000e+00 : f32
    %gt3A_275 = vector.broadcast %gt3A_274 : f32 to vector<1024x64xf32>
    %gt3A_276 = arith.cmpf ogt, %add3A_273, %gt3A_275 : vector<1024x64xf32>
    %exp3A_277 = math.exp %add3A_273 : vector<1024x64xf32>
    %sub3A_278 = arith.constant 1.000000e+00 : f32
    %sub3A_279 = vector.broadcast %sub3A_278 : f32 to vector<1024x64xf32>
    %sub3A_280 = arith.subf %exp3A_277, %sub3A_279 : vector<1024x64xf32>
    %select_n3A_281 = arith.select %gt3A_276, %add3A_273, %sub3A_280 : vector<1024x64xi1>, vector<1024x64xf32>
    %get3A_282 = arith.constant 13 : index
    %get3A_283 = arith.constant 0 : index
    %get3A_284 = arith.constant 0 : index
    %get3A_285 = vector.load %arg1[%get3A_282, %get3A_283, %get3A_284] : memref<16x1024x64xf32, #tpu.memory_space<vmem>>, vector<1x1024x64xf32>
    %get3A_286 = vector.shape_cast %get3A_285 : vector<1x1024x64xf32> to vector<1024x64xf32>
    %mul3A_287 = arith.mulf %get3A_286, %tile3A : vector<1024x64xf32>
    %get3A_288 = arith.constant 13 : index
    %get3A_289 = arith.constant 0 : index
    %get3A_290 = arith.constant 0 : index
    %get3A_291 = vector.load %arg3[%get3A_288, %get3A_289, %get3A_290] : memref<16x1x64xf32, #tpu.memory_space<vmem>>, vector<1x1x64xf32>
    %get3A_292 = vector.shape_cast %get3A_291 : vector<1x1x64xf32> to vector<1x64xf32>
    %add3A_293 = vector.broadcast %get3A_292 : vector<1x64xf32> to vector<1024x64xf32>
    %add3A_294 = arith.addf %mul3A_287, %add3A_293 : vector<1024x64xf32>
    %gt3A_295 = arith.constant 0.000000e+00 : f32
    %gt3A_296 = vector.broadcast %gt3A_295 : f32 to vector<1024x64xf32>
    %gt3A_297 = arith.cmpf ogt, %add3A_294, %gt3A_296 : vector<1024x64xf32>
    %exp3A_298 = math.exp %add3A_294 : vector<1024x64xf32>
    %sub3A_299 = arith.constant 1.000000e+00 : f32
    %sub3A_300 = vector.broadcast %sub3A_299 : f32 to vector<1024x64xf32>
    %sub3A_301 = arith.subf %exp3A_298, %sub3A_300 : vector<1024x64xf32>
    %select_n3A_302 = arith.select %gt3A_297, %add3A_294, %sub3A_301 : vector<1024x64xi1>, vector<1024x64xf32>
    %get3A_303 = arith.constant 14 : index
    %get3A_304 = arith.constant 0 : index
    %get3A_305 = arith.constant 0 : index
    %get3A_306 = vector.load %arg1[%get3A_303, %get3A_304, %get3A_305] : memref<16x1024x64xf32, #tpu.memory_space<vmem>>, vector<1x1024x64xf32>
    %get3A_307 = vector.shape_cast %get3A_306 : vector<1x1024x64xf32> to vector<1024x64xf32>
    %mul3A_308 = arith.mulf %get3A_307, %tile3A : vector<1024x64xf32>
    %get3A_309 = arith.constant 14 : index
    %get3A_310 = arith.constant 0 : index
    %get3A_311 = arith.constant 0 : index
    %get3A_312 = vector.load %arg3[%get3A_309, %get3A_310, %get3A_311] : memref<16x1x64xf32, #tpu.memory_space<vmem>>, vector<1x1x64xf32>
    %get3A_313 = vector.shape_cast %get3A_312 : vector<1x1x64xf32> to vector<1x64xf32>
    %add3A_314 = vector.broadcast %get3A_313 : vector<1x64xf32> to vector<1024x64xf32>
    %add3A_315 = arith.addf %mul3A_308, %add3A_314 : vector<1024x64xf32>
    %gt3A_316 = arith.constant 0.000000e+00 : f32
    %gt3A_317 = vector.broadcast %gt3A_316 : f32 to vector<1024x64xf32>
    %gt3A_318 = arith.cmpf ogt, %add3A_315, %gt3A_317 : vector<1024x64xf32>
    %exp3A_319 = math.exp %add3A_315 : vector<1024x64xf32>
    %sub3A_320 = arith.constant 1.000000e+00 : f32
    %sub3A_321 = vector.broadcast %sub3A_320 : f32 to vector<1024x64xf32>
    %sub3A_322 = arith.subf %exp3A_319, %sub3A_321 : vector<1024x64xf32>
    %select_n3A_323 = arith.select %gt3A_318, %add3A_315, %sub3A_322 : vector<1024x64xi1>, vector<1024x64xf32>
    %get3A_324 = arith.constant 15 : index
    %get3A_325 = arith.constant 0 : index
    %get3A_326 = arith.constant 0 : index
    %get3A_327 = vector.load %arg1[%get3A_324, %get3A_325, %get3A_326] : memref<16x1024x64xf32, #tpu.memory_space<vmem>>, vector<1x1024x64xf32>
    %get3A_328 = vector.shape_cast %get3A_327 : vector<1x1024x64xf32> to vector<1024x64xf32>
    %mul3A_329 = arith.mulf %get3A_328, %tile3A : vector<1024x64xf32>
    %get3A_330 = arith.constant 15 : index
    %get3A_331 = arith.constant 0 : index
    %get3A_332 = arith.constant 0 : index
    %get3A_333 = vector.load %arg3[%get3A_330, %get3A_331, %get3A_332] : memref<16x1x64xf32, #tpu.memory_space<vmem>>, vector<1x1x64xf32>
    %get3A_334 = vector.shape_cast %get3A_333 : vector<1x1x64xf32> to vector<1x64xf32>
    %add3A_335 = vector.broadcast %get3A_334 : vector<1x64xf32> to vector<1024x64xf32>
    %add3A_336 = arith.addf %mul3A_329, %add3A_335 : vector<1024x64xf32>
    %gt3A_337 = arith.constant 0.000000e+00 : f32
    %gt3A_338 = vector.broadcast %gt3A_337 : f32 to vector<1024x64xf32>
    %gt3A_339 = arith.cmpf ogt, %add3A_336, %gt3A_338 : vector<1024x64xf32>
    %exp3A_340 = math.exp %add3A_336 : vector<1024x64xf32>
    %sub3A_341 = arith.constant 1.000000e+00 : f32
    %sub3A_342 = vector.broadcast %sub3A_341 : f32 to vector<1024x64xf32>
    %sub3A_343 = arith.subf %exp3A_340, %sub3A_342 : vector<1024x64xf32>
    %select_n3A_344 = arith.select %gt3A_339, %add3A_336, %sub3A_343 : vector<1024x64xi1>, vector<1024x64xf32>
    %concatenate3A = tpu.concatenate %select_n3A, %select_n3A_50, %select_n3A_71, %select_n3A_92, %select_n3A_113, %select_n3A_134, %select_n3A_155, %select_n3A_176, %select_n3A_197, %select_n3A_218, %select_n3A_239, %select_n3A_260, %select_n3A_281, %select_n3A_302, %select_n3A_323, %select_n3A_344 in 1 : vector<1024x64xf32>, vector<1024x64xf32>, vector<1024x64xf32>, vector<1024x64xf32>, vector<1024x64xf32>, vector<1024x64xf32>, vector<1024x64xf32>, vector<1024x64xf32>, vector<1024x64xf32>, vector<1024x64xf32>, vector<1024x64xf32>, vector<1024x64xf32>, vector<1024x64xf32>, vector<1024x64xf32>, vector<1024x64xf32>, vector<1024x64xf32> -> vector<1024x1024xf32>
    %broadcast_in_dim3A = arith.constant 0.000000e+00 : f32
    %broadcast_in_dim3A_345 = vector.broadcast %broadcast_in_dim3A : f32 to vector<1024x16xf32>
    %broadcast_in_dim3A_346 = arith.constant 0.000000e+00 : f32
    %broadcast_in_dim3A_347 = vector.broadcast %broadcast_in_dim3A_346 : f32 to vector<1024x16xf32>
    %get3A_348 = arith.constant 0 : index
    %get3A_349 = arith.constant 0 : index
    %get3A_350 = arith.constant 0 : index
    %get3A_351 = vector.load %arg4[%get3A_348, %get3A_349, %get3A_350] : memref<8x1024x64xf32, #tpu.memory_space<vmem>>, vector<1x1024x64xf32>
    %get3A_352 = vector.shape_cast %get3A_351 : vector<1x1024x64xf32> to vector<1024x64xf32>
    %dot_general3A = arith.constant dense<0.000000e+00> : vector<1024x64xf32>
    %dot_general3A_353 = tpu.matmul %concatenate3A, %get3A_352, %dot_general3A {dimension_numbers = #tpu.dot_dimension_numbers<[1], [0], [0], [1], [0, 0, 1, 1], [], []>, transpose_lhs_hint = false} : vector<1024x1024xf32>, vector<1024x64xf32>, vector<1024x64xf32> -> vector<1024x64xf32>
    %swap3A = arith.constant 0 : index
    %swap3A_354 = arith.constant 0 : index
    %swap3A_355 = arith.constant 0 : index
    %swap3A_356 = vector.load %arg7[%swap3A, %swap3A_354, %swap3A_355] : memref<8x1024x64xf32, #tpu.memory_space<vmem>>, vector<1x1024x64xf32>
    %swap3A_357 = vector.shape_cast %swap3A_356 : vector<1x1024x64xf32> to vector<1024x64xf32>
    %swap3A_358 = vector.shape_cast %dot_general3A_353 : vector<1024x64xf32> to vector<1x1024x64xf32>
    tpu.vector_store %arg7[%swap3A, %swap3A_354, %swap3A_355], %swap3A_358 {strides = array<i32>} : memref<8x1024x64xf32, #tpu.memory_space<vmem>>, vector<1x1024x64xf32>,
    %get3A_359 = arith.constant 0 : index
    %get3A_360 = arith.constant 0 : index
    %get3A_361 = arith.constant 0 : index
    %get3A_362 = vector.load %arg5[%get3A_359, %get3A_360, %get3A_361] : memref<8x64x16xf32, #tpu.memory_space<vmem>>, vector<1x64x16xf32>
    %get3A_363 = vector.shape_cast %get3A_362 : vector<1x64x16xf32> to vector<64x16xf32>
    %dot_general3A_364 = arith.constant dense<0.000000e+00> : vector<1024x16xf32>
    %dot_general3A_365 = tpu.matmul %dot_general3A_353, %get3A_363, %dot_general3A_364 {dimension_numbers = #tpu.dot_dimension_numbers<[1], [0], [0], [1], [0, 0, 1, 1], [], []>, transpose_lhs_hint = false} : vector<1024x64xf32>, vector<64x16xf32>, vector<1024x16xf32> -> vector<1024x16xf32>
    %add3A_366 = arith.addf %broadcast_in_dim3A_345, %dot_general3A_365 : vector<1024x16xf32>
    %get3A_367 = arith.constant 0 : index
    %get3A_368 = arith.constant 0 : index
    %get3A_369 = arith.constant 0 : index
    %get3A_370 = vector.load %arg6[%get3A_367, %get3A_368, %get3A_369] : memref<8x64x16xf32, #tpu.memory_space<vmem>>, vector<1x64x16xf32>
    %get3A_371 = vector.shape_cast %get3A_370 : vector<1x64x16xf32> to vector<64x16xf32>
    %dot_general3A_372 = arith.constant dense<0.000000e+00> : vector<1024x16xf32>
    %dot_general3A_373 = tpu.matmul %dot_general3A_353, %get3A_371, %dot_general3A_372 {dimension_numbers = #tpu.dot_dimension_numbers<[1], [0], [0], [1], [0, 0, 1, 1], [], []>, transpose_lhs_hint = false} : vector<1024x64xf32>, vector<64x16xf32>, vector<1024x16xf32> -> vector<1024x16xf32>
    %add3A_374 = arith.addf %broadcast_in_dim3A_347, %dot_general3A_373 : vector<1024x16xf32>
    %get3A_375 = arith.constant 1 : index
    %get3A_376 = arith.constant 0 : index
    %get3A_377 = arith.constant 0 : index
    %get3A_378 = vector.load %arg4[%get3A_375, %get3A_376, %get3A_377] : memref<8x1024x64xf32, #tpu.memory_space<vmem>>, vector<1x1024x64xf32>
    %get3A_379 = vector.shape_cast %get3A_378 : vector<1x1024x64xf32> to vector<1024x64xf32>
    %dot_general3A_380 = arith.constant dense<0.000000e+00> : vector<1024x64xf32>
    %dot_general3A_381 = tpu.matmul %concatenate3A, %get3A_379, %dot_general3A_380 {dimension_numbers = #tpu.dot_dimension_numbers<[1], [0], [0], [1], [0, 0, 1, 1], [], []>, transpose_lhs_hint = false} : vector<1024x1024xf32>, vector<1024x64xf32>, vector<1024x64xf32> -> vector<1024x64xf32>
    %swap3A_382 = arith.constant 1 : index
    %swap3A_383 = arith.constant 0 : index
    %swap3A_384 = arith.constant 0 : index
    %swap3A_385 = vector.load %arg7[%swap3A_382, %swap3A_383, %swap3A_384] : memref<8x1024x64xf32, #tpu.memory_space<vmem>>, vector<1x1024x64xf32>
    %swap3A_386 = vector.shape_cast %swap3A_385 : vector<1x1024x64xf32> to vector<1024x64xf32>
    %swap3A_387 = vector.shape_cast %dot_general3A_381 : vector<1024x64xf32> to vector<1x1024x64xf32>
    tpu.vector_store %arg7[%swap3A_382, %swap3A_383, %swap3A_384], %swap3A_387 {strides = array<i32>} : memref<8x1024x64xf32, #tpu.memory_space<vmem>>, vector<1x1024x64xf32>,
    %get3A_388 = arith.constant 1 : index
    %get3A_389 = arith.constant 0 : index
    %get3A_390 = arith.constant 0 : index
    %get3A_391 = vector.load %arg5[%get3A_388, %get3A_389, %get3A_390] : memref<8x64x16xf32, #tpu.memory_space<vmem>>, vector<1x64x16xf32>
    %get3A_392 = vector.shape_cast %get3A_391 : vector<1x64x16xf32> to vector<64x16xf32>
    %dot_general3A_393 = arith.constant dense<0.000000e+00> : vector<1024x16xf32>
    %dot_general3A_394 = tpu.matmul %dot_general3A_381, %get3A_392, %dot_general3A_393 {dimension_numbers = #tpu.dot_dimension_numbers<[1], [0], [0], [1], [0, 0, 1, 1], [], []>, transpose_lhs_hint = false} : vector<1024x64xf32>, vector<64x16xf32>, vector<1024x16xf32> -> vector<1024x16xf32>
    %add3A_395 = arith.addf %add3A_366, %dot_general3A_394 : vector<1024x16xf32>
    %get3A_396 = arith.constant 1 : index
    %get3A_397 = arith.constant 0 : index
    %get3A_398 = arith.constant 0 : index
    %get3A_399 = vector.load %arg6[%get3A_396, %get3A_397, %get3A_398] : memref<8x64x16xf32, #tpu.memory_space<vmem>>, vector<1x64x16xf32>
    %get3A_400 = vector.shape_cast %get3A_399 : vector<1x64x16xf32> to vector<64x16xf32>
    %dot_general3A_401 = arith.constant dense<0.000000e+00> : vector<1024x16xf32>
    %dot_general3A_402 = tpu.matmul %dot_general3A_381, %get3A_400, %dot_general3A_401 {dimension_numbers = #tpu.dot_dimension_numbers<[1], [0], [0], [1], [0, 0, 1, 1], [], []>, transpose_lhs_hint = false} : vector<1024x64xf32>, vector<64x16xf32>, vector<1024x16xf32> -> vector<1024x16xf32>
    %add3A_403 = arith.addf %add3A_374, %dot_general3A_402 : vector<1024x16xf32>
    %get3A_404 = arith.constant 2 : index
    %get3A_405 = arith.constant 0 : index
    %get3A_406 = arith.constant 0 : index
    %get3A_407 = vector.load %arg4[%get3A_404, %get3A_405, %get3A_406] : memref<8x1024x64xf32, #tpu.memory_space<vmem>>, vector<1x1024x64xf32>
    %get3A_408 = vector.shape_cast %get3A_407 : vector<1x1024x64xf32> to vector<1024x64xf32>
    %dot_general3A_409 = arith.constant dense<0.000000e+00> : vector<1024x64xf32>
    %dot_general3A_410 = tpu.matmul %concatenate3A, %get3A_408, %dot_general3A_409 {dimension_numbers = #tpu.dot_dimension_numbers<[1], [0], [0], [1], [0, 0, 1, 1], [], []>, transpose_lhs_hint = false} : vector<1024x1024xf32>, vector<1024x64xf32>, vector<1024x64xf32> -> vector<1024x64xf32>
    %swap3A_411 = arith.constant 2 : index
    %swap3A_412 = arith.constant 0 : index
    %swap3A_413 = arith.constant 0 : index
    %swap3A_414 = vector.load %arg7[%swap3A_411, %swap3A_412, %swap3A_413] : memref<8x1024x64xf32, #tpu.memory_space<vmem>>, vector<1x1024x64xf32>
    %swap3A_415 = vector.shape_cast %swap3A_414 : vector<1x1024x64xf32> to vector<1024x64xf32>
    %swap3A_416 = vector.shape_cast %dot_general3A_410 : vector<1024x64xf32> to vector<1x1024x64xf32>
    tpu.vector_store %arg7[%swap3A_411, %swap3A_412, %swap3A_413], %swap3A_416 {strides = array<i32>} : memref<8x1024x64xf32, #tpu.memory_space<vmem>>, vector<1x1024x64xf32>,
    %get3A_417 = arith.constant 2 : index
    %get3A_418 = arith.constant 0 : index
    %get3A_419 = arith.constant 0 : index
    %get3A_420 = vector.load %arg5[%get3A_417, %get3A_418, %get3A_419] : memref<8x64x16xf32, #tpu.memory_space<vmem>>, vector<1x64x16xf32>
    %get3A_421 = vector.shape_cast %get3A_420 : vector<1x64x16xf32> to vector<64x16xf32>
    %dot_general3A_422 = arith.constant dense<0.000000e+00> : vector<1024x16xf32>
    %dot_general3A_423 = tpu.matmul %dot_general3A_410, %get3A_421, %dot_general3A_422 {dimension_numbers = #tpu.dot_dimension_numbers<[1], [0], [0], [1], [0, 0, 1, 1], [], []>, transpose_lhs_hint = false} : vector<1024x64xf32>, vector<64x16xf32>, vector<1024x16xf32> -> vector<1024x16xf32>
    %add3A_424 = arith.addf %add3A_395, %dot_general3A_423 : vector<1024x16xf32>
    %get3A_425 = arith.constant 2 : index
    %get3A_426 = arith.constant 0 : index
    %get3A_427 = arith.constant 0 : index
    %get3A_428 = vector.load %arg6[%get3A_425, %get3A_426, %get3A_427] : memref<8x64x16xf32, #tpu.memory_space<vmem>>, vector<1x64x16xf32>
    %get3A_429 = vector.shape_cast %get3A_428 : vector<1x64x16xf32> to vector<64x16xf32>
    %dot_general3A_430 = arith.constant dense<0.000000e+00> : vector<1024x16xf32>
    %dot_general3A_431 = tpu.matmul %dot_general3A_410, %get3A_429, %dot_general3A_430 {dimension_numbers = #tpu.dot_dimension_numbers<[1], [0], [0], [1], [0, 0, 1, 1], [], []>, transpose_lhs_hint = false} : vector<1024x64xf32>, vector<64x16xf32>, vector<1024x16xf32> -> vector<1024x16xf32>
    %add3A_432 = arith.addf %add3A_403, %dot_general3A_431 : vector<1024x16xf32>
    %get3A_433 = arith.constant 3 : index
    %get3A_434 = arith.constant 0 : index
    %get3A_435 = arith.constant 0 : index
    %get3A_436 = vector.load %arg4[%get3A_433, %get3A_434, %get3A_435] : memref<8x1024x64xf32, #tpu.memory_space<vmem>>, vector<1x1024x64xf32>
    %get3A_437 = vector.shape_cast %get3A_436 : vector<1x1024x64xf32> to vector<1024x64xf32>
    %dot_general3A_438 = arith.constant dense<0.000000e+00> : vector<1024x64xf32>
    %dot_general3A_439 = tpu.matmul %concatenate3A, %get3A_437, %dot_general3A_438 {dimension_numbers = #tpu.dot_dimension_numbers<[1], [0], [0], [1], [0, 0, 1, 1], [], []>, transpose_lhs_hint = false} : vector<1024x1024xf32>, vector<1024x64xf32>, vector<1024x64xf32> -> vector<1024x64xf32>
    %swap3A_440 = arith.constant 3 : index
    %swap3A_441 = arith.constant 0 : index
    %swap3A_442 = arith.constant 0 : index
    %swap3A_443 = vector.load %arg7[%swap3A_440, %swap3A_441, %swap3A_442] : memref<8x1024x64xf32, #tpu.memory_space<vmem>>, vector<1x1024x64xf32>
    %swap3A_444 = vector.shape_cast %swap3A_443 : vector<1x1024x64xf32> to vector<1024x64xf32>
    %swap3A_445 = vector.shape_cast %dot_general3A_439 : vector<1024x64xf32> to vector<1x1024x64xf32>
    tpu.vector_store %arg7[%swap3A_440, %swap3A_441, %swap3A_442], %swap3A_445 {strides = array<i32>} : memref<8x1024x64xf32, #tpu.memory_space<vmem>>, vector<1x1024x64xf32>,
    %get3A_446 = arith.constant 3 : index
    %get3A_447 = arith.constant 0 : index
    %get3A_448 = arith.constant 0 : index
    %get3A_449 = vector.load %arg5[%get3A_446, %get3A_447, %get3A_448] : memref<8x64x16xf32, #tpu.memory_space<vmem>>, vector<1x64x16xf32>
    %get3A_450 = vector.shape_cast %get3A_449 : vector<1x64x16xf32> to vector<64x16xf32>
    %dot_general3A_451 = arith.constant dense<0.000000e+00> : vector<1024x16xf32>
    %dot_general3A_452 = tpu.matmul %dot_general3A_439, %get3A_450, %dot_general3A_451 {dimension_numbers = #tpu.dot_dimension_numbers<[1], [0], [0], [1], [0, 0, 1, 1], [], []>, transpose_lhs_hint = false} : vector<1024x64xf32>, vector<64x16xf32>, vector<1024x16xf32> -> vector<1024x16xf32>
    %add3A_453 = arith.addf %add3A_424, %dot_general3A_452 : vector<1024x16xf32>
    %get3A_454 = arith.constant 3 : index
    %get3A_455 = arith.constant 0 : index
    %get3A_456 = arith.constant 0 : index
    %get3A_457 = vector.load %arg6[%get3A_454, %get3A_455, %get3A_456] : memref<8x64x16xf32, #tpu.memory_space<vmem>>, vector<1x64x16xf32>
    %get3A_458 = vector.shape_cast %get3A_457 : vector<1x64x16xf32> to vector<64x16xf32>
    %dot_general3A_459 = arith.constant dense<0.000000e+00> : vector<1024x16xf32>
    %dot_general3A_460 = tpu.matmul %dot_general3A_439, %get3A_458, %dot_general3A_459 {dimension_numbers = #tpu.dot_dimension_numbers<[1], [0], [0], [1], [0, 0, 1, 1], [], []>, transpose_lhs_hint = false} : vector<1024x64xf32>, vector<64x16xf32>, vector<1024x16xf32> -> vector<1024x16xf32>
    %add3A_461 = arith.addf %add3A_432, %dot_general3A_460 : vector<1024x16xf32>
    %get3A_462 = arith.constant 4 : index
    %get3A_463 = arith.constant 0 : index
    %get3A_464 = arith.constant 0 : index
    %get3A_465 = vector.load %arg4[%get3A_462, %get3A_463, %get3A_464] : memref<8x1024x64xf32, #tpu.memory_space<vmem>>, vector<1x1024x64xf32>
    %get3A_466 = vector.shape_cast %get3A_465 : vector<1x1024x64xf32> to vector<1024x64xf32>
    %dot_general3A_467 = arith.constant dense<0.000000e+00> : vector<1024x64xf32>
    %dot_general3A_468 = tpu.matmul %concatenate3A, %get3A_466, %dot_general3A_467 {dimension_numbers = #tpu.dot_dimension_numbers<[1], [0], [0], [1], [0, 0, 1, 1], [], []>, transpose_lhs_hint = false} : vector<1024x1024xf32>, vector<1024x64xf32>, vector<1024x64xf32> -> vector<1024x64xf32>
    %swap3A_469 = arith.constant 4 : index
    %swap3A_470 = arith.constant 0 : index
    %swap3A_471 = arith.constant 0 : index
    %swap3A_472 = vector.load %arg7[%swap3A_469, %swap3A_470, %swap3A_471] : memref<8x1024x64xf32, #tpu.memory_space<vmem>>, vector<1x1024x64xf32>
    %swap3A_473 = vector.shape_cast %swap3A_472 : vector<1x1024x64xf32> to vector<1024x64xf32>
    %swap3A_474 = vector.shape_cast %dot_general3A_468 : vector<1024x64xf32> to vector<1x1024x64xf32>
    tpu.vector_store %arg7[%swap3A_469, %swap3A_470, %swap3A_471], %swap3A_474 {strides = array<i32>} : memref<8x1024x64xf32, #tpu.memory_space<vmem>>, vector<1x1024x64xf32>,
    %get3A_475 = arith.constant 4 : index
    %get3A_476 = arith.constant 0 : index
    %get3A_477 = arith.constant 0 : index
    %get3A_478 = vector.load %arg5[%get3A_475, %get3A_476, %get3A_477] : memref<8x64x16xf32, #tpu.memory_space<vmem>>, vector<1x64x16xf32>
    %get3A_479 = vector.shape_cast %get3A_478 : vector<1x64x16xf32> to vector<64x16xf32>
    %dot_general3A_480 = arith.constant dense<0.000000e+00> : vector<1024x16xf32>
    %dot_general3A_481 = tpu.matmul %dot_general3A_468, %get3A_479, %dot_general3A_480 {dimension_numbers = #tpu.dot_dimension_numbers<[1], [0], [0], [1], [0, 0, 1, 1], [], []>, transpose_lhs_hint = false} : vector<1024x64xf32>, vector<64x16xf32>, vector<1024x16xf32> -> vector<1024x16xf32>
    %add3A_482 = arith.addf %add3A_453, %dot_general3A_481 : vector<1024x16xf32>
    %get3A_483 = arith.constant 4 : index
    %get3A_484 = arith.constant 0 : index
    %get3A_485 = arith.constant 0 : index
    %get3A_486 = vector.load %arg6[%get3A_483, %get3A_484, %get3A_485] : memref<8x64x16xf32, #tpu.memory_space<vmem>>, vector<1x64x16xf32>
    %get3A_487 = vector.shape_cast %get3A_486 : vector<1x64x16xf32> to vector<64x16xf32>
    %dot_general3A_488 = arith.constant dense<0.000000e+00> : vector<1024x16xf32>
    %dot_general3A_489 = tpu.matmul %dot_general3A_468, %get3A_487, %dot_general3A_488 {dimension_numbers = #tpu.dot_dimension_numbers<[1], [0], [0], [1], [0, 0, 1, 1], [], []>, transpose_lhs_hint = false} : vector<1024x64xf32>, vector<64x16xf32>, vector<1024x16xf32> -> vector<1024x16xf32>
    %add3A_490 = arith.addf %add3A_461, %dot_general3A_489 : vector<1024x16xf32>
    %get3A_491 = arith.constant 5 : index
    %get3A_492 = arith.constant 0 : index
    %get3A_493 = arith.constant 0 : index
    %get3A_494 = vector.load %arg4[%get3A_491, %get3A_492, %get3A_493] : memref<8x1024x64xf32, #tpu.memory_space<vmem>>, vector<1x1024x64xf32>
    %get3A_495 = vector.shape_cast %get3A_494 : vector<1x1024x64xf32> to vector<1024x64xf32>
    %dot_general3A_496 = arith.constant dense<0.000000e+00> : vector<1024x64xf32>
    %dot_general3A_497 = tpu.matmul %concatenate3A, %get3A_495, %dot_general3A_496 {dimension_numbers = #tpu.dot_dimension_numbers<[1], [0], [0], [1], [0, 0, 1, 1], [], []>, transpose_lhs_hint = false} : vector<1024x1024xf32>, vector<1024x64xf32>, vector<1024x64xf32> -> vector<1024x64xf32>
    %swap3A_498 = arith.constant 5 : index
    %swap3A_499 = arith.constant 0 : index
    %swap3A_500 = arith.constant 0 : index
    %swap3A_501 = vector.load %arg7[%swap3A_498, %swap3A_499, %swap3A_500] : memref<8x1024x64xf32, #tpu.memory_space<vmem>>, vector<1x1024x64xf32>
    %swap3A_502 = vector.shape_cast %swap3A_501 : vector<1x1024x64xf32> to vector<1024x64xf32>
    %swap3A_503 = vector.shape_cast %dot_general3A_497 : vector<1024x64xf32> to vector<1x1024x64xf32>
    tpu.vector_store %arg7[%swap3A_498, %swap3A_499, %swap3A_500], %swap3A_503 {strides = array<i32>} : memref<8x1024x64xf32, #tpu.memory_space<vmem>>, vector<1x1024x64xf32>,
    %get3A_504 = arith.constant 5 : index
    %get3A_505 = arith.constant 0 : index
    %get3A_506 = arith.constant 0 : index
    %get3A_507 = vector.load %arg5[%get3A_504, %get3A_505, %get3A_506] : memref<8x64x16xf32, #tpu.memory_space<vmem>>, vector<1x64x16xf32>
    %get3A_508 = vector.shape_cast %get3A_507 : vector<1x64x16xf32> to vector<64x16xf32>
    %dot_general3A_509 = arith.constant dense<0.000000e+00> : vector<1024x16xf32>
    %dot_general3A_510 = tpu.matmul %dot_general3A_497, %get3A_508, %dot_general3A_509 {dimension_numbers = #tpu.dot_dimension_numbers<[1], [0], [0], [1], [0, 0, 1, 1], [], []>, transpose_lhs_hint = false} : vector<1024x64xf32>, vector<64x16xf32>, vector<1024x16xf32> -> vector<1024x16xf32>
    %add3A_511 = arith.addf %add3A_482, %dot_general3A_510 : vector<1024x16xf32>
    %get3A_512 = arith.constant 5 : index
    %get3A_513 = arith.constant 0 : index
    %get3A_514 = arith.constant 0 : index
    %get3A_515 = vector.load %arg6[%get3A_512, %get3A_513, %get3A_514] : memref<8x64x16xf32, #tpu.memory_space<vmem>>, vector<1x64x16xf32>
    %get3A_516 = vector.shape_cast %get3A_515 : vector<1x64x16xf32> to vector<64x16xf32>
    %dot_general3A_517 = arith.constant dense<0.000000e+00> : vector<1024x16xf32>
    %dot_general3A_518 = tpu.matmul %dot_general3A_497, %get3A_516, %dot_general3A_517 {dimension_numbers = #tpu.dot_dimension_numbers<[1], [0], [0], [1], [0, 0, 1, 1], [], []>, transpose_lhs_hint = false} : vector<1024x64xf32>, vector<64x16xf32>, vector<1024x16xf32> -> vector<1024x16xf32>
    %add3A_519 = arith.addf %add3A_490, %dot_general3A_518 : vector<1024x16xf32>
    %get3A_520 = arith.constant 6 : index
    %get3A_521 = arith.constant 0 : index
    %get3A_522 = arith.constant 0 : index
    %get3A_523 = vector.load %arg4[%get3A_520, %get3A_521, %get3A_522] : memref<8x1024x64xf32, #tpu.memory_space<vmem>>, vector<1x1024x64xf32>
    %get3A_524 = vector.shape_cast %get3A_523 : vector<1x1024x64xf32> to vector<1024x64xf32>
    %dot_general3A_525 = arith.constant dense<0.000000e+00> : vector<1024x64xf32>
    %dot_general3A_526 = tpu.matmul %concatenate3A, %get3A_524, %dot_general3A_525 {dimension_numbers = #tpu.dot_dimension_numbers<[1], [0], [0], [1], [0, 0, 1, 1], [], []>, transpose_lhs_hint = false} : vector<1024x1024xf32>, vector<1024x64xf32>, vector<1024x64xf32> -> vector<1024x64xf32>
    %swap3A_527 = arith.constant 6 : index
    %swap3A_528 = arith.constant 0 : index
    %swap3A_529 = arith.constant 0 : index
    %swap3A_530 = vector.load %arg7[%swap3A_527, %swap3A_528, %swap3A_529] : memref<8x1024x64xf32, #tpu.memory_space<vmem>>, vector<1x1024x64xf32>
    %swap3A_531 = vector.shape_cast %swap3A_530 : vector<1x1024x64xf32> to vector<1024x64xf32>
    %swap3A_532 = vector.shape_cast %dot_general3A_526 : vector<1024x64xf32> to vector<1x1024x64xf32>
    tpu.vector_store %arg7[%swap3A_527, %swap3A_528, %swap3A_529], %swap3A_532 {strides = array<i32>} : memref<8x1024x64xf32, #tpu.memory_space<vmem>>, vector<1x1024x64xf32>,
    %get3A_533 = arith.constant 6 : index
    %get3A_534 = arith.constant 0 : index
    %get3A_535 = arith.constant 0 : index
    %get3A_536 = vector.load %arg5[%get3A_533, %get3A_534, %get3A_535] : memref<8x64x16xf32, #tpu.memory_space<vmem>>, vector<1x64x16xf32>
    %get3A_537 = vector.shape_cast %get3A_536 : vector<1x64x16xf32> to vector<64x16xf32>
    %dot_general3A_538 = arith.constant dense<0.000000e+00> : vector<1024x16xf32>
    %dot_general3A_539 = tpu.matmul %dot_general3A_526, %get3A_537, %dot_general3A_538 {dimension_numbers = #tpu.dot_dimension_numbers<[1], [0], [0], [1], [0, 0, 1, 1], [], []>, transpose_lhs_hint = false} : vector<1024x64xf32>, vector<64x16xf32>, vector<1024x16xf32> -> vector<1024x16xf32>
    %add3A_540 = arith.addf %add3A_511, %dot_general3A_539 : vector<1024x16xf32>
    %get3A_541 = arith.constant 6 : index
    %get3A_542 = arith.constant 0 : index
    %get3A_543 = arith.constant 0 : index
    %get3A_544 = vector.load %arg6[%get3A_541, %get3A_542, %get3A_543] : memref<8x64x16xf32, #tpu.memory_space<vmem>>, vector<1x64x16xf32>
    %get3A_545 = vector.shape_cast %get3A_544 : vector<1x64x16xf32> to vector<64x16xf32>
    %dot_general3A_546 = arith.constant dense<0.000000e+00> : vector<1024x16xf32>
    %dot_general3A_547 = tpu.matmul %dot_general3A_526, %get3A_545, %dot_general3A_546 {dimension_numbers = #tpu.dot_dimension_numbers<[1], [0], [0], [1], [0, 0, 1, 1], [], []>, transpose_lhs_hint = false} : vector<1024x64xf32>, vector<64x16xf32>, vector<1024x16xf32> -> vector<1024x16xf32>
    %add3A_548 = arith.addf %add3A_519, %dot_general3A_547 : vector<1024x16xf32>
    %get3A_549 = arith.constant 7 : index
    %get3A_550 = arith.constant 0 : index
    %get3A_551 = arith.constant 0 : index
    %get3A_552 = vector.load %arg4[%get3A_549, %get3A_550, %get3A_551] : memref<8x1024x64xf32, #tpu.memory_space<vmem>>, vector<1x1024x64xf32>
    %get3A_553 = vector.shape_cast %get3A_552 : vector<1x1024x64xf32> to vector<1024x64xf32>
    %dot_general3A_554 = arith.constant dense<0.000000e+00> : vector<1024x64xf32>
    %dot_general3A_555 = tpu.matmul %concatenate3A, %get3A_553, %dot_general3A_554 {dimension_numbers = #tpu.dot_dimension_numbers<[1], [0], [0], [1], [0, 0, 1, 1], [], []>, transpose_lhs_hint = false} : vector<1024x1024xf32>, vector<1024x64xf32>, vector<1024x64xf32> -> vector<1024x64xf32>
    %swap3A_556 = arith.constant 7 : index
    %swap3A_557 = arith.constant 0 : index
    %swap3A_558 = arith.constant 0 : index
    %swap3A_559 = vector.load %arg7[%swap3A_556, %swap3A_557, %swap3A_558] : memref<8x1024x64xf32, #tpu.memory_space<vmem>>, vector<1x1024x64xf32>
    %swap3A_560 = vector.shape_cast %swap3A_559 : vector<1x1024x64xf32> to vector<1024x64xf32>
    %swap3A_561 = vector.shape_cast %dot_general3A_555 : vector<1024x64xf32> to vector<1x1024x64xf32>
    tpu.vector_store %arg7[%swap3A_556, %swap3A_557, %swap3A_558], %swap3A_561 {strides = array<i32>} : memref<8x1024x64xf32, #tpu.memory_space<vmem>>, vector<1x1024x64xf32>,
    %get3A_562 = arith.constant 7 : index
    %get3A_563 = arith.constant 0 : index
    %get3A_564 = arith.constant 0 : index
    %get3A_565 = vector.load %arg5[%get3A_562, %get3A_563, %get3A_564] : memref<8x64x16xf32, #tpu.memory_space<vmem>>, vector<1x64x16xf32>
    %get3A_566 = vector.shape_cast %get3A_565 : vector<1x64x16xf32> to vector<64x16xf32>
    %dot_general3A_567 = arith.constant dense<0.000000e+00> : vector<1024x16xf32>
    %dot_general3A_568 = tpu.matmul %dot_general3A_555, %get3A_566, %dot_general3A_567 {dimension_numbers = #tpu.dot_dimension_numbers<[1], [0], [0], [1], [0, 0, 1, 1], [], []>, transpose_lhs_hint = false} : vector<1024x64xf32>, vector<64x16xf32>, vector<1024x16xf32> -> vector<1024x16xf32>
    %add3A_569 = arith.addf %add3A_540, %dot_general3A_568 : vector<1024x16xf32>
    %get3A_570 = arith.constant 7 : index
    %get3A_571 = arith.constant 0 : index
    %get3A_572 = arith.constant 0 : index
    %get3A_573 = vector.load %arg6[%get3A_570, %get3A_571, %get3A_572] : memref<8x64x16xf32, #tpu.memory_space<vmem>>, vector<1x64x16xf32>
    %get3A_574 = vector.shape_cast %get3A_573 : vector<1x64x16xf32> to vector<64x16xf32>
    %dot_general3A_575 = arith.constant dense<0.000000e+00> : vector<1024x16xf32>
    %dot_general3A_576 = tpu.matmul %dot_general3A_555, %get3A_574, %dot_general3A_575 {dimension_numbers = #tpu.dot_dimension_numbers<[1], [0], [0], [1], [0, 0, 1, 1], [], []>, transpose_lhs_hint = false} : vector<1024x64xf32>, vector<64x16xf32>, vector<1024x16xf32> -> vector<1024x16xf32>
    %add3A_577 = arith.addf %add3A_548, %dot_general3A_576 : vector<1024x16xf32>
    %swap3A_578 = arith.constant 0 : index
    %swap3A_579 = arith.constant 0 : index
    %swap3A_580 = vector.load %arg8[%swap3A_578, %swap3A_579] : memref<1024x16xf32, #tpu.memory_space<vmem>>, vector<1024x16xf32>
    tpu.vector_store %arg8[%swap3A_578, %swap3A_579], %add3A_569 {strides = array<i32>} : memref<1024x16xf32, #tpu.memory_space<vmem>>, vector<1024x16xf32>,
    %swap3A_581 = arith.constant 0 : index
    %swap3A_582 = arith.constant 0 : index
    %swap3A_583 = vector.load %arg9[%swap3A_581, %swap3A_582] : memref<1024x16xf32, #tpu.memory_space<vmem>>, vector<1024x16xf32>
    tpu.vector_store %arg9[%swap3A_581, %swap3A_582], %add3A_577 {strides = array<i32>} : memref<1024x16xf32, #tpu.memory_space<vmem>>, vector<1024x16xf32>,
    %reduce_max3A = vector.shape_cast %add3A_569 : vector<1024x16xf32> to vector<1x1024x16xf32>
    %reduce_max3A_584 = arith.constant dense<0xFF800000> : vector<1xf32>
    %reduce_max3A_585 = vector.multi_reduction <maximumf>, %reduce_max3A, %reduce_max3A_584 [1, 2] : vector<1x1024x16xf32> to vector<1xf32>
    %reduce_max3A_586 = vector.shape_cast %reduce_max3A_585 : vector<1xf32> to vector<1x1x1xf32>
    %reduce_max3A_587 = vector.extract %reduce_max3A_586[0, 0, 0] : f32 from vector<1x1x1xf32>
    %reduce_max3A_588 = vector.shape_cast %add3A_577 : vector<1024x16xf32> to vector<1x1024x16xf32>
    %reduce_max3A_589 = arith.constant dense<0xFF800000> : vector<1xf32>
    %reduce_max3A_590 = vector.multi_reduction <maximumf>, %reduce_max3A_588, %reduce_max3A_589 [1, 2] : vector<1x1024x16xf32> to vector<1xf32>
    %reduce_max3A_591 = vector.shape_cast %reduce_max3A_590 : vector<1xf32> to vector<1x1x1xf32>
    %reduce_max3A_592 = vector.extract %reduce_max3A_591[0, 0, 0] : f32 from vector<1x1x1xf32>
    %eq3A = arith.constant 0 : i32
    %eq3A_593 = arith.cmpi eq, %arg0, %eq3A : i32
    %get3A_594 = arith.constant 0 : index
    %get3A_595 = memref.load %arg11[%get3A_594] : memref<2xf32, #tpu.memory_space<smem>>
    %jit3A = arith.constant 0xFF800000 : f32
    %select_n3A_596 = arith.select %eq3A_593, %jit3A, %get3A_595 : f32
    %max3A = arith.maximumf %select_n3A_596, %reduce_max3A_587 : f32
    %eq3A_597 = arith.constant 0 : i32
    %eq3A_598 = arith.cmpi eq, %arg0, %eq3A_597 : i32
    %get3A_599 = arith.constant 1 : index
    %get3A_600 = memref.load %arg11[%get3A_599] : memref<2xf32, #tpu.memory_space<smem>>
    %jit3A_601 = arith.constant 0xFF800000 : f32
    %select_n3A_602 = arith.select %eq3A_598, %jit3A_601, %get3A_600 : f32
    %max3A_603 = arith.maximumf %select_n3A_602, %reduce_max3A_592 : f32
    %swap3A_604 = arith.constant 0 : index
    %swap3A_605 = memref.load %arg11[%swap3A_604] : memref<2xf32, #tpu.memory_space<smem>>
    memref.store %max3A, %arg11[%swap3A_604] : memref<2xf32, #tpu.memory_space<smem>>
    %swap3A_606 = arith.constant 1 : index
    %swap3A_607 = memref.load %arg11[%swap3A_606] : memref<2xf32, #tpu.memory_space<smem>>
    memref.store %max3A_603, %arg11[%swap3A_606] : memref<2xf32, #tpu.memory_space<smem>>
    %add3A_608 = arith.addf %max3A, %max3A_603 : f32
    %ge3A = arith.constant 0.000000e+00 : f32
    %ge3A_609 = arith.cmpf oge, %add3A_608, %ge3A : f32
    %mul3A_610 = arith.constant 2.000000e-01 : f32
    %mul3A_611 = arith.mulf %mul3A_610, %add3A_608 : f32
    %select_n3A_612 = arith.select %ge3A_609, %add3A_608, %mul3A_611 : f32
    %broadcast_in_dim3A_613 = vector.broadcast %select_n3A_612 : f32 to vector<1x128xf32>
    %swap3A_614 = arith.constant 0 : index
    %swap3A_615 = arith.constant 0 : index
    %swap3A_616 = vector.load %arg10[%swap3A_614, %swap3A_615] : memref<1x128xf32, #tpu.memory_space<vmem>>, vector<1x128xf32>
    tpu.vector_store %arg10[%swap3A_614, %swap3A_615], %broadcast_in_dim3A_613 {strides = array<i32>} : memref<1x128xf32, #tpu.memory_space<vmem>>, vector<1x128xf32>,
    return
  }
  func.func @transform_0(%arg0: i32) -> (i32, i32, i32) {
    %c0_i32 = arith.constant 0 : i32
    %c0_i32_0 = arith.constant 0 : i32
    %c0_i32_1 = arith.constant 0 : i32
    return %c0_i32, %arg0, %c0_i32_0 : i32, i32, i32
  }
  func.func @transform_1(%arg0: i32) -> (i32, i32, i32) {
    %c0_i32 = arith.constant 0 : i32
    %c0_i32_0 = arith.constant 0 : i32
    %c0_i32_1 = arith.constant 0 : i32
    return %c0_i32, %arg0, %c0_i32_0 : i32, i32, i32
  }
  func.func @transform_2(%arg0: i32) -> (i32, i32, i32) {
    %c0_i32 = arith.constant 0 : i32
    %c0_i32_0 = arith.constant 0 : i32
    %c0_i32_1 = arith.constant 0 : i32
    %c0_i32_2 = arith.constant 0 : i32
    return %c0_i32, %c0_i32_0, %c0_i32_1 : i32, i32, i32
  }
  func.func @transform_3(%arg0: i32) -> (i32, i32, i32) {
    %c0_i32 = arith.constant 0 : i32
    %c0_i32_0 = arith.constant 0 : i32
    %c0_i32_1 = arith.constant 0 : i32
    %c0_i32_2 = arith.constant 0 : i32
    return %c0_i32, %c0_i32_0, %c0_i32_1 : i32, i32, i32
  }
  func.func @transform_4(%arg0: i32) -> (i32, i32, i32) {
    %c0_i32 = arith.constant 0 : i32
    %c0_i32_0 = arith.constant 0 : i32
    %c0_i32_1 = arith.constant 0 : i32
    %c0_i32_2 = arith.constant 0 : i32
    return %c0_i32, %c0_i32_0, %c0_i32_1 : i32, i32, i32
  }
  func.func @transform_5(%arg0: i32) -> (i32, i32, i32) {
    %c0_i32 = arith.constant 0 : i32
    %c0_i32_0 = arith.constant 0 : i32
    %c0_i32_1 = arith.constant 0 : i32
    %c0_i32_2 = arith.constant 0 : i32
    return %c0_i32, %c0_i32_0, %c0_i32_1 : i32, i32, i32
  }
  func.func @transform_6(%arg0: i32) -> (i32, i32, i32) {
    %c0_i32 = arith.constant 0 : i32
    %c0_i32_0 = arith.constant 0 : i32
    %c0_i32_1 = arith.constant 0 : i32
    return %c0_i32, %arg0, %c0_i32_0 : i32, i32, i32
  }
  func.func @transform_7(%arg0: i32) -> (i32, i32) {
    %c0_i32 = arith.constant 0 : i32
    %c0_i32_0 = arith.constant 0 : i32
    return %arg0, %c0_i32 : i32, i32
  }
  func.func @transform_8(%arg0: i32) -> (i32, i32) {
    %c0_i32 = arith.constant 0 : i32
    %c0_i32_0 = arith.constant 0 : i32
    return %arg0, %c0_i32 : i32, i32
  }
  func.func @transform_9(%arg0: i32) -> (i32, i32) {
    %c0_i32 = arith.constant 0 : i32
    %c0_i32_0 = arith.constant 0 : i32
    %c0_i32_1 = arith.constant 0 : i32
    return %c0_i32, %c0_i32_0 : i32, i32
  }
}

module attributes {stable_mosaic.version = 14 : i64} {
  func.func @kern(%arg0: i32, %arg1: memref<8x1024x64xf32, #tpu.memory_space<vmem>>, %arg2: memref<2x1024x16xf32, #tpu.memory_space<vmem>>, %arg3: memref<8x1x64xf32, #tpu.memory_space<vmem>>, %arg4: memref<1x512x16xf32, #tpu.memory_space<vmem>>, %arg5: memref<1x16x16xf32, #tpu.memory_space<vmem>>, %arg6: memref<1x16x16xf32, #tpu.memory_space<vmem>>, %arg7: memref<1x1024x16xf32, #tpu.memory_space<vmem>>, %arg8: memref<1024x16xf32, #tpu.memory_space<vmem>>, %arg9: memref<1024x16xf32, #tpu.memory_space<vmem>>, %arg10: memref<1x128xf32, #tpu.memory_space<vmem>>, %arg11: memref<2xf32, #tpu.memory_space<smem>>) attributes {dimension_semantics = [#tpu.dimension_semantics<arbitrary>], iteration_bounds = array<i64: 10>, scalar_prefetch = 0 : i64, scratch_operands = 1 : i64, tpu.core_type = #tpu.core_type<tc>, window_params = [{transform_indices = @transform_0, window_bounds = array<i64: 8, 1024, 64>}, {transform_indices = @transform_1, window_bounds = array<i64: 2, 1024, 16>}, {pipeline_mode = #tpu.pipeline_mode<synchronous>, transform_indices = @transform_2, window_bounds = array<i64: 8, 1, 64>}, {pipeline_mode = #tpu.pipeline_mode<synchronous>, transform_indices = @transform_3, window_bounds = array<i64: 1, 512, 16>}, {pipeline_mode = #tpu.pipeline_mode<synchronous>, transform_indices = @transform_4, window_bounds = array<i64: 1, 16, 16>}, {pipeline_mode = #tpu.pipeline_mode<synchronous>, transform_indices = @transform_5, window_bounds = array<i64: 1, 16, 16>}, {transform_indices = @transform_6, window_bounds = array<i64: 1, 1024, 16>}, {transform_indices = @transform_7, window_bounds = array<i64: 1024, 16>}, {transform_indices = @transform_8, window_bounds = array<i64: 1024, 16>}, {pipeline_mode = #tpu.pipeline_mode<synchronous>, transform_indices = @transform_9, window_bounds = array<i64: 1, 128>}]} {
    %get3A = arith.constant 0 : index
    %get3A_0 = arith.constant 0 : index
    %get3A_1 = arith.constant 0 : index
    %get3A_2 = vector.load %arg2[%get3A, %get3A_0, %get3A_1] : memref<2x1024x16xf32, #tpu.memory_space<vmem>>, vector<1x1024x16xf32>
    %get3A_3 = vector.shape_cast %get3A_2 : vector<1x1024x16xf32> to vector<1024x16xf32>
    %get3A_4 = arith.constant 1 : index
    %get3A_5 = arith.constant 0 : index
    %get3A_6 = arith.constant 0 : index
    %get3A_7 = vector.load %arg2[%get3A_4, %get3A_5, %get3A_6] : memref<2x1024x16xf32, #tpu.memory_space<vmem>>, vector<1x1024x16xf32>
    %get3A_8 = vector.shape_cast %get3A_7 : vector<1x1024x16xf32> to vector<1024x16xf32>
    %add3A = arith.addf %get3A_3, %get3A_8 : vector<1024x16xf32>
    %add3A_9 = arith.constant 1.000000e-16 : f32
    %add3A_10 = vector.broadcast %add3A_9 : f32 to vector<1024x16xf32>
    %add3A_11 = arith.addf %add3A, %add3A_10 : vector<1024x16xf32>
    %div3A = arith.constant 1.000000e+00 : f32
    %div3A_12 = vector.broadcast %div3A : f32 to vector<1024x16xf32>
    %div3A_13 = arith.divf %div3A_12, %add3A_11 : vector<1024x16xf32>
    %slice3A = vector.extract_strided_slice %div3A_13 {offsets = [0, 0], sizes = [1024, 8], strides = [1, 1]} : vector<1024x16xf32> to vector<1024x8xf32>
    %tile3A = tpu.concatenate %slice3A, %slice3A, %slice3A, %slice3A, %slice3A, %slice3A, %slice3A, %slice3A in 1 : vector<1024x8xf32>, vector<1024x8xf32>, vector<1024x8xf32>, vector<1024x8xf32>, vector<1024x8xf32>, vector<1024x8xf32>, vector<1024x8xf32>, vector<1024x8xf32> -> vector<1024x64xf32>
    %get3A_14 = arith.constant 0 : index
    %get3A_15 = arith.constant 0 : index
    %get3A_16 = arith.constant 0 : index
    %get3A_17 = vector.load %arg1[%get3A_14, %get3A_15, %get3A_16] : memref<8x1024x64xf32, #tpu.memory_space<vmem>>, vector<1x1024x64xf32>
    %get3A_18 = vector.shape_cast %get3A_17 : vector<1x1024x64xf32> to vector<1024x64xf32>
    %mul3A = arith.mulf %get3A_18, %tile3A : vector<1024x64xf32>
    %get3A_19 = arith.constant 0 : index
    %get3A_20 = arith.constant 0 : index
    %get3A_21 = arith.constant 0 : index
    %get3A_22 = vector.load %arg3[%get3A_19, %get3A_20, %get3A_21] : memref<8x1x64xf32, #tpu.memory_space<vmem>>, vector<1x1x64xf32>
    %get3A_23 = vector.shape_cast %get3A_22 : vector<1x1x64xf32> to vector<1x64xf32>
    %add3A_24 = vector.broadcast %get3A_23 : vector<1x64xf32> to vector<1024x64xf32>
    %add3A_25 = arith.addf %mul3A, %add3A_24 : vector<1024x64xf32>
    %gt3A = arith.constant 0.000000e+00 : f32
    %gt3A_26 = vector.broadcast %gt3A : f32 to vector<1024x64xf32>
    %gt3A_27 = arith.cmpf ogt, %add3A_25, %gt3A_26 : vector<1024x64xf32>
    %exp3A = math.exp %add3A_25 : vector<1024x64xf32>
    %sub3A = arith.constant 1.000000e+00 : f32
    %sub3A_28 = vector.broadcast %sub3A : f32 to vector<1024x64xf32>
    %sub3A_29 = arith.subf %exp3A, %sub3A_28 : vector<1024x64xf32>
    %select_n3A = arith.select %gt3A_27, %add3A_25, %sub3A_29 : vector<1024x64xi1>, vector<1024x64xf32>
    %get3A_30 = arith.constant 1 : index
    %get3A_31 = arith.constant 0 : index
    %get3A_32 = arith.constant 0 : index
    %get3A_33 = vector.load %arg1[%get3A_30, %get3A_31, %get3A_32] : memref<8x1024x64xf32, #tpu.memory_space<vmem>>, vector<1x1024x64xf32>
    %get3A_34 = vector.shape_cast %get3A_33 : vector<1x1024x64xf32> to vector<1024x64xf32>
    %mul3A_35 = arith.mulf %get3A_34, %tile3A : vector<1024x64xf32>
    %get3A_36 = arith.constant 1 : index
    %get3A_37 = arith.constant 0 : index
    %get3A_38 = arith.constant 0 : index
    %get3A_39 = vector.load %arg3[%get3A_36, %get3A_37, %get3A_38] : memref<8x1x64xf32, #tpu.memory_space<vmem>>, vector<1x1x64xf32>
    %get3A_40 = vector.shape_cast %get3A_39 : vector<1x1x64xf32> to vector<1x64xf32>
    %add3A_41 = vector.broadcast %get3A_40 : vector<1x64xf32> to vector<1024x64xf32>
    %add3A_42 = arith.addf %mul3A_35, %add3A_41 : vector<1024x64xf32>
    %gt3A_43 = arith.constant 0.000000e+00 : f32
    %gt3A_44 = vector.broadcast %gt3A_43 : f32 to vector<1024x64xf32>
    %gt3A_45 = arith.cmpf ogt, %add3A_42, %gt3A_44 : vector<1024x64xf32>
    %exp3A_46 = math.exp %add3A_42 : vector<1024x64xf32>
    %sub3A_47 = arith.constant 1.000000e+00 : f32
    %sub3A_48 = vector.broadcast %sub3A_47 : f32 to vector<1024x64xf32>
    %sub3A_49 = arith.subf %exp3A_46, %sub3A_48 : vector<1024x64xf32>
    %select_n3A_50 = arith.select %gt3A_45, %add3A_42, %sub3A_49 : vector<1024x64xi1>, vector<1024x64xf32>
    %get3A_51 = arith.constant 2 : index
    %get3A_52 = arith.constant 0 : index
    %get3A_53 = arith.constant 0 : index
    %get3A_54 = vector.load %arg1[%get3A_51, %get3A_52, %get3A_53] : memref<8x1024x64xf32, #tpu.memory_space<vmem>>, vector<1x1024x64xf32>
    %get3A_55 = vector.shape_cast %get3A_54 : vector<1x1024x64xf32> to vector<1024x64xf32>
    %mul3A_56 = arith.mulf %get3A_55, %tile3A : vector<1024x64xf32>
    %get3A_57 = arith.constant 2 : index
    %get3A_58 = arith.constant 0 : index
    %get3A_59 = arith.constant 0 : index
    %get3A_60 = vector.load %arg3[%get3A_57, %get3A_58, %get3A_59] : memref<8x1x64xf32, #tpu.memory_space<vmem>>, vector<1x1x64xf32>
    %get3A_61 = vector.shape_cast %get3A_60 : vector<1x1x64xf32> to vector<1x64xf32>
    %add3A_62 = vector.broadcast %get3A_61 : vector<1x64xf32> to vector<1024x64xf32>
    %add3A_63 = arith.addf %mul3A_56, %add3A_62 : vector<1024x64xf32>
    %gt3A_64 = arith.constant 0.000000e+00 : f32
    %gt3A_65 = vector.broadcast %gt3A_64 : f32 to vector<1024x64xf32>
    %gt3A_66 = arith.cmpf ogt, %add3A_63, %gt3A_65 : vector<1024x64xf32>
    %exp3A_67 = math.exp %add3A_63 : vector<1024x64xf32>
    %sub3A_68 = arith.constant 1.000000e+00 : f32
    %sub3A_69 = vector.broadcast %sub3A_68 : f32 to vector<1024x64xf32>
    %sub3A_70 = arith.subf %exp3A_67, %sub3A_69 : vector<1024x64xf32>
    %select_n3A_71 = arith.select %gt3A_66, %add3A_63, %sub3A_70 : vector<1024x64xi1>, vector<1024x64xf32>
    %get3A_72 = arith.constant 3 : index
    %get3A_73 = arith.constant 0 : index
    %get3A_74 = arith.constant 0 : index
    %get3A_75 = vector.load %arg1[%get3A_72, %get3A_73, %get3A_74] : memref<8x1024x64xf32, #tpu.memory_space<vmem>>, vector<1x1024x64xf32>
    %get3A_76 = vector.shape_cast %get3A_75 : vector<1x1024x64xf32> to vector<1024x64xf32>
    %mul3A_77 = arith.mulf %get3A_76, %tile3A : vector<1024x64xf32>
    %get3A_78 = arith.constant 3 : index
    %get3A_79 = arith.constant 0 : index
    %get3A_80 = arith.constant 0 : index
    %get3A_81 = vector.load %arg3[%get3A_78, %get3A_79, %get3A_80] : memref<8x1x64xf32, #tpu.memory_space<vmem>>, vector<1x1x64xf32>
    %get3A_82 = vector.shape_cast %get3A_81 : vector<1x1x64xf32> to vector<1x64xf32>
    %add3A_83 = vector.broadcast %get3A_82 : vector<1x64xf32> to vector<1024x64xf32>
    %add3A_84 = arith.addf %mul3A_77, %add3A_83 : vector<1024x64xf32>
    %gt3A_85 = arith.constant 0.000000e+00 : f32
    %gt3A_86 = vector.broadcast %gt3A_85 : f32 to vector<1024x64xf32>
    %gt3A_87 = arith.cmpf ogt, %add3A_84, %gt3A_86 : vector<1024x64xf32>
    %exp3A_88 = math.exp %add3A_84 : vector<1024x64xf32>
    %sub3A_89 = arith.constant 1.000000e+00 : f32
    %sub3A_90 = vector.broadcast %sub3A_89 : f32 to vector<1024x64xf32>
    %sub3A_91 = arith.subf %exp3A_88, %sub3A_90 : vector<1024x64xf32>
    %select_n3A_92 = arith.select %gt3A_87, %add3A_84, %sub3A_91 : vector<1024x64xi1>, vector<1024x64xf32>
    %get3A_93 = arith.constant 4 : index
    %get3A_94 = arith.constant 0 : index
    %get3A_95 = arith.constant 0 : index
    %get3A_96 = vector.load %arg1[%get3A_93, %get3A_94, %get3A_95] : memref<8x1024x64xf32, #tpu.memory_space<vmem>>, vector<1x1024x64xf32>
    %get3A_97 = vector.shape_cast %get3A_96 : vector<1x1024x64xf32> to vector<1024x64xf32>
    %mul3A_98 = arith.mulf %get3A_97, %tile3A : vector<1024x64xf32>
    %get3A_99 = arith.constant 4 : index
    %get3A_100 = arith.constant 0 : index
    %get3A_101 = arith.constant 0 : index
    %get3A_102 = vector.load %arg3[%get3A_99, %get3A_100, %get3A_101] : memref<8x1x64xf32, #tpu.memory_space<vmem>>, vector<1x1x64xf32>
    %get3A_103 = vector.shape_cast %get3A_102 : vector<1x1x64xf32> to vector<1x64xf32>
    %add3A_104 = vector.broadcast %get3A_103 : vector<1x64xf32> to vector<1024x64xf32>
    %add3A_105 = arith.addf %mul3A_98, %add3A_104 : vector<1024x64xf32>
    %gt3A_106 = arith.constant 0.000000e+00 : f32
    %gt3A_107 = vector.broadcast %gt3A_106 : f32 to vector<1024x64xf32>
    %gt3A_108 = arith.cmpf ogt, %add3A_105, %gt3A_107 : vector<1024x64xf32>
    %exp3A_109 = math.exp %add3A_105 : vector<1024x64xf32>
    %sub3A_110 = arith.constant 1.000000e+00 : f32
    %sub3A_111 = vector.broadcast %sub3A_110 : f32 to vector<1024x64xf32>
    %sub3A_112 = arith.subf %exp3A_109, %sub3A_111 : vector<1024x64xf32>
    %select_n3A_113 = arith.select %gt3A_108, %add3A_105, %sub3A_112 : vector<1024x64xi1>, vector<1024x64xf32>
    %get3A_114 = arith.constant 5 : index
    %get3A_115 = arith.constant 0 : index
    %get3A_116 = arith.constant 0 : index
    %get3A_117 = vector.load %arg1[%get3A_114, %get3A_115, %get3A_116] : memref<8x1024x64xf32, #tpu.memory_space<vmem>>, vector<1x1024x64xf32>
    %get3A_118 = vector.shape_cast %get3A_117 : vector<1x1024x64xf32> to vector<1024x64xf32>
    %mul3A_119 = arith.mulf %get3A_118, %tile3A : vector<1024x64xf32>
    %get3A_120 = arith.constant 5 : index
    %get3A_121 = arith.constant 0 : index
    %get3A_122 = arith.constant 0 : index
    %get3A_123 = vector.load %arg3[%get3A_120, %get3A_121, %get3A_122] : memref<8x1x64xf32, #tpu.memory_space<vmem>>, vector<1x1x64xf32>
    %get3A_124 = vector.shape_cast %get3A_123 : vector<1x1x64xf32> to vector<1x64xf32>
    %add3A_125 = vector.broadcast %get3A_124 : vector<1x64xf32> to vector<1024x64xf32>
    %add3A_126 = arith.addf %mul3A_119, %add3A_125 : vector<1024x64xf32>
    %gt3A_127 = arith.constant 0.000000e+00 : f32
    %gt3A_128 = vector.broadcast %gt3A_127 : f32 to vector<1024x64xf32>
    %gt3A_129 = arith.cmpf ogt, %add3A_126, %gt3A_128 : vector<1024x64xf32>
    %exp3A_130 = math.exp %add3A_126 : vector<1024x64xf32>
    %sub3A_131 = arith.constant 1.000000e+00 : f32
    %sub3A_132 = vector.broadcast %sub3A_131 : f32 to vector<1024x64xf32>
    %sub3A_133 = arith.subf %exp3A_130, %sub3A_132 : vector<1024x64xf32>
    %select_n3A_134 = arith.select %gt3A_129, %add3A_126, %sub3A_133 : vector<1024x64xi1>, vector<1024x64xf32>
    %get3A_135 = arith.constant 6 : index
    %get3A_136 = arith.constant 0 : index
    %get3A_137 = arith.constant 0 : index
    %get3A_138 = vector.load %arg1[%get3A_135, %get3A_136, %get3A_137] : memref<8x1024x64xf32, #tpu.memory_space<vmem>>, vector<1x1024x64xf32>
    %get3A_139 = vector.shape_cast %get3A_138 : vector<1x1024x64xf32> to vector<1024x64xf32>
    %mul3A_140 = arith.mulf %get3A_139, %tile3A : vector<1024x64xf32>
    %get3A_141 = arith.constant 6 : index
    %get3A_142 = arith.constant 0 : index
    %get3A_143 = arith.constant 0 : index
    %get3A_144 = vector.load %arg3[%get3A_141, %get3A_142, %get3A_143] : memref<8x1x64xf32, #tpu.memory_space<vmem>>, vector<1x1x64xf32>
    %get3A_145 = vector.shape_cast %get3A_144 : vector<1x1x64xf32> to vector<1x64xf32>
    %add3A_146 = vector.broadcast %get3A_145 : vector<1x64xf32> to vector<1024x64xf32>
    %add3A_147 = arith.addf %mul3A_140, %add3A_146 : vector<1024x64xf32>
    %gt3A_148 = arith.constant 0.000000e+00 : f32
    %gt3A_149 = vector.broadcast %gt3A_148 : f32 to vector<1024x64xf32>
    %gt3A_150 = arith.cmpf ogt, %add3A_147, %gt3A_149 : vector<1024x64xf32>
    %exp3A_151 = math.exp %add3A_147 : vector<1024x64xf32>
    %sub3A_152 = arith.constant 1.000000e+00 : f32
    %sub3A_153 = vector.broadcast %sub3A_152 : f32 to vector<1024x64xf32>
    %sub3A_154 = arith.subf %exp3A_151, %sub3A_153 : vector<1024x64xf32>
    %select_n3A_155 = arith.select %gt3A_150, %add3A_147, %sub3A_154 : vector<1024x64xi1>, vector<1024x64xf32>
    %get3A_156 = arith.constant 7 : index
    %get3A_157 = arith.constant 0 : index
    %get3A_158 = arith.constant 0 : index
    %get3A_159 = vector.load %arg1[%get3A_156, %get3A_157, %get3A_158] : memref<8x1024x64xf32, #tpu.memory_space<vmem>>, vector<1x1024x64xf32>
    %get3A_160 = vector.shape_cast %get3A_159 : vector<1x1024x64xf32> to vector<1024x64xf32>
    %mul3A_161 = arith.mulf %get3A_160, %tile3A : vector<1024x64xf32>
    %get3A_162 = arith.constant 7 : index
    %get3A_163 = arith.constant 0 : index
    %get3A_164 = arith.constant 0 : index
    %get3A_165 = vector.load %arg3[%get3A_162, %get3A_163, %get3A_164] : memref<8x1x64xf32, #tpu.memory_space<vmem>>, vector<1x1x64xf32>
    %get3A_166 = vector.shape_cast %get3A_165 : vector<1x1x64xf32> to vector<1x64xf32>
    %add3A_167 = vector.broadcast %get3A_166 : vector<1x64xf32> to vector<1024x64xf32>
    %add3A_168 = arith.addf %mul3A_161, %add3A_167 : vector<1024x64xf32>
    %gt3A_169 = arith.constant 0.000000e+00 : f32
    %gt3A_170 = vector.broadcast %gt3A_169 : f32 to vector<1024x64xf32>
    %gt3A_171 = arith.cmpf ogt, %add3A_168, %gt3A_170 : vector<1024x64xf32>
    %exp3A_172 = math.exp %add3A_168 : vector<1024x64xf32>
    %sub3A_173 = arith.constant 1.000000e+00 : f32
    %sub3A_174 = vector.broadcast %sub3A_173 : f32 to vector<1024x64xf32>
    %sub3A_175 = arith.subf %exp3A_172, %sub3A_174 : vector<1024x64xf32>
    %select_n3A_176 = arith.select %gt3A_171, %add3A_168, %sub3A_175 : vector<1024x64xi1>, vector<1024x64xf32>
    %concatenate3A = tpu.concatenate %select_n3A, %select_n3A_50, %select_n3A_71, %select_n3A_92, %select_n3A_113, %select_n3A_134, %select_n3A_155, %select_n3A_176 in 1 : vector<1024x64xf32>, vector<1024x64xf32>, vector<1024x64xf32>, vector<1024x64xf32>, vector<1024x64xf32>, vector<1024x64xf32>, vector<1024x64xf32>, vector<1024x64xf32> -> vector<1024x512xf32>
    %broadcast_in_dim3A = arith.constant 0.000000e+00 : f32
    %broadcast_in_dim3A_177 = vector.broadcast %broadcast_in_dim3A : f32 to vector<1024x16xf32>
    %broadcast_in_dim3A_178 = arith.constant 0.000000e+00 : f32
    %broadcast_in_dim3A_179 = vector.broadcast %broadcast_in_dim3A_178 : f32 to vector<1024x16xf32>
    %get3A_180 = arith.constant 0 : index
    %get3A_181 = arith.constant 0 : index
    %get3A_182 = arith.constant 0 : index
    %get3A_183 = vector.load %arg4[%get3A_180, %get3A_181, %get3A_182] : memref<1x512x16xf32, #tpu.memory_space<vmem>>, vector<1x512x16xf32>
    %get3A_184 = vector.shape_cast %get3A_183 : vector<1x512x16xf32> to vector<512x16xf32>
    %dot_general3A = arith.constant dense<0.000000e+00> : vector<1024x16xf32>
    %dot_general3A_185 = tpu.matmul %concatenate3A, %get3A_184, %dot_general3A {dimension_numbers = #tpu.dot_dimension_numbers<[1], [0], [0], [1], [0, 0, 1, 1], [], []>, transpose_lhs_hint = false} : vector<1024x512xf32>, vector<512x16xf32>, vector<1024x16xf32> -> vector<1024x16xf32>
    %swap3A = arith.constant 0 : index
    %swap3A_186 = arith.constant 0 : index
    %swap3A_187 = arith.constant 0 : index
    %swap3A_188 = vector.load %arg7[%swap3A, %swap3A_186, %swap3A_187] : memref<1x1024x16xf32, #tpu.memory_space<vmem>>, vector<1x1024x16xf32>
    %swap3A_189 = vector.shape_cast %swap3A_188 : vector<1x1024x16xf32> to vector<1024x16xf32>
    %swap3A_190 = vector.shape_cast %dot_general3A_185 : vector<1024x16xf32> to vector<1x1024x16xf32>
    tpu.vector_store %arg7[%swap3A, %swap3A_186, %swap3A_187], %swap3A_190 {strides = array<i32>} : memref<1x1024x16xf32, #tpu.memory_space<vmem>>, vector<1x1024x16xf32>,
    %get3A_191 = arith.constant 0 : index
    %get3A_192 = arith.constant 0 : index
    %get3A_193 = arith.constant 0 : index
    %get3A_194 = vector.load %arg5[%get3A_191, %get3A_192, %get3A_193] : memref<1x16x16xf32, #tpu.memory_space<vmem>>, vector<1x16x16xf32>
    %get3A_195 = vector.shape_cast %get3A_194 : vector<1x16x16xf32> to vector<16x16xf32>
    %dot_general3A_196 = arith.constant dense<0.000000e+00> : vector<1024x16xf32>
    %dot_general3A_197 = tpu.matmul %dot_general3A_185, %get3A_195, %dot_general3A_196 {dimension_numbers = #tpu.dot_dimension_numbers<[1], [0], [0], [1], [0, 0, 1, 1], [], []>, transpose_lhs_hint = false} : vector<1024x16xf32>, vector<16x16xf32>, vector<1024x16xf32> -> vector<1024x16xf32>
    %add3A_198 = arith.addf %broadcast_in_dim3A_177, %dot_general3A_197 : vector<1024x16xf32>
    %get3A_199 = arith.constant 0 : index
    %get3A_200 = arith.constant 0 : index
    %get3A_201 = arith.constant 0 : index
    %get3A_202 = vector.load %arg6[%get3A_199, %get3A_200, %get3A_201] : memref<1x16x16xf32, #tpu.memory_space<vmem>>, vector<1x16x16xf32>
    %get3A_203 = vector.shape_cast %get3A_202 : vector<1x16x16xf32> to vector<16x16xf32>
    %dot_general3A_204 = arith.constant dense<0.000000e+00> : vector<1024x16xf32>
    %dot_general3A_205 = tpu.matmul %dot_general3A_185, %get3A_203, %dot_general3A_204 {dimension_numbers = #tpu.dot_dimension_numbers<[1], [0], [0], [1], [0, 0, 1, 1], [], []>, transpose_lhs_hint = false} : vector<1024x16xf32>, vector<16x16xf32>, vector<1024x16xf32> -> vector<1024x16xf32>
    %add3A_206 = arith.addf %broadcast_in_dim3A_179, %dot_general3A_205 : vector<1024x16xf32>
    %swap3A_207 = arith.constant 0 : index
    %swap3A_208 = arith.constant 0 : index
    %swap3A_209 = vector.load %arg8[%swap3A_207, %swap3A_208] : memref<1024x16xf32, #tpu.memory_space<vmem>>, vector<1024x16xf32>
    tpu.vector_store %arg8[%swap3A_207, %swap3A_208], %add3A_198 {strides = array<i32>} : memref<1024x16xf32, #tpu.memory_space<vmem>>, vector<1024x16xf32>,
    %swap3A_210 = arith.constant 0 : index
    %swap3A_211 = arith.constant 0 : index
    %swap3A_212 = vector.load %arg9[%swap3A_210, %swap3A_211] : memref<1024x16xf32, #tpu.memory_space<vmem>>, vector<1024x16xf32>
    tpu.vector_store %arg9[%swap3A_210, %swap3A_211], %add3A_206 {strides = array<i32>} : memref<1024x16xf32, #tpu.memory_space<vmem>>, vector<1024x16xf32>,
    %reduce_max3A = vector.shape_cast %add3A_198 : vector<1024x16xf32> to vector<1x1024x16xf32>
    %reduce_max3A_213 = arith.constant dense<0xFF800000> : vector<1xf32>
    %reduce_max3A_214 = vector.multi_reduction <maximumf>, %reduce_max3A, %reduce_max3A_213 [1, 2] : vector<1x1024x16xf32> to vector<1xf32>
    %reduce_max3A_215 = vector.shape_cast %reduce_max3A_214 : vector<1xf32> to vector<1x1x1xf32>
    %reduce_max3A_216 = vector.extract %reduce_max3A_215[0, 0, 0] : f32 from vector<1x1x1xf32>
    %reduce_max3A_217 = vector.shape_cast %add3A_206 : vector<1024x16xf32> to vector<1x1024x16xf32>
    %reduce_max3A_218 = arith.constant dense<0xFF800000> : vector<1xf32>
    %reduce_max3A_219 = vector.multi_reduction <maximumf>, %reduce_max3A_217, %reduce_max3A_218 [1, 2] : vector<1x1024x16xf32> to vector<1xf32>
    %reduce_max3A_220 = vector.shape_cast %reduce_max3A_219 : vector<1xf32> to vector<1x1x1xf32>
    %reduce_max3A_221 = vector.extract %reduce_max3A_220[0, 0, 0] : f32 from vector<1x1x1xf32>
    %eq3A = arith.constant 0 : i32
    %eq3A_222 = arith.cmpi eq, %arg0, %eq3A : i32
    %get3A_223 = arith.constant 0 : index
    %get3A_224 = memref.load %arg11[%get3A_223] : memref<2xf32, #tpu.memory_space<smem>>
    %jit3A = arith.constant 0xFF800000 : f32
    %select_n3A_225 = arith.select %eq3A_222, %jit3A, %get3A_224 : f32
    %max3A = arith.maximumf %select_n3A_225, %reduce_max3A_216 : f32
    %eq3A_226 = arith.constant 0 : i32
    %eq3A_227 = arith.cmpi eq, %arg0, %eq3A_226 : i32
    %get3A_228 = arith.constant 1 : index
    %get3A_229 = memref.load %arg11[%get3A_228] : memref<2xf32, #tpu.memory_space<smem>>
    %jit3A_230 = arith.constant 0xFF800000 : f32
    %select_n3A_231 = arith.select %eq3A_227, %jit3A_230, %get3A_229 : f32
    %max3A_232 = arith.maximumf %select_n3A_231, %reduce_max3A_221 : f32
    %swap3A_233 = arith.constant 0 : index
    %swap3A_234 = memref.load %arg11[%swap3A_233] : memref<2xf32, #tpu.memory_space<smem>>
    memref.store %max3A, %arg11[%swap3A_233] : memref<2xf32, #tpu.memory_space<smem>>
    %swap3A_235 = arith.constant 1 : index
    %swap3A_236 = memref.load %arg11[%swap3A_235] : memref<2xf32, #tpu.memory_space<smem>>
    memref.store %max3A_232, %arg11[%swap3A_235] : memref<2xf32, #tpu.memory_space<smem>>
    %add3A_237 = arith.addf %max3A, %max3A_232 : f32
    %ge3A = arith.constant 0.000000e+00 : f32
    %ge3A_238 = arith.cmpf oge, %add3A_237, %ge3A : f32
    %mul3A_239 = arith.constant 2.000000e-01 : f32
    %mul3A_240 = arith.mulf %mul3A_239, %add3A_237 : f32
    %select_n3A_241 = arith.select %ge3A_238, %add3A_237, %mul3A_240 : f32
    %broadcast_in_dim3A_242 = vector.broadcast %select_n3A_241 : f32 to vector<1x128xf32>
    %swap3A_243 = arith.constant 0 : index
    %swap3A_244 = arith.constant 0 : index
    %swap3A_245 = vector.load %arg10[%swap3A_243, %swap3A_244] : memref<1x128xf32, #tpu.memory_space<vmem>>, vector<1x128xf32>
    tpu.vector_store %arg10[%swap3A_243, %swap3A_244], %broadcast_in_dim3A_242 {strides = array<i32>} : memref<1x128xf32, #tpu.memory_space<vmem>>, vector<1x128xf32>,
    return
  }
  func.func @transform_0(%arg0: i32) -> (i32, i32, i32) {
    %c0_i32 = arith.constant 0 : i32
    %c0_i32_0 = arith.constant 0 : i32
    %c0_i32_1 = arith.constant 0 : i32
    return %c0_i32, %arg0, %c0_i32_0 : i32, i32, i32
  }
  func.func @transform_1(%arg0: i32) -> (i32, i32, i32) {
    %c0_i32 = arith.constant 0 : i32
    %c0_i32_0 = arith.constant 0 : i32
    %c0_i32_1 = arith.constant 0 : i32
    return %c0_i32, %arg0, %c0_i32_0 : i32, i32, i32
  }
  func.func @transform_2(%arg0: i32) -> (i32, i32, i32) {
    %c0_i32 = arith.constant 0 : i32
    %c0_i32_0 = arith.constant 0 : i32
    %c0_i32_1 = arith.constant 0 : i32
    %c0_i32_2 = arith.constant 0 : i32
    return %c0_i32, %c0_i32_0, %c0_i32_1 : i32, i32, i32
  }
  func.func @transform_3(%arg0: i32) -> (i32, i32, i32) {
    %c0_i32 = arith.constant 0 : i32
    %c0_i32_0 = arith.constant 0 : i32
    %c0_i32_1 = arith.constant 0 : i32
    %c0_i32_2 = arith.constant 0 : i32
    return %c0_i32, %c0_i32_0, %c0_i32_1 : i32, i32, i32
  }
  func.func @transform_4(%arg0: i32) -> (i32, i32, i32) {
    %c0_i32 = arith.constant 0 : i32
    %c0_i32_0 = arith.constant 0 : i32
    %c0_i32_1 = arith.constant 0 : i32
    %c0_i32_2 = arith.constant 0 : i32
    return %c0_i32, %c0_i32_0, %c0_i32_1 : i32, i32, i32
  }
  func.func @transform_5(%arg0: i32) -> (i32, i32, i32) {
    %c0_i32 = arith.constant 0 : i32
    %c0_i32_0 = arith.constant 0 : i32
    %c0_i32_1 = arith.constant 0 : i32
    %c0_i32_2 = arith.constant 0 : i32
    return %c0_i32, %c0_i32_0, %c0_i32_1 : i32, i32, i32
  }
  func.func @transform_6(%arg0: i32) -> (i32, i32, i32) {
    %c0_i32 = arith.constant 0 : i32
    %c0_i32_0 = arith.constant 0 : i32
    %c0_i32_1 = arith.constant 0 : i32
    return %c0_i32, %arg0, %c0_i32_0 : i32, i32, i32
  }
  func.func @transform_7(%arg0: i32) -> (i32, i32) {
    %c0_i32 = arith.constant 0 : i32
    %c0_i32_0 = arith.constant 0 : i32
    return %arg0, %c0_i32 : i32, i32
  }
  func.func @transform_8(%arg0: i32) -> (i32, i32) {
    %c0_i32 = arith.constant 0 : i32
    %c0_i32_0 = arith.constant 0 : i32
    return %arg0, %c0_i32 : i32, i32
  }
  func.func @transform_9(%arg0: i32) -> (i32, i32) {
    %c0_i32 = arith.constant 0 : i32
    %c0_i32_0 = arith.constant 0 : i32
    %c0_i32_1 = arith.constant 0 : i32
    return %c0_i32, %c0_i32_0 : i32, i32
  }
}

module attributes {stable_mosaic.version = 14 : i64} {
  func.func @kern(%arg0: i32, %arg1: memref<1x1024x16xf32, #tpu.memory_space<vmem>>, %arg2: memref<2x1024x16xf32, #tpu.memory_space<vmem>>, %arg3: memref<1x16xf32, #tpu.memory_space<vmem>>, %arg4: memref<1024x16xf32, #tpu.memory_space<vmem>>) attributes {dimension_semantics = [#tpu.dimension_semantics<arbitrary>], iteration_bounds = array<i64: 10>, scalar_prefetch = 0 : i64, scratch_operands = 0 : i64, tpu.core_type = #tpu.core_type<tc>, window_params = [{transform_indices = @transform_0, window_bounds = array<i64: 1, 1024, 16>}, {transform_indices = @transform_1, window_bounds = array<i64: 2, 1024, 16>}, {pipeline_mode = #tpu.pipeline_mode<synchronous>, transform_indices = @transform_2, window_bounds = array<i64: 1, 16>}, {transform_indices = @transform_3, window_bounds = array<i64: 1024, 16>}]} {
    %get3A = arith.constant 0 : index
    %get3A_0 = arith.constant 0 : index
    %get3A_1 = arith.constant 0 : index
    %get3A_2 = vector.load %arg2[%get3A, %get3A_0, %get3A_1] : memref<2x1024x16xf32, #tpu.memory_space<vmem>>, vector<1x1024x16xf32>
    %get3A_3 = vector.shape_cast %get3A_2 : vector<1x1024x16xf32> to vector<1024x16xf32>
    %get3A_4 = arith.constant 1 : index
    %get3A_5 = arith.constant 0 : index
    %get3A_6 = arith.constant 0 : index
    %get3A_7 = vector.load %arg2[%get3A_4, %get3A_5, %get3A_6] : memref<2x1024x16xf32, #tpu.memory_space<vmem>>, vector<1x1024x16xf32>
    %get3A_8 = vector.shape_cast %get3A_7 : vector<1x1024x16xf32> to vector<1024x16xf32>
    %add3A = arith.addf %get3A_3, %get3A_8 : vector<1024x16xf32>
    %add3A_9 = arith.constant 1.000000e-16 : f32
    %add3A_10 = vector.broadcast %add3A_9 : f32 to vector<1024x16xf32>
    %add3A_11 = arith.addf %add3A, %add3A_10 : vector<1024x16xf32>
    %div3A = arith.constant 1.000000e+00 : f32
    %div3A_12 = vector.broadcast %div3A : f32 to vector<1024x16xf32>
    %div3A_13 = arith.divf %div3A_12, %add3A_11 : vector<1024x16xf32>
    %slice3A = vector.extract_strided_slice %div3A_13 {offsets = [0, 0], sizes = [1024, 1], strides = [1, 1]} : vector<1024x16xf32> to vector<1024x1xf32>
    %broadcast_in_dim3A = vector.shape_cast %slice3A : vector<1024x1xf32> to vector<1024x1xf32>
    %broadcast_in_dim3A_14 = vector.broadcast %broadcast_in_dim3A : vector<1024x1xf32> to vector<1024x16xf32>
    %get3A_15 = arith.constant 0 : index
    %get3A_16 = arith.constant 0 : index
    %get3A_17 = arith.constant 0 : index
    %get3A_18 = vector.load %arg1[%get3A_15, %get3A_16, %get3A_17] : memref<1x1024x16xf32, #tpu.memory_space<vmem>>, vector<1x1024x16xf32>
    %get3A_19 = vector.shape_cast %get3A_18 : vector<1x1024x16xf32> to vector<1024x16xf32>
    %mul3A = arith.mulf %get3A_19, %broadcast_in_dim3A_14 : vector<1024x16xf32>
    %get3A_20 = arith.constant 0 : index
    %get3A_21 = arith.constant 0 : index
    %get3A_22 = vector.load %arg3[%get3A_20, %get3A_21] : memref<1x16xf32, #tpu.memory_space<vmem>>, vector<1x16xf32>
    %add3A_23 = vector.broadcast %get3A_22 : vector<1x16xf32> to vector<1024x16xf32>
    %add3A_24 = arith.addf %mul3A, %add3A_23 : vector<1024x16xf32>
    %reduce_max3A = arith.constant dense<0xFF800000> : vector<1024xf32>
    %reduce_max3A_25 = vector.multi_reduction <maximumf>, %add3A_24, %reduce_max3A [1] : vector<1024x16xf32> to vector<1024xf32>
    %broadcast_in_dim3A_26 = vector.shape_cast %reduce_max3A_25 : vector<1024xf32> to vector<1024x1xf32>
    %sub3A = vector.broadcast %broadcast_in_dim3A_26 : vector<1024x1xf32> to vector<1024x16xf32>
    %sub3A_27 = arith.subf %add3A_24, %sub3A : vector<1024x16xf32>
    %exp3A = math.exp %sub3A_27 : vector<1024x16xf32>
    %reduce_sum3A = arith.constant dense<0.000000e+00> : vector<1024xf32>
    %reduce_sum3A_28 = vector.multi_reduction <add>, %exp3A, %reduce_sum3A [1] : vector<1024x16xf32> to vector<1024xf32>
    %broadcast_in_dim3A_29 = vector.shape_cast %reduce_sum3A_28 : vector<1024xf32> to vector<1024x1xf32>
    %log3A = math.log %broadcast_in_dim3A_29 : vector<1024x1xf32>
    %sub3A_30 = vector.broadcast %log3A : vector<1024x1xf32> to vector<1024x16xf32>
    %sub3A_31 = arith.subf %sub3A_27, %sub3A_30 : vector<1024x16xf32>
    %swap3A = arith.constant 0 : index
    %swap3A_32 = arith.constant 0 : index
    %swap3A_33 = vector.load %arg4[%swap3A, %swap3A_32] : memref<1024x16xf32, #tpu.memory_space<vmem>>, vector<1024x16xf32>
    tpu.vector_store %arg4[%swap3A, %swap3A_32], %sub3A_31 {strides = array<i32>} : memref<1024x16xf32, #tpu.memory_space<vmem>>, vector<1024x16xf32>,
    return
  }
  func.func @transform_0(%arg0: i32) -> (i32, i32, i32) {
    %c0_i32 = arith.constant 0 : i32
    %c0_i32_0 = arith.constant 0 : i32
    %c0_i32_1 = arith.constant 0 : i32
    return %c0_i32, %arg0, %c0_i32_0 : i32, i32, i32
  }
  func.func @transform_1(%arg0: i32) -> (i32, i32, i32) {
    %c0_i32 = arith.constant 0 : i32
    %c0_i32_0 = arith.constant 0 : i32
    %c0_i32_1 = arith.constant 0 : i32
    return %c0_i32, %arg0, %c0_i32_0 : i32, i32, i32
  }
  func.func @transform_2(%arg0: i32) -> (i32, i32) {
    %c0_i32 = arith.constant 0 : i32
    %c0_i32_0 = arith.constant 0 : i32
    %c0_i32_1 = arith.constant 0 : i32
    return %c0_i32, %c0_i32_0 : i32, i32
  }
  func.func @transform_3(%arg0: i32) -> (i32, i32) {
    %c0_i32 = arith.constant 0 : i32
    %c0_i32_0 = arith.constant 0 : i32
    return %arg0, %c0_i32 : i32, i32
  }
}

</mosaic_0001>

<sc_bundles>
// kernel: kernel.12.cloned.1.call-start
scs
__scs_entry_jumppad:
0x0: {  	(pc) =	sbr.rel $0x88, $3  }
0x1: {  	(tag) =	ssettag $0x0;
	lr =	simm.s32 $0x1  }
0x2: {  	[smem:$0x3F93] =	sst lr;
	_ =	strace $0xD0000000  }
0x3: {  	_ = 	snop  }
0x4: {  	_ = 	snop  }
0x5: {  	_ = 	snop  }
0x6: {  	_ = 	snop  }
0x7: {  	_ = 	snop  }
__scs_overlays_trampoline_lowered:
0x8: {  	[smem:$0x3FA2] =	sst s0  }
0x9: {  	[smem:$0x3FA3] =	sst s1  }
0xa: {  	[smem:$0x3FA4] =	sst s2  }
0xb: {  	[smem:$0x3FA5] =	sst s3  }
0xc: {  	[smem:$0x3FA6] =	sst s4  }
0xd: {  	[smem:$0x3FA7] =	sst s5  }
0xe: {  	[smem:$0x3FA8] =	sst s6  }
0xf: {  	[smem:$0x3FA9] =	sst s7  }
0x10: {  	[smem:$0x3FAA] =	sst s8  }
0x11: {  	[smem:$0x3FAB] =	sst s9;
	s0 =	simm.s32 @!p0 $0x0  }
0x12: {  	s1 =	sld [smem:$0x3F91];
	s0 =	simm.s32 @p0 $0x1  }
0x13: {  	[smem:$0x3FAC] =	sst s0;
	s0 =	simm.s32 @!p1 $0x0  }
0x14: {  	s2 =	sld [smem:$0x3F90];
	s0 =	simm.s32 @p1 $0x1  }
0x15: {  	[smem:$0x3FAD] =	sst s0;
	s0 =	simm.s32 @!p2 $0x0  }
0x16: {  	s3 =	sld [smem:$0x3FDB];
	s0 =	simm.s32 @p2 $0x1  }
0x17: {  	s4 =	simm.s32 $0x1BF5;
	[smem:$0x3FAF] =	sst s0  }
0x18: {  	s0 =	sld [smem:$0x3F92];
	_ =	swait.ge [sflag:s4], $0x0  }
0x19: {  	s7 =	sld [smem:$0x3F93]  }
0x1a: {  	s8 =	sadd.s32 $0xFFFFE003, lr  }
0x1b: {  	s9 =	sadd.s32 $0xFFFFFEF7, lr;
	s5 =	simm.s32 $0xFFFFFFFF;
	p2 =	slt.u32 s8, $0xFFFFF086  }
0x1c: {  	p1 =	slt.u32 s9, $0xF7A;
	s5 =	simm.s32 @!p2 $0x0  }
0x1d: {  	s5 =	simm.s32 @p1 $0x1;
	p0 =	seq.s32 s7, s2  }
0x1e: {  	s7 =	smul.u32 @!p0 $0xF7A, s2;
	p2 =	seq.s32 @!p0 s5, $0x0  }
0x1f: {  	s9 =	smul.u32 $0xF7A, s1;
	s8 =	simm.s32 @!p0 $0x1BF5;
	p2 =	por !p2, p0  }
0x20: {  	[sflag:s8] =	ssyncset.s32 @!p0 $0xFFFFF086;
	s6 =	sadd.s32 @!p0 s3, s7;
	s7 =	simm.s32 @!p0 $0x108  }
0x21: {  	s3 =	sadd.s32 s3, s9;
	s6 =	sadd.s32 @!p0 $0x88, s6;
	s7 =	simm.s32 @p2 $0x1082  }
0x22: {  	[simem:s7], [sflag:s8] =	dma.local @!p0 [hbm:s6], $0xF7A  }
0x23: {  	s9 =	sor.u32 $0xD0000000, s2;
	s6 =	simm.s32 $0x108;
	_ =	swait.ge @!p0 [sflag:s8], $0x0  }
0x24: {  	s3 =	sadd.s32 $0x88, s3;
	s6 =	simm.s32 @!p1 $0x1082;
	[sflag:s4] =	ssyncset.s32 $0xFFFFF086  }
0x25: {  	[simem:s6], [sflag:s4] =	dma.local [hbm:s3], $0xF7A  }
0x26: {  	[smem:$0x3F93] =	sst s1;
	(tag) =	ssettag s2;
	_ =	strace s9  }
0x27: {  	s1 =	sld [smem:$0x3FA3]  }
0x28: {  	s2 =	sld [smem:$0x3FA4]  }
0x29: {  	s4 =	sld [smem:$0x3FA6]  }
0x2a: {  	p0 =	seq.s32 s5, $0x0;
	s5 =	sld [smem:$0x3FA7]  }
0x2b: {  	s6 =	sld [smem:$0x3FA8]  }
0x2c: {  	s7 =	sld [smem:$0x3FA9]  }
0x2d: {  	s3 =	simm.s32 $0x108;
	s8 =	sld [smem:$0x3FAA]  }
0x2e: {  	s3 =	simm.s32 @!p0 $0x1082;
	s9 =	sld [smem:$0x3FAB]  }
0x2f: {  	lr =	sadd.s32 s0, s3;
	s0 =	sld [smem:$0x3FA2]  }
0x30: {  	s3 =	sld [smem:$0x3FA5]  }
0x31: {  	[smem:$0x3FAE] =	sst s10  }
0x32: {  	s10 =	sld [smem:$0x3FAC];
	_ =	sdelay $0x3  }
0x33: {  	p0 =	seq.s32 s10, $0x1;
	s10 =	sld [smem:$0x3FAE];
	_ =	sdelay $0x3  }
0x34: {  	[smem:$0x3FAE] =	sst s10  }
0x35: {  	s10 =	sld [smem:$0x3FAD];
	_ =	sdelay $0x3  }
0x36: {  	p1 =	seq.s32 s10, $0x1;
	s10 =	sld [smem:$0x3FAE];
	_ =	sdelay $0x3  }
0x37: {  	[smem:$0x3FAE] =	sst s10  }
0x38: {  	s10 =	sld [smem:$0x3FAF]  }
0x39: {  	_ = 	snop;
	(pc) =	sbr.ind lr, $3  }
0x3a: {  	_ = 	snop  }
0x3b: {  	_ = 	snop  }
0x3c: {  	p2 =	seq.s32 s10, $0x1;
	s10 =	sld [smem:$0x3FAE]  }
0x3d: {  	_ =	shalt  }
0x3e: {  	_ =	shalt  }
0x3f: {  	_ =	shalt  }
0x40: {  	_ =	shalt  }
0x41: {  	_ =	shalt  }
0x42: {  	_ =	shalt  }
0x43: {  	_ =	shalt  }
0x44: {  	_ =	shalt  }
0x45: {  	_ =	shalt  }
0x46: {  	_ =	shalt  }
0x47: {  	_ =	shalt  }
0x48: {  	_ =	shalt  }
0x49: {  	_ =	shalt  }
0x4a: {  	_ =	shalt  }
0x4b: {  	_ =	shalt  }
0x4c: {  	_ =	shalt  }
0x4d: {  	_ =	shalt  }
0x4e: {  	_ =	shalt  }
0x4f: {  	_ =	shalt  }
0x50: {  	_ =	shalt  }
0x51: {  	_ =	shalt  }
0x52: {  	_ =	shalt  }
0x53: {  	_ =	shalt  }
0x54: {  	_ =	shalt  }
0x55: {  	_ =	shalt  }
0x56: {  	_ =	shalt  }
0x57: {  	_ =	shalt  }
0x58: {  	_ =	shalt  }
0x59: {  	_ =	shalt  }
0x5a: {  	_ =	shalt  }
0x5b: {  	_ =	shalt  }
0x5c: {  	_ =	shalt  }
0x5d: {  	_ =	shalt  }
0x5e: {  	_ =	shalt  }
0x5f: {  	_ =	shalt  }
0x60: {  	_ =	shalt  }
0x61: {  	_ =	shalt  }
0x62: {  	_ =	shalt  }
0x63: {  	_ =	shalt  }
0x64: {  	_ =	shalt  }
0x65: {  	_ =	shalt  }
0x66: {  	_ =	shalt  }
0x67: {  	_ =	shalt  }
0x68: {  	_ =	shalt  }
0x69: {  	_ =	shalt  }
0x6a: {  	_ =	shalt  }
0x6b: {  	_ =	shalt  }
0x6c: {  	_ =	shalt  }
0x6d: {  	_ =	shalt  }
0x6e: {  	_ =	shalt  }
0x6f: {  	_ =	shalt  }
0x70: {  	_ =	shalt  }
0x71: {  	_ =	shalt  }
0x72: {  	_ =	shalt  }
0x73: {  	_ =	shalt  }
0x74: {  	_ =	shalt  }
0x75: {  	_ =	shalt  }
0x76: {  	_ =	shalt  }
0x77: {  	_ =	shalt  }
0x78: {  	_ =	shalt  }
0x79: {  	_ =	shalt  }
0x7a: {  	_ =	shalt  }
0x7b: {  	_ =	shalt  }
0x7c: {  	_ =	shalt  }
0x7d: {  	_ =	shalt  }
0x7e: {  	_ =	shalt  }
0x7f: {  	_ =	shalt  }
0x80: {  	_ =	shalt  }
0x81: {  	_ =	shalt  }
0x82: {  	_ =	shalt  }
0x83: {  	_ =	shalt  }
0x84: {  	_ =	shalt  }
0x85: {  	_ =	shalt  }
0x86: {  	_ =	shalt  }
0x87: {  	_ =	shalt  }
.Lfunc_end0:
.L_simem_size_0:
called_computation_lowered:
.L_overlay_start_0:
0x88: {  	s2 =	sld [smem:$0x3FD9]  }
0x89: {  	s3 =	sld [smem:$0x3FFE];
	_ =	sdelay $0x1  }
0x8a: {  	s1 =	srdreg.scid  }
0x8b: {  	s0 =	sand.u32 $0x1, s1  }
0x8c: {  	s16 =	sshll.u32 s0, $0xA;
	s2 =	sadd.s32 s3, s2  }
0x8d: {  	s2 =	sadd.s32 s2, s16  }
0x8e: {  	[smem:$0x3FBA] =	sst s2  }
0x8f: {  	_ = 	snop  }
0x90: {  	(tm) =	ssettm $0x1  }
0x91: {  	s17 =	sld [smem:$0x3FFB];
	_ =	sdelay $0x3  }
0x92: {  	_ =	strace s17  }
0x93: {  	s2 =	sld [smem:$0x3FFC];
	_ =	sdelay $0x3  }
0x94: {  	_ =	strace s2  }
0x95: {  	s2 =	sld [smem:$0x3FFD];
	_ =	sdelay $0x3  }
0x96: {  	_ =	strace s2  }
0x97: {  	_ =	strace $0x8FFFFFFF  }
0x98: {  	s18 =	sld [smem:$0x3FDB];
	_ =	sdelay $0x1  }
0x99: {  	s19 =	simm.s32 $_scs_section_size  }
0x9a: {  	s4 =	simm.s32 $_size__tile_overlayer_lowered;
	s5 =	simm.s32 $_tile_overlayer_lowered  }
0x9b: {  	s22 =	simm.s32 $0x1BFF;
	s21 =	sshll.u32 s5, $0x1;
	s2 =	sadd.s32 s19, s18  }
0x9c: {  	s6 =	simm.s32 $0x0;
	s20 =	sshll.u32 s4, $0x1;
	s4 =	sadd.s32 s21, s2  }
0x9d: {  	[timem:s6], [sflag:s22] =	dma.local [hbm:s4], s20  }
0x9e: {  	_ =	swait.ge [sflag:s22], s20  }
0x9f: {  	s3 =	ssub.s32 $0x0, s20;
	[sflag:s22] =	ssyncset.done $0x0  }
0xa0: {  	[sflag:s22] =	ssyncadd.s32 s3;
	_ =	sdelay $0x1  }
0xa1: {  	s23 =	simm.s32 $0x1B8B  }
0xa2: {  	_ =	swait.ge [sflag:s23], $0x1  }
0xa3: {  	[sflag:s23] =	ssyncset.done $0x0  }
0xa4: {  	s25 =	simm.s32 $0x1B8E;
	s24 =	sld [smem:$0x3FFE];
	[sflag:s23] =	ssyncadd.s32 $0xFFFFFFFF  }
0xa5: {  	s26 =	simm.s32 $execute0_lowered;
	[smem:$0x3FD2] =	sst s25  }
0xa6: {  	s4 =	sshll.u32 s26, $0x1;
	_ =	strace $0x80000046;
	[dreg:$0x1] =	wrdreg $0xFFFFFFFF  }
0xa7: {  	s28 =	simm.s32 $_size_execute0_lowered;
	s2 =	sadd.s32 s2, s4;
	[dreg:$0x0] =	wrdreg $0x0  }
0xa8: {  	s4 =	sshll.u32 s28, $0x1;
	[dreg:$0x2] =	wrdreg s2  }
0xa9: {  	[dreg:$0x3] =	wrdreg s4  }
0xaa: {  	[dreg:$0x4] =	wrdreg $0xC0  }
0xab: {  	_ =	task [dreg:s6], $0x5FFFF  }
0xac: {  	[dreg:$0x1] =	wrdreg $0xFFFFFFFF  }
0xad: {  	[dreg:$0x0] =	wrdreg $0x60  }
0xae: {  	[dreg:$0x2] =	wrdreg s24  }
0xaf: {  	[dreg:$0x3] =	wrdreg $0x4E300  }
0xb0: {  	[dreg:$0x4] =	wrdreg $0x9  }
0xb1: {  	_ =	task.clear_ibuf [dreg:s6], $0x5FFFF;
	_ =	strace $0x90000046  }
0xb2: {  	s29 =	simm.s32 $0x9;
	_ =	strace $0x80000048  }
0xb3: {  	_ =	swait.ge [sflag:s29], $0x1  }
0xb4: {  	[sflag:s29] =	ssyncadd.s32 $0xFFFFFFFF  }
0xb5: {  	_ =	strace $0x90000048  }
0xb6: {  	_ =	sfence  }
0xb7: {  	s30 =	sld [smem:$0x0];
	_ =	sdelay $0x2  }
0xb8: {  	s31 =	sshll.u32 s1, $0xD;
	s1 =	sshrl.u32 s1, $0x2  }
0xb9: {  	s3 =	sand.u32 $0x4000, s31;
	s1 =	sadd.s32 s1, s30  }
0xba: {  	s0 =	sor.u32 s3, s0;
	s1 =	sshll.u32 s1, $0x11  }
0xbb: {  	s0 =	sor.u32 s1, s0  }
0xbc: {  	s0 =	sadd.s32 $0x8F2B, s0  }
0xbd: {  	[sflag:s0] =	ssyncadd.remote.s32 $0x1  }
0xbe: {  	_ =	sfence.sel $0xFFFF  }
0xbf: {  	[dreg:$0x0] =	wrdreg $0xFFFFFFFF;
	(pc) =	sbr.abs _section_cstart, $3  }
0xc0: {  	[dreg:$0x1] =	wrdreg $0xFFFFFFFF  }
0xc1: {  	_ =	task.clear_ibuf [dreg:s6], $0x2FFFF;
	_ =	strace $0x9FFFFFFF  }
0xc2: {  	(tm) =	ssettm $0x7FFFFFFF  }
0xc3: {  	_ =	shalt  }
tec
execute0_lowered:
.L_overlay_start_1:
0x0: {  	(tag) =	ssettag $0x1  }
0x1: {  	s9 =	rddreg [dreg:$0x0]  }
0x2: {  	s2 =	rddreg [dreg:$0x1];
	s3 =	simm.s32 $0x0  }
0x3: {  	s1 =	stileid.u32;
	s4 =	srdreg.scid;
	s18 =	simm.s32 $0x190  }
0x4: {  	s19 =	simm.s32 $0x320;
	s20 =	simm.s32 $0x1;
	s21 =	simm.s32 $0x1C20  }
0x5: {  	s22 =	simm.s32 $0x3520;
	s23 =	simm.s32 $0x0;
	[smem:$0x7FF] =	sst s3  }
0x6: {  	s11 =	smul.u32 $0x2800, s1;
	s10 =	sand.u32 $0x1, s4;
	s4 =	sadd.s32 $0x28A200, s9  }
0x7: {  	s5 =	sadd.s32 $0x285200, s9;
	s6 =	sadd.s32 $0x285000, s9;
	s7 =	sadd.s32 $0x299000, s9  }
0x8: {  	s16 =	sshll.u32 s1, $0x6;
	_ =	strace $0x80000047;
	s8 =	smul.u32 $0x28000, s10  }
0x9: {  	s14 =	ssub.s32 $0x2, s10;
	s10 =	sshll.u32 s10, $0x4;
	s16 =	sor.u32 $0x1C02, s16  }
0xa: {  	s13 =	sshrl.u32 s11, $0x3;
	s15 =	sshrl.u32 s14, $0x1;
	s31 =	sor.u32 s1, s10  }
0xb: {  	s17 =	sadd.s32 s11, s2;
	s12 =	sadd.s32 s11, s8;
	s8 =	sadd.s32 $0x28F200, s9  }
0xc: {  	s13 =	sadd.s32 s13, s9;
	s14 =	ssub.s32 s14, s15;
	s11 =	smul.u32 $0x2710, s31  }
0xd: {  	s15 =	simm.s32 $0x2;
	s12 =	sshrl.u32 s12, $0x3;
	s10 =	sadd.s32 $0x2A2E00, s13  }
0xe: {  	s13 =	smax.u32 s14, $0x1;
	s14 =	simm.s32 $0x4E20;
	s12 =	sadd.s32 s12, s9  }
0xf: {  	s17 =	sshrl.u32 s17, $0x3;
	s9 =	sadd.s32 $0x2B1E00, s9;
	s12 =	sadd.s32 $0x2A7E00, s12  }
.LBB2_1:
0x10: {  	[tilespmem:s14], [sflag:$0x2] =	stream.linear.gather [hbm4b:s6+s3], $0x10, $0x38;
	[tilespmem:$0x7630] =	vst v63  }
0x11: {  	_ =	swait.ge [sflag:s15], $0x10  }
0x12: {  	[sflag:s15] =	ssyncset.done $0x0  }
0x13: {  	[sflag:s15] =	ssyncadd.s32 $0xFFFFFFF0  }
0x14: {  	v0 =	vld [tilespmem:$0x4E20];
	[spmem:s17], [sflag:s16] =	dma.local [hbm:s10], $0x500  }
0x15: {  	_ =	swait.ge [sflag:s15], $0x500  }
0x16: {  	[sflag:s15] =	ssyncset.done $0x0  }
0x17: {  	[sflag:s15] =	ssyncadd.s32 $0xFFFFFB00  }
0x18: {  	s24 =	simm.s32 $0x0;
	[bflag:$0x0] =	sbarrier.arrive $0xFFFF  }
.LBB2_2:
0x19: {  	s25 =	smul.u32 $0x190, s24;
	_ =	sdelay $0x1  }
0x1a: {  	s25 =	sadd.s32 s11, s25  }
0x1b: {  	s26 =	sshrl.u32 s25, $0x3  }
0x1c: {  	s29 =	simm.s32 $0x0;
	s28 =	sadd.s32 s7, s26  }
0x1d: {  	[tilespmem:s29], [sflag:$0x2] =	stream.linear.gather [hbm4b:s28+s29], $0x190, $0x38;
	[tilespmem:$0x7630] =	vst v63  }
0x1e: {  	_ =	swait.ge [sflag:s15], $0x190  }
0x1f: {  	[sflag:s15] =	ssyncset.done $0x0  }
0x20: {  	s26 =	sadd.s32 s8, s26;
	[sflag:s15] =	ssyncadd.s32 $0xFFFFFE70  }
0x21: {  	[tilespmem:s18], [sflag:$0x2] =	stream.linear.gather [hbm4b:s26+s29], $0x190, $0x38;
	[tilespmem:$0x7630] =	vst v63  }
0x22: {  	_ =	swait.ge [sflag:s15], $0x190  }
0x23: {  	[sflag:s15] =	ssyncset.done $0x0  }
0x24: {  	[sflag:s15] =	ssyncadd.s32 $0xFFFFFE70  }
0x25: {  	[tilespmem:s19], [sflag:$0x1] =	stream.indirect.gather [hbm4b:s4+s18], $0x10, s29, s18, $0xb8;
	[tilespmem:$0x7630] =	vst v63  }
0x26: {  	_ =	swait.ge [sflag:s20], $0x1900  }
0x27: {  	[sflag:s20] =	ssyncset.done $0x0  }
0x28: {  	[sflag:s20] =	ssyncadd.s32 $0xFFFFE700  }
0x29: {  	[tilespmem:s21], [sflag:$0x1] =	stream.indirect.gather [hbm4b:s5+s18], $0x10, s18, s18, $0xb8;
	[tilespmem:$0x7630] =	vst v63  }
0x2a: {  	_ =	swait.ge [sflag:s20], $0x1900  }
0x2b: {  	[sflag:s20] =	ssyncset.done $0x0  }
0x2c: {  	s26 =	simm.s32 $0x0;
	[sflag:s20] =	ssyncadd.s32 $0xFFFFE700  }
0x2d: {  	v1 =	vld [tilespmem:s26+$0x320]  }
0x2e: {  	v2 =	vld [tilespmem:s26+$0x1C20];
	_ =	sdelay $0x1  }
0x2f: {  	s28 =	simm.s32 $0x10  }
0x30: {  	v3 =	vld [tilespmem:s28+$0x320]  }
0x31: {  	v4 =	vld [tilespmem:s28+$0x1C20]  }
0x32: {  	v1 =	vadd.f32 v2, v1;
	_ =	sdelay $0x1  }
0x33: {  	v5 =	vmul.f32 $2.000000030e-01, v1  }
0x34: {  	vm0 =	vge.f32 v1, $0.0e+00  }
0x35: {  	v3 =	vadd.f32 v4, v3;
	v1 =	vsel vm0, v1, v5  }
0x36: {  	s29 =	simm.s32 $0x20;
	v1 =	vsub.f32 v1, v0  }
0x37: {  	v2 =	vld [tilespmem:s29+$0x320];
	v6 =	vmul.f32 $2.000000030e-01, v3  }
0x38: {  	v4 =	vld [tilespmem:s29+$0x1C20];
	vm14 =	vge.f32 v3, $0.0e+00;
	v1 =	vmul.f32 $1.442695020e+00, v1  }
0x39: {  	v3 =	vsel vm14, v3, v6  }
0x3a: {  	v3 =	vsub.f32 v3, v0;
	(erf) = vpow2.f32 v1;
	_ =	sdelay $0x1  }
0x3b: {  	s30 =	simm.s32 $0x30;
	v3 =	vmul.f32 $1.442695020e+00, v3  }
0x3c: {  	v4 =	vadd.f32 v4, v2;
	v2 =	vld [tilespmem:s30+$0x1C20]  }
0x3d: {  	v1 =	vld [tilespmem:s30+$0x320];
	(erf) = vpow2.f32 v3  }
0x3e: {  	v5 =	vmul.f32 $2.000000030e-01, v4  }
0x3f: {  	vm15 =	vge.f32 v4, $0.0e+00  }
0x40: {  	s31 =	simm.s32 $0x100;
	v3 =	vsel vm15, v4, v5  }
.LBB2_3:
0x41: {  	s0 =	sshra.s32 s31, $0x2;
	v3 =	vsub.f32 v3, v0;
	p0 =	sne.s32 s31, $0x63C0  }
.Ltmp0:
0x42: {  	s31 =	sadd.s32 $0x40, s31;
	v4 =	vadd.f32 v2, v1;
	v1 =	vld [tilespmem:s0+$0x320];
	v5 =	vpop (erf);
	(pc) =	sbr.rel @p0 .LBB2_3-.Ltmp0, $4  }
0x43: {  	v2 =	vld [tilespmem:s0+$0x1C20];
	v3 =	vmul.f32 $1.442695020e+00, v3;
	[tilespmem:s26+$0x3520] =	vst v5;
	s26 =	smov.u32 s28;
	s28 =	smov.u32 s29;
	s29 =	smov.u32 s30  }
0x44: {  	s30 =	smov.u32 s0;
	v5 =	vmul.f32 $2.000000030e-01, v4  }
0x45: {  	vm0 =	vge.f32 v4, $0.0e+00;
	(erf) = vpow2.f32 v3  }
0x46: {  	v3 =	vsel vm0, v4, v5  }
0x47: {  	_ = 	snop  }
0x48: {  	v1 =	vadd.f32 v2, v1;
	_ =	sdelay $0x1  }
0x49: {  	v2 =	vmul.f32 $2.000000030e-01, v1  }
0x4a: {  	vm0 =	vge.f32 v1, $0.0e+00  }
0x4b: {  	v3 =	vsub.f32 v3, v0;
	v1 =	vsel vm0, v1, v2  }
0x4c: {  	v1 =	vsub.f32 v1, v0  }
0x4d: {  	v2 =	vmul.f32 $1.442695020e+00, v3  }
0x4e: {  	v1 =	vmul.f32 $1.442695020e+00, v1  }
0x4f: {  	(erf) = vpow2.f32 v2  }
0x50: {  	(erf) = vpow2.f32 v1;
	_ =	sdelay $0x5  }
0x51: {  	v1 =	vpop (erf)  }
0x52: {  	v2 =	vpop (erf);
	[tilespmem:s26+$0x3520] =	vst v1  }
0x53: {  	[tilespmem:s28+$0x3520] =	vst v2;
	v1 =	vpop (erf)  }
0x54: {  	[tilespmem:s29+$0x3520] =	vst v1;
	v1 =	vpop (erf)  }
0x55: {  	[tilespmem:s30+$0x3520] =	vst v1  }
0x56: {  	[spmem:s2] =	stream.indirect.scatter.add.f32 [tilespmem:s22], [sflag:$0x2], $0x10, s18, s18, $0xb8;
	[tilespmem:$0x7630] =	vst v63  }
0x57: {  	s24 =	sadd.s32 $0x1, s24;
	_ =	swait.ge [sflag:s15], $0x1900  }
0x58: {  	s0 =	sshll.u32 s25, $0x1;
	p0 =	sne.s32 s24, $0x19;
	[sflag:s15] =	ssyncset.done $0x0  }
.Ltmp1:
0x59: {  	s0 =	sadd.s32 s9, s0;
	[sflag:s15] =	ssyncadd.s32 $0xFFFFE700;
	(pc) =	sbr.rel @p0 .LBB2_2-.Ltmp1, $4  }
0x5a: {  	[hbm4b:s0+s3] =	stream.linear.scatter [tilespmem:s22], [sflag:$0x2], $0x1900, $0x38;
	[tilespmem:$0x7630] =	vst v63  }
0x5b: {  	_ =	swait.ge [sflag:s15], $0x1900  }
0x5c: {  	[sflag:s15] =	ssyncset.done $0x0  }
0x5d: {  	[sflag:s15] =	ssyncadd.s32 $0xFFFFE700  }
0x5e: {  	s23 =	sadd.s32 $0x1, s23  }
0x5f: {  	p0 =	sne.s32 s23, s13  }
.Ltmp2:
0x60: {  	[bflag:$0x0] =	sbarrier.arrive $0xFFFF;
	(pc) =	sbr.rel @p0 .LBB2_1-.Ltmp2, $4  }
0x61: {  	[hbm:s12], [sflag:s16] =	dma.local [spmem:s17], $0x500  }
0x62: {  	_ =	swait.ge [sflag:s15], $0x500  }
0x63: {  	[sflag:s15] =	ssyncset.done $0x0  }
0x64: {  	[sflag:s15] =	ssyncadd.s32 $0xFFFFFB00  }
0x65: {  	_ =	sfence.sel $0x180000  }
0x66: {  	[bflag:$0x0] =	sbarrier.arrive $0xFFFF  }
0x67: {  	_ =	strace $0x90000047  }
0x68: {  	[bflag:$0x2] =	sbarrier.arrive $0xFFFF  }
0x69: {  	p0 =	sne.s32 s1, $0x0;
	s0 =	rddreg [dreg:$0x2]  }
0x6a: {  	s0 =	sadd.s32 @!p0 $0x100000, s0  }
0x6b: {  	[sflag:s0] =	ssyncadd.tile.s32 @!p0 $0x1;
	_ =	shalt  }
.Lfunc_end2:
_tile_overlayer_lowered:
.L_overlay_start_2:
0x6c: {  	(tag) =	ssettag $0x2  }
0x6d: {  	s0 =	rddreg [dreg:$0x0];
	s2 =	stileid.u32  }
0x6e: {  	s1 =	rddreg [dreg:$0x1];
	p0 =	sne.s32 s2, $0x0  }
0x6f: {  	s3 =	rddreg [dreg:$0x2];
	[bflag:$0x3] =	sbarrier.arrive $0xFFFF;
	s2 =	simm.s32 @!p0 $0x1C02  }
0x70: {  	[timem:s3], [sflag:s2] =	dma.local @!p0 [hbm:s0], s1  }
0x71: {  	s0 =	simm.s32 @!p0 $0x2  }
0x72: {  	_ =	swait.ge @!p0 [sflag:s0], s1  }
0x73: {  	s1 =	ssub.s32 @!p0 $0x0, s1;
	[sflag:s0] =	ssyncset.done @!p0 $0x0  }
0x74: {  	[sflag:s0] =	ssyncadd.s32 @!p0 s1  }
0x75: {  	[bflag:$0x3] =	sbarrier.arrive $0xFFFF  }
0x76: {  	_ =	shalt  }

// kernel: kernel.15.cloned.1.call-start
scs
__scs_entry_jumppad:
0x0: {  	(pc) =	sbr.rel $0x88, $3  }
0x1: {  	(tag) =	ssettag $0x0;
	lr =	simm.s32 $0x1  }
0x2: {  	[smem:$0x3F93] =	sst lr;
	_ =	strace $0xD0000000  }
0x3: {  	_ = 	snop  }
0x4: {  	_ = 	snop  }
0x5: {  	_ = 	snop  }
0x6: {  	_ = 	snop  }
0x7: {  	_ = 	snop  }
__scs_overlays_trampoline_lowered:
0x8: {  	[smem:$0x3FA2] =	sst s0  }
0x9: {  	[smem:$0x3FA3] =	sst s1  }
0xa: {  	[smem:$0x3FA4] =	sst s2  }
0xb: {  	[smem:$0x3FA5] =	sst s3  }
0xc: {  	[smem:$0x3FA6] =	sst s4  }
0xd: {  	[smem:$0x3FA7] =	sst s5  }
0xe: {  	[smem:$0x3FA8] =	sst s6  }
0xf: {  	[smem:$0x3FA9] =	sst s7  }
0x10: {  	[smem:$0x3FAA] =	sst s8  }
0x11: {  	[smem:$0x3FAB] =	sst s9;
	s0 =	simm.s32 @!p0 $0x0  }
0x12: {  	s1 =	sld [smem:$0x3F91];
	s0 =	simm.s32 @p0 $0x1  }
0x13: {  	[smem:$0x3FAC] =	sst s0;
	s0 =	simm.s32 @!p1 $0x0  }
0x14: {  	s2 =	sld [smem:$0x3F90];
	s0 =	simm.s32 @p1 $0x1  }
0x15: {  	[smem:$0x3FAD] =	sst s0;
	s0 =	simm.s32 @!p2 $0x0  }
0x16: {  	s3 =	sld [smem:$0x3FDB];
	s0 =	simm.s32 @p2 $0x1  }
0x17: {  	s4 =	simm.s32 $0x1BF5;
	[smem:$0x3FAF] =	sst s0  }
0x18: {  	s0 =	sld [smem:$0x3F92];
	_ =	swait.ge [sflag:s4], $0x0  }
0x19: {  	s7 =	sld [smem:$0x3F93]  }
0x1a: {  	s8 =	sadd.s32 $0xFFFFE003, lr  }
0x1b: {  	s9 =	sadd.s32 $0xFFFFFEF7, lr;
	s5 =	simm.s32 $0xFFFFFFFF;
	p2 =	slt.u32 s8, $0xFFFFF086  }
0x1c: {  	p1 =	slt.u32 s9, $0xF7A;
	s5 =	simm.s32 @!p2 $0x0  }
0x1d: {  	s5 =	simm.s32 @p1 $0x1;
	p0 =	seq.s32 s7, s2  }
0x1e: {  	s7 =	smul.u32 @!p0 $0xF7A, s2;
	p2 =	seq.s32 @!p0 s5, $0x0  }
0x1f: {  	s9 =	smul.u32 $0xF7A, s1;
	s8 =	simm.s32 @!p0 $0x1BF5;
	p2 =	por !p2, p0  }
0x20: {  	[sflag:s8] =	ssyncset.s32 @!p0 $0xFFFFF086;
	s6 =	sadd.s32 @!p0 s3, s7;
	s7 =	simm.s32 @!p0 $0x108  }
0x21: {  	s3 =	sadd.s32 s3, s9;
	s6 =	sadd.s32 @!p0 $0x88, s6;
	s7 =	simm.s32 @p2 $0x1082  }
0x22: {  	[simem:s7], [sflag:s8] =	dma.local @!p0 [hbm:s6], $0xF7A  }
0x23: {  	s9 =	sor.u32 $0xD0000000, s2;
	s6 =	simm.s32 $0x108;
	_ =	swait.ge @!p0 [sflag:s8], $0x0  }
0x24: {  	s3 =	sadd.s32 $0x88, s3;
	s6 =	simm.s32 @!p1 $0x1082;
	[sflag:s4] =	ssyncset.s32 $0xFFFFF086  }
0x25: {  	[simem:s6], [sflag:s4] =	dma.local [hbm:s3], $0xF7A  }
0x26: {  	[smem:$0x3F93] =	sst s1;
	(tag) =	ssettag s2;
	_ =	strace s9  }
0x27: {  	s1 =	sld [smem:$0x3FA3]  }
0x28: {  	s2 =	sld [smem:$0x3FA4]  }
0x29: {  	s4 =	sld [smem:$0x3FA6]  }
0x2a: {  	p0 =	seq.s32 s5, $0x0;
	s5 =	sld [smem:$0x3FA7]  }
0x2b: {  	s6 =	sld [smem:$0x3FA8]  }
0x2c: {  	s7 =	sld [smem:$0x3FA9]  }
0x2d: {  	s3 =	simm.s32 $0x108;
	s8 =	sld [smem:$0x3FAA]  }
0x2e: {  	s3 =	simm.s32 @!p0 $0x1082;
	s9 =	sld [smem:$0x3FAB]  }
0x2f: {  	lr =	sadd.s32 s0, s3;
	s0 =	sld [smem:$0x3FA2]  }
0x30: {  	s3 =	sld [smem:$0x3FA5]  }
0x31: {  	[smem:$0x3FAE] =	sst s10  }
0x32: {  	s10 =	sld [smem:$0x3FAC];
	_ =	sdelay $0x3  }
0x33: {  	p0 =	seq.s32 s10, $0x1;
	s10 =	sld [smem:$0x3FAE];
	_ =	sdelay $0x3  }
0x34: {  	[smem:$0x3FAE] =	sst s10  }
0x35: {  	s10 =	sld [smem:$0x3FAD];
	_ =	sdelay $0x3  }
0x36: {  	p1 =	seq.s32 s10, $0x1;
	s10 =	sld [smem:$0x3FAE];
	_ =	sdelay $0x3  }
0x37: {  	[smem:$0x3FAE] =	sst s10  }
0x38: {  	s10 =	sld [smem:$0x3FAF]  }
0x39: {  	_ = 	snop;
	(pc) =	sbr.ind lr, $3  }
0x3a: {  	_ = 	snop  }
0x3b: {  	_ = 	snop  }
0x3c: {  	p2 =	seq.s32 s10, $0x1;
	s10 =	sld [smem:$0x3FAE]  }
0x3d: {  	_ =	shalt  }
0x3e: {  	_ =	shalt  }
0x3f: {  	_ =	shalt  }
0x40: {  	_ =	shalt  }
0x41: {  	_ =	shalt  }
0x42: {  	_ =	shalt  }
0x43: {  	_ =	shalt  }
0x44: {  	_ =	shalt  }
0x45: {  	_ =	shalt  }
0x46: {  	_ =	shalt  }
0x47: {  	_ =	shalt  }
0x48: {  	_ =	shalt  }
0x49: {  	_ =	shalt  }
0x4a: {  	_ =	shalt  }
0x4b: {  	_ =	shalt  }
0x4c: {  	_ =	shalt  }
0x4d: {  	_ =	shalt  }
0x4e: {  	_ =	shalt  }
0x4f: {  	_ =	shalt  }
0x50: {  	_ =	shalt  }
0x51: {  	_ =	shalt  }
0x52: {  	_ =	shalt  }
0x53: {  	_ =	shalt  }
0x54: {  	_ =	shalt  }
0x55: {  	_ =	shalt  }
0x56: {  	_ =	shalt  }
0x57: {  	_ =	shalt  }
0x58: {  	_ =	shalt  }
0x59: {  	_ =	shalt  }
0x5a: {  	_ =	shalt  }
0x5b: {  	_ =	shalt  }
0x5c: {  	_ =	shalt  }
0x5d: {  	_ =	shalt  }
0x5e: {  	_ =	shalt  }
0x5f: {  	_ =	shalt  }
0x60: {  	_ =	shalt  }
0x61: {  	_ =	shalt  }
0x62: {  	_ =	shalt  }
0x63: {  	_ =	shalt  }
0x64: {  	_ =	shalt  }
0x65: {  	_ =	shalt  }
0x66: {  	_ =	shalt  }
0x67: {  	_ =	shalt  }
0x68: {  	_ =	shalt  }
0x69: {  	_ =	shalt  }
0x6a: {  	_ =	shalt  }
0x6b: {  	_ =	shalt  }
0x6c: {  	_ =	shalt  }
0x6d: {  	_ =	shalt  }
0x6e: {  	_ =	shalt  }
0x6f: {  	_ =	shalt  }
0x70: {  	_ =	shalt  }
0x71: {  	_ =	shalt  }
0x72: {  	_ =	shalt  }
0x73: {  	_ =	shalt  }
0x74: {  	_ =	shalt  }
0x75: {  	_ =	shalt  }
0x76: {  	_ =	shalt  }
0x77: {  	_ =	shalt  }
0x78: {  	_ =	shalt  }
0x79: {  	_ =	shalt  }
0x7a: {  	_ =	shalt  }
0x7b: {  	_ =	shalt  }
0x7c: {  	_ =	shalt  }
0x7d: {  	_ =	shalt  }
0x7e: {  	_ =	shalt  }
0x7f: {  	_ =	shalt  }
0x80: {  	_ =	shalt  }
0x81: {  	_ =	shalt  }
0x82: {  	_ =	shalt  }
0x83: {  	_ =	shalt  }
0x84: {  	_ =	shalt  }
0x85: {  	_ =	shalt  }
0x86: {  	_ =	shalt  }
0x87: {  	_ =	shalt  }
.Lfunc_end0:
.L_simem_size_0:
called_computation.1_lowered:
.L_overlay_start_0:
0x88: {  	s2 =	sld [smem:$0x3FD9]  }
0x89: {  	s3 =	sld [smem:$0x3FFE];
	_ =	sdelay $0x1  }
0x8a: {  	s1 =	srdreg.scid  }
0x8b: {  	s0 =	sand.u32 $0x1, s1  }
0x8c: {  	s16 =	sshll.u32 s0, $0xA;
	s2 =	sadd.s32 s3, s2  }
0x8d: {  	s2 =	sadd.s32 s2, s16  }
0x8e: {  	[smem:$0x3FBA] =	sst s2  }
0x8f: {  	_ = 	snop  }
0x90: {  	(tm) =	ssettm $0x1  }
0x91: {  	s17 =	sld [smem:$0x3FFB];
	_ =	sdelay $0x3  }
0x92: {  	_ =	strace s17  }
0x93: {  	s2 =	sld [smem:$0x3FFC];
	_ =	sdelay $0x3  }
0x94: {  	_ =	strace s2  }
0x95: {  	s2 =	sld [smem:$0x3FFD];
	_ =	sdelay $0x3  }
0x96: {  	_ =	strace s2  }
0x97: {  	_ =	strace $0x8FFFFFFF  }
0x98: {  	s18 =	sld [smem:$0x3FDB];
	_ =	sdelay $0x1  }
0x99: {  	s19 =	simm.s32 $_scs_section_size  }
0x9a: {  	s4 =	simm.s32 $_size__tile_overlayer_lowered;
	s5 =	simm.s32 $_tile_overlayer_lowered  }
0x9b: {  	s22 =	simm.s32 $0x1BFF;
	s21 =	sshll.u32 s5, $0x1;
	s2 =	sadd.s32 s19, s18  }
0x9c: {  	s6 =	simm.s32 $0x0;
	s20 =	sshll.u32 s4, $0x1;
	s4 =	sadd.s32 s21, s2  }
0x9d: {  	[timem:s6], [sflag:s22] =	dma.local [hbm:s4], s20  }
0x9e: {  	_ =	swait.ge [sflag:s22], s20  }
0x9f: {  	s3 =	ssub.s32 $0x0, s20;
	[sflag:s22] =	ssyncset.done $0x0  }
0xa0: {  	[sflag:s22] =	ssyncadd.s32 s3;
	_ =	sdelay $0x1  }
0xa1: {  	s23 =	simm.s32 $0x1B8B  }
0xa2: {  	_ =	swait.ge [sflag:s23], $0x1  }
0xa3: {  	[sflag:s23] =	ssyncset.done $0x0  }
0xa4: {  	s25 =	simm.s32 $0x1B8E;
	s24 =	sld [smem:$0x3FFE];
	[sflag:s23] =	ssyncadd.s32 $0xFFFFFFFF  }
0xa5: {  	s26 =	simm.s32 $execute0_lowered;
	[smem:$0x3FD2] =	sst s25  }
0xa6: {  	s4 =	sshll.u32 s26, $0x1;
	_ =	strace $0x80000049;
	[dreg:$0x1] =	wrdreg $0xFFFFFFFF  }
0xa7: {  	s28 =	simm.s32 $_size_execute0_lowered;
	s2 =	sadd.s32 s2, s4;
	[dreg:$0x0] =	wrdreg $0x0  }
0xa8: {  	s4 =	sshll.u32 s28, $0x1;
	[dreg:$0x2] =	wrdreg s2  }
0xa9: {  	[dreg:$0x3] =	wrdreg s4  }
0xaa: {  	[dreg:$0x4] =	wrdreg $0xC0  }
0xab: {  	_ =	task [dreg:s6], $0x5FFFF  }
0xac: {  	[dreg:$0x1] =	wrdreg $0xFFFFFFFF  }
0xad: {  	[dreg:$0x0] =	wrdreg $0x60  }
0xae: {  	[dreg:$0x2] =	wrdreg s24  }
0xaf: {  	[dreg:$0x3] =	wrdreg $0x80200  }
0xb0: {  	[dreg:$0x4] =	wrdreg $0x120200  }
0xb1: {  	[dreg:$0x5] =	wrdreg $0x9  }
0xb2: {  	_ =	task.clear_ibuf [dreg:s6], $0x6FFFF;
	_ =	strace $0x90000049  }
0xb3: {  	s29 =	simm.s32 $0x9;
	_ =	strace $0x8000004B  }
0xb4: {  	_ =	swait.ge [sflag:s29], $0x1  }
0xb5: {  	[sflag:s29] =	ssyncadd.s32 $0xFFFFFFFF  }
0xb6: {  	_ =	strace $0x9000004B  }
0xb7: {  	_ =	sfence  }
0xb8: {  	s30 =	sld [smem:$0x0];
	_ =	sdelay $0x2  }
0xb9: {  	s31 =	sshll.u32 s1, $0xD;
	s1 =	sshrl.u32 s1, $0x2  }
0xba: {  	s3 =	sand.u32 $0x4000, s31;
	s1 =	sadd.s32 s1, s30  }
0xbb: {  	s0 =	sor.u32 s3, s0;
	s1 =	sshll.u32 s1, $0x11  }
0xbc: {  	s0 =	sor.u32 s1, s0  }
0xbd: {  	s0 =	sadd.s32 $0x8F2B, s0  }
0xbe: {  	[sflag:s0] =	ssyncadd.remote.s32 $0x1  }
0xbf: {  	_ =	sfence.sel $0xFFFF  }
0xc0: {  	[dreg:$0x0] =	wrdreg $0xFFFFFFFF;
	(pc) =	sbr.abs _section_cstart, $3  }
0xc1: {  	[dreg:$0x1] =	wrdreg $0xFFFFFFFF  }
0xc2: {  	_ =	task.clear_ibuf [dreg:s6], $0x2FFFF;
	_ =	strace $0x9FFFFFFF  }
0xc3: {  	(tm) =	ssettm $0x7FFFFFFF  }
tec
execute0_lowered:
.L_overlay_start_1:
0x0: {  	(tag) =	ssettag $0x1  }
0x1: {  	s0 =	rddreg [dreg:$0x0]  }
0x2: {  	s1 =	rddreg [dreg:$0x1]  }
0x3: {  	s2 =	rddreg [dreg:$0x2]  }
0x4: {  	s13 =	simm.s32 $0x0;
	s12 =	stileid.u32;
	s18 =	srdreg.scid  }
0x5: {  	s28 =	simm.s32 $0x258;
	s29 =	simm.s32 $0xFA0;
	s30 =	simm.s32 $0x4E20  }
0x6: {  	s31 =	simm.s32 $0x1;
	s3 =	sadd.s32 $0x34E200, s0;
	s11 =	smul.u32 $0xA000, s12  }
0x7: {  	[smem:$0x7FF] =	sst s13;
	s7 =	sadd.s32 $0x2B1E00, s0;
	s10 =	smul.u32 $0x4E20, s12  }
0x8: {  	s8 =	sadd.s32 $0x299000, s0;
	s9 =	sadd.s32 $0x28F200, s0;
	s22 =	smul.u32 $0x9C40, s12  }
0x9: {  	s26 =	sshll.u32 s12, $0x6;
	_ =	strace $0x8000004A;
	[dreg:$0x5] =	wrdreg s3  }
0xa: {  	s3 =	sand.u32 $0x1, s18;
	s18 =	simm.s32 $0x4;
	s4 =	sshrl.u32 s11, $0x3  }
0xb: {  	s5 =	ssub.s32 $0x2, s3;
	s3 =	sshll.u32 s3, $0x3;
	s20 =	sadd.s32 s11, s1  }
0xc: {  	s21 =	sshrl.u32 s10, $0x3;
	[dreg:$0x6] =	wrdreg s11;
	s11 =	sadd.s32 s11, s2  }
0xd: {  	s25 =	sadd.s32 s7, s22;
	s16 =	sadd.s32 $0xC8, s10;
	s17 =	sadd.s32 $0x190, s10  }
0xe: {  	s4 =	sadd.s32 s4, s0;
	s6 =	sshrl.u32 s5, $0x1;
	s0 =	sadd.s32 $0x19000, s0  }
0xf: {  	[dreg:$0x8] =	wrdreg s3;
	s23 =	sadd.s32 s8, s21;
	s24 =	sadd.s32 s9, s21  }
0x10: {  	[dreg:$0xc] =	wrdreg s25;
	s20 =	sshrl.u32 s20, $0x3;
	s21 =	simm.s32 $0x5  }
0x11: {  	s22 =	sshrl.u32 s11, $0x3;
	s25 =	simm.s32 $0xC8;
	[dreg:$0x7] =	wrdreg s0  }
0x12: {  	s3 =	simm.s32 $0x3;
	s19 =	ssub.s32 s5, s6;
	[dreg:$0xa] =	wrdreg s23  }
0x13: {  	s4 =	sadd.s32 $0x5000, s4;
	[dreg:$0xb] =	wrdreg s24;
	s23 =	simm.s32 $0x190  }
0x14: {  	[dreg:$0x9] =	wrdreg s4;
	s0 =	smax.u32 s19, $0x1;
	s19 =	sor.u32 $0x1C05, s26  }
0x15: {  	s26 =	simm.s32 $0x1C20;
	[dreg:$0xd] =	wrdreg s0;
	s0 =	simm.s32 $0x2  }
.LBB2_1:
0x16: {  	[dreg:$0x4] =	wrdreg s13;
	s4 =	simm.s32 $0x0  }
.LBB2_2:
0x17: {  	s5 =	rddreg [dreg:$0x8]  }
0x18: {  	s5 =	sadd.s32 s5, s4  }
0x19: {  	s5 =	smul.u32 $0xA0000, s5  }
0x1a: {  	s6 =	rddreg [dreg:$0x6]  }
0x1b: {  	s5 =	sadd.s32 s6, s5  }
0x1c: {  	s11 =	rddreg [dreg:$0x5];
	s24 =	sshrl.u32 s5, $0x3  }
0x1d: {  	s5 =	sadd.s32 s11, s24  }
0x1e: {  	[spmem:s20], [sflag:s19] =	dma.local [hbm:s5], $0x1400  }
0x1f: {  	_ =	swait.ge [sflag:s21], $0x1400  }
0x20: {  	[sflag:s21] =	ssyncset.done $0x0  }
0x21: {  	s12 =	rddreg [dreg:$0x9];
	[sflag:s21] =	ssyncadd.s32 $0xFFFFEC00  }
0x22: {  	[spmem:s22], [sflag:s19] =	dma.local [hbm:s12], $0x1400  }
0x23: {  	_ =	swait.ge [sflag:s21], $0x1400  }
0x24: {  	[sflag:s21] =	ssyncset.done $0x0  }
0x25: {  	[sflag:s21] =	ssyncadd.s32 $0xFFFFEC00  }
0x26: {  	[bflag:$0x0] =	sbarrier.arrive $0xFFFF  }
0x27: {  	s5 =	simm.s32 $0x0;
	s13 =	rddreg [dreg:$0xa]  }
0x28: {  	[tilespmem:s5], [sflag:$0x5] =	stream.linear.gather [hbm4b:s13+s5], $0xC8, $0x38;
	[tilespmem:$0x1C020] =	vst v63  }
0x29: {  	_ =	swait.ge [sflag:s21], $0xC8  }
0x2a: {  	[sflag:s21] =	ssyncset.done $0x0  }
0x2b: {  	s14 =	rddreg [dreg:$0xb];
	[sflag:s21] =	ssyncadd.s32 $0xFFFFFF38  }
0x2c: {  	[tilespmem:s23], [sflag:$0x5] =	stream.linear.gather [hbm4b:s14+s5], $0xC8, $0x38;
	[tilespmem:$0x1C020] =	vst v63  }
0x2d: {  	_ =	swait.ge [sflag:s21], $0xC8  }
0x2e: {  	[sflag:s21] =	ssyncset.done $0x0  }
0x2f: {  	s10 =	simm.s32 $0x320;
	s15 =	rddreg [dreg:$0xc];
	[sflag:s21] =	ssyncadd.s32 $0xFFFFFF38  }
0x30: {  	[tilespmem:s10], [sflag:$0x5] =	stream.linear.gather [hbm4b:s15+s5], $0xC80, $0x38;
	[tilespmem:$0x1C020] =	vst v63  }
0x31: {  	_ =	swait.ge [sflag:s21], $0xC80  }
0x32: {  	[sflag:s21] =	ssyncset.done $0x0  }
0x33: {  	s6 =	simm.s32 $0x0;
	[sflag:s21] =	ssyncadd.s32 $0xFFFFF380  }
0x34: {  	[tilespmem:s26], [sflag:$0x1] =	stream.indirect.gather [spmem:s1], $0x40, s5, s25, $0xb8;
	[tilespmem:$0x1C020] =	vst v63  }
.LBB2_3:
0x35: {  	p0 =	seq.s32 s6, $0x0;
	s10 =	smul.u32 $0x190, s6  }
0x36: {  	s11 =	simm.s32 @!p0 $0x4  }
0x37: {  	_ =	swait.ge @!p0 [sflag:s11], $0x3200;
	s12 =	sadd.s32 s10, s16  }
0x38: {  	[sflag:s11] =	ssyncset.done @!p0 $0x0;
	s13 =	sshrl.u32 s12, $0x3  }
0x39: {  	[sflag:s11] =	ssyncadd.s32 @!p0 $0xFFFFCE00;
	s15 =	sadd.s32 s8, s13  }
0x3a: {  	[tilespmem:s25], [sflag:$0x5] =	stream.linear.gather [hbm4b:s15+s5], $0xC8, $0x38;
	[tilespmem:$0x1C020] =	vst v63  }
0x3b: {  	_ =	swait.ge [sflag:s21], $0xC8  }
0x3c: {  	[sflag:s21] =	ssyncset.done $0x0  }
0x3d: {  	s14 =	sadd.s32 s9, s13;
	[sflag:s21] =	ssyncadd.s32 $0xFFFFFF38  }
0x3e: {  	[tilespmem:s28], [sflag:$0x5] =	stream.linear.gather [hbm4b:s14+s5], $0xC8, $0x38;
	[tilespmem:$0x1C020] =	vst v63  }
0x3f: {  	_ =	swait.ge [sflag:s21], $0xC8  }
0x40: {  	s15 =	sshll.u32 s12, $0x1;
	[sflag:s21] =	ssyncset.done $0x0  }
0x41: {  	s11 =	sadd.s32 s7, s15;
	[sflag:s21] =	ssyncadd.s32 $0xFFFFFF38  }
0x42: {  	[tilespmem:s29], [sflag:$0x5] =	stream.linear.gather [hbm4b:s11+s5], $0xC80, $0x38;
	[tilespmem:$0x1C020] =	vst v63  }
0x43: {  	_ =	swait.ge [sflag:s21], $0xC80  }
0x44: {  	[sflag:s21] =	ssyncset.done $0x0  }
0x45: {  	[sflag:s21] =	ssyncadd.s32 $0xFFFFF380  }
0x46: {  	[tilespmem:s30], [sflag:$0x2] =	stream.indirect.gather [spmem:s1], $0x40, s25, s25, $0xb8;
	[tilespmem:$0x1C020] =	vst v63  }
0x47: {  	_ =	swait.ge [sflag:s31], $0x3200  }
0x48: {  	[sflag:s31] =	ssyncset.done $0x0  }
0x49: {  	s11 =	simm.s32 $0x1CA0;
	[sflag:s31] =	ssyncadd.s32 $0xFFFFCE00  }
0x4a: {  	s12 =	simm.s32 $0x0;
	v0 =	vld [tilespmem:s11+$0xFFFFFFB0]  }
0x4b: {  	v1 =	vld [tilespmem:s12+$0x320]  }
0x4c: {  	v2 =	vld [tilespmem:s11+$0xFFFFFF80]  }
0x4d: {  	v3 =	vld [tilespmem:s11+$0xFFFFFF90]  }
0x4e: {  	v4 =	vld [tilespmem:s11+$0xFFFFFFA0];
	_ =	sdelay $0x1  }
0x4f: {  	v0 =	vmul.f32 v0, v1  }
0x50: {  	v2 =	vmul.f32 v2, v1  }
0x51: {  	v3 =	vmul.f32 v3, v1;
	[tilespmem:s11+$0xFFFFFFB0] =	vst v0  }
0x52: {  	v0 =	vmul.f32 v4, v1;
	[tilespmem:s11+$0xFFFFFF80] =	vst v2  }
0x53: {  	[tilespmem:s11+$0xFFFFFF90] =	vst v3  }
0x54: {  	[tilespmem:s11+$0xFFFFFFA0] =	vst v0;
	v0 =	vld [tilespmem:s11+$0xFFFFFFC0]  }
0x55: {  	v2 =	vld [tilespmem:s12+$0x330]  }
0x56: {  	v1 =	vld [tilespmem:s11+$0xFFFFFFD0]  }
0x57: {  	v3 =	vld [tilespmem:s11+$0xFFFFFFF0]  }
0x58: {  	v62 =	vld [tilespmem:s11+$0xFFFFFFE0];
	_ =	sdelay $0x1  }
0x59: {  	v0 =	vmul.f32 v0, v2  }
0x5a: {  	v1 =	vmul.f32 v1, v2  }
0x5b: {  	v3 =	vmul.f32 v3, v2;
	[tilespmem:s11+$0xFFFFFFC0] =	vst v0  }
0x5c: {  	[tilespmem:s11+$0xFFFFFFD0] =	vst v1;
	v0 =	vmul.f32 v62, v2  }
0x5d: {  	[tilespmem:s11+$0xFFFFFFF0] =	vst v3  }
0x5e: {  	v1 =	vld [tilespmem:s11+$0x0];
	[tilespmem:s11+$0xFFFFFFE0] =	vst v0  }
0x5f: {  	v0 =	vld [tilespmem:s12+$0x340]  }
0x60: {  	v2 =	vld [tilespmem:s11+$0x30]  }
0x61: {  	v63 =	vld [tilespmem:s11+$0x20]  }
0x62: {  	v3 =	vld [tilespmem:s11+$0x10];
	_ =	sdelay $0x1  }
0x63: {  	v1 =	vmul.f32 v1, v0  }
0x64: {  	v5 =	vmul.f32 v2, v0  }
0x65: {  	[tilespmem:s11+$0x0] =	vst v1  }
0x66: {  	s13 =	simm.s32 $0x100;
	s14 =	simm.s32 $0x1CA0;
	v2 =	vmul.f32 v3, v0;
	v1 =	vmul.f32 v63, v0;
	[tilespmem:s11+$0x30] =	vst v5;
	v0 =	vld [tilespmem:s11+$0x70]  }
.LBB2_4:
0x67: {  	p0 =	sne.s32 s13, $0x3100  }
0x68: {  	[tilespmem:s11+$0x10] =	vst v2;
	v2 =	vld [tilespmem:s11+$0x40];
	s14 =	sadd.s32 $0x100, s14;
	s15 =	smov.u32 s13;
	s13 =	sadd.s32 $0x100, s13  }
0x69: {  	[tilespmem:s11+$0x20] =	vst v1;
	v1 =	vld [tilespmem:s11+$0x50]  }
0x6a: {  	v3 =	vld [tilespmem:s12+$0x350]  }
0x6b: {  	v4 =	vld [tilespmem:s11+$0x60];
	_ =	sdelay $0x3  }
0x6c: {  	v2 =	vmul.f32 v2, v3;
	v1 =	vmul.f32 v1, v3  }
0x6d: {  	v0 =	vmul.f32 v0, v3;
	v4 =	vmul.f32 v4, v3  }
0x6e: {  	[tilespmem:s11+$0x40] =	vst v2  }
0x6f: {  	v2 =	vld [tilespmem:s14+$0xFFFFFFA0];
	[tilespmem:s11+$0x70] =	vst v0  }
0x70: {  	v0 =	vld [tilespmem:s14+$0xFFFFFFB0];
	[tilespmem:s11+$0x50] =	vst v1  }
0x71: {  	s12 =	sshra.s32 s15, $0x2;
	v1 =	vld [tilespmem:s14+$0xFFFFFF80];
	[tilespmem:s11+$0x60] =	vst v4;
	s11 =	smov.u32 s14  }
0x72: {  	v3 =	vld [tilespmem:s12+$0x320]  }
0x73: {  	v4 =	vld [tilespmem:s14+$0xFFFFFF90];
	_ =	sdelay $0x3  }
0x74: {  	v1 =	vmul.f32 v1, v3;
	v0 =	vmul.f32 v0, v3  }
0x75: {  	v2 =	vmul.f32 v2, v3;
	v4 =	vmul.f32 v4, v3  }
0x76: {  	[tilespmem:s14+$0xFFFFFFB0] =	vst v0  }
0x77: {  	[tilespmem:s14+$0xFFFFFF80] =	vst v1;
	v0 =	vld [tilespmem:s14+$0xFFFFFFF0]  }
0x78: {  	[tilespmem:s14+$0xFFFFFF90] =	vst v4;
	v1 =	vld [tilespmem:s14+$0xFFFFFFD0]  }
0x79: {  	[tilespmem:s14+$0xFFFFFFA0] =	vst v2;
	v2 =	vld [tilespmem:s14+$0xFFFFFFC0]  }
0x7a: {  	v3 =	vld [tilespmem:s12+$0x330]  }
0x7b: {  	v4 =	vld [tilespmem:s14+$0xFFFFFFE0];
	_ =	sdelay $0x3  }
0x7c: {  	v2 =	vmul.f32 v2, v3;
	v1 =	vmul.f32 v1, v3  }
0x7d: {  	v0 =	vmul.f32 v0, v3;
	v4 =	vmul.f32 v4, v3  }
0x7e: {  	[tilespmem:s14+$0xFFFFFFC0] =	vst v2  }
0x7f: {  	[tilespmem:s14+$0xFFFFFFD0] =	vst v1;
	v3 =	vld [tilespmem:s14+$0x30]  }
0x80: {  	[tilespmem:s14+$0xFFFFFFF0] =	vst v0;
	v0 =	vld [tilespmem:s14+$0x0]  }
0x81: {  	[tilespmem:s14+$0xFFFFFFE0] =	vst v4;
	v1 =	vld [tilespmem:s14+$0x10]  }
0x82: {  	v4 =	vld [tilespmem:s12+$0x340]  }
0x83: {  	v5 =	vld [tilespmem:s14+$0x20];
	_ =	sdelay $0x2  }
.Ltmp0:
0x84: {  	(pc) =	sbr.rel @p0 .LBB2_4-.Ltmp0, $4  }
0x85: {  	v0 =	vmul.f32 v0, v4;
	v2 =	vmul.f32 v1, v4  }
0x86: {  	v3 =	vmul.f32 v3, v4;
	v1 =	vmul.f32 v5, v4  }
0x87: {  	[tilespmem:s14+$0x0] =	vst v0  }
0x88: {  	[tilespmem:s14+$0x30] =	vst v3;
	v0 =	vld [tilespmem:s14+$0x70]  }
0x89: {  	[tilespmem:s11+$0x10] =	vst v2  }
0x8a: {  	v2 =	vld [tilespmem:s11+$0x40];
	[tilespmem:s11+$0x20] =	vst v1  }
0x8b: {  	v1 =	vld [tilespmem:s12+$0x350];
	_ =	sdelay $0x1  }
0x8c: {  	v3 =	vld [tilespmem:s11+$0x50]  }
0x8d: {  	v4 =	vld [tilespmem:s11+$0x60];
	_ =	sdelay $0x1  }
0x8e: {  	v2 =	vmul.f32 v2, v1  }
0x8f: {  	v0 =	vmul.f32 v0, v1  }
0x90: {  	v3 =	vmul.f32 v3, v1;
	[tilespmem:s11+$0x40] =	vst v2  }
0x91: {  	v1 =	vmul.f32 v4, v1;
	[tilespmem:s11+$0x70] =	vst v0  }
0x92: {  	p0 =	seq.s32 s6, $0x31;
	[tilespmem:s11+$0x50] =	vst v3  }
0x93: {  	[tilespmem:s11+$0x60] =	vst v1;
	s11 =	simm.s32 @!p0 $0x3  }
0x94: {  	[spmem:s2] =	stream.indirect.scatter.add.f32 [tilespmem:s26], [sflag:$0x3], $0x40, s23, s25, $0xb8;
	[tilespmem:$0x1C020] =	vst v63  }
0x95: {  	s10 =	sadd.s32 @!p0 s10, s17;
	_ =	swait.ge @!p0 [sflag:s11], $0x3200  }
0x96: {  	s12 =	sshrl.u32 @!p0 s10, $0x3;
	[sflag:s11] =	ssyncset.done @!p0 $0x0  }
0x97: {  	s13 =	simm.s32 @!p0 $0x0;
	[sflag:s11] =	ssyncadd.s32 @!p0 $0xFFFFCE00;
	s11 =	sadd.s32 @!p0 s8, s12  }
0x98: {  	[tilespmem:s13], [sflag:$0x5] =	stream.linear.gather @!p0 [hbm4b:s11+s13], $0xC8, $0x38;
	[tilespmem:$0x1C020] =	vst v63  }
0x99: {  	s11 =	simm.s32 @!p0 $0x5  }
0x9a: {  	_ =	swait.ge @!p0 [sflag:s11], $0xC8  }
0x9b: {  	[sflag:s11] =	ssyncset.done @!p0 $0x0  }
0x9c: {  	s14 =	simm.s32 @!p0 $0x190;
	s12 =	sadd.s32 @!p0 s9, s12;
	[sflag:s11] =	ssyncadd.s32 @!p0 $0xFFFFFF38  }
0x9d: {  	[tilespmem:s14], [sflag:$0x5] =	stream.linear.gather @!p0 [hbm4b:s12+s13], $0xC8, $0x38;
	[tilespmem:$0x1C020] =	vst v63  }
0x9e: {  	_ =	swait.ge @!p0 [sflag:s11], $0xC8  }
0x9f: {  	s10 =	sshll.u32 @!p0 s10, $0x1;
	[sflag:s11] =	ssyncset.done @!p0 $0x0  }
0xa0: {  	s10 =	sadd.s32 @!p0 s7, s10;
	s12 =	simm.s32 @!p0 $0x320;
	[sflag:s11] =	ssyncadd.s32 @!p0 $0xFFFFFF38  }
0xa1: {  	[tilespmem:s12], [sflag:$0x5] =	stream.linear.gather @!p0 [hbm4b:s10+s13], $0xC80, $0x38;
	[tilespmem:$0x1C020] =	vst v63  }
0xa2: {  	_ =	swait.ge @!p0 [sflag:s11], $0xC80  }
0xa3: {  	[sflag:s11] =	ssyncset.done @!p0 $0x0  }
0xa4: {  	s10 =	simm.s32 @!p0 $0xC8;
	[sflag:s11] =	ssyncadd.s32 @!p0 $0xFFFFF380;
	s11 =	simm.s32 @!p0 $0x1C20  }
0xa5: {  	[tilespmem:s11], [sflag:$0x1] =	stream.indirect.gather @!p0 [spmem:s1], $0x40, s13, s10, $0xb8;
	[tilespmem:$0x1C020] =	vst v63  }
0xa6: {  	_ =	swait.ge [sflag:s0], $0x3200  }
0xa7: {  	[sflag:s0] =	ssyncset.done $0x0  }
0xa8: {  	s10 =	simm.s32 $0x4EA0;
	[sflag:s0] =	ssyncadd.s32 $0xFFFFCE00  }
0xa9: {  	s11 =	simm.s32 $0x0;
	v0 =	vld [tilespmem:s10+$0xFFFFFFB0]  }
0xaa: {  	v1 =	vld [tilespmem:s11+$0xFA0]  }
0xab: {  	v2 =	vld [tilespmem:s10+$0xFFFFFF80]  }
0xac: {  	v3 =	vld [tilespmem:s10+$0xFFFFFF90]  }
0xad: {  	v61 =	vld [tilespmem:s10+$0xFFFFFFA0];
	_ =	sdelay $0x1  }
0xae: {  	v0 =	vmul.f32 v0, v1  }
0xaf: {  	v2 =	vmul.f32 v2, v1  }
0xb0: {  	v3 =	vmul.f32 v3, v1;
	[tilespmem:s10+$0xFFFFFFB0] =	vst v0  }
0xb1: {  	v0 =	vmul.f32 v61, v1;
	[tilespmem:s10+$0xFFFFFF80] =	vst v2  }
0xb2: {  	[tilespmem:s10+$0xFFFFFF90] =	vst v3  }
0xb3: {  	[tilespmem:s10+$0xFFFFFFA0] =	vst v0;
	v0 =	vld [tilespmem:s10+$0xFFFFFFC0]  }
0xb4: {  	v2 =	vld [tilespmem:s11+$0xFB0]  }
0xb5: {  	v1 =	vld [tilespmem:s10+$0xFFFFFFD0]  }
0xb6: {  	v3 =	vld [tilespmem:s10+$0xFFFFFFF0]  }
0xb7: {  	v62 =	vld [tilespmem:s10+$0xFFFFFFE0];
	_ =	sdelay $0x1  }
0xb8: {  	v0 =	vmul.f32 v0, v2  }
0xb9: {  	v1 =	vmul.f32 v1, v2  }
0xba: {  	v3 =	vmul.f32 v3, v2;
	[tilespmem:s10+$0xFFFFFFC0] =	vst v0  }
0xbb: {  	[tilespmem:s10+$0xFFFFFFD0] =	vst v1;
	v0 =	vmul.f32 v62, v2  }
0xbc: {  	[tilespmem:s10+$0xFFFFFFF0] =	vst v3  }
0xbd: {  	v1 =	vld [tilespmem:s10+$0x0];
	[tilespmem:s10+$0xFFFFFFE0] =	vst v0  }
0xbe: {  	v0 =	vld [tilespmem:s11+$0xFC0]  }
0xbf: {  	v2 =	vld [tilespmem:s10+$0x30]  }
0xc0: {  	v63 =	vld [tilespmem:s10+$0x20]  }
0xc1: {  	v3 =	vld [tilespmem:s10+$0x10];
	_ =	sdelay $0x1  }
0xc2: {  	v1 =	vmul.f32 v1, v0  }
0xc3: {  	v5 =	vmul.f32 v2, v0  }
0xc4: {  	[tilespmem:s10+$0x0] =	vst v1  }
0xc5: {  	s12 =	simm.s32 $0x100;
	s13 =	simm.s32 $0x4EA0;
	v2 =	vmul.f32 v3, v0;
	v1 =	vmul.f32 v63, v0;
	[tilespmem:s10+$0x30] =	vst v5;
	v0 =	vld [tilespmem:s10+$0x70]  }
.LBB2_6:
0xc6: {  	p0 =	sne.s32 s12, $0x3100  }
0xc7: {  	[tilespmem:s10+$0x10] =	vst v2;
	v2 =	vld [tilespmem:s10+$0x40];
	s13 =	sadd.s32 $0x100, s13;
	s14 =	smov.u32 s12;
	s12 =	sadd.s32 $0x100, s12  }
0xc8: {  	[tilespmem:s10+$0x20] =	vst v1;
	v1 =	vld [tilespmem:s10+$0x50]  }
0xc9: {  	v3 =	vld [tilespmem:s11+$0xFD0]  }
0xca: {  	v4 =	vld [tilespmem:s10+$0x60];
	_ =	sdelay $0x3  }
0xcb: {  	v2 =	vmul.f32 v2, v3;
	v1 =	vmul.f32 v1, v3  }
0xcc: {  	v0 =	vmul.f32 v0, v3;
	v4 =	vmul.f32 v4, v3  }
0xcd: {  	[tilespmem:s10+$0x40] =	vst v2  }
0xce: {  	v2 =	vld [tilespmem:s13+$0xFFFFFFA0];
	[tilespmem:s10+$0x70] =	vst v0  }
0xcf: {  	v0 =	vld [tilespmem:s13+$0xFFFFFFB0];
	[tilespmem:s10+$0x50] =	vst v1  }
0xd0: {  	s11 =	sshra.s32 s14, $0x2;
	v1 =	vld [tilespmem:s13+$0xFFFFFF80];
	[tilespmem:s10+$0x60] =	vst v4;
	s10 =	smov.u32 s13  }
0xd1: {  	v3 =	vld [tilespmem:s11+$0xFA0]  }
0xd2: {  	v4 =	vld [tilespmem:s13+$0xFFFFFF90];
	_ =	sdelay $0x3  }
0xd3: {  	v1 =	vmul.f32 v1, v3;
	v0 =	vmul.f32 v0, v3  }
0xd4: {  	v2 =	vmul.f32 v2, v3;
	v4 =	vmul.f32 v4, v3  }
0xd5: {  	[tilespmem:s13+$0xFFFFFFB0] =	vst v0  }
0xd6: {  	[tilespmem:s13+$0xFFFFFF80] =	vst v1;
	v0 =	vld [tilespmem:s13+$0xFFFFFFF0]  }
0xd7: {  	[tilespmem:s13+$0xFFFFFF90] =	vst v4;
	v1 =	vld [tilespmem:s13+$0xFFFFFFD0]  }
0xd8: {  	[tilespmem:s13+$0xFFFFFFA0] =	vst v2;
	v2 =	vld [tilespmem:s13+$0xFFFFFFC0]  }
0xd9: {  	v3 =	vld [tilespmem:s11+$0xFB0]  }
0xda: {  	v4 =	vld [tilespmem:s13+$0xFFFFFFE0];
	_ =	sdelay $0x3  }
0xdb: {  	v2 =	vmul.f32 v2, v3;
	v1 =	vmul.f32 v1, v3  }
0xdc: {  	v0 =	vmul.f32 v0, v3;
	v4 =	vmul.f32 v4, v3  }
0xdd: {  	[tilespmem:s13+$0xFFFFFFC0] =	vst v2  }
0xde: {  	[tilespmem:s13+$0xFFFFFFD0] =	vst v1;
	v3 =	vld [tilespmem:s13+$0x30]  }
0xdf: {  	[tilespmem:s13+$0xFFFFFFF0] =	vst v0;
	v0 =	vld [tilespmem:s13+$0x0]  }
0xe0: {  	[tilespmem:s13+$0xFFFFFFE0] =	vst v4;
	v1 =	vld [tilespmem:s13+$0x10]  }
0xe1: {  	v4 =	vld [tilespmem:s11+$0xFC0]  }
0xe2: {  	v5 =	vld [tilespmem:s13+$0x20];
	_ =	sdelay $0x2  }
.Ltmp1:
0xe3: {  	(pc) =	sbr.rel @p0 .LBB2_6-.Ltmp1, $4  }
0xe4: {  	v0 =	vmul.f32 v0, v4;
	v2 =	vmul.f32 v1, v4  }
0xe5: {  	v3 =	vmul.f32 v3, v4;
	v1 =	vmul.f32 v5, v4  }
0xe6: {  	[tilespmem:s13+$0x0] =	vst v0  }
0xe7: {  	[tilespmem:s13+$0x30] =	vst v3;
	v0 =	vld [tilespmem:s13+$0x70]  }
0xe8: {  	[tilespmem:s10+$0x10] =	vst v2  }
0xe9: {  	v63 =	vld [tilespmem:s10+$0x40];
	[tilespmem:s10+$0x20] =	vst v1  }
0xea: {  	v1 =	vld [tilespmem:s11+$0xFD0];
	_ =	sdelay $0x1  }
0xeb: {  	v3 =	vld [tilespmem:s10+$0x50]  }
0xec: {  	v4 =	vld [tilespmem:s10+$0x60];
	_ =	sdelay $0x1  }
0xed: {  	s6 =	sadd.s32 $0x1, s6;
	v2 =	vmul.f32 v63, v1  }
0xee: {  	p0 =	sne.s32 s6, $0x32;
	v0 =	vmul.f32 v0, v1  }
.Ltmp2:
0xef: {  	v3 =	vmul.f32 v3, v1;
	[tilespmem:s10+$0x40] =	vst v2;
	(pc) =	sbr.rel @p0 .LBB2_3-.Ltmp2, $4  }
0xf0: {  	v1 =	vmul.f32 v4, v1;
	[tilespmem:s10+$0x70] =	vst v0  }
0xf1: {  	[tilespmem:s10+$0x50] =	vst v3  }
0xf2: {  	[tilespmem:s10+$0x60] =	vst v1  }
0xf3: {  	[spmem:s2] =	stream.indirect.scatter.add.f32 [tilespmem:s30], [sflag:$0x4], $0x40, s28, s25, $0xb8;
	[tilespmem:$0x1C020] =	vst v63  }
0xf4: {  	_ =	swait.ge [sflag:s3], $0x3200  }
0xf5: {  	[sflag:s3] =	ssyncset.done $0x0  }
0xf6: {  	[sflag:s3] =	ssyncadd.s32 $0xFFFFCE00  }
0xf7: {  	_ =	swait.ge [sflag:s18], $0x3200  }
0xf8: {  	[sflag:s18] =	ssyncset.done $0x0  }
0xf9: {  	[sflag:s18] =	ssyncadd.s32 $0xFFFFCE00  }
0xfa: {  	[bflag:$0x0] =	sbarrier.arrive $0xFFFF  }
0xfb: {  	s4 =	sadd.s32 $0x1, s4;
	s5 =	rddreg [dreg:$0x7]  }
0xfc: {  	p0 =	sne.s32 s4, $0x8;
	s5 =	sadd.s32 s5, s24  }
0xfd: {  	[hbm:s5], [sflag:s19] =	dma.local [spmem:s22], $0x1400  }
.Ltmp3:
0xfe: {  	_ =	swait.ge [sflag:s21], $0x1400;
	(pc) =	sbr.rel @p0 .LBB2_2-.Ltmp3, $3  }
0xff: {  	[sflag:s21] =	ssyncset.done $0x0  }
0x100: {  	[sflag:s21] =	ssyncadd.s32 $0xFFFFEC00  }
0x101: {  	[bflag:$0x0] =	sbarrier.arrive $0xFFFF;
	_ =	sdelay $0x1  }
0x102: {  	s13 =	rddreg [dreg:$0x4]  }
0x103: {  	s4 =	rddreg [dreg:$0xd];
	s13 =	sadd.s32 $0x1, s13  }
0x104: {  	p0 =	sne.s32 s13, s4  }
.Ltmp4:
0x105: {  	_ = 	snop;
	(pc) =	sbr.rel @p0 .LBB2_1-.Ltmp4, $1  }
0x106: {  	_ =	sdelay $0x3  }
0x107: {  	_ =	sfence.sel $0x180000  }
0x108: {  	[bflag:$0x0] =	sbarrier.arrive $0xFFFF  }
0x109: {  	_ =	strace $0x9000004A  }
0x10a: {  	s0 =	stileid.u32;
	[bflag:$0x2] =	sbarrier.arrive $0xFFFF  }
0x10b: {  	p0 =	sne.s32 s0, $0x0;
	s0 =	rddreg [dreg:$0x3]  }
0x10c: {  	s0 =	sadd.s32 @!p0 $0x100000, s0  }
0x10d: {  	[sflag:s0] =	ssyncadd.tile.s32 @!p0 $0x1;
	_ =	shalt  }
.Lfunc_end2:
_tile_overlayer_lowered:
.L_overlay_start_2:
0x10e: {  	(tag) =	ssettag $0x2  }
0x10f: {  	s0 =	rddreg [dreg:$0x0];
	s2 =	stileid.u32  }
0x110: {  	s1 =	rddreg [dreg:$0x1];
	p0 =	sne.s32 s2, $0x0  }
0x111: {  	s3 =	rddreg [dreg:$0x2];
	[bflag:$0x3] =	sbarrier.arrive $0xFFFF;
	s2 =	simm.s32 @!p0 $0x1C05  }
0x112: {  	[timem:s3], [sflag:s2] =	dma.local @!p0 [hbm:s0], s1  }
0x113: {  	s0 =	simm.s32 @!p0 $0x5  }
0x114: {  	_ =	swait.ge @!p0 [sflag:s0], s1  }
0x115: {  	s1 =	ssub.s32 @!p0 $0x0, s1;
	[sflag:s0] =	ssyncset.done @!p0 $0x0  }
0x116: {  	[sflag:s0] =	ssyncadd.s32 @!p0 s1  }
0x117: {  	[bflag:$0x3] =	sbarrier.arrive $0xFFFF  }
0x118: {  	_ =	shalt  }

// kernel: kernel.18.cloned.1.call-start
scs
__scs_entry_jumppad:
0x0: {  	(pc) =	sbr.rel $0x88, $3  }
0x1: {  	(tag) =	ssettag $0x0;
	lr =	simm.s32 $0x1  }
0x2: {  	[smem:$0x3F93] =	sst lr;
	_ =	strace $0xD0000000  }
0x3: {  	_ = 	snop  }
0x4: {  	_ = 	snop  }
0x5: {  	_ = 	snop  }
0x6: {  	_ = 	snop  }
0x7: {  	_ = 	snop  }
__scs_overlays_trampoline_lowered:
0x8: {  	[smem:$0x3FA2] =	sst s0  }
0x9: {  	[smem:$0x3FA3] =	sst s1  }
0xa: {  	[smem:$0x3FA4] =	sst s2  }
0xb: {  	[smem:$0x3FA5] =	sst s3  }
0xc: {  	[smem:$0x3FA6] =	sst s4  }
0xd: {  	[smem:$0x3FA7] =	sst s5  }
0xe: {  	[smem:$0x3FA8] =	sst s6  }
0xf: {  	[smem:$0x3FA9] =	sst s7  }
0x10: {  	[smem:$0x3FAA] =	sst s8  }
0x11: {  	[smem:$0x3FAB] =	sst s9;
	s0 =	simm.s32 @!p0 $0x0  }
0x12: {  	s1 =	sld [smem:$0x3F91];
	s0 =	simm.s32 @p0 $0x1  }
0x13: {  	[smem:$0x3FAC] =	sst s0;
	s0 =	simm.s32 @!p1 $0x0  }
0x14: {  	s2 =	sld [smem:$0x3F90];
	s0 =	simm.s32 @p1 $0x1  }
0x15: {  	[smem:$0x3FAD] =	sst s0;
	s0 =	simm.s32 @!p2 $0x0  }
0x16: {  	s3 =	sld [smem:$0x3FDB];
	s0 =	simm.s32 @p2 $0x1  }
0x17: {  	s4 =	simm.s32 $0x1BF5;
	[smem:$0x3FAF] =	sst s0  }
0x18: {  	s0 =	sld [smem:$0x3F92];
	_ =	swait.ge [sflag:s4], $0x0  }
0x19: {  	s7 =	sld [smem:$0x3F93]  }
0x1a: {  	s8 =	sadd.s32 $0xFFFFE003, lr  }
0x1b: {  	s9 =	sadd.s32 $0xFFFFFEF7, lr;
	s5 =	simm.s32 $0xFFFFFFFF;
	p2 =	slt.u32 s8, $0xFFFFF086  }
0x1c: {  	p1 =	slt.u32 s9, $0xF7A;
	s5 =	simm.s32 @!p2 $0x0  }
0x1d: {  	s5 =	simm.s32 @p1 $0x1;
	p0 =	seq.s32 s7, s2  }
0x1e: {  	s7 =	smul.u32 @!p0 $0xF7A, s2;
	p2 =	seq.s32 @!p0 s5, $0x0  }
0x1f: {  	s9 =	smul.u32 $0xF7A, s1;
	s8 =	simm.s32 @!p0 $0x1BF5;
	p2 =	por !p2, p0  }
0x20: {  	[sflag:s8] =	ssyncset.s32 @!p0 $0xFFFFF086;
	s6 =	sadd.s32 @!p0 s3, s7;
	s7 =	simm.s32 @!p0 $0x108  }
0x21: {  	s3 =	sadd.s32 s3, s9;
	s6 =	sadd.s32 @!p0 $0x88, s6;
	s7 =	simm.s32 @p2 $0x1082  }
0x22: {  	[simem:s7], [sflag:s8] =	dma.local @!p0 [hbm:s6], $0xF7A  }
0x23: {  	s9 =	sor.u32 $0xD0000000, s2;
	s6 =	simm.s32 $0x108;
	_ =	swait.ge @!p0 [sflag:s8], $0x0  }
0x24: {  	s3 =	sadd.s32 $0x88, s3;
	s6 =	simm.s32 @!p1 $0x1082;
	[sflag:s4] =	ssyncset.s32 $0xFFFFF086  }
0x25: {  	[simem:s6], [sflag:s4] =	dma.local [hbm:s3], $0xF7A  }
0x26: {  	[smem:$0x3F93] =	sst s1;
	(tag) =	ssettag s2;
	_ =	strace s9  }
0x27: {  	s1 =	sld [smem:$0x3FA3]  }
0x28: {  	s2 =	sld [smem:$0x3FA4]  }
0x29: {  	s4 =	sld [smem:$0x3FA6]  }
0x2a: {  	p0 =	seq.s32 s5, $0x0;
	s5 =	sld [smem:$0x3FA7]  }
0x2b: {  	s6 =	sld [smem:$0x3FA8]  }
0x2c: {  	s7 =	sld [smem:$0x3FA9]  }
0x2d: {  	s3 =	simm.s32 $0x108;
	s8 =	sld [smem:$0x3FAA]  }
0x2e: {  	s3 =	simm.s32 @!p0 $0x1082;
	s9 =	sld [smem:$0x3FAB]  }
0x2f: {  	lr =	sadd.s32 s0, s3;
	s0 =	sld [smem:$0x3FA2]  }
0x30: {  	s3 =	sld [smem:$0x3FA5]  }
0x31: {  	[smem:$0x3FAE] =	sst s10  }
0x32: {  	s10 =	sld [smem:$0x3FAC];
	_ =	sdelay $0x3  }
0x33: {  	p0 =	seq.s32 s10, $0x1;
	s10 =	sld [smem:$0x3FAE];
	_ =	sdelay $0x3  }
0x34: {  	[smem:$0x3FAE] =	sst s10  }
0x35: {  	s10 =	sld [smem:$0x3FAD];
	_ =	sdelay $0x3  }
0x36: {  	p1 =	seq.s32 s10, $0x1;
	s10 =	sld [smem:$0x3FAE];
	_ =	sdelay $0x3  }
0x37: {  	[smem:$0x3FAE] =	sst s10  }
0x38: {  	s10 =	sld [smem:$0x3FAF]  }
0x39: {  	_ = 	snop;
	(pc) =	sbr.ind lr, $3  }
0x3a: {  	_ = 	snop  }
0x3b: {  	_ = 	snop  }
0x3c: {  	p2 =	seq.s32 s10, $0x1;
	s10 =	sld [smem:$0x3FAE]  }
0x3d: {  	_ =	shalt  }
0x3e: {  	_ =	shalt  }
0x3f: {  	_ =	shalt  }
0x40: {  	_ =	shalt  }
0x41: {  	_ =	shalt  }
0x42: {  	_ =	shalt  }
0x43: {  	_ =	shalt  }
0x44: {  	_ =	shalt  }
0x45: {  	_ =	shalt  }
0x46: {  	_ =	shalt  }
0x47: {  	_ =	shalt  }
0x48: {  	_ =	shalt  }
0x49: {  	_ =	shalt  }
0x4a: {  	_ =	shalt  }
0x4b: {  	_ =	shalt  }
0x4c: {  	_ =	shalt  }
0x4d: {  	_ =	shalt  }
0x4e: {  	_ =	shalt  }
0x4f: {  	_ =	shalt  }
0x50: {  	_ =	shalt  }
0x51: {  	_ =	shalt  }
0x52: {  	_ =	shalt  }
0x53: {  	_ =	shalt  }
0x54: {  	_ =	shalt  }
0x55: {  	_ =	shalt  }
0x56: {  	_ =	shalt  }
0x57: {  	_ =	shalt  }
0x58: {  	_ =	shalt  }
0x59: {  	_ =	shalt  }
0x5a: {  	_ =	shalt  }
0x5b: {  	_ =	shalt  }
0x5c: {  	_ =	shalt  }
0x5d: {  	_ =	shalt  }
0x5e: {  	_ =	shalt  }
0x5f: {  	_ =	shalt  }
0x60: {  	_ =	shalt  }
0x61: {  	_ =	shalt  }
0x62: {  	_ =	shalt  }
0x63: {  	_ =	shalt  }
0x64: {  	_ =	shalt  }
0x65: {  	_ =	shalt  }
0x66: {  	_ =	shalt  }
0x67: {  	_ =	shalt  }
0x68: {  	_ =	shalt  }
0x69: {  	_ =	shalt  }
0x6a: {  	_ =	shalt  }
0x6b: {  	_ =	shalt  }
0x6c: {  	_ =	shalt  }
0x6d: {  	_ =	shalt  }
0x6e: {  	_ =	shalt  }
0x6f: {  	_ =	shalt  }
0x70: {  	_ =	shalt  }
0x71: {  	_ =	shalt  }
0x72: {  	_ =	shalt  }
0x73: {  	_ =	shalt  }
0x74: {  	_ =	shalt  }
0x75: {  	_ =	shalt  }
0x76: {  	_ =	shalt  }
0x77: {  	_ =	shalt  }
0x78: {  	_ =	shalt  }
0x79: {  	_ =	shalt  }
0x7a: {  	_ =	shalt  }
0x7b: {  	_ =	shalt  }
0x7c: {  	_ =	shalt  }
0x7d: {  	_ =	shalt  }
0x7e: {  	_ =	shalt  }
0x7f: {  	_ =	shalt  }
0x80: {  	_ =	shalt  }
0x81: {  	_ =	shalt  }
0x82: {  	_ =	shalt  }
0x83: {  	_ =	shalt  }
0x84: {  	_ =	shalt  }
0x85: {  	_ =	shalt  }
0x86: {  	_ =	shalt  }
0x87: {  	_ =	shalt  }
.Lfunc_end0:
.L_simem_size_0:
called_computation.2_lowered:
.L_overlay_start_0:
0x88: {  	s2 =	sld [smem:$0x3FD9]  }
0x89: {  	s3 =	sld [smem:$0x3FFE];
	_ =	sdelay $0x1  }
0x8a: {  	s1 =	srdreg.scid  }
0x8b: {  	s0 =	sand.u32 $0x1, s1  }
0x8c: {  	s17 =	sshll.u32 s0, $0xA;
	s2 =	sadd.s32 s3, s2  }
0x8d: {  	s2 =	sadd.s32 s2, s17  }
0x8e: {  	[smem:$0x3FBA] =	sst s2  }
0x8f: {  	_ = 	snop  }
0x90: {  	s2 =	sld [smem:$0x3FD0];
	(tm) =	ssettm $0x1  }
0x91: {  	s18 =	sld [smem:$0x3FFB];
	_ =	sdelay $0x3  }
0x92: {  	_ =	strace s18  }
0x93: {  	s3 =	sld [smem:$0x3FFC];
	_ =	sdelay $0x3  }
0x94: {  	_ =	strace s3  }
0x95: {  	s3 =	sld [smem:$0x3FFD];
	_ =	sdelay $0x3  }
0x96: {  	_ =	strace s3  }
0x97: {  	_ =	strace $0x8FFFFFFF  }
0x98: {  	s19 =	sld [smem:$0x3FDB];
	_ =	sdelay $0x1  }
0x99: {  	s4 =	simm.s32 $_scs_section_size  }
0x9a: {  	s5 =	simm.s32 $_size__tile_overlayer_lowered;
	s6 =	simm.s32 $_tile_overlayer_lowered  }
0x9b: {  	s22 =	simm.s32 $0x1BFF;
	s21 =	sshll.u32 s6, $0x1;
	s3 =	sadd.s32 s4, s19  }
0x9c: {  	s7 =	simm.s32 $0x0;
	s20 =	sshll.u32 s5, $0x1;
	s5 =	sadd.s32 s21, s3  }
0x9d: {  	[timem:s7], [sflag:s22] =	dma.local [hbm:s5], s20  }
0x9e: {  	_ =	swait.ge [sflag:s22], s20  }
0x9f: {  	s4 =	ssub.s32 $0x0, s20;
	[sflag:s22] =	ssyncset.done $0x0  }
0xa0: {  	[sflag:s22] =	ssyncadd.s32 s4;
	_ =	sdelay $0x1  }
0xa1: {  	s23 =	simm.s32 $0x1B8B  }
0xa2: {  	_ =	swait.ge [sflag:s23], $0x1  }
0xa3: {  	[sflag:s23] =	ssyncset.done $0x0  }
0xa4: {  	s25 =	simm.s32 $0x1B8E;
	s24 =	sld [smem:$0x3FFE];
	[sflag:s23] =	ssyncadd.s32 $0xFFFFFFFF  }
0xa5: {  	s26 =	simm.s32 $execute0_lowered;
	[smem:$0x3FD2] =	sst s25  }
0xa6: {  	s5 =	sshll.u32 s26, $0x1;
	_ =	strace $0x8000004C;
	[dreg:$0x1] =	wrdreg $0xFFFFFFFF  }
0xa7: {  	s28 =	simm.s32 $_size_execute0_lowered;
	s3 =	sadd.s32 s3, s5;
	[dreg:$0x0] =	wrdreg $0x0  }
0xa8: {  	s5 =	sshll.u32 s28, $0x1;
	[dreg:$0x2] =	wrdreg s3  }
0xa9: {  	[dreg:$0x3] =	wrdreg s5  }
0xaa: {  	[dreg:$0x4] =	wrdreg $0xC0  }
0xab: {  	_ =	task [dreg:s7], $0x5FFFF  }
0xac: {  	[dreg:$0x1] =	wrdreg $0xFFFFFFFF  }
0xad: {  	[dreg:$0x0] =	wrdreg $0x60  }
0xae: {  	[dreg:$0x2] =	wrdreg s24  }
0xaf: {  	[dreg:$0x3] =	wrdreg s2  }
0xb0: {  	[dreg:$0x4] =	wrdreg $0x4E300  }
0xb1: {  	[dreg:$0x5] =	wrdreg $0x9  }
0xb2: {  	_ =	task.clear_ibuf [dreg:s7], $0x6FFFF;
	_ =	strace $0x9000004C  }
0xb3: {  	s29 =	simm.s32 $0x9;
	_ =	strace $0x8000004E  }
0xb4: {  	_ =	swait.ge [sflag:s29], $0x1  }
0xb5: {  	[sflag:s29] =	ssyncadd.s32 $0xFFFFFFFF  }
0xb6: {  	_ =	strace $0x9000004E  }
0xb7: {  	_ =	sfence  }
0xb8: {  	s30 =	sld [smem:$0x0];
	_ =	sdelay $0x2  }
0xb9: {  	s31 =	sshll.u32 s1, $0xD;
	s1 =	sshrl.u32 s1, $0x2  }
0xba: {  	s3 =	sand.u32 $0x4000, s31;
	s1 =	sadd.s32 s1, s30  }
0xbb: {  	s0 =	sor.u32 s3, s0;
	s1 =	sshll.u32 s1, $0x11  }
0xbc: {  	s0 =	sor.u32 s1, s0  }
0xbd: {  	s0 =	sadd.s32 $0x8F2B, s0  }
0xbe: {  	[sflag:s0] =	ssyncadd.remote.s32 $0x1  }
0xbf: {  	_ =	sfence.sel $0xFFFF  }
0xc0: {  	[dreg:$0x0] =	wrdreg $0xFFFFFFFF;
	(pc) =	sbr.abs _section_cstart, $3  }
0xc1: {  	[dreg:$0x1] =	wrdreg $0xFFFFFFFF  }
0xc2: {  	_ =	task.clear_ibuf [dreg:s7], $0x2FFFF;
	_ =	strace $0x9FFFFFFF  }
0xc3: {  	(tm) =	ssettm $0x7FFFFFFF  }
tec
execute0_lowered:
.L_overlay_start_1:
0x0: {  	(tag) =	ssettag $0x1  }
0x1: {  	s9 =	rddreg [dreg:$0x0]  }
0x2: {  	s2 =	rddreg [dreg:$0x1]  }
0x3: {  	s3 =	rddreg [dreg:$0x2]  }
0x4: {  	s1 =	stileid.u32;
	s5 =	srdreg.scid;
	s4 =	simm.s32 $0x0  }
0x5: {  	s18 =	simm.s32 $0x190;
	s19 =	simm.s32 $0x320;
	s20 =	simm.s32 $0x1  }
0x6: {  	s21 =	simm.s32 $0x1C20;
	s22 =	simm.s32 $0x3520;
	s23 =	simm.s32 $0x0  }
0x7: {  	s10 =	smul.u32 $0x2800, s1;
	s11 =	sand.u32 $0x1, s5;
	[smem:$0x7FF] =	sst s4  }
0x8: {  	s5 =	sadd.s32 $0x15E000, s9;
	s6 =	sadd.s32 $0x159000, s9;
	s7 =	sadd.s32 $0x299000, s9  }
0x9: {  	s16 =	sshll.u32 s1, $0x6;
	s8 =	smul.u32 $0x28000, s11;
	_ =	strace $0x8000004D  }
0xa: {  	s14 =	ssub.s32 $0x2, s11;
	s11 =	sshll.u32 s11, $0x4;
	s16 =	sor.u32 $0x1C02, s16  }
0xb: {  	s13 =	sshrl.u32 s10, $0x3;
	s15 =	sshrl.u32 s14, $0x1;
	s11 =	sor.u32 s1, s11  }
0xc: {  	s17 =	sadd.s32 s10, s3;
	s12 =	sadd.s32 s10, s8;
	s8 =	sadd.s32 $0x28F200, s9  }
0xd: {  	s13 =	sadd.s32 s13, s9;
	s14 =	ssub.s32 s14, s15;
	s11 =	smul.u32 $0x2710, s11  }
0xe: {  	s15 =	simm.s32 $0x2;
	s17 =	sshrl.u32 s17, $0x3;
	s12 =	sshrl.u32 s12, $0x3  }
0xf: {  	s10 =	sadd.s32 $0x2A2E00, s13;
	s13 =	smax.u32 s14, $0x1;
	s12 =	sadd.s32 s12, s9  }
0x10: {  	s14 =	simm.s32 $0x4E20;
	s9 =	sadd.s32 $0x16D000, s9;
	s12 =	sadd.s32 $0x163000, s12  }
.LBB2_1:
0x11: {  	[tilespmem:s14], [sflag:$0x2] =	stream.linear.gather [hbm4b:s2+s4], $0x10, $0x38;
	[tilespmem:$0x7630] =	vst v63  }
0x12: {  	_ =	swait.ge [sflag:s15], $0x10  }
0x13: {  	[sflag:s15] =	ssyncset.done $0x0  }
0x14: {  	[sflag:s15] =	ssyncadd.s32 $0xFFFFFFF0  }
0x15: {  	v0 =	vld [tilespmem:$0x4E20];
	[spmem:s17], [sflag:s16] =	dma.local [hbm:s10], $0x500  }
0x16: {  	_ =	swait.ge [sflag:s15], $0x500  }
0x17: {  	[sflag:s15] =	ssyncset.done $0x0  }
0x18: {  	[sflag:s15] =	ssyncadd.s32 $0xFFFFFB00  }
0x19: {  	s24 =	simm.s32 $0x0;
	[bflag:$0x0] =	sbarrier.arrive $0xFFFF  }
.LBB2_2:
0x1a: {  	s25 =	smul.u32 $0x190, s24;
	_ =	sdelay $0x1  }
0x1b: {  	s25 =	sadd.s32 s11, s25  }
0x1c: {  	s26 =	sshrl.u32 s25, $0x3  }
0x1d: {  	s29 =	simm.s32 $0x0;
	s28 =	sadd.s32 s7, s26  }
0x1e: {  	[tilespmem:s29], [sflag:$0x2] =	stream.linear.gather [hbm4b:s28+s29], $0x190, $0x38;
	[tilespmem:$0x7630] =	vst v63  }
0x1f: {  	_ =	swait.ge [sflag:s15], $0x190  }
0x20: {  	[sflag:s15] =	ssyncset.done $0x0  }
0x21: {  	s26 =	sadd.s32 s8, s26;
	[sflag:s15] =	ssyncadd.s32 $0xFFFFFE70  }
0x22: {  	[tilespmem:s18], [sflag:$0x2] =	stream.linear.gather [hbm4b:s26+s29], $0x190, $0x38;
	[tilespmem:$0x7630] =	vst v63  }
0x23: {  	_ =	swait.ge [sflag:s15], $0x190  }
0x24: {  	[sflag:s15] =	ssyncset.done $0x0  }
0x25: {  	[sflag:s15] =	ssyncadd.s32 $0xFFFFFE70  }
0x26: {  	[tilespmem:s19], [sflag:$0x1] =	stream.indirect.gather [hbm4b:s5+s18], $0x10, s29, s18, $0xb8;
	[tilespmem:$0x7630] =	vst v63  }
0x27: {  	_ =	swait.ge [sflag:s20], $0x1900  }
0x28: {  	[sflag:s20] =	ssyncset.done $0x0  }
0x29: {  	[sflag:s20] =	ssyncadd.s32 $0xFFFFE700  }
0x2a: {  	[tilespmem:s21], [sflag:$0x1] =	stream.indirect.gather [hbm4b:s6+s18], $0x10, s18, s18, $0xb8;
	[tilespmem:$0x7630] =	vst v63  }
0x2b: {  	_ =	swait.ge [sflag:s20], $0x1900  }
0x2c: {  	[sflag:s20] =	ssyncset.done $0x0  }
0x2d: {  	s26 =	simm.s32 $0x0;
	[sflag:s20] =	ssyncadd.s32 $0xFFFFE700  }
0x2e: {  	v1 =	vld [tilespmem:s26+$0x320]  }
0x2f: {  	v2 =	vld [tilespmem:s26+$0x1C20];
	_ =	sdelay $0x1  }
0x30: {  	s28 =	simm.s32 $0x10  }
0x31: {  	v3 =	vld [tilespmem:s28+$0x320]  }
0x32: {  	v4 =	vld [tilespmem:s28+$0x1C20]  }
0x33: {  	v1 =	vadd.f32 v2, v1;
	_ =	sdelay $0x1  }
0x34: {  	v5 =	vmul.f32 $2.000000030e-01, v1  }
0x35: {  	vm0 =	vge.f32 v1, $0.0e+00  }
0x36: {  	v3 =	vadd.f32 v4, v3;
	v1 =	vsel vm0, v1, v5  }
0x37: {  	s29 =	simm.s32 $0x20;
	v1 =	vsub.f32 v1, v0  }
0x38: {  	v2 =	vld [tilespmem:s29+$0x320];
	v6 =	vmul.f32 $2.000000030e-01, v3  }
0x39: {  	v4 =	vld [tilespmem:s29+$0x1C20];
	vm14 =	vge.f32 v3, $0.0e+00;
	v1 =	vmul.f32 $1.442695020e+00, v1  }
0x3a: {  	v3 =	vsel vm14, v3, v6  }
0x3b: {  	v3 =	vsub.f32 v3, v0;
	(erf) = vpow2.f32 v1;
	_ =	sdelay $0x1  }
0x3c: {  	s30 =	simm.s32 $0x30;
	v3 =	vmul.f32 $1.442695020e+00, v3  }
0x3d: {  	v4 =	vadd.f32 v4, v2;
	v2 =	vld [tilespmem:s30+$0x1C20]  }
0x3e: {  	v1 =	vld [tilespmem:s30+$0x320];
	(erf) = vpow2.f32 v3  }
0x3f: {  	v5 =	vmul.f32 $2.000000030e-01, v4  }
0x40: {  	vm15 =	vge.f32 v4, $0.0e+00  }
0x41: {  	s31 =	simm.s32 $0x100;
	v3 =	vsel vm15, v4, v5  }
.LBB2_3:
0x42: {  	s0 =	sshra.s32 s31, $0x2;
	v3 =	vsub.f32 v3, v0;
	p0 =	sne.s32 s31, $0x63C0  }
.Ltmp0:
0x43: {  	s31 =	sadd.s32 $0x40, s31;
	v4 =	vadd.f32 v2, v1;
	v1 =	vld [tilespmem:s0+$0x320];
	v5 =	vpop (erf);
	(pc) =	sbr.rel @p0 .LBB2_3-.Ltmp0, $4  }
0x44: {  	v2 =	vld [tilespmem:s0+$0x1C20];
	v3 =	vmul.f32 $1.442695020e+00, v3;
	[tilespmem:s26+$0x3520] =	vst v5;
	s26 =	smov.u32 s28;
	s28 =	smov.u32 s29;
	s29 =	smov.u32 s30  }
0x45: {  	s30 =	smov.u32 s0;
	v5 =	vmul.f32 $2.000000030e-01, v4  }
0x46: {  	vm0 =	vge.f32 v4, $0.0e+00;
	(erf) = vpow2.f32 v3  }
0x47: {  	v3 =	vsel vm0, v4, v5  }
0x48: {  	_ = 	snop  }
0x49: {  	v1 =	vadd.f32 v2, v1;
	_ =	sdelay $0x1  }
0x4a: {  	v2 =	vmul.f32 $2.000000030e-01, v1  }
0x4b: {  	vm0 =	vge.f32 v1, $0.0e+00  }
0x4c: {  	v3 =	vsub.f32 v3, v0;
	v1 =	vsel vm0, v1, v2  }
0x4d: {  	v1 =	vsub.f32 v1, v0  }
0x4e: {  	v2 =	vmul.f32 $1.442695020e+00, v3  }
0x4f: {  	v1 =	vmul.f32 $1.442695020e+00, v1  }
0x50: {  	(erf) = vpow2.f32 v2  }
0x51: {  	(erf) = vpow2.f32 v1;
	_ =	sdelay $0x5  }
0x52: {  	v1 =	vpop (erf)  }
0x53: {  	v2 =	vpop (erf);
	[tilespmem:s26+$0x3520] =	vst v1  }
0x54: {  	[tilespmem:s28+$0x3520] =	vst v2;
	v1 =	vpop (erf)  }
0x55: {  	[tilespmem:s29+$0x3520] =	vst v1;
	v1 =	vpop (erf)  }
0x56: {  	[tilespmem:s30+$0x3520] =	vst v1  }
0x57: {  	[spmem:s3] =	stream.indirect.scatter.add.f32 [tilespmem:s22], [sflag:$0x2], $0x10, s18, s18, $0xb8;
	[tilespmem:$0x7630] =	vst v63  }
0x58: {  	s24 =	sadd.s32 $0x1, s24;
	_ =	swait.ge [sflag:s15], $0x1900  }
0x59: {  	s0 =	sshll.u32 s25, $0x1;
	p0 =	sne.s32 s24, $0x19;
	[sflag:s15] =	ssyncset.done $0x0  }
.Ltmp1:
0x5a: {  	s0 =	sadd.s32 s9, s0;
	[sflag:s15] =	ssyncadd.s32 $0xFFFFE700;
	(pc) =	sbr.rel @p0 .LBB2_2-.Ltmp1, $4  }
0x5b: {  	[hbm4b:s0+s4] =	stream.linear.scatter [tilespmem:s22], [sflag:$0x2], $0x1900, $0x38;
	[tilespmem:$0x7630] =	vst v63  }
0x5c: {  	_ =	swait.ge [sflag:s15], $0x1900  }
0x5d: {  	[sflag:s15] =	ssyncset.done $0x0  }
0x5e: {  	[sflag:s15] =	ssyncadd.s32 $0xFFFFE700  }
0x5f: {  	s23 =	sadd.s32 $0x1, s23  }
0x60: {  	p0 =	sne.s32 s23, s13  }
.Ltmp2:
0x61: {  	[bflag:$0x0] =	sbarrier.arrive $0xFFFF;
	(pc) =	sbr.rel @p0 .LBB2_1-.Ltmp2, $4  }
0x62: {  	[hbm:s12], [sflag:s16] =	dma.local [spmem:s17], $0x500  }
0x63: {  	_ =	swait.ge [sflag:s15], $0x500  }
0x64: {  	[sflag:s15] =	ssyncset.done $0x0  }
0x65: {  	[sflag:s15] =	ssyncadd.s32 $0xFFFFFB00  }
0x66: {  	_ =	sfence.sel $0x180000  }
0x67: {  	[bflag:$0x0] =	sbarrier.arrive $0xFFFF  }
0x68: {  	_ =	strace $0x9000004D  }
0x69: {  	[bflag:$0x2] =	sbarrier.arrive $0xFFFF  }
0x6a: {  	p0 =	sne.s32 s1, $0x0;
	s0 =	rddreg [dreg:$0x3]  }
0x6b: {  	s0 =	sadd.s32 @!p0 $0x100000, s0  }
0x6c: {  	[sflag:s0] =	ssyncadd.tile.s32 @!p0 $0x1;
	_ =	shalt  }
.Lfunc_end2:
_tile_overlayer_lowered:
.L_overlay_start_2:
0x6d: {  	(tag) =	ssettag $0x2  }
0x6e: {  	s0 =	rddreg [dreg:$0x0];
	s2 =	stileid.u32  }
0x6f: {  	s1 =	rddreg [dreg:$0x1];
	p0 =	sne.s32 s2, $0x0  }
0x70: {  	s3 =	rddreg [dreg:$0x2];
	[bflag:$0x3] =	sbarrier.arrive $0xFFFF;
	s2 =	simm.s32 @!p0 $0x1C02  }
0x71: {  	[timem:s3], [sflag:s2] =	dma.local @!p0 [hbm:s0], s1  }
0x72: {  	s0 =	simm.s32 @!p0 $0x2  }
0x73: {  	_ =	swait.ge @!p0 [sflag:s0], s1  }
0x74: {  	s1 =	ssub.s32 @!p0 $0x0, s1;
	[sflag:s0] =	ssyncset.done @!p0 $0x0  }
0x75: {  	[sflag:s0] =	ssyncadd.s32 @!p0 s1  }
0x76: {  	[bflag:$0x3] =	sbarrier.arrive $0xFFFF  }
0x77: {  	_ =	shalt  }

// kernel: kernel.21.cloned.1.call-start
scs
__scs_entry_jumppad:
0x0: {  	(pc) =	sbr.rel $0x88, $3  }
0x1: {  	(tag) =	ssettag $0x0;
	lr =	simm.s32 $0x1  }
0x2: {  	[smem:$0x3F93] =	sst lr;
	_ =	strace $0xD0000000  }
0x3: {  	_ = 	snop  }
0x4: {  	_ = 	snop  }
0x5: {  	_ = 	snop  }
0x6: {  	_ = 	snop  }
0x7: {  	_ = 	snop  }
__scs_overlays_trampoline_lowered:
0x8: {  	[smem:$0x3FA2] =	sst s0  }
0x9: {  	[smem:$0x3FA3] =	sst s1  }
0xa: {  	[smem:$0x3FA4] =	sst s2  }
0xb: {  	[smem:$0x3FA5] =	sst s3  }
0xc: {  	[smem:$0x3FA6] =	sst s4  }
0xd: {  	[smem:$0x3FA7] =	sst s5  }
0xe: {  	[smem:$0x3FA8] =	sst s6  }
0xf: {  	[smem:$0x3FA9] =	sst s7  }
0x10: {  	[smem:$0x3FAA] =	sst s8  }
0x11: {  	[smem:$0x3FAB] =	sst s9;
	s0 =	simm.s32 @!p0 $0x0  }
0x12: {  	s1 =	sld [smem:$0x3F91];
	s0 =	simm.s32 @p0 $0x1  }
0x13: {  	[smem:$0x3FAC] =	sst s0;
	s0 =	simm.s32 @!p1 $0x0  }
0x14: {  	s2 =	sld [smem:$0x3F90];
	s0 =	simm.s32 @p1 $0x1  }
0x15: {  	[smem:$0x3FAD] =	sst s0;
	s0 =	simm.s32 @!p2 $0x0  }
0x16: {  	s3 =	sld [smem:$0x3FDB];
	s0 =	simm.s32 @p2 $0x1  }
0x17: {  	s4 =	simm.s32 $0x1BF5;
	[smem:$0x3FAF] =	sst s0  }
0x18: {  	s0 =	sld [smem:$0x3F92];
	_ =	swait.ge [sflag:s4], $0x0  }
0x19: {  	s7 =	sld [smem:$0x3F93]  }
0x1a: {  	s8 =	sadd.s32 $0xFFFFE003, lr  }
0x1b: {  	s9 =	sadd.s32 $0xFFFFFEF7, lr;
	s5 =	simm.s32 $0xFFFFFFFF;
	p2 =	slt.u32 s8, $0xFFFFF086  }
0x1c: {  	p1 =	slt.u32 s9, $0xF7A;
	s5 =	simm.s32 @!p2 $0x0  }
0x1d: {  	s5 =	simm.s32 @p1 $0x1;
	p0 =	seq.s32 s7, s2  }
0x1e: {  	s7 =	smul.u32 @!p0 $0xF7A, s2;
	p2 =	seq.s32 @!p0 s5, $0x0  }
0x1f: {  	s9 =	smul.u32 $0xF7A, s1;
	s8 =	simm.s32 @!p0 $0x1BF5;
	p2 =	por !p2, p0  }
0x20: {  	[sflag:s8] =	ssyncset.s32 @!p0 $0xFFFFF086;
	s6 =	sadd.s32 @!p0 s3, s7;
	s7 =	simm.s32 @!p0 $0x108  }
0x21: {  	s3 =	sadd.s32 s3, s9;
	s6 =	sadd.s32 @!p0 $0x88, s6;
	s7 =	simm.s32 @p2 $0x1082  }
0x22: {  	[simem:s7], [sflag:s8] =	dma.local @!p0 [hbm:s6], $0xF7A  }
0x23: {  	s9 =	sor.u32 $0xD0000000, s2;
	s6 =	simm.s32 $0x108;
	_ =	swait.ge @!p0 [sflag:s8], $0x0  }
0x24: {  	s3 =	sadd.s32 $0x88, s3;
	s6 =	simm.s32 @!p1 $0x1082;
	[sflag:s4] =	ssyncset.s32 $0xFFFFF086  }
0x25: {  	[simem:s6], [sflag:s4] =	dma.local [hbm:s3], $0xF7A  }
0x26: {  	[smem:$0x3F93] =	sst s1;
	(tag) =	ssettag s2;
	_ =	strace s9  }
0x27: {  	s1 =	sld [smem:$0x3FA3]  }
0x28: {  	s2 =	sld [smem:$0x3FA4]  }
0x29: {  	s4 =	sld [smem:$0x3FA6]  }
0x2a: {  	p0 =	seq.s32 s5, $0x0;
	s5 =	sld [smem:$0x3FA7]  }
0x2b: {  	s6 =	sld [smem:$0x3FA8]  }
0x2c: {  	s7 =	sld [smem:$0x3FA9]  }
0x2d: {  	s3 =	simm.s32 $0x108;
	s8 =	sld [smem:$0x3FAA]  }
0x2e: {  	s3 =	simm.s32 @!p0 $0x1082;
	s9 =	sld [smem:$0x3FAB]  }
0x2f: {  	lr =	sadd.s32 s0, s3;
	s0 =	sld [smem:$0x3FA2]  }
0x30: {  	s3 =	sld [smem:$0x3FA5]  }
0x31: {  	[smem:$0x3FAE] =	sst s10  }
0x32: {  	s10 =	sld [smem:$0x3FAC];
	_ =	sdelay $0x3  }
0x33: {  	p0 =	seq.s32 s10, $0x1;
	s10 =	sld [smem:$0x3FAE];
	_ =	sdelay $0x3  }
0x34: {  	[smem:$0x3FAE] =	sst s10  }
0x35: {  	s10 =	sld [smem:$0x3FAD];
	_ =	sdelay $0x3  }
0x36: {  	p1 =	seq.s32 s10, $0x1;
	s10 =	sld [smem:$0x3FAE];
	_ =	sdelay $0x3  }
0x37: {  	[smem:$0x3FAE] =	sst s10  }
0x38: {  	s10 =	sld [smem:$0x3FAF]  }
0x39: {  	_ = 	snop;
	(pc) =	sbr.ind lr, $3  }
0x3a: {  	_ = 	snop  }
0x3b: {  	_ = 	snop  }
0x3c: {  	p2 =	seq.s32 s10, $0x1;
	s10 =	sld [smem:$0x3FAE]  }
0x3d: {  	_ =	shalt  }
0x3e: {  	_ =	shalt  }
0x3f: {  	_ =	shalt  }
0x40: {  	_ =	shalt  }
0x41: {  	_ =	shalt  }
0x42: {  	_ =	shalt  }
0x43: {  	_ =	shalt  }
0x44: {  	_ =	shalt  }
0x45: {  	_ =	shalt  }
0x46: {  	_ =	shalt  }
0x47: {  	_ =	shalt  }
0x48: {  	_ =	shalt  }
0x49: {  	_ =	shalt  }
0x4a: {  	_ =	shalt  }
0x4b: {  	_ =	shalt  }
0x4c: {  	_ =	shalt  }
0x4d: {  	_ =	shalt  }
0x4e: {  	_ =	shalt  }
0x4f: {  	_ =	shalt  }
0x50: {  	_ =	shalt  }
0x51: {  	_ =	shalt  }
0x52: {  	_ =	shalt  }
0x53: {  	_ =	shalt  }
0x54: {  	_ =	shalt  }
0x55: {  	_ =	shalt  }
0x56: {  	_ =	shalt  }
0x57: {  	_ =	shalt  }
0x58: {  	_ =	shalt  }
0x59: {  	_ =	shalt  }
0x5a: {  	_ =	shalt  }
0x5b: {  	_ =	shalt  }
0x5c: {  	_ =	shalt  }
0x5d: {  	_ =	shalt  }
0x5e: {  	_ =	shalt  }
0x5f: {  	_ =	shalt  }
0x60: {  	_ =	shalt  }
0x61: {  	_ =	shalt  }
0x62: {  	_ =	shalt  }
0x63: {  	_ =	shalt  }
0x64: {  	_ =	shalt  }
0x65: {  	_ =	shalt  }
0x66: {  	_ =	shalt  }
0x67: {  	_ =	shalt  }
0x68: {  	_ =	shalt  }
0x69: {  	_ =	shalt  }
0x6a: {  	_ =	shalt  }
0x6b: {  	_ =	shalt  }
0x6c: {  	_ =	shalt  }
0x6d: {  	_ =	shalt  }
0x6e: {  	_ =	shalt  }
0x6f: {  	_ =	shalt  }
0x70: {  	_ =	shalt  }
0x71: {  	_ =	shalt  }
0x72: {  	_ =	shalt  }
0x73: {  	_ =	shalt  }
0x74: {  	_ =	shalt  }
0x75: {  	_ =	shalt  }
0x76: {  	_ =	shalt  }
0x77: {  	_ =	shalt  }
0x78: {  	_ =	shalt  }
0x79: {  	_ =	shalt  }
0x7a: {  	_ =	shalt  }
0x7b: {  	_ =	shalt  }
0x7c: {  	_ =	shalt  }
0x7d: {  	_ =	shalt  }
0x7e: {  	_ =	shalt  }
0x7f: {  	_ =	shalt  }
0x80: {  	_ =	shalt  }
0x81: {  	_ =	shalt  }
0x82: {  	_ =	shalt  }
0x83: {  	_ =	shalt  }
0x84: {  	_ =	shalt  }
0x85: {  	_ =	shalt  }
0x86: {  	_ =	shalt  }
0x87: {  	_ =	shalt  }
.Lfunc_end0:
.L_simem_size_0:
called_computation.3_lowered:
.L_overlay_start_0:
0x88: {  	s2 =	sld [smem:$0x3FD9]  }
0x89: {  	s3 =	sld [smem:$0x3FFE];
	_ =	sdelay $0x1  }
0x8a: {  	s1 =	srdreg.scid  }
0x8b: {  	s0 =	sand.u32 $0x1, s1  }
0x8c: {  	s16 =	sshll.u32 s0, $0xA;
	s2 =	sadd.s32 s3, s2  }
0x8d: {  	s2 =	sadd.s32 s2, s16  }
0x8e: {  	[smem:$0x3FBA] =	sst s2  }
0x8f: {  	_ = 	snop  }
0x90: {  	(tm) =	ssettm $0x1  }
0x91: {  	s17 =	sld [smem:$0x3FFB];
	_ =	sdelay $0x3  }
0x92: {  	_ =	strace s17  }
0x93: {  	s2 =	sld [smem:$0x3FFC];
	_ =	sdelay $0x3  }
0x94: {  	_ =	strace s2  }
0x95: {  	s2 =	sld [smem:$0x3FFD];
	_ =	sdelay $0x3  }
0x96: {  	_ =	strace s2  }
0x97: {  	_ =	strace $0x8FFFFFFF  }
0x98: {  	s18 =	sld [smem:$0x3FDB];
	_ =	sdelay $0x1  }
0x99: {  	s19 =	simm.s32 $_scs_section_size  }
0x9a: {  	s4 =	simm.s32 $_size__tile_overlayer_lowered;
	s5 =	simm.s32 $_tile_overlayer_lowered  }
0x9b: {  	s22 =	simm.s32 $0x1BFF;
	s21 =	sshll.u32 s5, $0x1;
	s2 =	sadd.s32 s19, s18  }
0x9c: {  	s6 =	simm.s32 $0x0;
	s20 =	sshll.u32 s4, $0x1;
	s4 =	sadd.s32 s21, s2  }
0x9d: {  	[timem:s6], [sflag:s22] =	dma.local [hbm:s4], s20  }
0x9e: {  	_ =	swait.ge [sflag:s22], s20  }
0x9f: {  	s3 =	ssub.s32 $0x0, s20;
	[sflag:s22] =	ssyncset.done $0x0  }
0xa0: {  	[sflag:s22] =	ssyncadd.s32 s3;
	_ =	sdelay $0x1  }
0xa1: {  	s23 =	simm.s32 $0x1B8B  }
0xa2: {  	_ =	swait.ge [sflag:s23], $0x1  }
0xa3: {  	[sflag:s23] =	ssyncset.done $0x0  }
0xa4: {  	s25 =	simm.s32 $0x1B8E;
	s24 =	sld [smem:$0x3FFE];
	[sflag:s23] =	ssyncadd.s32 $0xFFFFFFFF  }
0xa5: {  	s26 =	simm.s32 $execute0_lowered;
	[smem:$0x3FD2] =	sst s25  }
0xa6: {  	s4 =	sshll.u32 s26, $0x1;
	_ =	strace $0x8000004F;
	[dreg:$0x1] =	wrdreg $0xFFFFFFFF  }
0xa7: {  	s28 =	simm.s32 $_size_execute0_lowered;
	s2 =	sadd.s32 s2, s4;
	[dreg:$0x0] =	wrdreg $0x0  }
0xa8: {  	s4 =	sshll.u32 s28, $0x1;
	[dreg:$0x2] =	wrdreg s2  }
0xa9: {  	[dreg:$0x3] =	wrdreg s4  }
0xaa: {  	[dreg:$0x4] =	wrdreg $0xC0  }
0xab: {  	_ =	task [dreg:s6], $0x5FFFF  }
0xac: {  	[dreg:$0x1] =	wrdreg $0xFFFFFFFF  }
0xad: {  	[dreg:$0x0] =	wrdreg $0x60  }
0xae: {  	[dreg:$0x2] =	wrdreg s24  }
0xaf: {  	[dreg:$0x3] =	wrdreg $0x80200  }
0xb0: {  	[dreg:$0x4] =	wrdreg $0x120200  }
0xb1: {  	[dreg:$0x5] =	wrdreg $0x9  }
0xb2: {  	_ =	task.clear_ibuf [dreg:s6], $0x6FFFF;
	_ =	strace $0x9000004F  }
0xb3: {  	s29 =	simm.s32 $0x9;
	_ =	strace $0x80000051  }
0xb4: {  	_ =	swait.ge [sflag:s29], $0x1  }
0xb5: {  	[sflag:s29] =	ssyncadd.s32 $0xFFFFFFFF  }
0xb6: {  	_ =	strace $0x90000051  }
0xb7: {  	_ =	sfence  }
0xb8: {  	s30 =	sld [smem:$0x0];
	_ =	sdelay $0x2  }
0xb9: {  	s31 =	sshll.u32 s1, $0xD;
	s1 =	sshrl.u32 s1, $0x2  }
0xba: {  	s3 =	sand.u32 $0x4000, s31;
	s1 =	sadd.s32 s1, s30  }
0xbb: {  	s0 =	sor.u32 s3, s0;
	s1 =	sshll.u32 s1, $0x11  }
0xbc: {  	s0 =	sor.u32 s1, s0  }
0xbd: {  	s0 =	sadd.s32 $0x8F2B, s0  }
0xbe: {  	[sflag:s0] =	ssyncadd.remote.s32 $0x1  }
0xbf: {  	_ =	sfence.sel $0xFFFF  }
0xc0: {  	[dreg:$0x0] =	wrdreg $0xFFFFFFFF;
	(pc) =	sbr.abs _section_cstart, $3  }
0xc1: {  	[dreg:$0x1] =	wrdreg $0xFFFFFFFF  }
0xc2: {  	_ =	task.clear_ibuf [dreg:s6], $0x2FFFF;
	_ =	strace $0x9FFFFFFF  }
0xc3: {  	(tm) =	ssettm $0x7FFFFFFF  }
tec
execute0_lowered:
.L_overlay_start_1:
0x0: {  	(tag) =	ssettag $0x1  }
0x1: {  	s0 =	rddreg [dreg:$0x0]  }
0x2: {  	s1 =	rddreg [dreg:$0x1]  }
0x3: {  	s2 =	rddreg [dreg:$0x2]  }
0x4: {  	s13 =	simm.s32 $0x0;
	s12 =	stileid.u32;
	s18 =	srdreg.scid  }
0x5: {  	s28 =	simm.s32 $0x258;
	s29 =	simm.s32 $0xFA0;
	s30 =	simm.s32 $0x4E20  }
0x6: {  	s31 =	simm.s32 $0x1;
	[smem:$0x7FF] =	sst s13;
	s11 =	smul.u32 $0xA000, s12  }
0x7: {  	s3 =	sadd.s32 $0x2A7E00, s0;
	s7 =	sadd.s32 $0x16D000, s0;
	s10 =	smul.u32 $0x4E20, s12  }
0x8: {  	s8 =	sadd.s32 $0x299000, s0;
	s9 =	sadd.s32 $0x28F200, s0;
	s22 =	smul.u32 $0x9C40, s12  }
0x9: {  	s26 =	sshll.u32 s12, $0x6;
	_ =	strace $0x80000050;
	[dreg:$0x5] =	wrdreg s3  }
0xa: {  	s3 =	sand.u32 $0x1, s18;
	s18 =	simm.s32 $0x4;
	s4 =	sshrl.u32 s11, $0x3  }
0xb: {  	s5 =	ssub.s32 $0x2, s3;
	s3 =	sshll.u32 s3, $0x2;
	s20 =	sadd.s32 s11, s1  }
0xc: {  	s21 =	sshrl.u32 s10, $0x3;
	[dreg:$0x6] =	wrdreg s11;
	s11 =	sadd.s32 s11, s2  }
0xd: {  	s25 =	sadd.s32 s7, s22;
	s16 =	sadd.s32 $0xC8, s10;
	s17 =	sadd.s32 $0x190, s10  }
0xe: {  	s4 =	sadd.s32 s4, s0;
	s6 =	sshrl.u32 s5, $0x1;
	s0 =	sadd.s32 $0x19000, s0  }
0xf: {  	[dreg:$0x8] =	wrdreg s3;
	s23 =	sadd.s32 s8, s21;
	s24 =	sadd.s32 s9, s21  }
0x10: {  	[dreg:$0xc] =	wrdreg s25;
	s20 =	sshrl.u32 s20, $0x3;
	s21 =	simm.s32 $0x5  }
0x11: {  	s22 =	sshrl.u32 s11, $0x3;
	s25 =	simm.s32 $0xC8;
	[dreg:$0x7] =	wrdreg s0  }
0x12: {  	s3 =	simm.s32 $0x3;
	s19 =	ssub.s32 s5, s6;
	[dreg:$0xa] =	wrdreg s23  }
0x13: {  	s4 =	sadd.s32 $0x5000, s4;
	[dreg:$0xb] =	wrdreg s24;
	s23 =	simm.s32 $0x190  }
0x14: {  	[dreg:$0x9] =	wrdreg s4;
	s0 =	smax.u32 s19, $0x1;
	s19 =	sor.u32 $0x1C05, s26  }
0x15: {  	s26 =	simm.s32 $0x1C20;
	[dreg:$0xd] =	wrdreg s0;
	s0 =	simm.s32 $0x2  }
.LBB2_1:
0x16: {  	[dreg:$0x4] =	wrdreg s13;
	s4 =	simm.s32 $0x0  }
.LBB2_2:
0x17: {  	s5 =	rddreg [dreg:$0x8]  }
0x18: {  	s5 =	sadd.s32 s5, s4  }
0x19: {  	s5 =	smul.u32 $0xA0000, s5  }
0x1a: {  	s6 =	rddreg [dreg:$0x6]  }
0x1b: {  	s5 =	sadd.s32 s6, s5  }
0x1c: {  	s11 =	rddreg [dreg:$0x5];
	s24 =	sshrl.u32 s5, $0x3  }
0x1d: {  	s5 =	sadd.s32 s11, s24  }
0x1e: {  	[spmem:s20], [sflag:s19] =	dma.local [hbm:s5], $0x1400  }
0x1f: {  	_ =	swait.ge [sflag:s21], $0x1400  }
0x20: {  	[sflag:s21] =	ssyncset.done $0x0  }
0x21: {  	s12 =	rddreg [dreg:$0x9];
	[sflag:s21] =	ssyncadd.s32 $0xFFFFEC00  }
0x22: {  	[spmem:s22], [sflag:s19] =	dma.local [hbm:s12], $0x1400  }
0x23: {  	_ =	swait.ge [sflag:s21], $0x1400  }
0x24: {  	[sflag:s21] =	ssyncset.done $0x0  }
0x25: {  	[sflag:s21] =	ssyncadd.s32 $0xFFFFEC00  }
0x26: {  	[bflag:$0x0] =	sbarrier.arrive $0xFFFF  }
0x27: {  	s5 =	simm.s32 $0x0;
	s13 =	rddreg [dreg:$0xa]  }
0x28: {  	[tilespmem:s5], [sflag:$0x5] =	stream.linear.gather [hbm4b:s13+s5], $0xC8, $0x38;
	[tilespmem:$0x1C020] =	vst v63  }
0x29: {  	_ =	swait.ge [sflag:s21], $0xC8  }
0x2a: {  	[sflag:s21] =	ssyncset.done $0x0  }
0x2b: {  	s14 =	rddreg [dreg:$0xb];
	[sflag:s21] =	ssyncadd.s32 $0xFFFFFF38  }
0x2c: {  	[tilespmem:s23], [sflag:$0x5] =	stream.linear.gather [hbm4b:s14+s5], $0xC8, $0x38;
	[tilespmem:$0x1C020] =	vst v63  }
0x2d: {  	_ =	swait.ge [sflag:s21], $0xC8  }
0x2e: {  	[sflag:s21] =	ssyncset.done $0x0  }
0x2f: {  	s10 =	simm.s32 $0x320;
	s15 =	rddreg [dreg:$0xc];
	[sflag:s21] =	ssyncadd.s32 $0xFFFFFF38  }
0x30: {  	[tilespmem:s10], [sflag:$0x5] =	stream.linear.gather [hbm4b:s15+s5], $0xC80, $0x38;
	[tilespmem:$0x1C020] =	vst v63  }
0x31: {  	_ =	swait.ge [sflag:s21], $0xC80  }
0x32: {  	[sflag:s21] =	ssyncset.done $0x0  }
0x33: {  	s6 =	simm.s32 $0x0;
	[sflag:s21] =	ssyncadd.s32 $0xFFFFF380  }
0x34: {  	[tilespmem:s26], [sflag:$0x1] =	stream.indirect.gather [spmem:s1], $0x40, s5, s25, $0xb8;
	[tilespmem:$0x1C020] =	vst v63  }
.LBB2_3:
0x35: {  	p0 =	seq.s32 s6, $0x0;
	s10 =	smul.u32 $0x190, s6  }
0x36: {  	s11 =	simm.s32 @!p0 $0x4  }
0x37: {  	_ =	swait.ge @!p0 [sflag:s11], $0x3200;
	s12 =	sadd.s32 s10, s16  }
0x38: {  	[sflag:s11] =	ssyncset.done @!p0 $0x0;
	s13 =	sshrl.u32 s12, $0x3  }
0x39: {  	[sflag:s11] =	ssyncadd.s32 @!p0 $0xFFFFCE00;
	s15 =	sadd.s32 s8, s13  }
0x3a: {  	[tilespmem:s25], [sflag:$0x5] =	stream.linear.gather [hbm4b:s15+s5], $0xC8, $0x38;
	[tilespmem:$0x1C020] =	vst v63  }
0x3b: {  	_ =	swait.ge [sflag:s21], $0xC8  }
0x3c: {  	[sflag:s21] =	ssyncset.done $0x0  }
0x3d: {  	s14 =	sadd.s32 s9, s13;
	[sflag:s21] =	ssyncadd.s32 $0xFFFFFF38  }
0x3e: {  	[tilespmem:s28], [sflag:$0x5] =	stream.linear.gather [hbm4b:s14+s5], $0xC8, $0x38;
	[tilespmem:$0x1C020] =	vst v63  }
0x3f: {  	_ =	swait.ge [sflag:s21], $0xC8  }
0x40: {  	s15 =	sshll.u32 s12, $0x1;
	[sflag:s21] =	ssyncset.done $0x0  }
0x41: {  	s11 =	sadd.s32 s7, s15;
	[sflag:s21] =	ssyncadd.s32 $0xFFFFFF38  }
0x42: {  	[tilespmem:s29], [sflag:$0x5] =	stream.linear.gather [hbm4b:s11+s5], $0xC80, $0x38;
	[tilespmem:$0x1C020] =	vst v63  }
0x43: {  	_ =	swait.ge [sflag:s21], $0xC80  }
0x44: {  	[sflag:s21] =	ssyncset.done $0x0  }
0x45: {  	[sflag:s21] =	ssyncadd.s32 $0xFFFFF380  }
0x46: {  	[tilespmem:s30], [sflag:$0x2] =	stream.indirect.gather [spmem:s1], $0x40, s25, s25, $0xb8;
	[tilespmem:$0x1C020] =	vst v63  }
0x47: {  	_ =	swait.ge [sflag:s31], $0x3200  }
0x48: {  	[sflag:s31] =	ssyncset.done $0x0  }
0x49: {  	s11 =	simm.s32 $0x1CA0;
	[sflag:s31] =	ssyncadd.s32 $0xFFFFCE00  }
0x4a: {  	s12 =	simm.s32 $0x0;
	v0 =	vld [tilespmem:s11+$0xFFFFFFB0]  }
0x4b: {  	v1 =	vld [tilespmem:s12+$0x320]  }
0x4c: {  	v2 =	vld [tilespmem:s11+$0xFFFFFF80]  }
0x4d: {  	v3 =	vld [tilespmem:s11+$0xFFFFFF90]  }
0x4e: {  	v4 =	vld [tilespmem:s11+$0xFFFFFFA0];
	_ =	sdelay $0x1  }
0x4f: {  	v0 =	vmul.f32 v0, v1  }
0x50: {  	v2 =	vmul.f32 v2, v1  }
0x51: {  	v3 =	vmul.f32 v3, v1;
	[tilespmem:s11+$0xFFFFFFB0] =	vst v0  }
0x52: {  	v0 =	vmul.f32 v4, v1;
	[tilespmem:s11+$0xFFFFFF80] =	vst v2  }
0x53: {  	[tilespmem:s11+$0xFFFFFF90] =	vst v3  }
0x54: {  	[tilespmem:s11+$0xFFFFFFA0] =	vst v0;
	v0 =	vld [tilespmem:s11+$0xFFFFFFC0]  }
0x55: {  	v2 =	vld [tilespmem:s12+$0x330]  }
0x56: {  	v1 =	vld [tilespmem:s11+$0xFFFFFFD0]  }
0x57: {  	v3 =	vld [tilespmem:s11+$0xFFFFFFF0]  }
0x58: {  	v62 =	vld [tilespmem:s11+$0xFFFFFFE0];
	_ =	sdelay $0x1  }
0x59: {  	v0 =	vmul.f32 v0, v2  }
0x5a: {  	v1 =	vmul.f32 v1, v2  }
0x5b: {  	v3 =	vmul.f32 v3, v2;
	[tilespmem:s11+$0xFFFFFFC0] =	vst v0  }
0x5c: {  	[tilespmem:s11+$0xFFFFFFD0] =	vst v1;
	v0 =	vmul.f32 v62, v2  }
0x5d: {  	[tilespmem:s11+$0xFFFFFFF0] =	vst v3  }
0x5e: {  	v1 =	vld [tilespmem:s11+$0x0];
	[tilespmem:s11+$0xFFFFFFE0] =	vst v0  }
0x5f: {  	v0 =	vld [tilespmem:s12+$0x340]  }
0x60: {  	v2 =	vld [tilespmem:s11+$0x30]  }
0x61: {  	v63 =	vld [tilespmem:s11+$0x20]  }
0x62: {  	v3 =	vld [tilespmem:s11+$0x10];
	_ =	sdelay $0x1  }
0x63: {  	v1 =	vmul.f32 v1, v0  }
0x64: {  	v5 =	vmul.f32 v2, v0  }
0x65: {  	[tilespmem:s11+$0x0] =	vst v1  }
0x66: {  	s13 =	simm.s32 $0x100;
	s14 =	simm.s32 $0x1CA0;
	v2 =	vmul.f32 v3, v0;
	v1 =	vmul.f32 v63, v0;
	[tilespmem:s11+$0x30] =	vst v5;
	v0 =	vld [tilespmem:s11+$0x70]  }
.LBB2_4:
0x67: {  	p0 =	sne.s32 s13, $0x3100  }
0x68: {  	[tilespmem:s11+$0x10] =	vst v2;
	v2 =	vld [tilespmem:s11+$0x40];
	s14 =	sadd.s32 $0x100, s14;
	s15 =	smov.u32 s13;
	s13 =	sadd.s32 $0x100, s13  }
0x69: {  	[tilespmem:s11+$0x20] =	vst v1;
	v1 =	vld [tilespmem:s11+$0x50]  }
0x6a: {  	v3 =	vld [tilespmem:s12+$0x350]  }
0x6b: {  	v4 =	vld [tilespmem:s11+$0x60];
	_ =	sdelay $0x3  }
0x6c: {  	v2 =	vmul.f32 v2, v3;
	v1 =	vmul.f32 v1, v3  }
0x6d: {  	v0 =	vmul.f32 v0, v3;
	v4 =	vmul.f32 v4, v3  }
0x6e: {  	[tilespmem:s11+$0x40] =	vst v2  }
0x6f: {  	v2 =	vld [tilespmem:s14+$0xFFFFFFA0];
	[tilespmem:s11+$0x70] =	vst v0  }
0x70: {  	v0 =	vld [tilespmem:s14+$0xFFFFFFB0];
	[tilespmem:s11+$0x50] =	vst v1  }
0x71: {  	s12 =	sshra.s32 s15, $0x2;
	v1 =	vld [tilespmem:s14+$0xFFFFFF80];
	[tilespmem:s11+$0x60] =	vst v4;
	s11 =	smov.u32 s14  }
0x72: {  	v3 =	vld [tilespmem:s12+$0x320]  }
0x73: {  	v4 =	vld [tilespmem:s14+$0xFFFFFF90];
	_ =	sdelay $0x3  }
0x74: {  	v1 =	vmul.f32 v1, v3;
	v0 =	vmul.f32 v0, v3  }
0x75: {  	v2 =	vmul.f32 v2, v3;
	v4 =	vmul.f32 v4, v3  }
0x76: {  	[tilespmem:s14+$0xFFFFFFB0] =	vst v0  }
0x77: {  	[tilespmem:s14+$0xFFFFFF80] =	vst v1;
	v0 =	vld [tilespmem:s14+$0xFFFFFFF0]  }
0x78: {  	[tilespmem:s14+$0xFFFFFF90] =	vst v4;
	v1 =	vld [tilespmem:s14+$0xFFFFFFD0]  }
0x79: {  	[tilespmem:s14+$0xFFFFFFA0] =	vst v2;
	v2 =	vld [tilespmem:s14+$0xFFFFFFC0]  }
0x7a: {  	v3 =	vld [tilespmem:s12+$0x330]  }
0x7b: {  	v4 =	vld [tilespmem:s14+$0xFFFFFFE0];
	_ =	sdelay $0x3  }
0x7c: {  	v2 =	vmul.f32 v2, v3;
	v1 =	vmul.f32 v1, v3  }
0x7d: {  	v0 =	vmul.f32 v0, v3;
	v4 =	vmul.f32 v4, v3  }
0x7e: {  	[tilespmem:s14+$0xFFFFFFC0] =	vst v2  }
0x7f: {  	[tilespmem:s14+$0xFFFFFFD0] =	vst v1;
	v3 =	vld [tilespmem:s14+$0x30]  }
0x80: {  	[tilespmem:s14+$0xFFFFFFF0] =	vst v0;
	v0 =	vld [tilespmem:s14+$0x0]  }
0x81: {  	[tilespmem:s14+$0xFFFFFFE0] =	vst v4;
	v1 =	vld [tilespmem:s14+$0x10]  }
0x82: {  	v4 =	vld [tilespmem:s12+$0x340]  }
0x83: {  	v5 =	vld [tilespmem:s14+$0x20];
	_ =	sdelay $0x2  }
.Ltmp0:
0x84: {  	(pc) =	sbr.rel @p0 .LBB2_4-.Ltmp0, $4  }
0x85: {  	v0 =	vmul.f32 v0, v4;
	v2 =	vmul.f32 v1, v4  }
0x86: {  	v3 =	vmul.f32 v3, v4;
	v1 =	vmul.f32 v5, v4  }
0x87: {  	[tilespmem:s14+$0x0] =	vst v0  }
0x88: {  	[tilespmem:s14+$0x30] =	vst v3;
	v0 =	vld [tilespmem:s14+$0x70]  }
0x89: {  	[tilespmem:s11+$0x10] =	vst v2  }
0x8a: {  	v2 =	vld [tilespmem:s11+$0x40];
	[tilespmem:s11+$0x20] =	vst v1  }
0x8b: {  	v1 =	vld [tilespmem:s12+$0x350];
	_ =	sdelay $0x1  }
0x8c: {  	v3 =	vld [tilespmem:s11+$0x50]  }
0x8d: {  	v4 =	vld [tilespmem:s11+$0x60];
	_ =	sdelay $0x1  }
0x8e: {  	v2 =	vmul.f32 v2, v1  }
0x8f: {  	v0 =	vmul.f32 v0, v1  }
0x90: {  	v3 =	vmul.f32 v3, v1;
	[tilespmem:s11+$0x40] =	vst v2  }
0x91: {  	v1 =	vmul.f32 v4, v1;
	[tilespmem:s11+$0x70] =	vst v0  }
0x92: {  	p0 =	seq.s32 s6, $0x31;
	[tilespmem:s11+$0x50] =	vst v3  }
0x93: {  	[tilespmem:s11+$0x60] =	vst v1;
	s11 =	simm.s32 @!p0 $0x3  }
0x94: {  	[spmem:s2] =	stream.indirect.scatter.add.f32 [tilespmem:s26], [sflag:$0x3], $0x40, s23, s25, $0xb8;
	[tilespmem:$0x1C020] =	vst v63  }
0x95: {  	s10 =	sadd.s32 @!p0 s10, s17;
	_ =	swait.ge @!p0 [sflag:s11], $0x3200  }
0x96: {  	s12 =	sshrl.u32 @!p0 s10, $0x3;
	[sflag:s11] =	ssyncset.done @!p0 $0x0  }
0x97: {  	s13 =	simm.s32 @!p0 $0x0;
	[sflag:s11] =	ssyncadd.s32 @!p0 $0xFFFFCE00;
	s11 =	sadd.s32 @!p0 s8, s12  }
0x98: {  	[tilespmem:s13], [sflag:$0x5] =	stream.linear.gather @!p0 [hbm4b:s11+s13], $0xC8, $0x38;
	[tilespmem:$0x1C020] =	vst v63  }
0x99: {  	s11 =	simm.s32 @!p0 $0x5  }
0x9a: {  	_ =	swait.ge @!p0 [sflag:s11], $0xC8  }
0x9b: {  	[sflag:s11] =	ssyncset.done @!p0 $0x0  }
0x9c: {  	s14 =	simm.s32 @!p0 $0x190;
	s12 =	sadd.s32 @!p0 s9, s12;
	[sflag:s11] =	ssyncadd.s32 @!p0 $0xFFFFFF38  }
0x9d: {  	[tilespmem:s14], [sflag:$0x5] =	stream.linear.gather @!p0 [hbm4b:s12+s13], $0xC8, $0x38;
	[tilespmem:$0x1C020] =	vst v63  }
0x9e: {  	_ =	swait.ge @!p0 [sflag:s11], $0xC8  }
0x9f: {  	s10 =	sshll.u32 @!p0 s10, $0x1;
	[sflag:s11] =	ssyncset.done @!p0 $0x0  }
0xa0: {  	s10 =	sadd.s32 @!p0 s7, s10;
	s12 =	simm.s32 @!p0 $0x320;
	[sflag:s11] =	ssyncadd.s32 @!p0 $0xFFFFFF38  }
0xa1: {  	[tilespmem:s12], [sflag:$0x5] =	stream.linear.gather @!p0 [hbm4b:s10+s13], $0xC80, $0x38;
	[tilespmem:$0x1C020] =	vst v63  }
0xa2: {  	_ =	swait.ge @!p0 [sflag:s11], $0xC80  }
0xa3: {  	[sflag:s11] =	ssyncset.done @!p0 $0x0  }
0xa4: {  	s10 =	simm.s32 @!p0 $0xC8;
	[sflag:s11] =	ssyncadd.s32 @!p0 $0xFFFFF380;
	s11 =	simm.s32 @!p0 $0x1C20  }
0xa5: {  	[tilespmem:s11], [sflag:$0x1] =	stream.indirect.gather @!p0 [spmem:s1], $0x40, s13, s10, $0xb8;
	[tilespmem:$0x1C020] =	vst v63  }
0xa6: {  	_ =	swait.ge [sflag:s0], $0x3200  }
0xa7: {  	[sflag:s0] =	ssyncset.done $0x0  }
0xa8: {  	s10 =	simm.s32 $0x4EA0;
	[sflag:s0] =	ssyncadd.s32 $0xFFFFCE00  }
0xa9: {  	s11 =	simm.s32 $0x0;
	v0 =	vld [tilespmem:s10+$0xFFFFFFB0]  }
0xaa: {  	v1 =	vld [tilespmem:s11+$0xFA0]  }
0xab: {  	v2 =	vld [tilespmem:s10+$0xFFFFFF80]  }
0xac: {  	v3 =	vld [tilespmem:s10+$0xFFFFFF90]  }
0xad: {  	v61 =	vld [tilespmem:s10+$0xFFFFFFA0];
	_ =	sdelay $0x1  }
0xae: {  	v0 =	vmul.f32 v0, v1  }
0xaf: {  	v2 =	vmul.f32 v2, v1  }
0xb0: {  	v3 =	vmul.f32 v3, v1;
	[tilespmem:s10+$0xFFFFFFB0] =	vst v0  }
0xb1: {  	v0 =	vmul.f32 v61, v1;
	[tilespmem:s10+$0xFFFFFF80] =	vst v2  }
0xb2: {  	[tilespmem:s10+$0xFFFFFF90] =	vst v3  }
0xb3: {  	[tilespmem:s10+$0xFFFFFFA0] =	vst v0;
	v0 =	vld [tilespmem:s10+$0xFFFFFFC0]  }
0xb4: {  	v2 =	vld [tilespmem:s11+$0xFB0]  }
0xb5: {  	v1 =	vld [tilespmem:s10+$0xFFFFFFD0]  }
0xb6: {  	v3 =	vld [tilespmem:s10+$0xFFFFFFF0]  }
0xb7: {  	v62 =	vld [tilespmem:s10+$0xFFFFFFE0];
	_ =	sdelay $0x1  }
0xb8: {  	v0 =	vmul.f32 v0, v2  }
0xb9: {  	v1 =	vmul.f32 v1, v2  }
0xba: {  	v3 =	vmul.f32 v3, v2;
	[tilespmem:s10+$0xFFFFFFC0] =	vst v0  }
0xbb: {  	[tilespmem:s10+$0xFFFFFFD0] =	vst v1;
	v0 =	vmul.f32 v62, v2  }
0xbc: {  	[tilespmem:s10+$0xFFFFFFF0] =	vst v3  }
0xbd: {  	v1 =	vld [tilespmem:s10+$0x0];
	[tilespmem:s10+$0xFFFFFFE0] =	vst v0  }
0xbe: {  	v0 =	vld [tilespmem:s11+$0xFC0]  }
0xbf: {  	v2 =	vld [tilespmem:s10+$0x30]  }
0xc0: {  	v63 =	vld [tilespmem:s10+$0x20]  }
0xc1: {  	v3 =	vld [tilespmem:s10+$0x10];
	_ =	sdelay $0x1  }
0xc2: {  	v1 =	vmul.f32 v1, v0  }
0xc3: {  	v5 =	vmul.f32 v2, v0  }
0xc4: {  	[tilespmem:s10+$0x0] =	vst v1  }
0xc5: {  	s12 =	simm.s32 $0x100;
	s13 =	simm.s32 $0x4EA0;
	v2 =	vmul.f32 v3, v0;
	v1 =	vmul.f32 v63, v0;
	[tilespmem:s10+$0x30] =	vst v5;
	v0 =	vld [tilespmem:s10+$0x70]  }
.LBB2_6:
0xc6: {  	p0 =	sne.s32 s12, $0x3100  }
0xc7: {  	[tilespmem:s10+$0x10] =	vst v2;
	v2 =	vld [tilespmem:s10+$0x40];
	s13 =	sadd.s32 $0x100, s13;
	s14 =	smov.u32 s12;
	s12 =	sadd.s32 $0x100, s12  }
0xc8: {  	[tilespmem:s10+$0x20] =	vst v1;
	v1 =	vld [tilespmem:s10+$0x50]  }
0xc9: {  	v3 =	vld [tilespmem:s11+$0xFD0]  }
0xca: {  	v4 =	vld [tilespmem:s10+$0x60];
	_ =	sdelay $0x3  }
0xcb: {  	v2 =	vmul.f32 v2, v3;
	v1 =	vmul.f32 v1, v3  }
0xcc: {  	v0 =	vmul.f32 v0, v3;
	v4 =	vmul.f32 v4, v3  }
0xcd: {  	[tilespmem:s10+$0x40] =	vst v2  }
0xce: {  	v2 =	vld [tilespmem:s13+$0xFFFFFFA0];
	[tilespmem:s10+$0x70] =	vst v0  }
0xcf: {  	v0 =	vld [tilespmem:s13+$0xFFFFFFB0];
	[tilespmem:s10+$0x50] =	vst v1  }
0xd0: {  	s11 =	sshra.s32 s14, $0x2;
	v1 =	vld [tilespmem:s13+$0xFFFFFF80];
	[tilespmem:s10+$0x60] =	vst v4;
	s10 =	smov.u32 s13  }
0xd1: {  	v3 =	vld [tilespmem:s11+$0xFA0]  }
0xd2: {  	v4 =	vld [tilespmem:s13+$0xFFFFFF90];
	_ =	sdelay $0x3  }
0xd3: {  	v1 =	vmul.f32 v1, v3;
	v0 =	vmul.f32 v0, v3  }
0xd4: {  	v2 =	vmul.f32 v2, v3;
	v4 =	vmul.f32 v4, v3  }
0xd5: {  	[tilespmem:s13+$0xFFFFFFB0] =	vst v0  }
0xd6: {  	[tilespmem:s13+$0xFFFFFF80] =	vst v1;
	v0 =	vld [tilespmem:s13+$0xFFFFFFF0]  }
0xd7: {  	[tilespmem:s13+$0xFFFFFF90] =	vst v4;
	v1 =	vld [tilespmem:s13+$0xFFFFFFD0]  }
0xd8: {  	[tilespmem:s13+$0xFFFFFFA0] =	vst v2;
	v2 =	vld [tilespmem:s13+$0xFFFFFFC0]  }
0xd9: {  	v3 =	vld [tilespmem:s11+$0xFB0]  }
0xda: {  	v4 =	vld [tilespmem:s13+$0xFFFFFFE0];
	_ =	sdelay $0x3  }
0xdb: {  	v2 =	vmul.f32 v2, v3;
	v1 =	vmul.f32 v1, v3  }
0xdc: {  	v0 =	vmul.f32 v0, v3;
	v4 =	vmul.f32 v4, v3  }
0xdd: {  	[tilespmem:s13+$0xFFFFFFC0] =	vst v2  }
0xde: {  	[tilespmem:s13+$0xFFFFFFD0] =	vst v1;
	v3 =	vld [tilespmem:s13+$0x30]  }
0xdf: {  	[tilespmem:s13+$0xFFFFFFF0] =	vst v0;
	v0 =	vld [tilespmem:s13+$0x0]  }
0xe0: {  	[tilespmem:s13+$0xFFFFFFE0] =	vst v4;
	v1 =	vld [tilespmem:s13+$0x10]  }
0xe1: {  	v4 =	vld [tilespmem:s11+$0xFC0]  }
0xe2: {  	v5 =	vld [tilespmem:s13+$0x20];
	_ =	sdelay $0x2  }
.Ltmp1:
0xe3: {  	(pc) =	sbr.rel @p0 .LBB2_6-.Ltmp1, $4  }
0xe4: {  	v0 =	vmul.f32 v0, v4;
	v2 =	vmul.f32 v1, v4  }
0xe5: {  	v3 =	vmul.f32 v3, v4;
	v1 =	vmul.f32 v5, v4  }
0xe6: {  	[tilespmem:s13+$0x0] =	vst v0  }
0xe7: {  	[tilespmem:s13+$0x30] =	vst v3;
	v0 =	vld [tilespmem:s13+$0x70]  }
0xe8: {  	[tilespmem:s10+$0x10] =	vst v2  }
0xe9: {  	v63 =	vld [tilespmem:s10+$0x40];
	[tilespmem:s10+$0x20] =	vst v1  }
0xea: {  	v1 =	vld [tilespmem:s11+$0xFD0];
	_ =	sdelay $0x1  }
0xeb: {  	v3 =	vld [tilespmem:s10+$0x50]  }
0xec: {  	v4 =	vld [tilespmem:s10+$0x60];
	_ =	sdelay $0x1  }
0xed: {  	s6 =	sadd.s32 $0x1, s6;
	v2 =	vmul.f32 v63, v1  }
0xee: {  	p0 =	sne.s32 s6, $0x32;
	v0 =	vmul.f32 v0, v1  }
.Ltmp2:
0xef: {  	v3 =	vmul.f32 v3, v1;
	[tilespmem:s10+$0x40] =	vst v2;
	(pc) =	sbr.rel @p0 .LBB2_3-.Ltmp2, $4  }
0xf0: {  	v1 =	vmul.f32 v4, v1;
	[tilespmem:s10+$0x70] =	vst v0  }
0xf1: {  	[tilespmem:s10+$0x50] =	vst v3  }
0xf2: {  	[tilespmem:s10+$0x60] =	vst v1  }
0xf3: {  	[spmem:s2] =	stream.indirect.scatter.add.f32 [tilespmem:s30], [sflag:$0x4], $0x40, s28, s25, $0xb8;
	[tilespmem:$0x1C020] =	vst v63  }
0xf4: {  	_ =	swait.ge [sflag:s3], $0x3200  }
0xf5: {  	[sflag:s3] =	ssyncset.done $0x0  }
0xf6: {  	[sflag:s3] =	ssyncadd.s32 $0xFFFFCE00  }
0xf7: {  	_ =	swait.ge [sflag:s18], $0x3200  }
0xf8: {  	[sflag:s18] =	ssyncset.done $0x0  }
0xf9: {  	[sflag:s18] =	ssyncadd.s32 $0xFFFFCE00  }
0xfa: {  	[bflag:$0x0] =	sbarrier.arrive $0xFFFF  }
0xfb: {  	s4 =	sadd.s32 $0x1, s4;
	s5 =	rddreg [dreg:$0x7]  }
0xfc: {  	p0 =	sne.s32 s4, $0x4;
	s5 =	sadd.s32 s5, s24  }
0xfd: {  	[hbm:s5], [sflag:s19] =	dma.local [spmem:s22], $0x1400  }
.Ltmp3:
0xfe: {  	_ =	swait.ge [sflag:s21], $0x1400;
	(pc) =	sbr.rel @p0 .LBB2_2-.Ltmp3, $3  }
0xff: {  	[sflag:s21] =	ssyncset.done $0x0  }
0x100: {  	[sflag:s21] =	ssyncadd.s32 $0xFFFFEC00  }
0x101: {  	[bflag:$0x0] =	sbarrier.arrive $0xFFFF;
	_ =	sdelay $0x1  }
0x102: {  	s13 =	rddreg [dreg:$0x4]  }
0x103: {  	s4 =	rddreg [dreg:$0xd];
	s13 =	sadd.s32 $0x1, s13  }
0x104: {  	p0 =	sne.s32 s13, s4  }
.Ltmp4:
0x105: {  	_ = 	snop;
	(pc) =	sbr.rel @p0 .LBB2_1-.Ltmp4, $1  }
0x106: {  	_ =	sdelay $0x3  }
0x107: {  	_ =	sfence.sel $0x180000  }
0x108: {  	[bflag:$0x0] =	sbarrier.arrive $0xFFFF  }
0x109: {  	_ =	strace $0x90000050  }
0x10a: {  	s0 =	stileid.u32;
	[bflag:$0x2] =	sbarrier.arrive $0xFFFF  }
0x10b: {  	p0 =	sne.s32 s0, $0x0;
	s0 =	rddreg [dreg:$0x3]  }
0x10c: {  	s0 =	sadd.s32 @!p0 $0x100000, s0  }
0x10d: {  	[sflag:s0] =	ssyncadd.tile.s32 @!p0 $0x1;
	_ =	shalt  }
.Lfunc_end2:
_tile_overlayer_lowered:
.L_overlay_start_2:
0x10e: {  	(tag) =	ssettag $0x2  }
0x10f: {  	s0 =	rddreg [dreg:$0x0];
	s2 =	stileid.u32  }
0x110: {  	s1 =	rddreg [dreg:$0x1];
	p0 =	sne.s32 s2, $0x0  }
0x111: {  	s3 =	rddreg [dreg:$0x2];
	[bflag:$0x3] =	sbarrier.arrive $0xFFFF;
	s2 =	simm.s32 @!p0 $0x1C05  }
0x112: {  	[timem:s3], [sflag:s2] =	dma.local @!p0 [hbm:s0], s1  }
0x113: {  	s0 =	simm.s32 @!p0 $0x5  }
0x114: {  	_ =	swait.ge @!p0 [sflag:s0], s1  }
0x115: {  	s1 =	ssub.s32 @!p0 $0x0, s1;
	[sflag:s0] =	ssyncset.done @!p0 $0x0  }
0x116: {  	[sflag:s0] =	ssyncadd.s32 @!p0 s1  }
0x117: {  	[bflag:$0x3] =	sbarrier.arrive $0xFFFF  }
0x118: {  	_ =	shalt  }

// kernel: kernel.24.cloned.1.call-start
scs
__scs_entry_jumppad:
0x0: {  	(pc) =	sbr.rel $0x88, $3  }
0x1: {  	(tag) =	ssettag $0x0;
	lr =	simm.s32 $0x1  }
0x2: {  	[smem:$0x3F93] =	sst lr;
	_ =	strace $0xD0000000  }
0x3: {  	_ = 	snop  }
0x4: {  	_ = 	snop  }
0x5: {  	_ = 	snop  }
0x6: {  	_ = 	snop  }
0x7: {  	_ = 	snop  }
__scs_overlays_trampoline_lowered:
0x8: {  	[smem:$0x3FA2] =	sst s0  }
0x9: {  	[smem:$0x3FA3] =	sst s1  }
0xa: {  	[smem:$0x3FA4] =	sst s2  }
0xb: {  	[smem:$0x3FA5] =	sst s3  }
0xc: {  	[smem:$0x3FA6] =	sst s4  }
0xd: {  	[smem:$0x3FA7] =	sst s5  }
0xe: {  	[smem:$0x3FA8] =	sst s6  }
0xf: {  	[smem:$0x3FA9] =	sst s7  }
0x10: {  	[smem:$0x3FAA] =	sst s8  }
0x11: {  	[smem:$0x3FAB] =	sst s9;
	s0 =	simm.s32 @!p0 $0x0  }
0x12: {  	s1 =	sld [smem:$0x3F91];
	s0 =	simm.s32 @p0 $0x1  }
0x13: {  	[smem:$0x3FAC] =	sst s0;
	s0 =	simm.s32 @!p1 $0x0  }
0x14: {  	s2 =	sld [smem:$0x3F90];
	s0 =	simm.s32 @p1 $0x1  }
0x15: {  	[smem:$0x3FAD] =	sst s0;
	s0 =	simm.s32 @!p2 $0x0  }
0x16: {  	s3 =	sld [smem:$0x3FDB];
	s0 =	simm.s32 @p2 $0x1  }
0x17: {  	s4 =	simm.s32 $0x1BF5;
	[smem:$0x3FAF] =	sst s0  }
0x18: {  	s0 =	sld [smem:$0x3F92];
	_ =	swait.ge [sflag:s4], $0x0  }
0x19: {  	s7 =	sld [smem:$0x3F93]  }
0x1a: {  	s8 =	sadd.s32 $0xFFFFE003, lr  }
0x1b: {  	s9 =	sadd.s32 $0xFFFFFEF7, lr;
	s5 =	simm.s32 $0xFFFFFFFF;
	p2 =	slt.u32 s8, $0xFFFFF086  }
0x1c: {  	p1 =	slt.u32 s9, $0xF7A;
	s5 =	simm.s32 @!p2 $0x0  }
0x1d: {  	s5 =	simm.s32 @p1 $0x1;
	p0 =	seq.s32 s7, s2  }
0x1e: {  	s7 =	smul.u32 @!p0 $0xF7A, s2;
	p2 =	seq.s32 @!p0 s5, $0x0  }
0x1f: {  	s9 =	smul.u32 $0xF7A, s1;
	s8 =	simm.s32 @!p0 $0x1BF5;
	p2 =	por !p2, p0  }
0x20: {  	[sflag:s8] =	ssyncset.s32 @!p0 $0xFFFFF086;
	s6 =	sadd.s32 @!p0 s3, s7;
	s7 =	simm.s32 @!p0 $0x108  }
0x21: {  	s3 =	sadd.s32 s3, s9;
	s6 =	sadd.s32 @!p0 $0x88, s6;
	s7 =	simm.s32 @p2 $0x1082  }
0x22: {  	[simem:s7], [sflag:s8] =	dma.local @!p0 [hbm:s6], $0xF7A  }
0x23: {  	s9 =	sor.u32 $0xD0000000, s2;
	s6 =	simm.s32 $0x108;
	_ =	swait.ge @!p0 [sflag:s8], $0x0  }
0x24: {  	s3 =	sadd.s32 $0x88, s3;
	s6 =	simm.s32 @!p1 $0x1082;
	[sflag:s4] =	ssyncset.s32 $0xFFFFF086  }
0x25: {  	[simem:s6], [sflag:s4] =	dma.local [hbm:s3], $0xF7A  }
0x26: {  	[smem:$0x3F93] =	sst s1;
	(tag) =	ssettag s2;
	_ =	strace s9  }
0x27: {  	s1 =	sld [smem:$0x3FA3]  }
0x28: {  	s2 =	sld [smem:$0x3FA4]  }
0x29: {  	s4 =	sld [smem:$0x3FA6]  }
0x2a: {  	p0 =	seq.s32 s5, $0x0;
	s5 =	sld [smem:$0x3FA7]  }
0x2b: {  	s6 =	sld [smem:$0x3FA8]  }
0x2c: {  	s7 =	sld [smem:$0x3FA9]  }
0x2d: {  	s3 =	simm.s32 $0x108;
	s8 =	sld [smem:$0x3FAA]  }
0x2e: {  	s3 =	simm.s32 @!p0 $0x1082;
	s9 =	sld [smem:$0x3FAB]  }
0x2f: {  	lr =	sadd.s32 s0, s3;
	s0 =	sld [smem:$0x3FA2]  }
0x30: {  	s3 =	sld [smem:$0x3FA5]  }
0x31: {  	[smem:$0x3FAE] =	sst s10  }
0x32: {  	s10 =	sld [smem:$0x3FAC];
	_ =	sdelay $0x3  }
0x33: {  	p0 =	seq.s32 s10, $0x1;
	s10 =	sld [smem:$0x3FAE];
	_ =	sdelay $0x3  }
0x34: {  	[smem:$0x3FAE] =	sst s10  }
0x35: {  	s10 =	sld [smem:$0x3FAD];
	_ =	sdelay $0x3  }
0x36: {  	p1 =	seq.s32 s10, $0x1;
	s10 =	sld [smem:$0x3FAE];
	_ =	sdelay $0x3  }
0x37: {  	[smem:$0x3FAE] =	sst s10  }
0x38: {  	s10 =	sld [smem:$0x3FAF]  }
0x39: {  	_ = 	snop;
	(pc) =	sbr.ind lr, $3  }
0x3a: {  	_ = 	snop  }
0x3b: {  	_ = 	snop  }
0x3c: {  	p2 =	seq.s32 s10, $0x1;
	s10 =	sld [smem:$0x3FAE]  }
0x3d: {  	_ =	shalt  }
0x3e: {  	_ =	shalt  }
0x3f: {  	_ =	shalt  }
0x40: {  	_ =	shalt  }
0x41: {  	_ =	shalt  }
0x42: {  	_ =	shalt  }
0x43: {  	_ =	shalt  }
0x44: {  	_ =	shalt  }
0x45: {  	_ =	shalt  }
0x46: {  	_ =	shalt  }
0x47: {  	_ =	shalt  }
0x48: {  	_ =	shalt  }
0x49: {  	_ =	shalt  }
0x4a: {  	_ =	shalt  }
0x4b: {  	_ =	shalt  }
0x4c: {  	_ =	shalt  }
0x4d: {  	_ =	shalt  }
0x4e: {  	_ =	shalt  }
0x4f: {  	_ =	shalt  }
0x50: {  	_ =	shalt  }
0x51: {  	_ =	shalt  }
0x52: {  	_ =	shalt  }
0x53: {  	_ =	shalt  }
0x54: {  	_ =	shalt  }
0x55: {  	_ =	shalt  }
0x56: {  	_ =	shalt  }
0x57: {  	_ =	shalt  }
0x58: {  	_ =	shalt  }
0x59: {  	_ =	shalt  }
0x5a: {  	_ =	shalt  }
0x5b: {  	_ =	shalt  }
0x5c: {  	_ =	shalt  }
0x5d: {  	_ =	shalt  }
0x5e: {  	_ =	shalt  }
0x5f: {  	_ =	shalt  }
0x60: {  	_ =	shalt  }
0x61: {  	_ =	shalt  }
0x62: {  	_ =	shalt  }
0x63: {  	_ =	shalt  }
0x64: {  	_ =	shalt  }
0x65: {  	_ =	shalt  }
0x66: {  	_ =	shalt  }
0x67: {  	_ =	shalt  }
0x68: {  	_ =	shalt  }
0x69: {  	_ =	shalt  }
0x6a: {  	_ =	shalt  }
0x6b: {  	_ =	shalt  }
0x6c: {  	_ =	shalt  }
0x6d: {  	_ =	shalt  }
0x6e: {  	_ =	shalt  }
0x6f: {  	_ =	shalt  }
0x70: {  	_ =	shalt  }
0x71: {  	_ =	shalt  }
0x72: {  	_ =	shalt  }
0x73: {  	_ =	shalt  }
0x74: {  	_ =	shalt  }
0x75: {  	_ =	shalt  }
0x76: {  	_ =	shalt  }
0x77: {  	_ =	shalt  }
0x78: {  	_ =	shalt  }
0x79: {  	_ =	shalt  }
0x7a: {  	_ =	shalt  }
0x7b: {  	_ =	shalt  }
0x7c: {  	_ =	shalt  }
0x7d: {  	_ =	shalt  }
0x7e: {  	_ =	shalt  }
0x7f: {  	_ =	shalt  }
0x80: {  	_ =	shalt  }
0x81: {  	_ =	shalt  }
0x82: {  	_ =	shalt  }
0x83: {  	_ =	shalt  }
0x84: {  	_ =	shalt  }
0x85: {  	_ =	shalt  }
0x86: {  	_ =	shalt  }
0x87: {  	_ =	shalt  }
.Lfunc_end0:
.L_simem_size_0:
called_computation.4_lowered:
.L_overlay_start_0:
0x88: {  	s2 =	sld [smem:$0x3FD9]  }
0x89: {  	s3 =	sld [smem:$0x3FFE];
	_ =	sdelay $0x1  }
0x8a: {  	s1 =	srdreg.scid  }
0x8b: {  	s0 =	sand.u32 $0x1, s1  }
0x8c: {  	s17 =	sshll.u32 s0, $0xA;
	s2 =	sadd.s32 s3, s2  }
0x8d: {  	s2 =	sadd.s32 s2, s17  }
0x8e: {  	[smem:$0x3FBA] =	sst s2  }
0x8f: {  	_ = 	snop  }
0x90: {  	s2 =	sld [smem:$0x3FD0];
	(tm) =	ssettm $0x1  }
0x91: {  	s18 =	sld [smem:$0x3FFB];
	_ =	sdelay $0x3  }
0x92: {  	_ =	strace s18  }
0x93: {  	s3 =	sld [smem:$0x3FFC];
	_ =	sdelay $0x3  }
0x94: {  	_ =	strace s3  }
0x95: {  	s3 =	sld [smem:$0x3FFD];
	_ =	sdelay $0x3  }
0x96: {  	_ =	strace s3  }
0x97: {  	_ =	strace $0x8FFFFFFF  }
0x98: {  	s19 =	sld [smem:$0x3FDB];
	_ =	sdelay $0x1  }
0x99: {  	s4 =	simm.s32 $_scs_section_size  }
0x9a: {  	s5 =	simm.s32 $_size__tile_overlayer_lowered;
	s6 =	simm.s32 $_tile_overlayer_lowered  }
0x9b: {  	s22 =	simm.s32 $0x1BFF;
	s21 =	sshll.u32 s6, $0x1;
	s3 =	sadd.s32 s4, s19  }
0x9c: {  	s7 =	simm.s32 $0x0;
	s20 =	sshll.u32 s5, $0x1;
	s5 =	sadd.s32 s21, s3  }
0x9d: {  	[timem:s7], [sflag:s22] =	dma.local [hbm:s5], s20  }
0x9e: {  	_ =	swait.ge [sflag:s22], s20  }
0x9f: {  	s4 =	ssub.s32 $0x0, s20;
	[sflag:s22] =	ssyncset.done $0x0  }
0xa0: {  	[sflag:s22] =	ssyncadd.s32 s4;
	_ =	sdelay $0x1  }
0xa1: {  	s23 =	simm.s32 $0x1B8B  }
0xa2: {  	_ =	swait.ge [sflag:s23], $0x1  }
0xa3: {  	[sflag:s23] =	ssyncset.done $0x0  }
0xa4: {  	s25 =	simm.s32 $0x1B8E;
	s24 =	sld [smem:$0x3FFE];
	[sflag:s23] =	ssyncadd.s32 $0xFFFFFFFF  }
0xa5: {  	s26 =	simm.s32 $execute0_lowered;
	[smem:$0x3FD2] =	sst s25  }
0xa6: {  	s5 =	sshll.u32 s26, $0x1;
	_ =	strace $0x80000052;
	[dreg:$0x1] =	wrdreg $0xFFFFFFFF  }
0xa7: {  	s28 =	simm.s32 $_size_execute0_lowered;
	s3 =	sadd.s32 s3, s5;
	[dreg:$0x0] =	wrdreg $0x0  }
0xa8: {  	s5 =	sshll.u32 s28, $0x1;
	[dreg:$0x2] =	wrdreg s3  }
0xa9: {  	[dreg:$0x3] =	wrdreg s5  }
0xaa: {  	[dreg:$0x4] =	wrdreg $0xC0  }
0xab: {  	_ =	task [dreg:s7], $0x5FFFF  }
0xac: {  	[dreg:$0x1] =	wrdreg $0xFFFFFFFF  }
0xad: {  	[dreg:$0x0] =	wrdreg $0x60  }
0xae: {  	[dreg:$0x2] =	wrdreg s24  }
0xaf: {  	[dreg:$0x3] =	wrdreg s2  }
0xb0: {  	[dreg:$0x4] =	wrdreg $0x4E300  }
0xb1: {  	[dreg:$0x5] =	wrdreg $0x9  }
0xb2: {  	_ =	task.clear_ibuf [dreg:s7], $0x6FFFF;
	_ =	strace $0x90000052  }
0xb3: {  	s29 =	simm.s32 $0x9;
	_ =	strace $0x80000054  }
0xb4: {  	_ =	swait.ge [sflag:s29], $0x1  }
0xb5: {  	[sflag:s29] =	ssyncadd.s32 $0xFFFFFFFF  }
0xb6: {  	_ =	strace $0x90000054  }
0xb7: {  	_ =	sfence  }
0xb8: {  	s30 =	sld [smem:$0x0];
	_ =	sdelay $0x2  }
0xb9: {  	s31 =	sshll.u32 s1, $0xD;
	s1 =	sshrl.u32 s1, $0x2  }
0xba: {  	s3 =	sand.u32 $0x4000, s31;
	s1 =	sadd.s32 s1, s30  }
0xbb: {  	s0 =	sor.u32 s3, s0;
	s1 =	sshll.u32 s1, $0x11  }
0xbc: {  	s0 =	sor.u32 s1, s0  }
0xbd: {  	s0 =	sadd.s32 $0x8F2B, s0  }
0xbe: {  	[sflag:s0] =	ssyncadd.remote.s32 $0x1  }
0xbf: {  	_ =	sfence.sel $0xFFFF  }
0xc0: {  	[dreg:$0x0] =	wrdreg $0xFFFFFFFF;
	(pc) =	sbr.abs _section_cstart, $3  }
0xc1: {  	[dreg:$0x1] =	wrdreg $0xFFFFFFFF  }
0xc2: {  	_ =	task.clear_ibuf [dreg:s7], $0x2FFFF;
	_ =	strace $0x9FFFFFFF  }
0xc3: {  	(tm) =	ssettm $0x7FFFFFFF  }
tec
execute0_lowered:
.L_overlay_start_1:
0x0: {  	(tag) =	ssettag $0x1  }
0x1: {  	s9 =	rddreg [dreg:$0x0]  }
0x2: {  	s2 =	rddreg [dreg:$0x1]  }
0x3: {  	s3 =	rddreg [dreg:$0x2]  }
0x4: {  	s1 =	stileid.u32;
	s5 =	srdreg.scid;
	s4 =	simm.s32 $0x0  }
0x5: {  	s18 =	simm.s32 $0x190;
	s19 =	simm.s32 $0x320;
	s20 =	simm.s32 $0x1  }
0x6: {  	s21 =	simm.s32 $0x1C20;
	s22 =	simm.s32 $0x3520;
	s23 =	simm.s32 $0x0  }
0x7: {  	s10 =	smul.u32 $0x2800, s1;
	s11 =	sand.u32 $0x1, s5;
	[smem:$0x7FF] =	sst s4  }
0x8: {  	s5 =	sadd.s32 $0xA000, s9;
	s6 =	sadd.s32 $0x5000, s9;
	s7 =	sadd.s32 $0x299000, s9  }
0x9: {  	s16 =	sshll.u32 s1, $0x6;
	s8 =	smul.u32 $0x28000, s11;
	_ =	strace $0x80000053  }
0xa: {  	s14 =	ssub.s32 $0x2, s11;
	s11 =	sshll.u32 s11, $0x4;
	s16 =	sor.u32 $0x1C02, s16  }
0xb: {  	s13 =	sshrl.u32 s10, $0x3;
	s15 =	sshrl.u32 s14, $0x1;
	s11 =	sor.u32 s1, s11  }
0xc: {  	s17 =	sadd.s32 s10, s3;
	s12 =	sadd.s32 s10, s8;
	s8 =	sadd.s32 $0x28F200, s9  }
0xd: {  	s13 =	sadd.s32 s13, s9;
	s14 =	ssub.s32 s14, s15;
	s11 =	smul.u32 $0x2710, s11  }
0xe: {  	s15 =	simm.s32 $0x2;
	s17 =	sshrl.u32 s17, $0x3;
	s12 =	sshrl.u32 s12, $0x3  }
0xf: {  	s10 =	sadd.s32 $0x2A2E00, s13;
	s13 =	smax.u32 s14, $0x1;
	s12 =	sadd.s32 s12, s9  }
0x10: {  	s14 =	simm.s32 $0x4E20;
	s9 =	sadd.s32 $0x19000, s9;
	s12 =	sadd.s32 $0xF000, s12  }
.LBB2_1:
0x11: {  	[tilespmem:s14], [sflag:$0x2] =	stream.linear.gather [hbm4b:s2+s4], $0x10, $0x38;
	[tilespmem:$0x7630] =	vst v63  }
0x12: {  	_ =	swait.ge [sflag:s15], $0x10  }
0x13: {  	[sflag:s15] =	ssyncset.done $0x0  }
0x14: {  	[sflag:s15] =	ssyncadd.s32 $0xFFFFFFF0  }
0x15: {  	v0 =	vld [tilespmem:$0x4E20];
	[spmem:s17], [sflag:s16] =	dma.local [hbm:s10], $0x500  }
0x16: {  	_ =	swait.ge [sflag:s15], $0x500  }
0x17: {  	[sflag:s15] =	ssyncset.done $0x0  }
0x18: {  	[sflag:s15] =	ssyncadd.s32 $0xFFFFFB00  }
0x19: {  	s24 =	simm.s32 $0x0;
	[bflag:$0x0] =	sbarrier.arrive $0xFFFF  }
.LBB2_2:
0x1a: {  	s25 =	smul.u32 $0x190, s24;
	_ =	sdelay $0x1  }
0x1b: {  	s25 =	sadd.s32 s11, s25  }
0x1c: {  	s26 =	sshrl.u32 s25, $0x3  }
0x1d: {  	s29 =	simm.s32 $0x0;
	s28 =	sadd.s32 s7, s26  }
0x1e: {  	[tilespmem:s29], [sflag:$0x2] =	stream.linear.gather [hbm4b:s28+s29], $0x190, $0x38;
	[tilespmem:$0x7630] =	vst v63  }
0x1f: {  	_ =	swait.ge [sflag:s15], $0x190  }
0x20: {  	[sflag:s15] =	ssyncset.done $0x0  }
0x21: {  	s26 =	sadd.s32 s8, s26;
	[sflag:s15] =	ssyncadd.s32 $0xFFFFFE70  }
0x22: {  	[tilespmem:s18], [sflag:$0x2] =	stream.linear.gather [hbm4b:s26+s29], $0x190, $0x38;
	[tilespmem:$0x7630] =	vst v63  }
0x23: {  	_ =	swait.ge [sflag:s15], $0x190  }
0x24: {  	[sflag:s15] =	ssyncset.done $0x0  }
0x25: {  	[sflag:s15] =	ssyncadd.s32 $0xFFFFFE70  }
0x26: {  	[tilespmem:s19], [sflag:$0x1] =	stream.indirect.gather [hbm4b:s5+s18], $0x10, s29, s18, $0xb8;
	[tilespmem:$0x7630] =	vst v63  }
0x27: {  	_ =	swait.ge [sflag:s20], $0x1900  }
0x28: {  	[sflag:s20] =	ssyncset.done $0x0  }
0x29: {  	[sflag:s20] =	ssyncadd.s32 $0xFFFFE700  }
0x2a: {  	[tilespmem:s21], [sflag:$0x1] =	stream.indirect.gather [hbm4b:s6+s18], $0x10, s18, s18, $0xb8;
	[tilespmem:$0x7630] =	vst v63  }
0x2b: {  	_ =	swait.ge [sflag:s20], $0x1900  }
0x2c: {  	[sflag:s20] =	ssyncset.done $0x0  }
0x2d: {  	s26 =	simm.s32 $0x0;
	[sflag:s20] =	ssyncadd.s32 $0xFFFFE700  }
0x2e: {  	v1 =	vld [tilespmem:s26+$0x320]  }
0x2f: {  	v2 =	vld [tilespmem:s26+$0x1C20];
	_ =	sdelay $0x1  }
0x30: {  	s28 =	simm.s32 $0x10  }
0x31: {  	v3 =	vld [tilespmem:s28+$0x320]  }
0x32: {  	v4 =	vld [tilespmem:s28+$0x1C20]  }
0x33: {  	v1 =	vadd.f32 v2, v1;
	_ =	sdelay $0x1  }
0x34: {  	v5 =	vmul.f32 $2.000000030e-01, v1  }
0x35: {  	vm0 =	vge.f32 v1, $0.0e+00  }
0x36: {  	v3 =	vadd.f32 v4, v3;
	v1 =	vsel vm0, v1, v5  }
0x37: {  	s29 =	simm.s32 $0x20;
	v1 =	vsub.f32 v1, v0  }
0x38: {  	v2 =	vld [tilespmem:s29+$0x320];
	v6 =	vmul.f32 $2.000000030e-01, v3  }
0x39: {  	v4 =	vld [tilespmem:s29+$0x1C20];
	vm14 =	vge.f32 v3, $0.0e+00;
	v1 =	vmul.f32 $1.442695020e+00, v1  }
0x3a: {  	v3 =	vsel vm14, v3, v6  }
0x3b: {  	v3 =	vsub.f32 v3, v0;
	(erf) = vpow2.f32 v1;
	_ =	sdelay $0x1  }
0x3c: {  	s30 =	simm.s32 $0x30;
	v3 =	vmul.f32 $1.442695020e+00, v3  }
0x3d: {  	v4 =	vadd.f32 v4, v2;
	v2 =	vld [tilespmem:s30+$0x1C20]  }
0x3e: {  	v1 =	vld [tilespmem:s30+$0x320];
	(erf) = vpow2.f32 v3  }
0x3f: {  	v5 =	vmul.f32 $2.000000030e-01, v4  }
0x40: {  	vm15 =	vge.f32 v4, $0.0e+00  }
0x41: {  	s31 =	simm.s32 $0x100;
	v3 =	vsel vm15, v4, v5  }
.LBB2_3:
0x42: {  	s0 =	sshra.s32 s31, $0x2;
	v3 =	vsub.f32 v3, v0;
	p0 =	sne.s32 s31, $0x63C0  }
.Ltmp0:
0x43: {  	s31 =	sadd.s32 $0x40, s31;
	v4 =	vadd.f32 v2, v1;
	v1 =	vld [tilespmem:s0+$0x320];
	v5 =	vpop (erf);
	(pc) =	sbr.rel @p0 .LBB2_3-.Ltmp0, $4  }
0x44: {  	v2 =	vld [tilespmem:s0+$0x1C20];
	v3 =	vmul.f32 $1.442695020e+00, v3;
	[tilespmem:s26+$0x3520] =	vst v5;
	s26 =	smov.u32 s28;
	s28 =	smov.u32 s29;
	s29 =	smov.u32 s30  }
0x45: {  	s30 =	smov.u32 s0;
	v5 =	vmul.f32 $2.000000030e-01, v4  }
0x46: {  	vm0 =	vge.f32 v4, $0.0e+00;
	(erf) = vpow2.f32 v3  }
0x47: {  	v3 =	vsel vm0, v4, v5  }
0x48: {  	_ = 	snop  }
0x49: {  	v1 =	vadd.f32 v2, v1;
	_ =	sdelay $0x1  }
0x4a: {  	v2 =	vmul.f32 $2.000000030e-01, v1  }
0x4b: {  	vm0 =	vge.f32 v1, $0.0e+00  }
0x4c: {  	v3 =	vsub.f32 v3, v0;
	v1 =	vsel vm0, v1, v2  }
0x4d: {  	v1 =	vsub.f32 v1, v0  }
0x4e: {  	v2 =	vmul.f32 $1.442695020e+00, v3  }
0x4f: {  	v1 =	vmul.f32 $1.442695020e+00, v1  }
0x50: {  	(erf) = vpow2.f32 v2  }
0x51: {  	(erf) = vpow2.f32 v1;
	_ =	sdelay $0x5  }
0x52: {  	v1 =	vpop (erf)  }
0x53: {  	v2 =	vpop (erf);
	[tilespmem:s26+$0x3520] =	vst v1  }
0x54: {  	[tilespmem:s28+$0x3520] =	vst v2;
	v1 =	vpop (erf)  }
0x55: {  	[tilespmem:s29+$0x3520] =	vst v1;
	v1 =	vpop (erf)  }
0x56: {  	[tilespmem:s30+$0x3520] =	vst v1  }
0x57: {  	[spmem:s3] =	stream.indirect.scatter.add.f32 [tilespmem:s22], [sflag:$0x2], $0x10, s18, s18, $0xb8;
	[tilespmem:$0x7630] =	vst v63  }
0x58: {  	s24 =	sadd.s32 $0x1, s24;
	_ =	swait.ge [sflag:s15], $0x1900  }
0x59: {  	s0 =	sshll.u32 s25, $0x1;
	p0 =	sne.s32 s24, $0x19;
	[sflag:s15] =	ssyncset.done $0x0  }
.Ltmp1:
0x5a: {  	s0 =	sadd.s32 s9, s0;
	[sflag:s15] =	ssyncadd.s32 $0xFFFFE700;
	(pc) =	sbr.rel @p0 .LBB2_2-.Ltmp1, $4  }
0x5b: {  	[hbm4b:s0+s4] =	stream.linear.scatter [tilespmem:s22], [sflag:$0x2], $0x1900, $0x38;
	[tilespmem:$0x7630] =	vst v63  }
0x5c: {  	_ =	swait.ge [sflag:s15], $0x1900  }
0x5d: {  	[sflag:s15] =	ssyncset.done $0x0  }
0x5e: {  	[sflag:s15] =	ssyncadd.s32 $0xFFFFE700  }
0x5f: {  	s23 =	sadd.s32 $0x1, s23  }
0x60: {  	p0 =	sne.s32 s23, s13  }
.Ltmp2:
0x61: {  	[bflag:$0x0] =	sbarrier.arrive $0xFFFF;
	(pc) =	sbr.rel @p0 .LBB2_1-.Ltmp2, $4  }
0x62: {  	[hbm:s12], [sflag:s16] =	dma.local [spmem:s17], $0x500  }
0x63: {  	_ =	swait.ge [sflag:s15], $0x500  }
0x64: {  	[sflag:s15] =	ssyncset.done $0x0  }
0x65: {  	[sflag:s15] =	ssyncadd.s32 $0xFFFFFB00  }
0x66: {  	_ =	sfence.sel $0x180000  }
0x67: {  	[bflag:$0x0] =	sbarrier.arrive $0xFFFF  }
0x68: {  	_ =	strace $0x90000053  }
0x69: {  	[bflag:$0x2] =	sbarrier.arrive $0xFFFF  }
0x6a: {  	p0 =	sne.s32 s1, $0x0;
	s0 =	rddreg [dreg:$0x3]  }
0x6b: {  	s0 =	sadd.s32 @!p0 $0x100000, s0  }
0x6c: {  	[sflag:s0] =	ssyncadd.tile.s32 @!p0 $0x1;
	_ =	shalt  }
.Lfunc_end2:
_tile_overlayer_lowered:
.L_overlay_start_2:
0x6d: {  	(tag) =	ssettag $0x2  }
0x6e: {  	s0 =	rddreg [dreg:$0x0];
	s2 =	stileid.u32  }
0x6f: {  	s1 =	rddreg [dreg:$0x1];
	p0 =	sne.s32 s2, $0x0  }
0x70: {  	s3 =	rddreg [dreg:$0x2];
	[bflag:$0x3] =	sbarrier.arrive $0xFFFF;
	s2 =	simm.s32 @!p0 $0x1C02  }
0x71: {  	[timem:s3], [sflag:s2] =	dma.local @!p0 [hbm:s0], s1  }
0x72: {  	s0 =	simm.s32 @!p0 $0x2  }
0x73: {  	_ =	swait.ge @!p0 [sflag:s0], s1  }
0x74: {  	s1 =	ssub.s32 @!p0 $0x0, s1;
	[sflag:s0] =	ssyncset.done @!p0 $0x0  }
0x75: {  	[sflag:s0] =	ssyncadd.s32 @!p0 s1  }
0x76: {  	[bflag:$0x3] =	sbarrier.arrive $0xFFFF  }
0x77: {  	_ =	shalt  }

// kernel: kernel.27.cloned.1.call-start
scs
__scs_entry_jumppad:
0x0: {  	(pc) =	sbr.rel $0x88, $3  }
0x1: {  	(tag) =	ssettag $0x0;
	lr =	simm.s32 $0x1  }
0x2: {  	[smem:$0x3F93] =	sst lr;
	_ =	strace $0xD0000000  }
0x3: {  	_ = 	snop  }
0x4: {  	_ = 	snop  }
0x5: {  	_ = 	snop  }
0x6: {  	_ = 	snop  }
0x7: {  	_ = 	snop  }
__scs_overlays_trampoline_lowered:
0x8: {  	[smem:$0x3FA2] =	sst s0  }
0x9: {  	[smem:$0x3FA3] =	sst s1  }
0xa: {  	[smem:$0x3FA4] =	sst s2  }
0xb: {  	[smem:$0x3FA5] =	sst s3  }
0xc: {  	[smem:$0x3FA6] =	sst s4  }
0xd: {  	[smem:$0x3FA7] =	sst s5  }
0xe: {  	[smem:$0x3FA8] =	sst s6  }
0xf: {  	[smem:$0x3FA9] =	sst s7  }
0x10: {  	[smem:$0x3FAA] =	sst s8  }
0x11: {  	[smem:$0x3FAB] =	sst s9;
	s0 =	simm.s32 @!p0 $0x0  }
0x12: {  	s1 =	sld [smem:$0x3F91];
	s0 =	simm.s32 @p0 $0x1  }
0x13: {  	[smem:$0x3FAC] =	sst s0;
	s0 =	simm.s32 @!p1 $0x0  }
0x14: {  	s2 =	sld [smem:$0x3F90];
	s0 =	simm.s32 @p1 $0x1  }
0x15: {  	[smem:$0x3FAD] =	sst s0;
	s0 =	simm.s32 @!p2 $0x0  }
0x16: {  	s3 =	sld [smem:$0x3FDB];
	s0 =	simm.s32 @p2 $0x1  }
0x17: {  	s4 =	simm.s32 $0x1BF5;
	[smem:$0x3FAF] =	sst s0  }
0x18: {  	s0 =	sld [smem:$0x3F92];
	_ =	swait.ge [sflag:s4], $0x0  }
0x19: {  	s7 =	sld [smem:$0x3F93]  }
0x1a: {  	s8 =	sadd.s32 $0xFFFFE003, lr  }
0x1b: {  	s9 =	sadd.s32 $0xFFFFFEF7, lr;
	s5 =	simm.s32 $0xFFFFFFFF;
	p2 =	slt.u32 s8, $0xFFFFF086  }
0x1c: {  	p1 =	slt.u32 s9, $0xF7A;
	s5 =	simm.s32 @!p2 $0x0  }
0x1d: {  	s5 =	simm.s32 @p1 $0x1;
	p0 =	seq.s32 s7, s2  }
0x1e: {  	s7 =	smul.u32 @!p0 $0xF7A, s2;
	p2 =	seq.s32 @!p0 s5, $0x0  }
0x1f: {  	s9 =	smul.u32 $0xF7A, s1;
	s8 =	simm.s32 @!p0 $0x1BF5;
	p2 =	por !p2, p0  }
0x20: {  	[sflag:s8] =	ssyncset.s32 @!p0 $0xFFFFF086;
	s6 =	sadd.s32 @!p0 s3, s7;
	s7 =	simm.s32 @!p0 $0x108  }
0x21: {  	s3 =	sadd.s32 s3, s9;
	s6 =	sadd.s32 @!p0 $0x88, s6;
	s7 =	simm.s32 @p2 $0x1082  }
0x22: {  	[simem:s7], [sflag:s8] =	dma.local @!p0 [hbm:s6], $0xF7A  }
0x23: {  	s9 =	sor.u32 $0xD0000000, s2;
	s6 =	simm.s32 $0x108;
	_ =	swait.ge @!p0 [sflag:s8], $0x0  }
0x24: {  	s3 =	sadd.s32 $0x88, s3;
	s6 =	simm.s32 @!p1 $0x1082;
	[sflag:s4] =	ssyncset.s32 $0xFFFFF086  }
0x25: {  	[simem:s6], [sflag:s4] =	dma.local [hbm:s3], $0xF7A  }
0x26: {  	[smem:$0x3F93] =	sst s1;
	(tag) =	ssettag s2;
	_ =	strace s9  }
0x27: {  	s1 =	sld [smem:$0x3FA3]  }
0x28: {  	s2 =	sld [smem:$0x3FA4]  }
0x29: {  	s4 =	sld [smem:$0x3FA6]  }
0x2a: {  	p0 =	seq.s32 s5, $0x0;
	s5 =	sld [smem:$0x3FA7]  }
0x2b: {  	s6 =	sld [smem:$0x3FA8]  }
0x2c: {  	s7 =	sld [smem:$0x3FA9]  }
0x2d: {  	s3 =	simm.s32 $0x108;
	s8 =	sld [smem:$0x3FAA]  }
0x2e: {  	s3 =	simm.s32 @!p0 $0x1082;
	s9 =	sld [smem:$0x3FAB]  }
0x2f: {  	lr =	sadd.s32 s0, s3;
	s0 =	sld [smem:$0x3FA2]  }
0x30: {  	s3 =	sld [smem:$0x3FA5]  }
0x31: {  	[smem:$0x3FAE] =	sst s10  }
0x32: {  	s10 =	sld [smem:$0x3FAC];
	_ =	sdelay $0x3  }
0x33: {  	p0 =	seq.s32 s10, $0x1;
	s10 =	sld [smem:$0x3FAE];
	_ =	sdelay $0x3  }
0x34: {  	[smem:$0x3FAE] =	sst s10  }
0x35: {  	s10 =	sld [smem:$0x3FAD];
	_ =	sdelay $0x3  }
0x36: {  	p1 =	seq.s32 s10, $0x1;
	s10 =	sld [smem:$0x3FAE];
	_ =	sdelay $0x3  }
0x37: {  	[smem:$0x3FAE] =	sst s10  }
0x38: {  	s10 =	sld [smem:$0x3FAF]  }
0x39: {  	_ = 	snop;
	(pc) =	sbr.ind lr, $3  }
0x3a: {  	_ = 	snop  }
0x3b: {  	_ = 	snop  }
0x3c: {  	p2 =	seq.s32 s10, $0x1;
	s10 =	sld [smem:$0x3FAE]  }
0x3d: {  	_ =	shalt  }
0x3e: {  	_ =	shalt  }
0x3f: {  	_ =	shalt  }
0x40: {  	_ =	shalt  }
0x41: {  	_ =	shalt  }
0x42: {  	_ =	shalt  }
0x43: {  	_ =	shalt  }
0x44: {  	_ =	shalt  }
0x45: {  	_ =	shalt  }
0x46: {  	_ =	shalt  }
0x47: {  	_ =	shalt  }
0x48: {  	_ =	shalt  }
0x49: {  	_ =	shalt  }
0x4a: {  	_ =	shalt  }
0x4b: {  	_ =	shalt  }
0x4c: {  	_ =	shalt  }
0x4d: {  	_ =	shalt  }
0x4e: {  	_ =	shalt  }
0x4f: {  	_ =	shalt  }
0x50: {  	_ =	shalt  }
0x51: {  	_ =	shalt  }
0x52: {  	_ =	shalt  }
0x53: {  	_ =	shalt  }
0x54: {  	_ =	shalt  }
0x55: {  	_ =	shalt  }
0x56: {  	_ =	shalt  }
0x57: {  	_ =	shalt  }
0x58: {  	_ =	shalt  }
0x59: {  	_ =	shalt  }
0x5a: {  	_ =	shalt  }
0x5b: {  	_ =	shalt  }
0x5c: {  	_ =	shalt  }
0x5d: {  	_ =	shalt  }
0x5e: {  	_ =	shalt  }
0x5f: {  	_ =	shalt  }
0x60: {  	_ =	shalt  }
0x61: {  	_ =	shalt  }
0x62: {  	_ =	shalt  }
0x63: {  	_ =	shalt  }
0x64: {  	_ =	shalt  }
0x65: {  	_ =	shalt  }
0x66: {  	_ =	shalt  }
0x67: {  	_ =	shalt  }
0x68: {  	_ =	shalt  }
0x69: {  	_ =	shalt  }
0x6a: {  	_ =	shalt  }
0x6b: {  	_ =	shalt  }
0x6c: {  	_ =	shalt  }
0x6d: {  	_ =	shalt  }
0x6e: {  	_ =	shalt  }
0x6f: {  	_ =	shalt  }
0x70: {  	_ =	shalt  }
0x71: {  	_ =	shalt  }
0x72: {  	_ =	shalt  }
0x73: {  	_ =	shalt  }
0x74: {  	_ =	shalt  }
0x75: {  	_ =	shalt  }
0x76: {  	_ =	shalt  }
0x77: {  	_ =	shalt  }
0x78: {  	_ =	shalt  }
0x79: {  	_ =	shalt  }
0x7a: {  	_ =	shalt  }
0x7b: {  	_ =	shalt  }
0x7c: {  	_ =	shalt  }
0x7d: {  	_ =	shalt  }
0x7e: {  	_ =	shalt  }
0x7f: {  	_ =	shalt  }
0x80: {  	_ =	shalt  }
0x81: {  	_ =	shalt  }
0x82: {  	_ =	shalt  }
0x83: {  	_ =	shalt  }
0x84: {  	_ =	shalt  }
0x85: {  	_ =	shalt  }
0x86: {  	_ =	shalt  }
0x87: {  	_ =	shalt  }
.Lfunc_end0:
.L_simem_size_0:
called_computation.5_lowered:
.L_overlay_start_0:
0x88: {  	s2 =	sld [smem:$0x3FD9]  }
0x89: {  	s3 =	sld [smem:$0x3FFE];
	_ =	sdelay $0x1  }
0x8a: {  	s1 =	srdreg.scid  }
0x8b: {  	s0 =	sand.u32 $0x1, s1  }
0x8c: {  	s16 =	sshll.u32 s0, $0xA;
	s2 =	sadd.s32 s3, s2  }
0x8d: {  	s2 =	sadd.s32 s2, s16  }
0x8e: {  	[smem:$0x3FBA] =	sst s2  }
0x8f: {  	_ = 	snop  }
0x90: {  	(tm) =	ssettm $0x1  }
0x91: {  	s17 =	sld [smem:$0x3FFB];
	_ =	sdelay $0x3  }
0x92: {  	_ =	strace s17  }
0x93: {  	s2 =	sld [smem:$0x3FFC];
	_ =	sdelay $0x3  }
0x94: {  	_ =	strace s2  }
0x95: {  	s2 =	sld [smem:$0x3FFD];
	_ =	sdelay $0x3  }
0x96: {  	_ =	strace s2  }
0x97: {  	_ =	strace $0x8FFFFFFF  }
0x98: {  	s18 =	sld [smem:$0x3FDB];
	_ =	sdelay $0x1  }
0x99: {  	s19 =	simm.s32 $_scs_section_size  }
0x9a: {  	s4 =	simm.s32 $_size__tile_overlayer_lowered;
	s5 =	simm.s32 $_tile_overlayer_lowered  }
0x9b: {  	s22 =	simm.s32 $0x1BFF;
	s21 =	sshll.u32 s5, $0x1;
	s2 =	sadd.s32 s19, s18  }
0x9c: {  	s6 =	simm.s32 $0x0;
	s20 =	sshll.u32 s4, $0x1;
	s4 =	sadd.s32 s21, s2  }
0x9d: {  	[timem:s6], [sflag:s22] =	dma.local [hbm:s4], s20  }
0x9e: {  	_ =	swait.ge [sflag:s22], s20  }
0x9f: {  	s3 =	ssub.s32 $0x0, s20;
	[sflag:s22] =	ssyncset.done $0x0  }
0xa0: {  	[sflag:s22] =	ssyncadd.s32 s3;
	_ =	sdelay $0x1  }
0xa1: {  	s23 =	simm.s32 $0x1B8B  }
0xa2: {  	_ =	swait.ge [sflag:s23], $0x1  }
0xa3: {  	[sflag:s23] =	ssyncset.done $0x0  }
0xa4: {  	s25 =	simm.s32 $0x1B8E;
	s24 =	sld [smem:$0x3FFE];
	[sflag:s23] =	ssyncadd.s32 $0xFFFFFFFF  }
0xa5: {  	s26 =	simm.s32 $execute0_lowered;
	[smem:$0x3FD2] =	sst s25  }
0xa6: {  	s4 =	sshll.u32 s26, $0x1;
	_ =	strace $0x80000055;
	[dreg:$0x1] =	wrdreg $0xFFFFFFFF  }
0xa7: {  	s28 =	simm.s32 $_size_execute0_lowered;
	s2 =	sadd.s32 s2, s4;
	[dreg:$0x0] =	wrdreg $0x0  }
0xa8: {  	s4 =	sshll.u32 s28, $0x1;
	[dreg:$0x2] =	wrdreg s2  }
0xa9: {  	[dreg:$0x3] =	wrdreg s4  }
0xaa: {  	[dreg:$0x4] =	wrdreg $0xC0  }
0xab: {  	_ =	task [dreg:s6], $0x5FFFF  }
0xac: {  	[dreg:$0x1] =	wrdreg $0xFFFFFFFF  }
0xad: {  	[dreg:$0x0] =	wrdreg $0x60  }
0xae: {  	[dreg:$0x2] =	wrdreg s24  }
0xaf: {  	[dreg:$0x3] =	wrdreg $0x35200  }
0xb0: {  	[dreg:$0x4] =	wrdreg $0x5D200  }
0xb1: {  	[dreg:$0x5] =	wrdreg $0x9  }
0xb2: {  	_ =	task.clear_ibuf [dreg:s6], $0x6FFFF;
	_ =	strace $0x90000055  }
0xb3: {  	s29 =	simm.s32 $0x9;
	_ =	strace $0x80000057  }
0xb4: {  	_ =	swait.ge [sflag:s29], $0x1  }
0xb5: {  	[sflag:s29] =	ssyncadd.s32 $0xFFFFFFFF  }
0xb6: {  	_ =	strace $0x90000057  }
0xb7: {  	_ =	sfence  }
0xb8: {  	s30 =	sld [smem:$0x0];
	_ =	sdelay $0x2  }
0xb9: {  	s31 =	sshll.u32 s1, $0xD;
	s1 =	sshrl.u32 s1, $0x2  }
0xba: {  	s3 =	sand.u32 $0x4000, s31;
	s1 =	sadd.s32 s1, s30  }
0xbb: {  	s0 =	sor.u32 s3, s0;
	s1 =	sshll.u32 s1, $0x11  }
0xbc: {  	s0 =	sor.u32 s1, s0  }
0xbd: {  	s0 =	sadd.s32 $0x8F2B, s0  }
0xbe: {  	[sflag:s0] =	ssyncadd.remote.s32 $0x1  }
0xbf: {  	_ =	sfence.sel $0xFFFF  }
0xc0: {  	[dreg:$0x0] =	wrdreg $0xFFFFFFFF;
	(pc) =	sbr.abs _section_cstart, $3  }
0xc1: {  	[dreg:$0x1] =	wrdreg $0xFFFFFFFF  }
0xc2: {  	_ =	task.clear_ibuf [dreg:s6], $0x2FFFF;
	_ =	strace $0x9FFFFFFF  }
0xc3: {  	(tm) =	ssettm $0x7FFFFFFF  }
tec
execute0_lowered:
.L_overlay_start_1:
0x0: {  	(tag) =	ssettag $0x1  }
0x1: {  	s1 =	srdreg.scid  }
0x2: {  	s1 =	sand.u32 $0x1, s1  }
0x3: {  	p0 =	seq.s32 s1, $0x1  }
.Ltmp0:
0x4: {  	s12 =	rddreg [dreg:$0x0];
	(pc) =	sbr.rel @p0 .LBB2_8-.Ltmp0, $4  }
0x5: {  	s2 =	rddreg [dreg:$0x1]  }
0x6: {  	s3 =	rddreg [dreg:$0x2];
	s4 =	simm.s32 $0x0  }
0x7: {  	[smem:$0x7FF] =	sst s4  }
0x8: {  	s0 =	rddreg [dreg:$0x3];
	_ =	strace $0x80000056;
	s1 =	stileid.u32  }
0x9: {  	s6 =	smul.u32 $0x2800, s1  }
0xa: {  	s5 =	sadd.s32 $0xB5400, s12  }
0xb: {  	s8 =	sshll.u32 s1, $0x6;
	s13 =	sshrl.u32 s6, $0x3;
	s7 =	sadd.s32 s6, s2  }
0xc: {  	s9 =	sadd.s32 s5, s13;
	s5 =	sor.u32 $0x1C05, s8;
	s7 =	sshrl.u32 s7, $0x3  }
0xd: {  	[spmem:s7], [sflag:s5] =	dma.local [hbm:s9], $0x500  }
0xe: {  	s7 =	simm.s32 $0x5  }
0xf: {  	_ =	swait.ge [sflag:s7], $0x500  }
0x10: {  	s29 =	sadd.s32 $0x2A2E00, s12;
	s6 =	sadd.s32 s6, s3;
	[sflag:s7] =	ssyncset.done $0x0  }
0x11: {  	s8 =	sadd.s32 s29, s13;
	s6 =	sshrl.u32 s6, $0x3;
	[sflag:s7] =	ssyncadd.s32 $0xFFFFFB00  }
0x12: {  	[spmem:s6], [sflag:s5] =	dma.local [hbm:s8], $0x500  }
0x13: {  	s14 =	smul.u32 $0x4E20, s1;
	_ =	swait.ge [sflag:s7], $0x500  }
0x14: {  	[sflag:s7] =	ssyncset.done $0x0  }
0x15: {  	s10 =	sshrl.u32 s14, $0x3;
	s8 =	sadd.s32 $0x299000, s12;
	[sflag:s7] =	ssyncadd.s32 $0xFFFFFB00  }
0x16: {  	s30 =	sadd.s32 s8, s10;
	[bflag:$0x0] =	sbarrier.arrive $0xFFFF  }
0x17: {  	[tilespmem:s4], [sflag:$0x5] =	stream.linear.gather [hbm4b:s30+s4], $0xC8, $0x38;
	[tilespmem:$0x8520] =	vst v63  }
0x18: {  	s15 =	smul.u32 $0x9C40, s1;
	s16 =	simm.s32 $0x320;
	_ =	swait.ge [sflag:s7], $0xC8  }
0x19: {  	s17 =	simm.s32 $0x258;
	s9 =	sadd.s32 $0x28F200, s12;
	[sflag:s7] =	ssyncset.done $0x0  }
0x1a: {  	s11 =	sadd.s32 s9, s10;
	s10 =	simm.s32 $0x190;
	[sflag:s7] =	ssyncadd.s32 $0xFFFFFF38  }
0x1b: {  	[tilespmem:s10], [sflag:$0x5] =	stream.linear.gather [hbm4b:s11+s4], $0xC8, $0x38;
	[tilespmem:$0x8520] =	vst v63  }
0x1c: {  	s18 =	simm.s32 $0xFA0;
	s19 =	simm.s32 $0x28A0;
	_ =	swait.ge [sflag:s7], $0xC8  }
0x1d: {  	s20 =	simm.s32 $0x1;
	s11 =	sadd.s32 $0x19000, s12;
	[sflag:s7] =	ssyncset.done $0x0  }
0x1e: {  	s21 =	simm.s32 $0x2;
	s15 =	sadd.s32 s11, s15;
	[sflag:s7] =	ssyncadd.s32 $0xFFFFFF38  }
0x1f: {  	[tilespmem:s16], [sflag:$0x5] =	stream.linear.gather [hbm4b:s15+s4], $0xC80, $0x38;
	[tilespmem:$0x8520] =	vst v63  }
0x20: {  	s31 =	sadd.s32 s13, s12;
	s13 =	sadd.s32 $0xC8, s14;
	_ =	swait.ge [sflag:s7], $0xC80  }
0x21: {  	s14 =	sadd.s32 $0x190, s14;
	s12 =	sadd.s32 $0x5000, s31;
	[sflag:s7] =	ssyncset.done $0x0  }
0x22: {  	s15 =	simm.s32 $0xC8;
	s16 =	simm.s32 $0x1C20;
	[sflag:s7] =	ssyncadd.s32 $0xFFFFF380  }
0x23: {  	[tilespmem:s16], [sflag:$0x1] =	stream.indirect.gather [spmem:s2], $0x10, s4, s15, $0xb8;
	[tilespmem:$0x8520] =	vst v63  }
.LBB2_2:
0x24: {  	p0 =	seq.s32 s4, $0x0;
	s22 =	smul.u32 $0x190, s4  }
0x25: {  	s23 =	simm.s32 @!p0 $0x4  }
0x26: {  	_ =	swait.ge @!p0 [sflag:s23], $0xC80;
	s24 =	sadd.s32 s22, s13  }
0x27: {  	[sflag:s23] =	ssyncset.done @!p0 $0x0;
	s25 =	sshrl.u32 s24, $0x3  }
0x28: {  	s26 =	simm.s32 $0x0;
	[sflag:s23] =	ssyncadd.s32 @!p0 $0xFFFFF380;
	s29 =	sadd.s32 s8, s25  }
0x29: {  	[tilespmem:s15], [sflag:$0x5] =	stream.linear.gather [hbm4b:s29+s26], $0xC8, $0x38;
	[tilespmem:$0x8520] =	vst v63  }
0x2a: {  	_ =	swait.ge [sflag:s7], $0xC8  }
0x2b: {  	[sflag:s7] =	ssyncset.done $0x0  }
0x2c: {  	s30 =	sadd.s32 s9, s25;
	[sflag:s7] =	ssyncadd.s32 $0xFFFFFF38  }
0x2d: {  	[tilespmem:s17], [sflag:$0x5] =	stream.linear.gather [hbm4b:s30+s26], $0xC8, $0x38;
	[tilespmem:$0x8520] =	vst v63  }
0x2e: {  	_ =	swait.ge [sflag:s7], $0xC8  }
0x2f: {  	s31 =	sshll.u32 s24, $0x1;
	[sflag:s7] =	ssyncset.done $0x0  }
0x30: {  	s23 =	sadd.s32 s11, s31;
	[sflag:s7] =	ssyncadd.s32 $0xFFFFFF38  }
0x31: {  	[tilespmem:s18], [sflag:$0x5] =	stream.linear.gather [hbm4b:s23+s26], $0xC80, $0x38;
	[tilespmem:$0x8520] =	vst v63  }
0x32: {  	_ =	swait.ge [sflag:s7], $0xC80  }
0x33: {  	[sflag:s7] =	ssyncset.done $0x0  }
0x34: {  	[sflag:s7] =	ssyncadd.s32 $0xFFFFF380  }
0x35: {  	[tilespmem:s19], [sflag:$0x2] =	stream.indirect.gather [spmem:s2], $0x10, s15, s15, $0xb8;
	[tilespmem:$0x8520] =	vst v63  }
0x36: {  	_ =	swait.ge [sflag:s20], $0xC80  }
0x37: {  	[sflag:s20] =	ssyncset.done $0x0  }
0x38: {  	s23 =	simm.s32 $0x0;
	[sflag:s20] =	ssyncadd.s32 $0xFFFFF380  }
0x39: {  	v5 =	vld [tilespmem:s23+$0x320]  }
0x3a: {  	v6 =	vld [tilespmem:s23+$0x330]  }
0x3b: {  	v1 =	vld [tilespmem:s23+$0x340]  }
0x3c: {  	v0 =	vld [tilespmem:s23+$0x350]  }
0x3d: {  	v2 =	vld [tilespmem:s23+$0x1C20]  }
0x3e: {  	v4 =	vld [tilespmem:s23+$0x1C30]  }
0x3f: {  	s24 =	simm.s32 $0x100;
	v3 =	vld [tilespmem:s23+$0x1C40]  }
.LBB2_3:
0x40: {  	s25 =	sshra.s32 s24, $0x2;
	p0 =	sne.s32 s24, $0x3100;
	v7 =	vld [tilespmem:s23+$0x1C50];
	v8 =	vmov v1  }
0x41: {  	v9 =	vld [tilespmem:s25+$0x320];
	v10 =	vmov v0  }
0x42: {  	v11 =	vld [tilespmem:s25+$0x330];
	v2 =	vmul.f32 v2, v5  }
.Ltmp1:
0x43: {  	v1 =	vld [tilespmem:s25+$0x340];
	v4 =	vmul.f32 v4, v6;
	(pc) =	sbr.rel @p0 .LBB2_3-.Ltmp1, $4  }
0x44: {  	v0 =	vld [tilespmem:s25+$0x350];
	[tilespmem:s23+$0x1C20] =	vst v2;
	v3 =	vmul.f32 v3, v8  }
0x45: {  	v2 =	vld [tilespmem:s25+$0x1C20];
	[tilespmem:s23+$0x1C30] =	vst v4;
	v7 =	vmul.f32 v7, v10  }
0x46: {  	v4 =	vld [tilespmem:s25+$0x1C30];
	[tilespmem:s23+$0x1C40] =	vst v3;
	v5 =	vmov v9  }
0x47: {  	s24 =	sadd.s32 $0x100, s24;
	v3 =	vld [tilespmem:s25+$0x1C40];
	[tilespmem:s23+$0x1C50] =	vst v7;
	v6 =	vmov v11;
	s23 =	smov.u32 s25  }
0x48: {  	v7 =	vld [tilespmem:s23+$0x1C50];
	_ =	sdelay $0x1  }
0x49: {  	v2 =	vmul.f32 v2, v5  }
0x4a: {  	v4 =	vmul.f32 v4, v6  }
0x4b: {  	[tilespmem:s23+$0x1C20] =	vst v2;
	v1 =	vmul.f32 v3, v1  }
0x4c: {  	[tilespmem:s23+$0x1C30] =	vst v4;
	v0 =	vmul.f32 v7, v0  }
0x4d: {  	p0 =	seq.s32 s4, $0x31;
	[tilespmem:s23+$0x1C40] =	vst v1  }
0x4e: {  	[tilespmem:s23+$0x1C50] =	vst v0;
	s23 =	simm.s32 @!p0 $0x3  }
0x4f: {  	[spmem:s3] =	stream.indirect.scatter.add.f32 [tilespmem:s16], [sflag:$0x3], $0x10, s10, s15, $0xb8;
	[tilespmem:$0x8520] =	vst v63  }
0x50: {  	s22 =	sadd.s32 @!p0 s22, s14;
	_ =	swait.ge @!p0 [sflag:s23], $0xC80  }
0x51: {  	s24 =	sshrl.u32 @!p0 s22, $0x3;
	[sflag:s23] =	ssyncset.done @!p0 $0x0  }
0x52: {  	s25 =	simm.s32 @!p0 $0x0;
	[sflag:s23] =	ssyncadd.s32 @!p0 $0xFFFFF380;
	s23 =	sadd.s32 @!p0 s8, s24  }
0x53: {  	[tilespmem:s25], [sflag:$0x5] =	stream.linear.gather @!p0 [hbm4b:s23+s25], $0xC8, $0x38;
	[tilespmem:$0x8520] =	vst v63  }
0x54: {  	s23 =	simm.s32 @!p0 $0x5  }
0x55: {  	_ =	swait.ge @!p0 [sflag:s23], $0xC8  }
0x56: {  	[sflag:s23] =	ssyncset.done @!p0 $0x0  }
0x57: {  	s26 =	simm.s32 @!p0 $0x190;
	s24 =	sadd.s32 @!p0 s9, s24;
	[sflag:s23] =	ssyncadd.s32 @!p0 $0xFFFFFF38  }
0x58: {  	[tilespmem:s26], [sflag:$0x5] =	stream.linear.gather @!p0 [hbm4b:s24+s25], $0xC8, $0x38;
	[tilespmem:$0x8520] =	vst v63  }
0x59: {  	_ =	swait.ge @!p0 [sflag:s23], $0xC8  }
0x5a: {  	s22 =	sshll.u32 @!p0 s22, $0x1;
	[sflag:s23] =	ssyncset.done @!p0 $0x0  }
0x5b: {  	s22 =	sadd.s32 @!p0 s11, s22;
	s24 =	simm.s32 @!p0 $0x320;
	[sflag:s23] =	ssyncadd.s32 @!p0 $0xFFFFFF38  }
0x5c: {  	[tilespmem:s24], [sflag:$0x5] =	stream.linear.gather @!p0 [hbm4b:s22+s25], $0xC80, $0x38;
	[tilespmem:$0x8520] =	vst v63  }
0x5d: {  	_ =	swait.ge @!p0 [sflag:s23], $0xC80  }
0x5e: {  	[sflag:s23] =	ssyncset.done @!p0 $0x0  }
0x5f: {  	s22 =	simm.s32 @!p0 $0xC8;
	[sflag:s23] =	ssyncadd.s32 @!p0 $0xFFFFF380;
	s23 =	simm.s32 @!p0 $0x1C20  }
0x60: {  	[tilespmem:s23], [sflag:$0x1] =	stream.indirect.gather @!p0 [spmem:s2], $0x10, s25, s22, $0xb8;
	[tilespmem:$0x8520] =	vst v63  }
0x61: {  	_ =	swait.ge [sflag:s21], $0xC80  }
0x62: {  	[sflag:s21] =	ssyncset.done $0x0  }
0x63: {  	s22 =	simm.s32 $0x0;
	[sflag:s21] =	ssyncadd.s32 $0xFFFFF380  }
0x64: {  	v5 =	vld [tilespmem:s22+$0xFA0]  }
0x65: {  	v6 =	vld [tilespmem:s22+$0xFB0]  }
0x66: {  	v1 =	vld [tilespmem:s22+$0xFC0]  }
0x67: {  	v0 =	vld [tilespmem:s22+$0xFD0]  }
0x68: {  	v2 =	vld [tilespmem:s22+$0x28A0]  }
0x69: {  	v4 =	vld [tilespmem:s22+$0x28B0]  }
0x6a: {  	s23 =	simm.s32 $0x100;
	v3 =	vld [tilespmem:s22+$0x28C0]  }
.LBB2_5:
0x6b: {  	s24 =	sshra.s32 s23, $0x2;
	p0 =	sne.s32 s23, $0x3100;
	v7 =	vld [tilespmem:s22+$0x28D0];
	v8 =	vmov v1  }
0x6c: {  	v9 =	vld [tilespmem:s24+$0xFA0];
	v10 =	vmov v0  }
0x6d: {  	v11 =	vld [tilespmem:s24+$0xFB0];
	v2 =	vmul.f32 v2, v5  }
.Ltmp2:
0x6e: {  	v1 =	vld [tilespmem:s24+$0xFC0];
	v4 =	vmul.f32 v4, v6;
	(pc) =	sbr.rel @p0 .LBB2_5-.Ltmp2, $4  }
0x6f: {  	v0 =	vld [tilespmem:s24+$0xFD0];
	[tilespmem:s22+$0x28A0] =	vst v2;
	v3 =	vmul.f32 v3, v8  }
0x70: {  	v2 =	vld [tilespmem:s24+$0x28A0];
	[tilespmem:s22+$0x28B0] =	vst v4;
	v7 =	vmul.f32 v7, v10  }
0x71: {  	v4 =	vld [tilespmem:s24+$0x28B0];
	[tilespmem:s22+$0x28C0] =	vst v3;
	v5 =	vmov v9  }
0x72: {  	s23 =	sadd.s32 $0x100, s23;
	v3 =	vld [tilespmem:s24+$0x28C0];
	[tilespmem:s22+$0x28D0] =	vst v7;
	v6 =	vmov v11;
	s22 =	smov.u32 s24  }
0x73: {  	v7 =	vld [tilespmem:s22+$0x28D0];
	_ =	sdelay $0x1  }
0x74: {  	s4 =	sadd.s32 $0x1, s4;
	v2 =	vmul.f32 v2, v5  }
0x75: {  	p0 =	sne.s32 s4, $0x32;
	v4 =	vmul.f32 v4, v6  }
.Ltmp3:
0x76: {  	[tilespmem:s22+$0x28A0] =	vst v2;
	v1 =	vmul.f32 v3, v1;
	(pc) =	sbr.rel @p0 .LBB2_2-.Ltmp3, $4  }
0x77: {  	[tilespmem:s22+$0x28B0] =	vst v4;
	v0 =	vmul.f32 v7, v0  }
0x78: {  	[tilespmem:s22+$0x28C0] =	vst v1  }
0x79: {  	[tilespmem:s22+$0x28D0] =	vst v0  }
0x7a: {  	[spmem:s3] =	stream.indirect.scatter.add.f32 [tilespmem:s19], [sflag:$0x4], $0x10, s17, s15, $0xb8;
	[tilespmem:$0x8520] =	vst v63  }
0x7b: {  	s2 =	simm.s32 $0x3  }
0x7c: {  	_ =	swait.ge [sflag:s2], $0xC80  }
0x7d: {  	[sflag:s2] =	ssyncset.done $0x0  }
0x7e: {  	s30 =	simm.s32 $0x4;
	[sflag:s2] =	ssyncadd.s32 $0xFFFFF380  }
0x7f: {  	_ =	swait.ge [sflag:s30], $0xC80  }
0x80: {  	[sflag:s30] =	ssyncset.done $0x0  }
0x81: {  	[sflag:s30] =	ssyncadd.s32 $0xFFFFF380  }
0x82: {  	s31 =	simm.s32 $0x5;
	[bflag:$0x0] =	sbarrier.arrive $0xFFFF  }
0x83: {  	[hbm:s12], [sflag:s5] =	dma.local [spmem:s6], $0x500  }
0x84: {  	_ =	swait.ge [sflag:s31], $0x500  }
0x85: {  	[sflag:s31] =	ssyncset.done $0x0  }
0x86: {  	[sflag:s31] =	ssyncadd.s32 $0xFFFFFB00  }
0x87: {  	[bflag:$0x0] =	sbarrier.arrive $0xFFFF  }
.LBB2_8:
0x88: {  	_ =	sfence.sel $0x180000  }
0x89: {  	[bflag:$0x0] =	sbarrier.arrive $0xFFFF  }
0x8a: {  	p0 =	sne.s32 s1, $0x0;
	_ =	strace $0x90000056  }
0x8b: {  	s0 =	sadd.s32 @!p0 $0x100000, s0;
	[bflag:$0x2] =	sbarrier.arrive $0xFFFF  }
0x8c: {  	[sflag:s0] =	ssyncadd.tile.s32 @!p0 $0x1;
	_ =	shalt  }
.Lfunc_end2:
_tile_overlayer_lowered:
.L_overlay_start_2:
0x8d: {  	(tag) =	ssettag $0x2  }
0x8e: {  	s0 =	rddreg [dreg:$0x0];
	s2 =	stileid.u32  }
0x8f: {  	s1 =	rddreg [dreg:$0x1];
	p0 =	sne.s32 s2, $0x0  }
0x90: {  	s3 =	rddreg [dreg:$0x2];
	[bflag:$0x3] =	sbarrier.arrive $0xFFFF;
	s2 =	simm.s32 @!p0 $0x1C05  }
0x91: {  	[timem:s3], [sflag:s2] =	dma.local @!p0 [hbm:s0], s1  }
0x92: {  	s0 =	simm.s32 @!p0 $0x5  }
0x93: {  	_ =	swait.ge @!p0 [sflag:s0], s1  }
0x94: {  	s1 =	ssub.s32 @!p0 $0x0, s1;
	[sflag:s0] =	ssyncset.done @!p0 $0x0  }
0x95: {  	[sflag:s0] =	ssyncadd.s32 @!p0 s1  }
0x96: {  	[bflag:$0x3] =	sbarrier.arrive $0xFFFF  }
0x97: {  	_ =	shalt  }

</sc_bundles>
